<compile_context>
chip_gen: v7x
topology: tpu7x:2x2x1
jax: 0.10.2.dev20260603
libtpu: 0.0.44.dev20260713+nightly
codegen_flags: <defaults>
</compile_context>

<pallas_src>
import functools

import jax
import jax.numpy as jnp
from jax import lax
from jax.experimental import pallas as pl
from jax.experimental.pallas import tpu as pltpu
from jax.experimental.pallas import tpu_sc as plsc

_BATCH = 16384
_D = 128
_LANES = 16
_NC = 2
_NS = 16
_NW = _NC * _NS
_BPW = _BATCH // _NW
_C = 64
_NCHUNK = _BPW // _C
_NSETS = 4
_MARGIN = 1.0
_EPS2 = 1e-24


def _rsqrt(x):
    i = plsc.bitcast(x, jnp.int32)
    i = 0x5F3759DF - lax.shift_right_logical(i, 1)
    y = plsc.bitcast(i, jnp.float32)
    for _ in range(3):
        y = y * (1.5 - 0.5 * x * y * y)
    return y


def _make_sc_kernel():
    mesh = plsc.VectorSubcoreMesh(core_axis_name="c", subcore_axis_name="s")

    idx_t = pltpu.VMEM((_BPW,), jnp.int32)
    buf_t = pltpu.VMEM((_C, _D), jnp.float32)
    scan_t = pltpu.VMEM((_C * _LANES,), jnp.float32)

    @functools.partial(
        pl.kernel,
        mesh=mesh,
        compiler_params=pltpu.CompilerParams(needs_layout_passes=False),
        out_type=jax.ShapeDtypeStruct((_NW, _LANES), jnp.float32),
        scratch_types=(
            [idx_t, idx_t, idx_t]
            + [buf_t] * (3 * _NSETS)
            + [scan_t, scan_t, scan_t, scan_t, scan_t]
            + [pltpu.VMEM((_LANES,), jnp.float32)]
            + [pltpu.SemaphoreType.DMA] * _NSETS
        ),
    )
    def sc_loss(uid_h, pid_h, nid_h, utab_h, itab_h, out_h,
                iu, ip, iv, *rest):
        bufs = rest[:3 * _NSETS]
        s_uu, s_pp, s_nn, s_up, s_un, ov = rest[3 * _NSETS:3 * _NSETS + 6]
        sems = rest[3 * _NSETS + 6:]
        wid = lax.axis_index("s") * _NC + lax.axis_index("c")
        base_w = wid * _BPW
        lane = lax.iota(jnp.int32, _LANES)

        buf_sets = tuple(
            tuple(bufs[3 * s:3 * s + 3]) for s in range(_NSETS))

        pltpu.sync_copy(uid_h.at[pl.ds(base_w, _BPW)], iu)
        pltpu.sync_copy(pid_h.at[pl.ds(base_w, _BPW)], ip)
        pltpu.sync_copy(nid_h.at[pl.ds(base_w, _BPW)], iv)

        def fire(c, s):
            bu, bp, bn = buf_sets[s]
            sl = pl.ds(c * _C, _C)
            return (
                pltpu.async_copy(utab_h.at[iu.at[sl]], bu, sems[s]),
                pltpu.async_copy(itab_h.at[ip.at[sl]], bp, sems[s]),
                pltpu.async_copy(itab_h.at[iv.at[sl]], bn, sems[s]),
            )

        def compute(s, acc):
            bu, bp, bn = buf_sets[s]
            zero = jnp.zeros((_LANES,), jnp.float32)

            @plsc.parallel_loop(0, _C, unroll=2)
            def row_body(r):
                uu = pp = nn = up = un = zero
                for j in range(_D // _LANES):
                    sl = pl.ds(j * _LANES, _LANES)
                    u = bu[r, sl]
                    p = bp[r, sl]
                    n = bn[r, sl]
                    uu = uu + u * u
                    pp = pp + p * p
                    nn = nn + n * n
                    up = up + u * p
                    un = un + u * n
                sl_r = pl.ds(r * _LANES, _LANES)
                s_uu[sl_r] = lax.cumsum(uu)
                s_pp[sl_r] = lax.cumsum(pp)
                s_nn[sl_r] = lax.cumsum(nn)
                s_up[sl_r] = lax.cumsum(up)
                s_un[sl_r] = lax.cumsum(un)

            @plsc.parallel_loop(0, _C // _LANES, unroll=2, carry=acc)
            def tail_body(g, acc_in):
                idx = (lane + g * _LANES) * _LANES + (_LANES - 1)
                uu = plsc.load_gather(s_uu, [idx])
                pp = plsc.load_gather(s_pp, [idx])
                nn = plsc.load_gather(s_nn, [idx])
                up = plsc.load_gather(s_up, [idx])
                un = plsc.load_gather(s_un, [idx])
                uu = jnp.maximum(uu, _EPS2)
                pp = jnp.maximum(pp, _EPS2)
                nn = jnp.maximum(nn, _EPS2)
                sim_p = up * _rsqrt(uu * pp)
                sim_n = un * _rsqrt(uu * nn)
                hinge = jnp.maximum(0.0, _MARGIN - sim_p + sim_n)
                return acc_in + hinge

            return tail_body

        acc = jnp.zeros((_LANES,), jnp.float32)
        copies = {}
        for c in range(_NSETS - 1):
            copies[c] = fire(c, c % _NSETS)
        for c in range(_NCHUNK):
            if c + _NSETS - 1 < _NCHUNK:
                nxt = c + _NSETS - 1
                copies[nxt] = fire(nxt, nxt % _NSETS)
            for cp in copies.pop(c):
                cp.wait()
            acc = compute(c % _NSETS, acc)

        total = jnp.sum(acc)
        ov[...] = jnp.where(lane == 0, total, 0.0)
        pltpu.sync_copy(ov, out_h.at[wid])

    return sc_loss


_sc_loss_kernel = _make_sc_kernel()


def kernel(user_input, pos_item_input, neg_item_input, user_table, item_table):
    uid = user_input.reshape(-1).astype(jnp.int32)
    pid = pos_item_input.reshape(-1).astype(jnp.int32)
    nid = neg_item_input.reshape(-1).astype(jnp.int32)
    partials = _sc_loss_kernel(uid, pid, nid, user_table, item_table)
    return jnp.sum(partials) * (1.0 / _BATCH)

# --- scband reference (transcript-rebuilt; emitter-appended) ---
"""Pipeline reference for scband-triplet-model-27066883899776 (READ-ONLY COPY).

The authoritative reference and input builder live on the scoring server;
editing this copy changes nothing except your own understanding.
"""

import jax, jax.numpy as jnp
import numpy as np

USER_VOCAB = 100000
ITEM_VOCAB = 100000
LATENT_DIM = 128
BATCH = 16384
MARGIN = 1.0


def _l2_normalize(x, eps=1e-12):
    norm = jnp.sqrt(jnp.sum(x * x, axis=-1, keepdims=True))
    return x / jnp.maximum(norm, eps)


def setup_inputs(seed: int = 0) -> dict:
    key = jax.random.key(seed)
    k1, k2, k3, k4, k5 = jax.random.split(key, 5)
    user_input = jax.random.randint(k1, (BATCH, 1), 0, USER_VOCAB, dtype=jnp.int64) if jax.config.jax_enable_x64 else jax.random.randint(k1, (BATCH, 1), 0, USER_VOCAB, dtype=jnp.int32)
    pos_item_input = jax.random.randint(k2, (BATCH, 1), 0, ITEM_VOCAB, dtype=user_input.dtype)
    neg_item_input = jax.random.randint(k3, (BATCH, 1), 0, ITEM_VOCAB, dtype=user_input.dtype)
    # Embedding tables sized vocab+1 to mirror StringLookup OOV slot (index 0 reserved by lookup semantics)
    user_table = jax.random.normal(k4, (USER_VOCAB + 1, LATENT_DIM), dtype=jnp.float32) * 0.05
    item_table = jax.random.normal(k5, (ITEM_VOCAB + 1, LATENT_DIM), dtype=jnp.float32) * 0.05
    return {
        "user_input": user_input,
        "pos_item_input": pos_item_input,
        "neg_item_input": neg_item_input,
        "user_table": user_table,
        "item_table": item_table,
    }


def reference(user_input, pos_item_input, neg_item_input, user_table, item_table):
    # Embedding lookup (StringLookup is modeled as pre-resolved integer ids)
    user_emb = jnp.take(user_table, user_input[:, 0], axis=0)          # [B, D]
    pos_emb = jnp.take(item_table, pos_item_input[:, 0], axis=0)       # [B, D]
    neg_emb = jnp.take(item_table, neg_item_input[:, 0], axis=0)       # [B, D]
    # Dot(axes=1, normalize=True) == cosine similarity
    u_n = _l2_normalize(user_emb)
    p_n = _l2_normalize(pos_emb)
    n_n = _l2_normalize(neg_emb)
    pos_similarity = jnp.sum(u_n * p_n, axis=-1, keepdims=True)        # [B, 1]
    neg_similarity = jnp.sum(u_n * n_n, axis=-1, keepdims=True)        # [B, 1]
    # Triplet margin loss: mean(max(0, margin - pos + neg))
    loss = jnp.mean(jnp.maximum(0.0, MARGIN - pos_similarity + neg_similarity))
    return loss

if __name__ == "__main__":
    import jax
    _d = setup_inputs()
    print(jax.jit(kernel)(*tuple(_d.values())))

</pallas_src>

<mosaic_0001>
#map = affine_map<(d0, d1) -> (0)>
#map1 = affine_map<(d0, d1) -> (0, 0)>
module attributes {stable_mosaic.version = 14 : i64} {
  func.func @sc_loss(%arg0: i32, %arg1: i32, %arg2: memref<16384xi32, #tpu.memory_space<hbm>>, %arg3: memref<16384xi32, #tpu.memory_space<hbm>>, %arg4: memref<16384xi32, #tpu.memory_space<hbm>>, %arg5: memref<100001x128xf32, #tpu.memory_space<hbm>>, %arg6: memref<100001x128xf32, #tpu.memory_space<hbm>>, %arg7: memref<32x16xf32, #tpu.memory_space<hbm>>, %arg8: memref<512xi32, #tpu.memory_space<vmem>>, %arg9: memref<512xi32, #tpu.memory_space<vmem>>, %arg10: memref<512xi32, #tpu.memory_space<vmem>>, %arg11: memref<64x128xf32, #tpu.memory_space<vmem>>, %arg12: memref<64x128xf32, #tpu.memory_space<vmem>>, %arg13: memref<64x128xf32, #tpu.memory_space<vmem>>, %arg14: memref<64x128xf32, #tpu.memory_space<vmem>>, %arg15: memref<64x128xf32, #tpu.memory_space<vmem>>, %arg16: memref<64x128xf32, #tpu.memory_space<vmem>>, %arg17: memref<64x128xf32, #tpu.memory_space<vmem>>, %arg18: memref<64x128xf32, #tpu.memory_space<vmem>>, %arg19: memref<64x128xf32, #tpu.memory_space<vmem>>, %arg20: memref<64x128xf32, #tpu.memory_space<vmem>>, %arg21: memref<64x128xf32, #tpu.memory_space<vmem>>, %arg22: memref<64x128xf32, #tpu.memory_space<vmem>>, %arg23: memref<1024xf32, #tpu.memory_space<vmem>>, %arg24: memref<1024xf32, #tpu.memory_space<vmem>>, %arg25: memref<1024xf32, #tpu.memory_space<vmem>>, %arg26: memref<1024xf32, #tpu.memory_space<vmem>>, %arg27: memref<1024xf32, #tpu.memory_space<vmem>>, %arg28: memref<16xf32, #tpu.memory_space<vmem>>, %arg29: memref<!tpu.dma_semaphore, #tpu.memory_space<semaphore_mem>>, %arg30: memref<!tpu.dma_semaphore, #tpu.memory_space<semaphore_mem>>, %arg31: memref<!tpu.dma_semaphore, #tpu.memory_space<semaphore_mem>>, %arg32: memref<!tpu.dma_semaphore, #tpu.memory_space<semaphore_mem>>) attributes {dimension_semantics = [#tpu.dimension_semantics<core_parallel>, #tpu.dimension_semantics<subcore_parallel>], iteration_bounds = array<i64: 2, 16>, scalar_prefetch = 0 : i64, scratch_operands = 25 : i64, tpu.core_type = #tpu.core_type<sc_vector_subcore>, window_params = [{transform_indices = #map}, {transform_indices = #map}, {transform_indices = #map}, {transform_indices = #map1}, {transform_indices = #map1}, {transform_indices = #map1}]} {
    %mul3A = arith.constant 2 : i32
    %mul3A_0 = arith.muli %arg1, %mul3A : i32
    %add3A = arith.addi %mul3A_0, %arg0 : i32
    %mul3A_1 = arith.constant 512 : i32
    %mul3A_2 = arith.muli %add3A, %mul3A_1 : i32
    %iota3A = tpu.iota {dimensions = array<i32: 0>} : vector<16xi32>
    "tpu.region"() ({
      %run_scoped3A = tpu.sem_alloc : memref<!tpu.dma_semaphore, #tpu.memory_space<semaphore_mem>>
      %dma_start3A_321 = tpu.memref_slice %arg2[%mul3A_2] : memref<16384xi32, #tpu.memory_space<hbm>> -> memref<512xi32, #tpu.memory_space<hbm>>
      %dma_start3A_322 = tpu.memref_slice %arg2[%mul3A_2] : memref<16384xi32, #tpu.memory_space<hbm>> -> memref<512xi32, #tpu.memory_space<hbm>>
      tpu.enqueue_dma source(%dma_start3A_322 : memref<512xi32, #tpu.memory_space<hbm>>) target(%arg8 : memref<512xi32, #tpu.memory_space<vmem>>) target_semaphore(%run_scoped3A : memref<!tpu.dma_semaphore, #tpu.memory_space<semaphore_mem>>)
      %dma_wait3A_323 = tpu.memref_slice %arg2[%mul3A_2] : memref<16384xi32, #tpu.memory_space<hbm>> -> memref<512xi32, #tpu.memory_space<hbm>>
      %dma_wait3A_324 = tpu.memref_slice %arg2[%mul3A_2] : memref<16384xi32, #tpu.memory_space<hbm>> -> memref<512xi32, #tpu.memory_space<hbm>>
      tpu.wait_dma2 semaphore(%run_scoped3A : memref<!tpu.dma_semaphore, #tpu.memory_space<semaphore_mem>>) src(%dma_wait3A_324 : memref<512xi32, #tpu.memory_space<hbm>>) dst(%arg8 : memref<512xi32, #tpu.memory_space<vmem>>)
      tpu.yield
    }) : () -> ()
    "tpu.region"() ({
      %run_scoped3A = tpu.sem_alloc : memref<!tpu.dma_semaphore, #tpu.memory_space<semaphore_mem>>
      %dma_start3A_321 = tpu.memref_slice %arg3[%mul3A_2] : memref<16384xi32, #tpu.memory_space<hbm>> -> memref<512xi32, #tpu.memory_space<hbm>>
      %dma_start3A_322 = tpu.memref_slice %arg3[%mul3A_2] : memref<16384xi32, #tpu.memory_space<hbm>> -> memref<512xi32, #tpu.memory_space<hbm>>
      tpu.enqueue_dma source(%dma_start3A_322 : memref<512xi32, #tpu.memory_space<hbm>>) target(%arg9 : memref<512xi32, #tpu.memory_space<vmem>>) target_semaphore(%run_scoped3A : memref<!tpu.dma_semaphore, #tpu.memory_space<semaphore_mem>>)
      %dma_wait3A_323 = tpu.memref_slice %arg3[%mul3A_2] : memref<16384xi32, #tpu.memory_space<hbm>> -> memref<512xi32, #tpu.memory_space<hbm>>
      %dma_wait3A_324 = tpu.memref_slice %arg3[%mul3A_2] : memref<16384xi32, #tpu.memory_space<hbm>> -> memref<512xi32, #tpu.memory_space<hbm>>
      tpu.wait_dma2 semaphore(%run_scoped3A : memref<!tpu.dma_semaphore, #tpu.memory_space<semaphore_mem>>) src(%dma_wait3A_324 : memref<512xi32, #tpu.memory_space<hbm>>) dst(%arg9 : memref<512xi32, #tpu.memory_space<vmem>>)
      tpu.yield
    }) : () -> ()
    "tpu.region"() ({
      %run_scoped3A = tpu.sem_alloc : memref<!tpu.dma_semaphore, #tpu.memory_space<semaphore_mem>>
      %dma_start3A_321 = tpu.memref_slice %arg4[%mul3A_2] : memref<16384xi32, #tpu.memory_space<hbm>> -> memref<512xi32, #tpu.memory_space<hbm>>
      %dma_start3A_322 = tpu.memref_slice %arg4[%mul3A_2] : memref<16384xi32, #tpu.memory_space<hbm>> -> memref<512xi32, #tpu.memory_space<hbm>>
      tpu.enqueue_dma source(%dma_start3A_322 : memref<512xi32, #tpu.memory_space<hbm>>) target(%arg10 : memref<512xi32, #tpu.memory_space<vmem>>) target_semaphore(%run_scoped3A : memref<!tpu.dma_semaphore, #tpu.memory_space<semaphore_mem>>)
      %dma_wait3A_323 = tpu.memref_slice %arg4[%mul3A_2] : memref<16384xi32, #tpu.memory_space<hbm>> -> memref<512xi32, #tpu.memory_space<hbm>>
      %dma_wait3A_324 = tpu.memref_slice %arg4[%mul3A_2] : memref<16384xi32, #tpu.memory_space<hbm>> -> memref<512xi32, #tpu.memory_space<hbm>>
      tpu.wait_dma2 semaphore(%run_scoped3A : memref<!tpu.dma_semaphore, #tpu.memory_space<semaphore_mem>>) src(%dma_wait3A_324 : memref<512xi32, #tpu.memory_space<hbm>>) dst(%arg10 : memref<512xi32, #tpu.memory_space<vmem>>)
      tpu.yield
    }) : () -> ()
    %broadcast_in_dim3A = arith.constant 0.000000e+00 : f32
    %broadcast_in_dim3A_3 = vector.broadcast %broadcast_in_dim3A : f32 to vector<16xf32>
    %dma_start3A = arith.constant 0 : i32
    %dma_start3A_4 = tpu.memref_slice %arg8[%dma_start3A] : memref<512xi32, #tpu.memory_space<vmem>> -> memref<64xi32, #tpu.memory_space<vmem>>
    %dma_start3A_5 = arith.constant 0 : i32
    %dma_start3A_6 = arith.constant 0 : i32
    %dma_start3A_7 = tpu.memref_slice %arg5[%dma_start3A_5, %dma_start3A_6] : memref<100001x128xf32, #tpu.memory_space<hbm>> -> memref<100001x128xf32, #tpu.memory_space<hbm>>
    tpu.enqueue_indirect_dma source(%dma_start3A_7 : memref<100001x128xf32, #tpu.memory_space<hbm>>) target(%arg11 : memref<64x128xf32, #tpu.memory_space<vmem>>) offsets(%dma_start3A_4 : memref<64xi32, #tpu.memory_space<vmem>>) semaphore(%arg29 : memref<!tpu.dma_semaphore, #tpu.memory_space<semaphore_mem>>)
    %dma_start3A_8 = arith.constant 0 : i32
    %dma_start3A_9 = tpu.memref_slice %arg9[%dma_start3A_8] : memref<512xi32, #tpu.memory_space<vmem>> -> memref<64xi32, #tpu.memory_space<vmem>>
    %dma_start3A_10 = arith.constant 0 : i32
    %dma_start3A_11 = arith.constant 0 : i32
    %dma_start3A_12 = tpu.memref_slice %arg6[%dma_start3A_10, %dma_start3A_11] : memref<100001x128xf32, #tpu.memory_space<hbm>> -> memref<100001x128xf32, #tpu.memory_space<hbm>>
    tpu.enqueue_indirect_dma source(%dma_start3A_12 : memref<100001x128xf32, #tpu.memory_space<hbm>>) target(%arg12 : memref<64x128xf32, #tpu.memory_space<vmem>>) offsets(%dma_start3A_9 : memref<64xi32, #tpu.memory_space<vmem>>) semaphore(%arg29 : memref<!tpu.dma_semaphore, #tpu.memory_space<semaphore_mem>>)
    %dma_start3A_13 = arith.constant 0 : i32
    %dma_start3A_14 = tpu.memref_slice %arg10[%dma_start3A_13] : memref<512xi32, #tpu.memory_space<vmem>> -> memref<64xi32, #tpu.memory_space<vmem>>
    %dma_start3A_15 = arith.constant 0 : i32
    %dma_start3A_16 = arith.constant 0 : i32
    %dma_start3A_17 = tpu.memref_slice %arg6[%dma_start3A_15, %dma_start3A_16] : memref<100001x128xf32, #tpu.memory_space<hbm>> -> memref<100001x128xf32, #tpu.memory_space<hbm>>
    tpu.enqueue_indirect_dma source(%dma_start3A_17 : memref<100001x128xf32, #tpu.memory_space<hbm>>) target(%arg13 : memref<64x128xf32, #tpu.memory_space<vmem>>) offsets(%dma_start3A_14 : memref<64xi32, #tpu.memory_space<vmem>>) semaphore(%arg29 : memref<!tpu.dma_semaphore, #tpu.memory_space<semaphore_mem>>)
    %dma_start3A_18 = arith.constant 64 : i32
    %dma_start3A_19 = tpu.memref_slice %arg8[%dma_start3A_18] : memref<512xi32, #tpu.memory_space<vmem>> -> memref<64xi32, #tpu.memory_space<vmem>>
    %dma_start3A_20 = arith.constant 0 : i32
    %dma_start3A_21 = arith.constant 0 : i32
    %dma_start3A_22 = tpu.memref_slice %arg5[%dma_start3A_20, %dma_start3A_21] : memref<100001x128xf32, #tpu.memory_space<hbm>> -> memref<100001x128xf32, #tpu.memory_space<hbm>>
    tpu.enqueue_indirect_dma source(%dma_start3A_22 : memref<100001x128xf32, #tpu.memory_space<hbm>>) target(%arg14 : memref<64x128xf32, #tpu.memory_space<vmem>>) offsets(%dma_start3A_19 : memref<64xi32, #tpu.memory_space<vmem>>) semaphore(%arg30 : memref<!tpu.dma_semaphore, #tpu.memory_space<semaphore_mem>>)
    %dma_start3A_23 = arith.constant 64 : i32
    %dma_start3A_24 = tpu.memref_slice %arg9[%dma_start3A_23] : memref<512xi32, #tpu.memory_space<vmem>> -> memref<64xi32, #tpu.memory_space<vmem>>
    %dma_start3A_25 = arith.constant 0 : i32
    %dma_start3A_26 = arith.constant 0 : i32
    %dma_start3A_27 = tpu.memref_slice %arg6[%dma_start3A_25, %dma_start3A_26] : memref<100001x128xf32, #tpu.memory_space<hbm>> -> memref<100001x128xf32, #tpu.memory_space<hbm>>
    tpu.enqueue_indirect_dma source(%dma_start3A_27 : memref<100001x128xf32, #tpu.memory_space<hbm>>) target(%arg15 : memref<64x128xf32, #tpu.memory_space<vmem>>) offsets(%dma_start3A_24 : memref<64xi32, #tpu.memory_space<vmem>>) semaphore(%arg30 : memref<!tpu.dma_semaphore, #tpu.memory_space<semaphore_mem>>)
    %dma_start3A_28 = arith.constant 64 : i32
    %dma_start3A_29 = tpu.memref_slice %arg10[%dma_start3A_28] : memref<512xi32, #tpu.memory_space<vmem>> -> memref<64xi32, #tpu.memory_space<vmem>>
    %dma_start3A_30 = arith.constant 0 : i32
    %dma_start3A_31 = arith.constant 0 : i32
    %dma_start3A_32 = tpu.memref_slice %arg6[%dma_start3A_30, %dma_start3A_31] : memref<100001x128xf32, #tpu.memory_space<hbm>> -> memref<100001x128xf32, #tpu.memory_space<hbm>>
    tpu.enqueue_indirect_dma source(%dma_start3A_32 : memref<100001x128xf32, #tpu.memory_space<hbm>>) target(%arg16 : memref<64x128xf32, #tpu.memory_space<vmem>>) offsets(%dma_start3A_29 : memref<64xi32, #tpu.memory_space<vmem>>) semaphore(%arg30 : memref<!tpu.dma_semaphore, #tpu.memory_space<semaphore_mem>>)
    %dma_start3A_33 = arith.constant 128 : i32
    %dma_start3A_34 = tpu.memref_slice %arg8[%dma_start3A_33] : memref<512xi32, #tpu.memory_space<vmem>> -> memref<64xi32, #tpu.memory_space<vmem>>
    %dma_start3A_35 = arith.constant 0 : i32
    %dma_start3A_36 = arith.constant 0 : i32
    %dma_start3A_37 = tpu.memref_slice %arg5[%dma_start3A_35, %dma_start3A_36] : memref<100001x128xf32, #tpu.memory_space<hbm>> -> memref<100001x128xf32, #tpu.memory_space<hbm>>
    tpu.enqueue_indirect_dma source(%dma_start3A_37 : memref<100001x128xf32, #tpu.memory_space<hbm>>) target(%arg17 : memref<64x128xf32, #tpu.memory_space<vmem>>) offsets(%dma_start3A_34 : memref<64xi32, #tpu.memory_space<vmem>>) semaphore(%arg31 : memref<!tpu.dma_semaphore, #tpu.memory_space<semaphore_mem>>)
    %dma_start3A_38 = arith.constant 128 : i32
    %dma_start3A_39 = tpu.memref_slice %arg9[%dma_start3A_38] : memref<512xi32, #tpu.memory_space<vmem>> -> memref<64xi32, #tpu.memory_space<vmem>>
    %dma_start3A_40 = arith.constant 0 : i32
    %dma_start3A_41 = arith.constant 0 : i32
    %dma_start3A_42 = tpu.memref_slice %arg6[%dma_start3A_40, %dma_start3A_41] : memref<100001x128xf32, #tpu.memory_space<hbm>> -> memref<100001x128xf32, #tpu.memory_space<hbm>>
    tpu.enqueue_indirect_dma source(%dma_start3A_42 : memref<100001x128xf32, #tpu.memory_space<hbm>>) target(%arg18 : memref<64x128xf32, #tpu.memory_space<vmem>>) offsets(%dma_start3A_39 : memref<64xi32, #tpu.memory_space<vmem>>) semaphore(%arg31 : memref<!tpu.dma_semaphore, #tpu.memory_space<semaphore_mem>>)
    %dma_start3A_43 = arith.constant 128 : i32
    %dma_start3A_44 = tpu.memref_slice %arg10[%dma_start3A_43] : memref<512xi32, #tpu.memory_space<vmem>> -> memref<64xi32, #tpu.memory_space<vmem>>
    %dma_start3A_45 = arith.constant 0 : i32
    %dma_start3A_46 = arith.constant 0 : i32
    %dma_start3A_47 = tpu.memref_slice %arg6[%dma_start3A_45, %dma_start3A_46] : memref<100001x128xf32, #tpu.memory_space<hbm>> -> memref<100001x128xf32, #tpu.memory_space<hbm>>
    tpu.enqueue_indirect_dma source(%dma_start3A_47 : memref<100001x128xf32, #tpu.memory_space<hbm>>) target(%arg19 : memref<64x128xf32, #tpu.memory_space<vmem>>) offsets(%dma_start3A_44 : memref<64xi32, #tpu.memory_space<vmem>>) semaphore(%arg31 : memref<!tpu.dma_semaphore, #tpu.memory_space<semaphore_mem>>)
    %dma_start3A_48 = arith.constant 192 : i32
    %dma_start3A_49 = tpu.memref_slice %arg8[%dma_start3A_48] : memref<512xi32, #tpu.memory_space<vmem>> -> memref<64xi32, #tpu.memory_space<vmem>>
    %dma_start3A_50 = arith.constant 0 : i32
    %dma_start3A_51 = arith.constant 0 : i32
    %dma_start3A_52 = tpu.memref_slice %arg5[%dma_start3A_50, %dma_start3A_51] : memref<100001x128xf32, #tpu.memory_space<hbm>> -> memref<100001x128xf32, #tpu.memory_space<hbm>>
    tpu.enqueue_indirect_dma source(%dma_start3A_52 : memref<100001x128xf32, #tpu.memory_space<hbm>>) target(%arg20 : memref<64x128xf32, #tpu.memory_space<vmem>>) offsets(%dma_start3A_49 : memref<64xi32, #tpu.memory_space<vmem>>) semaphore(%arg32 : memref<!tpu.dma_semaphore, #tpu.memory_space<semaphore_mem>>)
    %dma_start3A_53 = arith.constant 192 : i32
    %dma_start3A_54 = tpu.memref_slice %arg9[%dma_start3A_53] : memref<512xi32, #tpu.memory_space<vmem>> -> memref<64xi32, #tpu.memory_space<vmem>>
    %dma_start3A_55 = arith.constant 0 : i32
    %dma_start3A_56 = arith.constant 0 : i32
    %dma_start3A_57 = tpu.memref_slice %arg6[%dma_start3A_55, %dma_start3A_56] : memref<100001x128xf32, #tpu.memory_space<hbm>> -> memref<100001x128xf32, #tpu.memory_space<hbm>>
    tpu.enqueue_indirect_dma source(%dma_start3A_57 : memref<100001x128xf32, #tpu.memory_space<hbm>>) target(%arg21 : memref<64x128xf32, #tpu.memory_space<vmem>>) offsets(%dma_start3A_54 : memref<64xi32, #tpu.memory_space<vmem>>) semaphore(%arg32 : memref<!tpu.dma_semaphore, #tpu.memory_space<semaphore_mem>>)
    %dma_start3A_58 = arith.constant 192 : i32
    %dma_start3A_59 = tpu.memref_slice %arg10[%dma_start3A_58] : memref<512xi32, #tpu.memory_space<vmem>> -> memref<64xi32, #tpu.memory_space<vmem>>
    %dma_start3A_60 = arith.constant 0 : i32
    %dma_start3A_61 = arith.constant 0 : i32
    %dma_start3A_62 = tpu.memref_slice %arg6[%dma_start3A_60, %dma_start3A_61] : memref<100001x128xf32, #tpu.memory_space<hbm>> -> memref<100001x128xf32, #tpu.memory_space<hbm>>
    tpu.enqueue_indirect_dma source(%dma_start3A_62 : memref<100001x128xf32, #tpu.memory_space<hbm>>) target(%arg22 : memref<64x128xf32, #tpu.memory_space<vmem>>) offsets(%dma_start3A_59 : memref<64xi32, #tpu.memory_space<vmem>>) semaphore(%arg32 : memref<!tpu.dma_semaphore, #tpu.memory_space<semaphore_mem>>)
    %dma_wait3A = arith.constant 0 : i32
    %dma_wait3A_63 = tpu.memref_slice %arg8[%dma_wait3A] : memref<512xi32, #tpu.memory_space<vmem>> -> memref<64xi32, #tpu.memory_space<vmem>>
    %dma_wait3A_64 = arith.constant 0 : i32
    %dma_wait3A_65 = arith.constant 0 : i32
    %dma_wait3A_66 = tpu.memref_slice %arg5[%dma_wait3A_64, %dma_wait3A_65] : memref<100001x128xf32, #tpu.memory_space<hbm>> -> memref<100001x128xf32, #tpu.memory_space<hbm>>
    tpu.wait_indirect_dma semaphore(%arg29 : memref<!tpu.dma_semaphore, #tpu.memory_space<semaphore_mem>>) src(%dma_wait3A_66 : memref<100001x128xf32, #tpu.memory_space<hbm>>) dst(%arg11 : memref<64x128xf32, #tpu.memory_space<vmem>>)
    %dma_wait3A_67 = arith.constant 0 : i32
    %dma_wait3A_68 = tpu.memref_slice %arg9[%dma_wait3A_67] : memref<512xi32, #tpu.memory_space<vmem>> -> memref<64xi32, #tpu.memory_space<vmem>>
    %dma_wait3A_69 = arith.constant 0 : i32
    %dma_wait3A_70 = arith.constant 0 : i32
    %dma_wait3A_71 = tpu.memref_slice %arg6[%dma_wait3A_69, %dma_wait3A_70] : memref<100001x128xf32, #tpu.memory_space<hbm>> -> memref<100001x128xf32, #tpu.memory_space<hbm>>
    tpu.wait_indirect_dma semaphore(%arg29 : memref<!tpu.dma_semaphore, #tpu.memory_space<semaphore_mem>>) src(%dma_wait3A_71 : memref<100001x128xf32, #tpu.memory_space<hbm>>) dst(%arg12 : memref<64x128xf32, #tpu.memory_space<vmem>>)
    %dma_wait3A_72 = arith.constant 0 : i32
    %dma_wait3A_73 = tpu.memref_slice %arg10[%dma_wait3A_72] : memref<512xi32, #tpu.memory_space<vmem>> -> memref<64xi32, #tpu.memory_space<vmem>>
    %dma_wait3A_74 = arith.constant 0 : i32
    %dma_wait3A_75 = arith.constant 0 : i32
    %dma_wait3A_76 = tpu.memref_slice %arg6[%dma_wait3A_74, %dma_wait3A_75] : memref<100001x128xf32, #tpu.memory_space<hbm>> -> memref<100001x128xf32, #tpu.memory_space<hbm>>
    tpu.wait_indirect_dma semaphore(%arg29 : memref<!tpu.dma_semaphore, #tpu.memory_space<semaphore_mem>>) src(%dma_wait3A_76 : memref<100001x128xf32, #tpu.memory_space<hbm>>) dst(%arg13 : memref<64x128xf32, #tpu.memory_space<vmem>>)
    %broadcast_in_dim3A_77 = arith.constant 0.000000e+00 : f32
    %broadcast_in_dim3A_78 = vector.broadcast %broadcast_in_dim3A_77 : f32 to vector<16xf32>
    %parallel_loop3A = arith.constant 0 : i32
    %parallel_loop3A_79 = arith.constant 64 : i32
    %parallel_loop3A_80 = arith.constant 1 : i32
    scf.for %parallel_loop3A_321 = %parallel_loop3A to %parallel_loop3A_79 step %parallel_loop3A_80  : i32 {
      %parallel_loop3A_322 = arith.index_cast %parallel_loop3A_321 : i32 to index
      %parallel_loop3A_323 = arith.constant 0 : index
      %parallel_loop3A_324 = tpu.vector_load %arg11[%parallel_loop3A_322, %parallel_loop3A_323] {strides = array<i32>} : memref<64x128xf32, #tpu.memory_space<vmem>>, vector<16xf32>,
      %parallel_loop3A_325 = arith.index_cast %parallel_loop3A_321 : i32 to index
      %parallel_loop3A_326 = arith.constant 0 : index
      %parallel_loop3A_327 = tpu.vector_load %arg12[%parallel_loop3A_325, %parallel_loop3A_326] {strides = array<i32>} : memref<64x128xf32, #tpu.memory_space<vmem>>, vector<16xf32>,
      %parallel_loop3A_328 = arith.index_cast %parallel_loop3A_321 : i32 to index
      %parallel_loop3A_329 = arith.constant 0 : index
      %parallel_loop3A_330 = tpu.vector_load %arg13[%parallel_loop3A_328, %parallel_loop3A_329] {strides = array<i32>} : memref<64x128xf32, #tpu.memory_space<vmem>>, vector<16xf32>,
      %parallel_loop3A_331 = arith.mulf %parallel_loop3A_324, %parallel_loop3A_324 : vector<16xf32>
      %parallel_loop3A_332 = arith.addf %broadcast_in_dim3A_78, %parallel_loop3A_331 : vector<16xf32>
      %parallel_loop3A_333 = arith.mulf %parallel_loop3A_327, %parallel_loop3A_327 : vector<16xf32>
      %parallel_loop3A_334 = arith.addf %broadcast_in_dim3A_78, %parallel_loop3A_333 : vector<16xf32>
      %parallel_loop3A_335 = arith.mulf %parallel_loop3A_330, %parallel_loop3A_330 : vector<16xf32>
      %parallel_loop3A_336 = arith.addf %broadcast_in_dim3A_78, %parallel_loop3A_335 : vector<16xf32>
      %parallel_loop3A_337 = arith.mulf %parallel_loop3A_324, %parallel_loop3A_327 : vector<16xf32>
      %parallel_loop3A_338 = arith.addf %broadcast_in_dim3A_78, %parallel_loop3A_337 : vector<16xf32>
      %parallel_loop3A_339 = arith.mulf %parallel_loop3A_324, %parallel_loop3A_330 : vector<16xf32>
      %parallel_loop3A_340 = arith.addf %broadcast_in_dim3A_78, %parallel_loop3A_339 : vector<16xf32>
      %parallel_loop3A_341 = arith.index_cast %parallel_loop3A_321 : i32 to index
      %parallel_loop3A_342 = arith.constant 16 : index
      %parallel_loop3A_343 = tpu.vector_load %arg11[%parallel_loop3A_341, %parallel_loop3A_342] {strides = array<i32>} : memref<64x128xf32, #tpu.memory_space<vmem>>, vector<16xf32>,
      %parallel_loop3A_344 = arith.index_cast %parallel_loop3A_321 : i32 to index
      %parallel_loop3A_345 = arith.constant 16 : index
      %parallel_loop3A_346 = tpu.vector_load %arg12[%parallel_loop3A_344, %parallel_loop3A_345] {strides = array<i32>} : memref<64x128xf32, #tpu.memory_space<vmem>>, vector<16xf32>,
      %parallel_loop3A_347 = arith.index_cast %parallel_loop3A_321 : i32 to index
      %parallel_loop3A_348 = arith.constant 16 : index
      %parallel_loop3A_349 = tpu.vector_load %arg13[%parallel_loop3A_347, %parallel_loop3A_348] {strides = array<i32>} : memref<64x128xf32, #tpu.memory_space<vmem>>, vector<16xf32>,
      %parallel_loop3A_350 = arith.mulf %parallel_loop3A_343, %parallel_loop3A_343 : vector<16xf32>
      %parallel_loop3A_351 = arith.addf %parallel_loop3A_332, %parallel_loop3A_350 : vector<16xf32>
      %parallel_loop3A_352 = arith.mulf %parallel_loop3A_346, %parallel_loop3A_346 : vector<16xf32>
      %parallel_loop3A_353 = arith.addf %parallel_loop3A_334, %parallel_loop3A_352 : vector<16xf32>
      %parallel_loop3A_354 = arith.mulf %parallel_loop3A_349, %parallel_loop3A_349 : vector<16xf32>
      %parallel_loop3A_355 = arith.addf %parallel_loop3A_336, %parallel_loop3A_354 : vector<16xf32>
      %parallel_loop3A_356 = arith.mulf %parallel_loop3A_343, %parallel_loop3A_346 : vector<16xf32>
      %parallel_loop3A_357 = arith.addf %parallel_loop3A_338, %parallel_loop3A_356 : vector<16xf32>
      %parallel_loop3A_358 = arith.mulf %parallel_loop3A_343, %parallel_loop3A_349 : vector<16xf32>
      %parallel_loop3A_359 = arith.addf %parallel_loop3A_340, %parallel_loop3A_358 : vector<16xf32>
      %parallel_loop3A_360 = arith.index_cast %parallel_loop3A_321 : i32 to index
      %parallel_loop3A_361 = arith.constant 32 : index
      %parallel_loop3A_362 = tpu.vector_load %arg11[%parallel_loop3A_360, %parallel_loop3A_361] {strides = array<i32>} : memref<64x128xf32, #tpu.memory_space<vmem>>, vector<16xf32>,
      %parallel_loop3A_363 = arith.index_cast %parallel_loop3A_321 : i32 to index
      %parallel_loop3A_364 = arith.constant 32 : index
      %parallel_loop3A_365 = tpu.vector_load %arg12[%parallel_loop3A_363, %parallel_loop3A_364] {strides = array<i32>} : memref<64x128xf32, #tpu.memory_space<vmem>>, vector<16xf32>,
      %parallel_loop3A_366 = arith.index_cast %parallel_loop3A_321 : i32 to index
      %parallel_loop3A_367 = arith.constant 32 : index
      %parallel_loop3A_368 = tpu.vector_load %arg13[%parallel_loop3A_366, %parallel_loop3A_367] {strides = array<i32>} : memref<64x128xf32, #tpu.memory_space<vmem>>, vector<16xf32>,
      %parallel_loop3A_369 = arith.mulf %parallel_loop3A_362, %parallel_loop3A_362 : vector<16xf32>
      %parallel_loop3A_370 = arith.addf %parallel_loop3A_351, %parallel_loop3A_369 : vector<16xf32>
      %parallel_loop3A_371 = arith.mulf %parallel_loop3A_365, %parallel_loop3A_365 : vector<16xf32>
      %parallel_loop3A_372 = arith.addf %parallel_loop3A_353, %parallel_loop3A_371 : vector<16xf32>
      %parallel_loop3A_373 = arith.mulf %parallel_loop3A_368, %parallel_loop3A_368 : vector<16xf32>
      %parallel_loop3A_374 = arith.addf %parallel_loop3A_355, %parallel_loop3A_373 : vector<16xf32>
      %parallel_loop3A_375 = arith.mulf %parallel_loop3A_362, %parallel_loop3A_365 : vector<16xf32>
      %parallel_loop3A_376 = arith.addf %parallel_loop3A_357, %parallel_loop3A_375 : vector<16xf32>
      %parallel_loop3A_377 = arith.mulf %parallel_loop3A_362, %parallel_loop3A_368 : vector<16xf32>
      %parallel_loop3A_378 = arith.addf %parallel_loop3A_359, %parallel_loop3A_377 : vector<16xf32>
      %parallel_loop3A_379 = arith.index_cast %parallel_loop3A_321 : i32 to index
      %parallel_loop3A_380 = arith.constant 48 : index
      %parallel_loop3A_381 = tpu.vector_load %arg11[%parallel_loop3A_379, %parallel_loop3A_380] {strides = array<i32>} : memref<64x128xf32, #tpu.memory_space<vmem>>, vector<16xf32>,
      %parallel_loop3A_382 = arith.index_cast %parallel_loop3A_321 : i32 to index
      %parallel_loop3A_383 = arith.constant 48 : index
      %parallel_loop3A_384 = tpu.vector_load %arg12[%parallel_loop3A_382, %parallel_loop3A_383] {strides = array<i32>} : memref<64x128xf32, #tpu.memory_space<vmem>>, vector<16xf32>,
      %parallel_loop3A_385 = arith.index_cast %parallel_loop3A_321 : i32 to index
      %parallel_loop3A_386 = arith.constant 48 : index
      %parallel_loop3A_387 = tpu.vector_load %arg13[%parallel_loop3A_385, %parallel_loop3A_386] {strides = array<i32>} : memref<64x128xf32, #tpu.memory_space<vmem>>, vector<16xf32>,
      %parallel_loop3A_388 = arith.mulf %parallel_loop3A_381, %parallel_loop3A_381 : vector<16xf32>
      %parallel_loop3A_389 = arith.addf %parallel_loop3A_370, %parallel_loop3A_388 : vector<16xf32>
      %parallel_loop3A_390 = arith.mulf %parallel_loop3A_384, %parallel_loop3A_384 : vector<16xf32>
      %parallel_loop3A_391 = arith.addf %parallel_loop3A_372, %parallel_loop3A_390 : vector<16xf32>
      %parallel_loop3A_392 = arith.mulf %parallel_loop3A_387, %parallel_loop3A_387 : vector<16xf32>
      %parallel_loop3A_393 = arith.addf %parallel_loop3A_374, %parallel_loop3A_392 : vector<16xf32>
      %parallel_loop3A_394 = arith.mulf %parallel_loop3A_381, %parallel_loop3A_384 : vector<16xf32>
      %parallel_loop3A_395 = arith.addf %parallel_loop3A_376, %parallel_loop3A_394 : vector<16xf32>
      %parallel_loop3A_396 = arith.mulf %parallel_loop3A_381, %parallel_loop3A_387 : vector<16xf32>
      %parallel_loop3A_397 = arith.addf %parallel_loop3A_378, %parallel_loop3A_396 : vector<16xf32>
      %parallel_loop3A_398 = arith.index_cast %parallel_loop3A_321 : i32 to index
      %parallel_loop3A_399 = arith.constant 64 : index
      %parallel_loop3A_400 = tpu.vector_load %arg11[%parallel_loop3A_398, %parallel_loop3A_399] {strides = array<i32>} : memref<64x128xf32, #tpu.memory_space<vmem>>, vector<16xf32>,
      %parallel_loop3A_401 = arith.index_cast %parallel_loop3A_321 : i32 to index
      %parallel_loop3A_402 = arith.constant 64 : index
      %parallel_loop3A_403 = tpu.vector_load %arg12[%parallel_loop3A_401, %parallel_loop3A_402] {strides = array<i32>} : memref<64x128xf32, #tpu.memory_space<vmem>>, vector<16xf32>,
      %parallel_loop3A_404 = arith.index_cast %parallel_loop3A_321 : i32 to index
      %parallel_loop3A_405 = arith.constant 64 : index
      %parallel_loop3A_406 = tpu.vector_load %arg13[%parallel_loop3A_404, %parallel_loop3A_405] {strides = array<i32>} : memref<64x128xf32, #tpu.memory_space<vmem>>, vector<16xf32>,
      %parallel_loop3A_407 = arith.mulf %parallel_loop3A_400, %parallel_loop3A_400 : vector<16xf32>
      %parallel_loop3A_408 = arith.addf %parallel_loop3A_389, %parallel_loop3A_407 : vector<16xf32>
      %parallel_loop3A_409 = arith.mulf %parallel_loop3A_403, %parallel_loop3A_403 : vector<16xf32>
      %parallel_loop3A_410 = arith.addf %parallel_loop3A_391, %parallel_loop3A_409 : vector<16xf32>
      %parallel_loop3A_411 = arith.mulf %parallel_loop3A_406, %parallel_loop3A_406 : vector<16xf32>
      %parallel_loop3A_412 = arith.addf %parallel_loop3A_393, %parallel_loop3A_411 : vector<16xf32>
      %parallel_loop3A_413 = arith.mulf %parallel_loop3A_400, %parallel_loop3A_403 : vector<16xf32>
      %parallel_loop3A_414 = arith.addf %parallel_loop3A_395, %parallel_loop3A_413 : vector<16xf32>
      %parallel_loop3A_415 = arith.mulf %parallel_loop3A_400, %parallel_loop3A_406 : vector<16xf32>
      %parallel_loop3A_416 = arith.addf %parallel_loop3A_397, %parallel_loop3A_415 : vector<16xf32>
      %parallel_loop3A_417 = arith.index_cast %parallel_loop3A_321 : i32 to index
      %parallel_loop3A_418 = arith.constant 80 : index
      %parallel_loop3A_419 = tpu.vector_load %arg11[%parallel_loop3A_417, %parallel_loop3A_418] {strides = array<i32>} : memref<64x128xf32, #tpu.memory_space<vmem>>, vector<16xf32>,
      %parallel_loop3A_420 = arith.index_cast %parallel_loop3A_321 : i32 to index
      %parallel_loop3A_421 = arith.constant 80 : index
      %parallel_loop3A_422 = tpu.vector_load %arg12[%parallel_loop3A_420, %parallel_loop3A_421] {strides = array<i32>} : memref<64x128xf32, #tpu.memory_space<vmem>>, vector<16xf32>,
      %parallel_loop3A_423 = arith.index_cast %parallel_loop3A_321 : i32 to index
      %parallel_loop3A_424 = arith.constant 80 : index
      %parallel_loop3A_425 = tpu.vector_load %arg13[%parallel_loop3A_423, %parallel_loop3A_424] {strides = array<i32>} : memref<64x128xf32, #tpu.memory_space<vmem>>, vector<16xf32>,
      %parallel_loop3A_426 = arith.mulf %parallel_loop3A_419, %parallel_loop3A_419 : vector<16xf32>
      %parallel_loop3A_427 = arith.addf %parallel_loop3A_408, %parallel_loop3A_426 : vector<16xf32>
      %parallel_loop3A_428 = arith.mulf %parallel_loop3A_422, %parallel_loop3A_422 : vector<16xf32>
      %parallel_loop3A_429 = arith.addf %parallel_loop3A_410, %parallel_loop3A_428 : vector<16xf32>
      %parallel_loop3A_430 = arith.mulf %parallel_loop3A_425, %parallel_loop3A_425 : vector<16xf32>
      %parallel_loop3A_431 = arith.addf %parallel_loop3A_412, %parallel_loop3A_430 : vector<16xf32>
      %parallel_loop3A_432 = arith.mulf %parallel_loop3A_419, %parallel_loop3A_422 : vector<16xf32>
      %parallel_loop3A_433 = arith.addf %parallel_loop3A_414, %parallel_loop3A_432 : vector<16xf32>
      %parallel_loop3A_434 = arith.mulf %parallel_loop3A_419, %parallel_loop3A_425 : vector<16xf32>
      %parallel_loop3A_435 = arith.addf %parallel_loop3A_416, %parallel_loop3A_434 : vector<16xf32>
      %parallel_loop3A_436 = arith.index_cast %parallel_loop3A_321 : i32 to index
      %parallel_loop3A_437 = arith.constant 96 : index
      %parallel_loop3A_438 = tpu.vector_load %arg11[%parallel_loop3A_436, %parallel_loop3A_437] {strides = array<i32>} : memref<64x128xf32, #tpu.memory_space<vmem>>, vector<16xf32>,
      %parallel_loop3A_439 = arith.index_cast %parallel_loop3A_321 : i32 to index
      %parallel_loop3A_440 = arith.constant 96 : index
      %parallel_loop3A_441 = tpu.vector_load %arg12[%parallel_loop3A_439, %parallel_loop3A_440] {strides = array<i32>} : memref<64x128xf32, #tpu.memory_space<vmem>>, vector<16xf32>,
      %parallel_loop3A_442 = arith.index_cast %parallel_loop3A_321 : i32 to index
      %parallel_loop3A_443 = arith.constant 96 : index
      %parallel_loop3A_444 = tpu.vector_load %arg13[%parallel_loop3A_442, %parallel_loop3A_443] {strides = array<i32>} : memref<64x128xf32, #tpu.memory_space<vmem>>, vector<16xf32>,
      %parallel_loop3A_445 = arith.mulf %parallel_loop3A_438, %parallel_loop3A_438 : vector<16xf32>
      %parallel_loop3A_446 = arith.addf %parallel_loop3A_427, %parallel_loop3A_445 : vector<16xf32>
      %parallel_loop3A_447 = arith.mulf %parallel_loop3A_441, %parallel_loop3A_441 : vector<16xf32>
      %parallel_loop3A_448 = arith.addf %parallel_loop3A_429, %parallel_loop3A_447 : vector<16xf32>
      %parallel_loop3A_449 = arith.mulf %parallel_loop3A_444, %parallel_loop3A_444 : vector<16xf32>
      %parallel_loop3A_450 = arith.addf %parallel_loop3A_431, %parallel_loop3A_449 : vector<16xf32>
      %parallel_loop3A_451 = arith.mulf %parallel_loop3A_438, %parallel_loop3A_441 : vector<16xf32>
      %parallel_loop3A_452 = arith.addf %parallel_loop3A_433, %parallel_loop3A_451 : vector<16xf32>
      %parallel_loop3A_453 = arith.mulf %parallel_loop3A_438, %parallel_loop3A_444 : vector<16xf32>
      %parallel_loop3A_454 = arith.addf %parallel_loop3A_435, %parallel_loop3A_453 : vector<16xf32>
      %parallel_loop3A_455 = arith.index_cast %parallel_loop3A_321 : i32 to index
      %parallel_loop3A_456 = arith.constant 112 : index
      %parallel_loop3A_457 = tpu.vector_load %arg11[%parallel_loop3A_455, %parallel_loop3A_456] {strides = array<i32>} : memref<64x128xf32, #tpu.memory_space<vmem>>, vector<16xf32>,
      %parallel_loop3A_458 = arith.index_cast %parallel_loop3A_321 : i32 to index
      %parallel_loop3A_459 = arith.constant 112 : index
      %parallel_loop3A_460 = tpu.vector_load %arg12[%parallel_loop3A_458, %parallel_loop3A_459] {strides = array<i32>} : memref<64x128xf32, #tpu.memory_space<vmem>>, vector<16xf32>,
      %parallel_loop3A_461 = arith.index_cast %parallel_loop3A_321 : i32 to index
      %parallel_loop3A_462 = arith.constant 112 : index
      %parallel_loop3A_463 = tpu.vector_load %arg13[%parallel_loop3A_461, %parallel_loop3A_462] {strides = array<i32>} : memref<64x128xf32, #tpu.memory_space<vmem>>, vector<16xf32>,
      %parallel_loop3A_464 = arith.mulf %parallel_loop3A_457, %parallel_loop3A_457 : vector<16xf32>
      %parallel_loop3A_465 = arith.addf %parallel_loop3A_446, %parallel_loop3A_464 : vector<16xf32>
      %parallel_loop3A_466 = arith.mulf %parallel_loop3A_460, %parallel_loop3A_460 : vector<16xf32>
      %parallel_loop3A_467 = arith.addf %parallel_loop3A_448, %parallel_loop3A_466 : vector<16xf32>
      %parallel_loop3A_468 = arith.mulf %parallel_loop3A_463, %parallel_loop3A_463 : vector<16xf32>
      %parallel_loop3A_469 = arith.addf %parallel_loop3A_450, %parallel_loop3A_468 : vector<16xf32>
      %parallel_loop3A_470 = arith.mulf %parallel_loop3A_457, %parallel_loop3A_460 : vector<16xf32>
      %parallel_loop3A_471 = arith.addf %parallel_loop3A_452, %parallel_loop3A_470 : vector<16xf32>
      %parallel_loop3A_472 = arith.mulf %parallel_loop3A_457, %parallel_loop3A_463 : vector<16xf32>
      %parallel_loop3A_473 = arith.addf %parallel_loop3A_454, %parallel_loop3A_472 : vector<16xf32>
      %parallel_loop3A_474 = arith.constant 16 : i32
      %parallel_loop3A_475 = arith.muli %parallel_loop3A_321, %parallel_loop3A_474 : i32
      %parallel_loop3A_476 = arith.constant true
      %parallel_loop3A_477 = vector.broadcast %parallel_loop3A_476 : i1 to vector<16xi1>
      %parallel_loop3A_478 = tpu.scan <sum>, %parallel_loop3A_465 masked %parallel_loop3A_477 : vector<16xf32>, vector<16xi1> -> vector<16xf32>
      %parallel_loop3A_479 = arith.index_cast %parallel_loop3A_475 : i32 to index
      %parallel_loop3A_480 = tpu.vector_load %arg23[%parallel_loop3A_479] {strides = array<i32>} : memref<1024xf32, #tpu.memory_space<vmem>>, vector<16xf32>,
      tpu.vector_store %arg23[%parallel_loop3A_479], %parallel_loop3A_478 {strides = array<i32>} : memref<1024xf32, #tpu.memory_space<vmem>>, vector<16xf32>,
      %parallel_loop3A_481 = arith.constant true
      %parallel_loop3A_482 = vector.broadcast %parallel_loop3A_481 : i1 to vector<16xi1>
      %parallel_loop3A_483 = tpu.scan <sum>, %parallel_loop3A_467 masked %parallel_loop3A_482 : vector<16xf32>, vector<16xi1> -> vector<16xf32>
      %parallel_loop3A_484 = arith.index_cast %parallel_loop3A_475 : i32 to index
      %parallel_loop3A_485 = tpu.vector_load %arg24[%parallel_loop3A_484] {strides = array<i32>} : memref<1024xf32, #tpu.memory_space<vmem>>, vector<16xf32>,
      tpu.vector_store %arg24[%parallel_loop3A_484], %parallel_loop3A_483 {strides = array<i32>} : memref<1024xf32, #tpu.memory_space<vmem>>, vector<16xf32>,
      %parallel_loop3A_486 = arith.constant true
      %parallel_loop3A_487 = vector.broadcast %parallel_loop3A_486 : i1 to vector<16xi1>
      %parallel_loop3A_488 = tpu.scan <sum>, %parallel_loop3A_469 masked %parallel_loop3A_487 : vector<16xf32>, vector<16xi1> -> vector<16xf32>
      %parallel_loop3A_489 = arith.index_cast %parallel_loop3A_475 : i32 to index
      %parallel_loop3A_490 = tpu.vector_load %arg25[%parallel_loop3A_489] {strides = array<i32>} : memref<1024xf32, #tpu.memory_space<vmem>>, vector<16xf32>,
      tpu.vector_store %arg25[%parallel_loop3A_489], %parallel_loop3A_488 {strides = array<i32>} : memref<1024xf32, #tpu.memory_space<vmem>>, vector<16xf32>,
      %parallel_loop3A_491 = arith.constant true
      %parallel_loop3A_492 = vector.broadcast %parallel_loop3A_491 : i1 to vector<16xi1>
      %parallel_loop3A_493 = tpu.scan <sum>, %parallel_loop3A_471 masked %parallel_loop3A_492 : vector<16xf32>, vector<16xi1> -> vector<16xf32>
      %parallel_loop3A_494 = arith.index_cast %parallel_loop3A_475 : i32 to index
      %parallel_loop3A_495 = tpu.vector_load %arg26[%parallel_loop3A_494] {strides = array<i32>} : memref<1024xf32, #tpu.memory_space<vmem>>, vector<16xf32>,
      tpu.vector_store %arg26[%parallel_loop3A_494], %parallel_loop3A_493 {strides = array<i32>} : memref<1024xf32, #tpu.memory_space<vmem>>, vector<16xf32>,
      %parallel_loop3A_496 = arith.constant true
      %parallel_loop3A_497 = vector.broadcast %parallel_loop3A_496 : i1 to vector<16xi1>
      %parallel_loop3A_498 = tpu.scan <sum>, %parallel_loop3A_473 masked %parallel_loop3A_497 : vector<16xf32>, vector<16xi1> -> vector<16xf32>
      %parallel_loop3A_499 = arith.index_cast %parallel_loop3A_475 : i32 to index
      %parallel_loop3A_500 = tpu.vector_load %arg27[%parallel_loop3A_499] {strides = array<i32>} : memref<1024xf32, #tpu.memory_space<vmem>>, vector<16xf32>,
      tpu.vector_store %arg27[%parallel_loop3A_499], %parallel_loop3A_498 {strides = array<i32>} : memref<1024xf32, #tpu.memory_space<vmem>>, vector<16xf32>,
    } {sc.loop_unroll_factor = 2 : i64, sc.parallel_access}
    %parallel_loop3A_81 = arith.constant 0 : i32
    %parallel_loop3A_82 = arith.constant 4 : i32
    %parallel_loop3A_83 = arith.constant 1 : i32
    %parallel_loop3A_84 = scf.for %parallel_loop3A_321 = %parallel_loop3A_81 to %parallel_loop3A_82 step %parallel_loop3A_83 iter_args(%parallel_loop3A_322 = %broadcast_in_dim3A_3) -> (vector<16xf32>)  : i32 {
      %parallel_loop3A_323 = arith.constant 16 : i32
      %parallel_loop3A_324 = arith.muli %parallel_loop3A_321, %parallel_loop3A_323 : i32
      %parallel_loop3A_325 = vector.broadcast %parallel_loop3A_324 : i32 to vector<16xi32>
      %parallel_loop3A_326 = arith.addi %iota3A, %parallel_loop3A_325 : vector<16xi32>
      %parallel_loop3A_327 = arith.constant 16 : i32
      %parallel_loop3A_328 = vector.broadcast %parallel_loop3A_327 : i32 to vector<16xi32>
      %parallel_loop3A_329 = arith.muli %parallel_loop3A_326, %parallel_loop3A_328 : vector<16xi32>
      %parallel_loop3A_330 = arith.constant 15 : i32
      %parallel_loop3A_331 = vector.broadcast %parallel_loop3A_330 : i32 to vector<16xi32>
      %parallel_loop3A_332 = arith.addi %parallel_loop3A_329, %parallel_loop3A_331 : vector<16xi32>
      %parallel_loop3A_333 = tpu.vector_load_idx %arg23[%parallel_loop3A_332] : memref<1024xf32, #tpu.memory_space<vmem>>[vector<16xi32>], vector<16xf32>,
      %parallel_loop3A_334 = tpu.vector_load_idx %arg24[%parallel_loop3A_332] : memref<1024xf32, #tpu.memory_space<vmem>>[vector<16xi32>], vector<16xf32>,
      %parallel_loop3A_335 = tpu.vector_load_idx %arg25[%parallel_loop3A_332] : memref<1024xf32, #tpu.memory_space<vmem>>[vector<16xi32>], vector<16xf32>,
      %parallel_loop3A_336 = tpu.vector_load_idx %arg26[%parallel_loop3A_332] : memref<1024xf32, #tpu.memory_space<vmem>>[vector<16xi32>], vector<16xf32>,
      %parallel_loop3A_337 = tpu.vector_load_idx %arg27[%parallel_loop3A_332] : memref<1024xf32, #tpu.memory_space<vmem>>[vector<16xi32>], vector<16xf32>,
      %parallel_loop3A_338 = arith.constant 1.000000e-24 : f32
      %parallel_loop3A_339 = vector.broadcast %parallel_loop3A_338 : f32 to vector<16xf32>
      %parallel_loop3A_340 = arith.maximumf %parallel_loop3A_333, %parallel_loop3A_339 : vector<16xf32>
      %parallel_loop3A_341 = arith.constant 1.000000e-24 : f32
      %parallel_loop3A_342 = vector.broadcast %parallel_loop3A_341 : f32 to vector<16xf32>
      %parallel_loop3A_343 = arith.maximumf %parallel_loop3A_334, %parallel_loop3A_342 : vector<16xf32>
      %parallel_loop3A_344 = arith.constant 1.000000e-24 : f32
      %parallel_loop3A_345 = vector.broadcast %parallel_loop3A_344 : f32 to vector<16xf32>
      %parallel_loop3A_346 = arith.maximumf %parallel_loop3A_335, %parallel_loop3A_345 : vector<16xf32>
      %parallel_loop3A_347 = arith.mulf %parallel_loop3A_340, %parallel_loop3A_343 : vector<16xf32>
      %parallel_loop3A_348 = vector.bitcast %parallel_loop3A_347 : vector<16xf32> to vector<16xi32>
      %parallel_loop3A_349 = arith.constant 1 : i32
      %parallel_loop3A_350 = vector.broadcast %parallel_loop3A_349 : i32 to vector<16xi32>
      %parallel_loop3A_351 = arith.shrui %parallel_loop3A_348, %parallel_loop3A_350 : vector<16xi32>
      %parallel_loop3A_352 = arith.constant 1597463007 : i32
      %parallel_loop3A_353 = vector.broadcast %parallel_loop3A_352 : i32 to vector<16xi32>
      %parallel_loop3A_354 = arith.subi %parallel_loop3A_353, %parallel_loop3A_351 : vector<16xi32>
      %parallel_loop3A_355 = vector.bitcast %parallel_loop3A_354 : vector<16xi32> to vector<16xf32>
      %parallel_loop3A_356 = arith.constant 5.000000e-01 : f32
      %parallel_loop3A_357 = vector.broadcast %parallel_loop3A_356 : f32 to vector<16xf32>
      %parallel_loop3A_358 = arith.mulf %parallel_loop3A_357, %parallel_loop3A_347 : vector<16xf32>
      %parallel_loop3A_359 = arith.mulf %parallel_loop3A_358, %parallel_loop3A_355 : vector<16xf32>
      %parallel_loop3A_360 = arith.mulf %parallel_loop3A_359, %parallel_loop3A_355 : vector<16xf32>
      %parallel_loop3A_361 = arith.constant 1.500000e+00 : f32
      %parallel_loop3A_362 = vector.broadcast %parallel_loop3A_361 : f32 to vector<16xf32>
      %parallel_loop3A_363 = arith.subf %parallel_loop3A_362, %parallel_loop3A_360 : vector<16xf32>
      %parallel_loop3A_364 = arith.mulf %parallel_loop3A_355, %parallel_loop3A_363 : vector<16xf32>
      %parallel_loop3A_365 = arith.constant 5.000000e-01 : f32
      %parallel_loop3A_366 = vector.broadcast %parallel_loop3A_365 : f32 to vector<16xf32>
      %parallel_loop3A_367 = arith.mulf %parallel_loop3A_366, %parallel_loop3A_347 : vector<16xf32>
      %parallel_loop3A_368 = arith.mulf %parallel_loop3A_367, %parallel_loop3A_364 : vector<16xf32>
      %parallel_loop3A_369 = arith.mulf %parallel_loop3A_368, %parallel_loop3A_364 : vector<16xf32>
      %parallel_loop3A_370 = arith.constant 1.500000e+00 : f32
      %parallel_loop3A_371 = vector.broadcast %parallel_loop3A_370 : f32 to vector<16xf32>
      %parallel_loop3A_372 = arith.subf %parallel_loop3A_371, %parallel_loop3A_369 : vector<16xf32>
      %parallel_loop3A_373 = arith.mulf %parallel_loop3A_364, %parallel_loop3A_372 : vector<16xf32>
      %parallel_loop3A_374 = arith.constant 5.000000e-01 : f32
      %parallel_loop3A_375 = vector.broadcast %parallel_loop3A_374 : f32 to vector<16xf32>
      %parallel_loop3A_376 = arith.mulf %parallel_loop3A_375, %parallel_loop3A_347 : vector<16xf32>
      %parallel_loop3A_377 = arith.mulf %parallel_loop3A_376, %parallel_loop3A_373 : vector<16xf32>
      %parallel_loop3A_378 = arith.mulf %parallel_loop3A_377, %parallel_loop3A_373 : vector<16xf32>
      %parallel_loop3A_379 = arith.constant 1.500000e+00 : f32
      %parallel_loop3A_380 = vector.broadcast %parallel_loop3A_379 : f32 to vector<16xf32>
      %parallel_loop3A_381 = arith.subf %parallel_loop3A_380, %parallel_loop3A_378 : vector<16xf32>
      %parallel_loop3A_382 = arith.mulf %parallel_loop3A_373, %parallel_loop3A_381 : vector<16xf32>
      %parallel_loop3A_383 = arith.mulf %parallel_loop3A_336, %parallel_loop3A_382 : vector<16xf32>
      %parallel_loop3A_384 = arith.mulf %parallel_loop3A_340, %parallel_loop3A_346 : vector<16xf32>
      %parallel_loop3A_385 = vector.bitcast %parallel_loop3A_384 : vector<16xf32> to vector<16xi32>
      %parallel_loop3A_386 = arith.constant 1 : i32
      %parallel_loop3A_387 = vector.broadcast %parallel_loop3A_386 : i32 to vector<16xi32>
      %parallel_loop3A_388 = arith.shrui %parallel_loop3A_385, %parallel_loop3A_387 : vector<16xi32>
      %parallel_loop3A_389 = arith.constant 1597463007 : i32
      %parallel_loop3A_390 = vector.broadcast %parallel_loop3A_389 : i32 to vector<16xi32>
      %parallel_loop3A_391 = arith.subi %parallel_loop3A_390, %parallel_loop3A_388 : vector<16xi32>
      %parallel_loop3A_392 = vector.bitcast %parallel_loop3A_391 : vector<16xi32> to vector<16xf32>
      %parallel_loop3A_393 = arith.constant 5.000000e-01 : f32
      %parallel_loop3A_394 = vector.broadcast %parallel_loop3A_393 : f32 to vector<16xf32>
      %parallel_loop3A_395 = arith.mulf %parallel_loop3A_394, %parallel_loop3A_384 : vector<16xf32>
      %parallel_loop3A_396 = arith.mulf %parallel_loop3A_395, %parallel_loop3A_392 : vector<16xf32>
      %parallel_loop3A_397 = arith.mulf %parallel_loop3A_396, %parallel_loop3A_392 : vector<16xf32>
      %parallel_loop3A_398 = arith.constant 1.500000e+00 : f32
      %parallel_loop3A_399 = vector.broadcast %parallel_loop3A_398 : f32 to vector<16xf32>
      %parallel_loop3A_400 = arith.subf %parallel_loop3A_399, %parallel_loop3A_397 : vector<16xf32>
      %parallel_loop3A_401 = arith.mulf %parallel_loop3A_392, %parallel_loop3A_400 : vector<16xf32>
      %parallel_loop3A_402 = arith.constant 5.000000e-01 : f32
      %parallel_loop3A_403 = vector.broadcast %parallel_loop3A_402 : f32 to vector<16xf32>
      %parallel_loop3A_404 = arith.mulf %parallel_loop3A_403, %parallel_loop3A_384 : vector<16xf32>
      %parallel_loop3A_405 = arith.mulf %parallel_loop3A_404, %parallel_loop3A_401 : vector<16xf32>
      %parallel_loop3A_406 = arith.mulf %parallel_loop3A_405, %parallel_loop3A_401 : vector<16xf32>
      %parallel_loop3A_407 = arith.constant 1.500000e+00 : f32
      %parallel_loop3A_408 = vector.broadcast %parallel_loop3A_407 : f32 to vector<16xf32>
      %parallel_loop3A_409 = arith.subf %parallel_loop3A_408, %parallel_loop3A_406 : vector<16xf32>
      %parallel_loop3A_410 = arith.mulf %parallel_loop3A_401, %parallel_loop3A_409 : vector<16xf32>
      %parallel_loop3A_411 = arith.constant 5.000000e-01 : f32
      %parallel_loop3A_412 = vector.broadcast %parallel_loop3A_411 : f32 to vector<16xf32>
      %parallel_loop3A_413 = arith.mulf %parallel_loop3A_412, %parallel_loop3A_384 : vector<16xf32>
      %parallel_loop3A_414 = arith.mulf %parallel_loop3A_413, %parallel_loop3A_410 : vector<16xf32>
      %parallel_loop3A_415 = arith.mulf %parallel_loop3A_414, %parallel_loop3A_410 : vector<16xf32>
      %parallel_loop3A_416 = arith.constant 1.500000e+00 : f32
      %parallel_loop3A_417 = vector.broadcast %parallel_loop3A_416 : f32 to vector<16xf32>
      %parallel_loop3A_418 = arith.subf %parallel_loop3A_417, %parallel_loop3A_415 : vector<16xf32>
      %parallel_loop3A_419 = arith.mulf %parallel_loop3A_410, %parallel_loop3A_418 : vector<16xf32>
      %parallel_loop3A_420 = arith.mulf %parallel_loop3A_337, %parallel_loop3A_419 : vector<16xf32>
      %parallel_loop3A_421 = arith.constant 1.000000e+00 : f32
      %parallel_loop3A_422 = vector.broadcast %parallel_loop3A_421 : f32 to vector<16xf32>
      %parallel_loop3A_423 = arith.subf %parallel_loop3A_422, %parallel_loop3A_383 : vector<16xf32>
      %parallel_loop3A_424 = arith.addf %parallel_loop3A_423, %parallel_loop3A_420 : vector<16xf32>
      %parallel_loop3A_425 = arith.constant 0.000000e+00 : f32
      %parallel_loop3A_426 = vector.broadcast %parallel_loop3A_425 : f32 to vector<16xf32>
      %parallel_loop3A_427 = arith.maximumf %parallel_loop3A_426, %parallel_loop3A_424 : vector<16xf32>
      %parallel_loop3A_428 = arith.addf %parallel_loop3A_322, %parallel_loop3A_427 : vector<16xf32>
      scf.yield %parallel_loop3A_428 : vector<16xf32>
    } {sc.loop_unroll_factor = 2 : i64, sc.parallel_access}
    %dma_start3A_85 = arith.constant 256 : i32
    %dma_start3A_86 = tpu.memref_slice %arg8[%dma_start3A_85] : memref<512xi32, #tpu.memory_space<vmem>> -> memref<64xi32, #tpu.memory_space<vmem>>
    %dma_start3A_87 = arith.constant 0 : i32
    %dma_start3A_88 = arith.constant 0 : i32
    %dma_start3A_89 = tpu.memref_slice %arg5[%dma_start3A_87, %dma_start3A_88] : memref<100001x128xf32, #tpu.memory_space<hbm>> -> memref<100001x128xf32, #tpu.memory_space<hbm>>
    tpu.enqueue_indirect_dma source(%dma_start3A_89 : memref<100001x128xf32, #tpu.memory_space<hbm>>) target(%arg11 : memref<64x128xf32, #tpu.memory_space<vmem>>) offsets(%dma_start3A_86 : memref<64xi32, #tpu.memory_space<vmem>>) semaphore(%arg29 : memref<!tpu.dma_semaphore, #tpu.memory_space<semaphore_mem>>)
    %dma_start3A_90 = arith.constant 256 : i32
    %dma_start3A_91 = tpu.memref_slice %arg9[%dma_start3A_90] : memref<512xi32, #tpu.memory_space<vmem>> -> memref<64xi32, #tpu.memory_space<vmem>>
    %dma_start3A_92 = arith.constant 0 : i32
    %dma_start3A_93 = arith.constant 0 : i32
    %dma_start3A_94 = tpu.memref_slice %arg6[%dma_start3A_92, %dma_start3A_93] : memref<100001x128xf32, #tpu.memory_space<hbm>> -> memref<100001x128xf32, #tpu.memory_space<hbm>>
    tpu.enqueue_indirect_dma source(%dma_start3A_94 : memref<100001x128xf32, #tpu.memory_space<hbm>>) target(%arg12 : memref<64x128xf32, #tpu.memory_space<vmem>>) offsets(%dma_start3A_91 : memref<64xi32, #tpu.memory_space<vmem>>) semaphore(%arg29 : memref<!tpu.dma_semaphore, #tpu.memory_space<semaphore_mem>>)
    %dma_start3A_95 = arith.constant 256 : i32
    %dma_start3A_96 = tpu.memref_slice %arg10[%dma_start3A_95] : memref<512xi32, #tpu.memory_space<vmem>> -> memref<64xi32, #tpu.memory_space<vmem>>
    %dma_start3A_97 = arith.constant 0 : i32
    %dma_start3A_98 = arith.constant 0 : i32
    %dma_start3A_99 = tpu.memref_slice %arg6[%dma_start3A_97, %dma_start3A_98] : memref<100001x128xf32, #tpu.memory_space<hbm>> -> memref<100001x128xf32, #tpu.memory_space<hbm>>
    tpu.enqueue_indirect_dma source(%dma_start3A_99 : memref<100001x128xf32, #tpu.memory_space<hbm>>) target(%arg13 : memref<64x128xf32, #tpu.memory_space<vmem>>) offsets(%dma_start3A_96 : memref<64xi32, #tpu.memory_space<vmem>>) semaphore(%arg29 : memref<!tpu.dma_semaphore, #tpu.memory_space<semaphore_mem>>)
    %dma_wait3A_100 = arith.constant 64 : i32
    %dma_wait3A_101 = tpu.memref_slice %arg8[%dma_wait3A_100] : memref<512xi32, #tpu.memory_space<vmem>> -> memref<64xi32, #tpu.memory_space<vmem>>
    %dma_wait3A_102 = arith.constant 0 : i32
    %dma_wait3A_103 = arith.constant 0 : i32
    %dma_wait3A_104 = tpu.memref_slice %arg5[%dma_wait3A_102, %dma_wait3A_103] : memref<100001x128xf32, #tpu.memory_space<hbm>> -> memref<100001x128xf32, #tpu.memory_space<hbm>>
    tpu.wait_indirect_dma semaphore(%arg30 : memref<!tpu.dma_semaphore, #tpu.memory_space<semaphore_mem>>) src(%dma_wait3A_104 : memref<100001x128xf32, #tpu.memory_space<hbm>>) dst(%arg14 : memref<64x128xf32, #tpu.memory_space<vmem>>)
    %dma_wait3A_105 = arith.constant 64 : i32
    %dma_wait3A_106 = tpu.memref_slice %arg9[%dma_wait3A_105] : memref<512xi32, #tpu.memory_space<vmem>> -> memref<64xi32, #tpu.memory_space<vmem>>
    %dma_wait3A_107 = arith.constant 0 : i32
    %dma_wait3A_108 = arith.constant 0 : i32
    %dma_wait3A_109 = tpu.memref_slice %arg6[%dma_wait3A_107, %dma_wait3A_108] : memref<100001x128xf32, #tpu.memory_space<hbm>> -> memref<100001x128xf32, #tpu.memory_space<hbm>>
    tpu.wait_indirect_dma semaphore(%arg30 : memref<!tpu.dma_semaphore, #tpu.memory_space<semaphore_mem>>) src(%dma_wait3A_109 : memref<100001x128xf32, #tpu.memory_space<hbm>>) dst(%arg15 : memref<64x128xf32, #tpu.memory_space<vmem>>)
    %dma_wait3A_110 = arith.constant 64 : i32
    %dma_wait3A_111 = tpu.memref_slice %arg10[%dma_wait3A_110] : memref<512xi32, #tpu.memory_space<vmem>> -> memref<64xi32, #tpu.memory_space<vmem>>
    %dma_wait3A_112 = arith.constant 0 : i32
    %dma_wait3A_113 = arith.constant 0 : i32
    %dma_wait3A_114 = tpu.memref_slice %arg6[%dma_wait3A_112, %dma_wait3A_113] : memref<100001x128xf32, #tpu.memory_space<hbm>> -> memref<100001x128xf32, #tpu.memory_space<hbm>>
    tpu.wait_indirect_dma semaphore(%arg30 : memref<!tpu.dma_semaphore, #tpu.memory_space<semaphore_mem>>) src(%dma_wait3A_114 : memref<100001x128xf32, #tpu.memory_space<hbm>>) dst(%arg16 : memref<64x128xf32, #tpu.memory_space<vmem>>)
    %broadcast_in_dim3A_115 = arith.constant 0.000000e+00 : f32
    %broadcast_in_dim3A_116 = vector.broadcast %broadcast_in_dim3A_115 : f32 to vector<16xf32>
    %parallel_loop3A_117 = arith.constant 0 : i32
    %parallel_loop3A_118 = arith.constant 64 : i32
    %parallel_loop3A_119 = arith.constant 1 : i32
    scf.for %parallel_loop3A_321 = %parallel_loop3A_117 to %parallel_loop3A_118 step %parallel_loop3A_119  : i32 {
      %parallel_loop3A_322 = arith.index_cast %parallel_loop3A_321 : i32 to index
      %parallel_loop3A_323 = arith.constant 0 : index
      %parallel_loop3A_324 = tpu.vector_load %arg14[%parallel_loop3A_322, %parallel_loop3A_323] {strides = array<i32>} : memref<64x128xf32, #tpu.memory_space<vmem>>, vector<16xf32>,
      %parallel_loop3A_325 = arith.index_cast %parallel_loop3A_321 : i32 to index
      %parallel_loop3A_326 = arith.constant 0 : index
      %parallel_loop3A_327 = tpu.vector_load %arg15[%parallel_loop3A_325, %parallel_loop3A_326] {strides = array<i32>} : memref<64x128xf32, #tpu.memory_space<vmem>>, vector<16xf32>,
      %parallel_loop3A_328 = arith.index_cast %parallel_loop3A_321 : i32 to index
      %parallel_loop3A_329 = arith.constant 0 : index
      %parallel_loop3A_330 = tpu.vector_load %arg16[%parallel_loop3A_328, %parallel_loop3A_329] {strides = array<i32>} : memref<64x128xf32, #tpu.memory_space<vmem>>, vector<16xf32>,
      %parallel_loop3A_331 = arith.mulf %parallel_loop3A_324, %parallel_loop3A_324 : vector<16xf32>
      %parallel_loop3A_332 = arith.addf %broadcast_in_dim3A_116, %parallel_loop3A_331 : vector<16xf32>
      %parallel_loop3A_333 = arith.mulf %parallel_loop3A_327, %parallel_loop3A_327 : vector<16xf32>
      %parallel_loop3A_334 = arith.addf %broadcast_in_dim3A_116, %parallel_loop3A_333 : vector<16xf32>
      %parallel_loop3A_335 = arith.mulf %parallel_loop3A_330, %parallel_loop3A_330 : vector<16xf32>
      %parallel_loop3A_336 = arith.addf %broadcast_in_dim3A_116, %parallel_loop3A_335 : vector<16xf32>
      %parallel_loop3A_337 = arith.mulf %parallel_loop3A_324, %parallel_loop3A_327 : vector<16xf32>
      %parallel_loop3A_338 = arith.addf %broadcast_in_dim3A_116, %parallel_loop3A_337 : vector<16xf32>
      %parallel_loop3A_339 = arith.mulf %parallel_loop3A_324, %parallel_loop3A_330 : vector<16xf32>
      %parallel_loop3A_340 = arith.addf %broadcast_in_dim3A_116, %parallel_loop3A_339 : vector<16xf32>
      %parallel_loop3A_341 = arith.index_cast %parallel_loop3A_321 : i32 to index
      %parallel_loop3A_342 = arith.constant 16 : index
      %parallel_loop3A_343 = tpu.vector_load %arg14[%parallel_loop3A_341, %parallel_loop3A_342] {strides = array<i32>} : memref<64x128xf32, #tpu.memory_space<vmem>>, vector<16xf32>,
      %parallel_loop3A_344 = arith.index_cast %parallel_loop3A_321 : i32 to index
      %parallel_loop3A_345 = arith.constant 16 : index
      %parallel_loop3A_346 = tpu.vector_load %arg15[%parallel_loop3A_344, %parallel_loop3A_345] {strides = array<i32>} : memref<64x128xf32, #tpu.memory_space<vmem>>, vector<16xf32>,
      %parallel_loop3A_347 = arith.index_cast %parallel_loop3A_321 : i32 to index
      %parallel_loop3A_348 = arith.constant 16 : index
      %parallel_loop3A_349 = tpu.vector_load %arg16[%parallel_loop3A_347, %parallel_loop3A_348] {strides = array<i32>} : memref<64x128xf32, #tpu.memory_space<vmem>>, vector<16xf32>,
      %parallel_loop3A_350 = arith.mulf %parallel_loop3A_343, %parallel_loop3A_343 : vector<16xf32>
      %parallel_loop3A_351 = arith.addf %parallel_loop3A_332, %parallel_loop3A_350 : vector<16xf32>
      %parallel_loop3A_352 = arith.mulf %parallel_loop3A_346, %parallel_loop3A_346 : vector<16xf32>
      %parallel_loop3A_353 = arith.addf %parallel_loop3A_334, %parallel_loop3A_352 : vector<16xf32>
      %parallel_loop3A_354 = arith.mulf %parallel_loop3A_349, %parallel_loop3A_349 : vector<16xf32>
      %parallel_loop3A_355 = arith.addf %parallel_loop3A_336, %parallel_loop3A_354 : vector<16xf32>
      %parallel_loop3A_356 = arith.mulf %parallel_loop3A_343, %parallel_loop3A_346 : vector<16xf32>
      %parallel_loop3A_357 = arith.addf %parallel_loop3A_338, %parallel_loop3A_356 : vector<16xf32>
      %parallel_loop3A_358 = arith.mulf %parallel_loop3A_343, %parallel_loop3A_349 : vector<16xf32>
      %parallel_loop3A_359 = arith.addf %parallel_loop3A_340, %parallel_loop3A_358 : vector<16xf32>
      %parallel_loop3A_360 = arith.index_cast %parallel_loop3A_321 : i32 to index
      %parallel_loop3A_361 = arith.constant 32 : index
      %parallel_loop3A_362 = tpu.vector_load %arg14[%parallel_loop3A_360, %parallel_loop3A_361] {strides = array<i32>} : memref<64x128xf32, #tpu.memory_space<vmem>>, vector<16xf32>,
      %parallel_loop3A_363 = arith.index_cast %parallel_loop3A_321 : i32 to index
      %parallel_loop3A_364 = arith.constant 32 : index
      %parallel_loop3A_365 = tpu.vector_load %arg15[%parallel_loop3A_363, %parallel_loop3A_364] {strides = array<i32>} : memref<64x128xf32, #tpu.memory_space<vmem>>, vector<16xf32>,
      %parallel_loop3A_366 = arith.index_cast %parallel_loop3A_321 : i32 to index
      %parallel_loop3A_367 = arith.constant 32 : index
      %parallel_loop3A_368 = tpu.vector_load %arg16[%parallel_loop3A_366, %parallel_loop3A_367] {strides = array<i32>} : memref<64x128xf32, #tpu.memory_space<vmem>>, vector<16xf32>,
      %parallel_loop3A_369 = arith.mulf %parallel_loop3A_362, %parallel_loop3A_362 : vector<16xf32>
      %parallel_loop3A_370 = arith.addf %parallel_loop3A_351, %parallel_loop3A_369 : vector<16xf32>
      %parallel_loop3A_371 = arith.mulf %parallel_loop3A_365, %parallel_loop3A_365 : vector<16xf32>
      %parallel_loop3A_372 = arith.addf %parallel_loop3A_353, %parallel_loop3A_371 : vector<16xf32>
      %parallel_loop3A_373 = arith.mulf %parallel_loop3A_368, %parallel_loop3A_368 : vector<16xf32>
      %parallel_loop3A_374 = arith.addf %parallel_loop3A_355, %parallel_loop3A_373 : vector<16xf32>
      %parallel_loop3A_375 = arith.mulf %parallel_loop3A_362, %parallel_loop3A_365 : vector<16xf32>
      %parallel_loop3A_376 = arith.addf %parallel_loop3A_357, %parallel_loop3A_375 : vector<16xf32>
      %parallel_loop3A_377 = arith.mulf %parallel_loop3A_362, %parallel_loop3A_368 : vector<16xf32>
      %parallel_loop3A_378 = arith.addf %parallel_loop3A_359, %parallel_loop3A_377 : vector<16xf32>
      %parallel_loop3A_379 = arith.index_cast %parallel_loop3A_321 : i32 to index
      %parallel_loop3A_380 = arith.constant 48 : index
      %parallel_loop3A_381 = tpu.vector_load %arg14[%parallel_loop3A_379, %parallel_loop3A_380] {strides = array<i32>} : memref<64x128xf32, #tpu.memory_space<vmem>>, vector<16xf32>,
      %parallel_loop3A_382 = arith.index_cast %parallel_loop3A_321 : i32 to index
      %parallel_loop3A_383 = arith.constant 48 : index
      %parallel_loop3A_384 = tpu.vector_load %arg15[%parallel_loop3A_382, %parallel_loop3A_383] {strides = array<i32>} : memref<64x128xf32, #tpu.memory_space<vmem>>, vector<16xf32>,
      %parallel_loop3A_385 = arith.index_cast %parallel_loop3A_321 : i32 to index
      %parallel_loop3A_386 = arith.constant 48 : index
      %parallel_loop3A_387 = tpu.vector_load %arg16[%parallel_loop3A_385, %parallel_loop3A_386] {strides = array<i32>} : memref<64x128xf32, #tpu.memory_space<vmem>>, vector<16xf32>,
      %parallel_loop3A_388 = arith.mulf %parallel_loop3A_381, %parallel_loop3A_381 : vector<16xf32>
      %parallel_loop3A_389 = arith.addf %parallel_loop3A_370, %parallel_loop3A_388 : vector<16xf32>
      %parallel_loop3A_390 = arith.mulf %parallel_loop3A_384, %parallel_loop3A_384 : vector<16xf32>
      %parallel_loop3A_391 = arith.addf %parallel_loop3A_372, %parallel_loop3A_390 : vector<16xf32>
      %parallel_loop3A_392 = arith.mulf %parallel_loop3A_387, %parallel_loop3A_387 : vector<16xf32>
      %parallel_loop3A_393 = arith.addf %parallel_loop3A_374, %parallel_loop3A_392 : vector<16xf32>
      %parallel_loop3A_394 = arith.mulf %parallel_loop3A_381, %parallel_loop3A_384 : vector<16xf32>
      %parallel_loop3A_395 = arith.addf %parallel_loop3A_376, %parallel_loop3A_394 : vector<16xf32>
      %parallel_loop3A_396 = arith.mulf %parallel_loop3A_381, %parallel_loop3A_387 : vector<16xf32>
      %parallel_loop3A_397 = arith.addf %parallel_loop3A_378, %parallel_loop3A_396 : vector<16xf32>
      %parallel_loop3A_398 = arith.index_cast %parallel_loop3A_321 : i32 to index
      %parallel_loop3A_399 = arith.constant 64 : index
      %parallel_loop3A_400 = tpu.vector_load %arg14[%parallel_loop3A_398, %parallel_loop3A_399] {strides = array<i32>} : memref<64x128xf32, #tpu.memory_space<vmem>>, vector<16xf32>,
      %parallel_loop3A_401 = arith.index_cast %parallel_loop3A_321 : i32 to index
      %parallel_loop3A_402 = arith.constant 64 : index
      %parallel_loop3A_403 = tpu.vector_load %arg15[%parallel_loop3A_401, %parallel_loop3A_402] {strides = array<i32>} : memref<64x128xf32, #tpu.memory_space<vmem>>, vector<16xf32>,
      %parallel_loop3A_404 = arith.index_cast %parallel_loop3A_321 : i32 to index
      %parallel_loop3A_405 = arith.constant 64 : index
      %parallel_loop3A_406 = tpu.vector_load %arg16[%parallel_loop3A_404, %parallel_loop3A_405] {strides = array<i32>} : memref<64x128xf32, #tpu.memory_space<vmem>>, vector<16xf32>,
      %parallel_loop3A_407 = arith.mulf %parallel_loop3A_400, %parallel_loop3A_400 : vector<16xf32>
      %parallel_loop3A_408 = arith.addf %parallel_loop3A_389, %parallel_loop3A_407 : vector<16xf32>
      %parallel_loop3A_409 = arith.mulf %parallel_loop3A_403, %parallel_loop3A_403 : vector<16xf32>
      %parallel_loop3A_410 = arith.addf %parallel_loop3A_391, %parallel_loop3A_409 : vector<16xf32>
      %parallel_loop3A_411 = arith.mulf %parallel_loop3A_406, %parallel_loop3A_406 : vector<16xf32>
      %parallel_loop3A_412 = arith.addf %parallel_loop3A_393, %parallel_loop3A_411 : vector<16xf32>
      %parallel_loop3A_413 = arith.mulf %parallel_loop3A_400, %parallel_loop3A_403 : vector<16xf32>
      %parallel_loop3A_414 = arith.addf %parallel_loop3A_395, %parallel_loop3A_413 : vector<16xf32>
      %parallel_loop3A_415 = arith.mulf %parallel_loop3A_400, %parallel_loop3A_406 : vector<16xf32>
      %parallel_loop3A_416 = arith.addf %parallel_loop3A_397, %parallel_loop3A_415 : vector<16xf32>
      %parallel_loop3A_417 = arith.index_cast %parallel_loop3A_321 : i32 to index
      %parallel_loop3A_418 = arith.constant 80 : index
      %parallel_loop3A_419 = tpu.vector_load %arg14[%parallel_loop3A_417, %parallel_loop3A_418] {strides = array<i32>} : memref<64x128xf32, #tpu.memory_space<vmem>>, vector<16xf32>,
      %parallel_loop3A_420 = arith.index_cast %parallel_loop3A_321 : i32 to index
      %parallel_loop3A_421 = arith.constant 80 : index
      %parallel_loop3A_422 = tpu.vector_load %arg15[%parallel_loop3A_420, %parallel_loop3A_421] {strides = array<i32>} : memref<64x128xf32, #tpu.memory_space<vmem>>, vector<16xf32>,
      %parallel_loop3A_423 = arith.index_cast %parallel_loop3A_321 : i32 to index
      %parallel_loop3A_424 = arith.constant 80 : index
      %parallel_loop3A_425 = tpu.vector_load %arg16[%parallel_loop3A_423, %parallel_loop3A_424] {strides = array<i32>} : memref<64x128xf32, #tpu.memory_space<vmem>>, vector<16xf32>,
      %parallel_loop3A_426 = arith.mulf %parallel_loop3A_419, %parallel_loop3A_419 : vector<16xf32>
      %parallel_loop3A_427 = arith.addf %parallel_loop3A_408, %parallel_loop3A_426 : vector<16xf32>
      %parallel_loop3A_428 = arith.mulf %parallel_loop3A_422, %parallel_loop3A_422 : vector<16xf32>
      %parallel_loop3A_429 = arith.addf %parallel_loop3A_410, %parallel_loop3A_428 : vector<16xf32>
      %parallel_loop3A_430 = arith.mulf %parallel_loop3A_425, %parallel_loop3A_425 : vector<16xf32>
      %parallel_loop3A_431 = arith.addf %parallel_loop3A_412, %parallel_loop3A_430 : vector<16xf32>
      %parallel_loop3A_432 = arith.mulf %parallel_loop3A_419, %parallel_loop3A_422 : vector<16xf32>
      %parallel_loop3A_433 = arith.addf %parallel_loop3A_414, %parallel_loop3A_432 : vector<16xf32>
      %parallel_loop3A_434 = arith.mulf %parallel_loop3A_419, %parallel_loop3A_425 : vector<16xf32>
      %parallel_loop3A_435 = arith.addf %parallel_loop3A_416, %parallel_loop3A_434 : vector<16xf32>
      %parallel_loop3A_436 = arith.index_cast %parallel_loop3A_321 : i32 to index
      %parallel_loop3A_437 = arith.constant 96 : index
      %parallel_loop3A_438 = tpu.vector_load %arg14[%parallel_loop3A_436, %parallel_loop3A_437] {strides = array<i32>} : memref<64x128xf32, #tpu.memory_space<vmem>>, vector<16xf32>,
      %parallel_loop3A_439 = arith.index_cast %parallel_loop3A_321 : i32 to index
      %parallel_loop3A_440 = arith.constant 96 : index
      %parallel_loop3A_441 = tpu.vector_load %arg15[%parallel_loop3A_439, %parallel_loop3A_440] {strides = array<i32>} : memref<64x128xf32, #tpu.memory_space<vmem>>, vector<16xf32>,
      %parallel_loop3A_442 = arith.index_cast %parallel_loop3A_321 : i32 to index
      %parallel_loop3A_443 = arith.constant 96 : index
      %parallel_loop3A_444 = tpu.vector_load %arg16[%parallel_loop3A_442, %parallel_loop3A_443] {strides = array<i32>} : memref<64x128xf32, #tpu.memory_space<vmem>>, vector<16xf32>,
      %parallel_loop3A_445 = arith.mulf %parallel_loop3A_438, %parallel_loop3A_438 : vector<16xf32>
      %parallel_loop3A_446 = arith.addf %parallel_loop3A_427, %parallel_loop3A_445 : vector<16xf32>
      %parallel_loop3A_447 = arith.mulf %parallel_loop3A_441, %parallel_loop3A_441 : vector<16xf32>
      %parallel_loop3A_448 = arith.addf %parallel_loop3A_429, %parallel_loop3A_447 : vector<16xf32>
      %parallel_loop3A_449 = arith.mulf %parallel_loop3A_444, %parallel_loop3A_444 : vector<16xf32>
      %parallel_loop3A_450 = arith.addf %parallel_loop3A_431, %parallel_loop3A_449 : vector<16xf32>
      %parallel_loop3A_451 = arith.mulf %parallel_loop3A_438, %parallel_loop3A_441 : vector<16xf32>
      %parallel_loop3A_452 = arith.addf %parallel_loop3A_433, %parallel_loop3A_451 : vector<16xf32>
      %parallel_loop3A_453 = arith.mulf %parallel_loop3A_438, %parallel_loop3A_444 : vector<16xf32>
      %parallel_loop3A_454 = arith.addf %parallel_loop3A_435, %parallel_loop3A_453 : vector<16xf32>
      %parallel_loop3A_455 = arith.index_cast %parallel_loop3A_321 : i32 to index
      %parallel_loop3A_456 = arith.constant 112 : index
      %parallel_loop3A_457 = tpu.vector_load %arg14[%parallel_loop3A_455, %parallel_loop3A_456] {strides = array<i32>} : memref<64x128xf32, #tpu.memory_space<vmem>>, vector<16xf32>,
      %parallel_loop3A_458 = arith.index_cast %parallel_loop3A_321 : i32 to index
      %parallel_loop3A_459 = arith.constant 112 : index
      %parallel_loop3A_460 = tpu.vector_load %arg15[%parallel_loop3A_458, %parallel_loop3A_459] {strides = array<i32>} : memref<64x128xf32, #tpu.memory_space<vmem>>, vector<16xf32>,
      %parallel_loop3A_461 = arith.index_cast %parallel_loop3A_321 : i32 to index
      %parallel_loop3A_462 = arith.constant 112 : index
      %parallel_loop3A_463 = tpu.vector_load %arg16[%parallel_loop3A_461, %parallel_loop3A_462] {strides = array<i32>} : memref<64x128xf32, #tpu.memory_space<vmem>>, vector<16xf32>,
      %parallel_loop3A_464 = arith.mulf %parallel_loop3A_457, %parallel_loop3A_457 : vector<16xf32>
      %parallel_loop3A_465 = arith.addf %parallel_loop3A_446, %parallel_loop3A_464 : vector<16xf32>
      %parallel_loop3A_466 = arith.mulf %parallel_loop3A_460, %parallel_loop3A_460 : vector<16xf32>
      %parallel_loop3A_467 = arith.addf %parallel_loop3A_448, %parallel_loop3A_466 : vector<16xf32>
      %parallel_loop3A_468 = arith.mulf %parallel_loop3A_463, %parallel_loop3A_463 : vector<16xf32>
      %parallel_loop3A_469 = arith.addf %parallel_loop3A_450, %parallel_loop3A_468 : vector<16xf32>
      %parallel_loop3A_470 = arith.mulf %parallel_loop3A_457, %parallel_loop3A_460 : vector<16xf32>
      %parallel_loop3A_471 = arith.addf %parallel_loop3A_452, %parallel_loop3A_470 : vector<16xf32>
      %parallel_loop3A_472 = arith.mulf %parallel_loop3A_457, %parallel_loop3A_463 : vector<16xf32>
      %parallel_loop3A_473 = arith.addf %parallel_loop3A_454, %parallel_loop3A_472 : vector<16xf32>
      %parallel_loop3A_474 = arith.constant 16 : i32
      %parallel_loop3A_475 = arith.muli %parallel_loop3A_321, %parallel_loop3A_474 : i32
      %parallel_loop3A_476 = arith.constant true
      %parallel_loop3A_477 = vector.broadcast %parallel_loop3A_476 : i1 to vector<16xi1>
      %parallel_loop3A_478 = tpu.scan <sum>, %parallel_loop3A_465 masked %parallel_loop3A_477 : vector<16xf32>, vector<16xi1> -> vector<16xf32>
      %parallel_loop3A_479 = arith.index_cast %parallel_loop3A_475 : i32 to index
      %parallel_loop3A_480 = tpu.vector_load %arg23[%parallel_loop3A_479] {strides = array<i32>} : memref<1024xf32, #tpu.memory_space<vmem>>, vector<16xf32>,
      tpu.vector_store %arg23[%parallel_loop3A_479], %parallel_loop3A_478 {strides = array<i32>} : memref<1024xf32, #tpu.memory_space<vmem>>, vector<16xf32>,
      %parallel_loop3A_481 = arith.constant true
      %parallel_loop3A_482 = vector.broadcast %parallel_loop3A_481 : i1 to vector<16xi1>
      %parallel_loop3A_483 = tpu.scan <sum>, %parallel_loop3A_467 masked %parallel_loop3A_482 : vector<16xf32>, vector<16xi1> -> vector<16xf32>
      %parallel_loop3A_484 = arith.index_cast %parallel_loop3A_475 : i32 to index
      %parallel_loop3A_485 = tpu.vector_load %arg24[%parallel_loop3A_484] {strides = array<i32>} : memref<1024xf32, #tpu.memory_space<vmem>>, vector<16xf32>,
      tpu.vector_store %arg24[%parallel_loop3A_484], %parallel_loop3A_483 {strides = array<i32>} : memref<1024xf32, #tpu.memory_space<vmem>>, vector<16xf32>,
      %parallel_loop3A_486 = arith.constant true
      %parallel_loop3A_487 = vector.broadcast %parallel_loop3A_486 : i1 to vector<16xi1>
      %parallel_loop3A_488 = tpu.scan <sum>, %parallel_loop3A_469 masked %parallel_loop3A_487 : vector<16xf32>, vector<16xi1> -> vector<16xf32>
      %parallel_loop3A_489 = arith.index_cast %parallel_loop3A_475 : i32 to index
      %parallel_loop3A_490 = tpu.vector_load %arg25[%parallel_loop3A_489] {strides = array<i32>} : memref<1024xf32, #tpu.memory_space<vmem>>, vector<16xf32>,
      tpu.vector_store %arg25[%parallel_loop3A_489], %parallel_loop3A_488 {strides = array<i32>} : memref<1024xf32, #tpu.memory_space<vmem>>, vector<16xf32>,
      %parallel_loop3A_491 = arith.constant true
      %parallel_loop3A_492 = vector.broadcast %parallel_loop3A_491 : i1 to vector<16xi1>
      %parallel_loop3A_493 = tpu.scan <sum>, %parallel_loop3A_471 masked %parallel_loop3A_492 : vector<16xf32>, vector<16xi1> -> vector<16xf32>
      %parallel_loop3A_494 = arith.index_cast %parallel_loop3A_475 : i32 to index
      %parallel_loop3A_495 = tpu.vector_load %arg26[%parallel_loop3A_494] {strides = array<i32>} : memref<1024xf32, #tpu.memory_space<vmem>>, vector<16xf32>,
      tpu.vector_store %arg26[%parallel_loop3A_494], %parallel_loop3A_493 {strides = array<i32>} : memref<1024xf32, #tpu.memory_space<vmem>>, vector<16xf32>,
      %parallel_loop3A_496 = arith.constant true
      %parallel_loop3A_497 = vector.broadcast %parallel_loop3A_496 : i1 to vector<16xi1>
      %parallel_loop3A_498 = tpu.scan <sum>, %parallel_loop3A_473 masked %parallel_loop3A_497 : vector<16xf32>, vector<16xi1> -> vector<16xf32>
      %parallel_loop3A_499 = arith.index_cast %parallel_loop3A_475 : i32 to index
      %parallel_loop3A_500 = tpu.vector_load %arg27[%parallel_loop3A_499] {strides = array<i32>} : memref<1024xf32, #tpu.memory_space<vmem>>, vector<16xf32>,
      tpu.vector_store %arg27[%parallel_loop3A_499], %parallel_loop3A_498 {strides = array<i32>} : memref<1024xf32, #tpu.memory_space<vmem>>, vector<16xf32>,
    } {sc.loop_unroll_factor = 2 : i64, sc.parallel_access}
    %parallel_loop3A_120 = arith.constant 0 : i32
    %parallel_loop3A_121 = arith.constant 4 : i32
    %parallel_loop3A_122 = arith.constant 1 : i32
    %parallel_loop3A_123 = scf.for %parallel_loop3A_321 = %parallel_loop3A_120 to %parallel_loop3A_121 step %parallel_loop3A_122 iter_args(%parallel_loop3A_322 = %parallel_loop3A_84) -> (vector<16xf32>)  : i32 {
      %parallel_loop3A_323 = arith.constant 16 : i32
      %parallel_loop3A_324 = arith.muli %parallel_loop3A_321, %parallel_loop3A_323 : i32
      %parallel_loop3A_325 = vector.broadcast %parallel_loop3A_324 : i32 to vector<16xi32>
      %parallel_loop3A_326 = arith.addi %iota3A, %parallel_loop3A_325 : vector<16xi32>
      %parallel_loop3A_327 = arith.constant 16 : i32
      %parallel_loop3A_328 = vector.broadcast %parallel_loop3A_327 : i32 to vector<16xi32>
      %parallel_loop3A_329 = arith.muli %parallel_loop3A_326, %parallel_loop3A_328 : vector<16xi32>
      %parallel_loop3A_330 = arith.constant 15 : i32
      %parallel_loop3A_331 = vector.broadcast %parallel_loop3A_330 : i32 to vector<16xi32>
      %parallel_loop3A_332 = arith.addi %parallel_loop3A_329, %parallel_loop3A_331 : vector<16xi32>
      %parallel_loop3A_333 = tpu.vector_load_idx %arg23[%parallel_loop3A_332] : memref<1024xf32, #tpu.memory_space<vmem>>[vector<16xi32>], vector<16xf32>,
      %parallel_loop3A_334 = tpu.vector_load_idx %arg24[%parallel_loop3A_332] : memref<1024xf32, #tpu.memory_space<vmem>>[vector<16xi32>], vector<16xf32>,
      %parallel_loop3A_335 = tpu.vector_load_idx %arg25[%parallel_loop3A_332] : memref<1024xf32, #tpu.memory_space<vmem>>[vector<16xi32>], vector<16xf32>,
      %parallel_loop3A_336 = tpu.vector_load_idx %arg26[%parallel_loop3A_332] : memref<1024xf32, #tpu.memory_space<vmem>>[vector<16xi32>], vector<16xf32>,
      %parallel_loop3A_337 = tpu.vector_load_idx %arg27[%parallel_loop3A_332] : memref<1024xf32, #tpu.memory_space<vmem>>[vector<16xi32>], vector<16xf32>,
      %parallel_loop3A_338 = arith.constant 1.000000e-24 : f32
      %parallel_loop3A_339 = vector.broadcast %parallel_loop3A_338 : f32 to vector<16xf32>
      %parallel_loop3A_340 = arith.maximumf %parallel_loop3A_333, %parallel_loop3A_339 : vector<16xf32>
      %parallel_loop3A_341 = arith.constant 1.000000e-24 : f32
      %parallel_loop3A_342 = vector.broadcast %parallel_loop3A_341 : f32 to vector<16xf32>
      %parallel_loop3A_343 = arith.maximumf %parallel_loop3A_334, %parallel_loop3A_342 : vector<16xf32>
      %parallel_loop3A_344 = arith.constant 1.000000e-24 : f32
      %parallel_loop3A_345 = vector.broadcast %parallel_loop3A_344 : f32 to vector<16xf32>
      %parallel_loop3A_346 = arith.maximumf %parallel_loop3A_335, %parallel_loop3A_345 : vector<16xf32>
      %parallel_loop3A_347 = arith.mulf %parallel_loop3A_340, %parallel_loop3A_343 : vector<16xf32>
      %parallel_loop3A_348 = vector.bitcast %parallel_loop3A_347 : vector<16xf32> to vector<16xi32>
      %parallel_loop3A_349 = arith.constant 1 : i32
      %parallel_loop3A_350 = vector.broadcast %parallel_loop3A_349 : i32 to vector<16xi32>
      %parallel_loop3A_351 = arith.shrui %parallel_loop3A_348, %parallel_loop3A_350 : vector<16xi32>
      %parallel_loop3A_352 = arith.constant 1597463007 : i32
      %parallel_loop3A_353 = vector.broadcast %parallel_loop3A_352 : i32 to vector<16xi32>
      %parallel_loop3A_354 = arith.subi %parallel_loop3A_353, %parallel_loop3A_351 : vector<16xi32>
      %parallel_loop3A_355 = vector.bitcast %parallel_loop3A_354 : vector<16xi32> to vector<16xf32>
      %parallel_loop3A_356 = arith.constant 5.000000e-01 : f32
      %parallel_loop3A_357 = vector.broadcast %parallel_loop3A_356 : f32 to vector<16xf32>
      %parallel_loop3A_358 = arith.mulf %parallel_loop3A_357, %parallel_loop3A_347 : vector<16xf32>
      %parallel_loop3A_359 = arith.mulf %parallel_loop3A_358, %parallel_loop3A_355 : vector<16xf32>
      %parallel_loop3A_360 = arith.mulf %parallel_loop3A_359, %parallel_loop3A_355 : vector<16xf32>
      %parallel_loop3A_361 = arith.constant 1.500000e+00 : f32
      %parallel_loop3A_362 = vector.broadcast %parallel_loop3A_361 : f32 to vector<16xf32>
      %parallel_loop3A_363 = arith.subf %parallel_loop3A_362, %parallel_loop3A_360 : vector<16xf32>
      %parallel_loop3A_364 = arith.mulf %parallel_loop3A_355, %parallel_loop3A_363 : vector<16xf32>
      %parallel_loop3A_365 = arith.constant 5.000000e-01 : f32
      %parallel_loop3A_366 = vector.broadcast %parallel_loop3A_365 : f32 to vector<16xf32>
      %parallel_loop3A_367 = arith.mulf %parallel_loop3A_366, %parallel_loop3A_347 : vector<16xf32>
      %parallel_loop3A_368 = arith.mulf %parallel_loop3A_367, %parallel_loop3A_364 : vector<16xf32>
      %parallel_loop3A_369 = arith.mulf %parallel_loop3A_368, %parallel_loop3A_364 : vector<16xf32>
      %parallel_loop3A_370 = arith.constant 1.500000e+00 : f32
      %parallel_loop3A_371 = vector.broadcast %parallel_loop3A_370 : f32 to vector<16xf32>
      %parallel_loop3A_372 = arith.subf %parallel_loop3A_371, %parallel_loop3A_369 : vector<16xf32>
      %parallel_loop3A_373 = arith.mulf %parallel_loop3A_364, %parallel_loop3A_372 : vector<16xf32>
      %parallel_loop3A_374 = arith.constant 5.000000e-01 : f32
      %parallel_loop3A_375 = vector.broadcast %parallel_loop3A_374 : f32 to vector<16xf32>
      %parallel_loop3A_376 = arith.mulf %parallel_loop3A_375, %parallel_loop3A_347 : vector<16xf32>
      %parallel_loop3A_377 = arith.mulf %parallel_loop3A_376, %parallel_loop3A_373 : vector<16xf32>
      %parallel_loop3A_378 = arith.mulf %parallel_loop3A_377, %parallel_loop3A_373 : vector<16xf32>
      %parallel_loop3A_379 = arith.constant 1.500000e+00 : f32
      %parallel_loop3A_380 = vector.broadcast %parallel_loop3A_379 : f32 to vector<16xf32>
      %parallel_loop3A_381 = arith.subf %parallel_loop3A_380, %parallel_loop3A_378 : vector<16xf32>
      %parallel_loop3A_382 = arith.mulf %parallel_loop3A_373, %parallel_loop3A_381 : vector<16xf32>
      %parallel_loop3A_383 = arith.mulf %parallel_loop3A_336, %parallel_loop3A_382 : vector<16xf32>
      %parallel_loop3A_384 = arith.mulf %parallel_loop3A_340, %parallel_loop3A_346 : vector<16xf32>
      %parallel_loop3A_385 = vector.bitcast %parallel_loop3A_384 : vector<16xf32> to vector<16xi32>
      %parallel_loop3A_386 = arith.constant 1 : i32
      %parallel_loop3A_387 = vector.broadcast %parallel_loop3A_386 : i32 to vector<16xi32>
      %parallel_loop3A_388 = arith.shrui %parallel_loop3A_385, %parallel_loop3A_387 : vector<16xi32>
      %parallel_loop3A_389 = arith.constant 1597463007 : i32
      %parallel_loop3A_390 = vector.broadcast %parallel_loop3A_389 : i32 to vector<16xi32>
      %parallel_loop3A_391 = arith.subi %parallel_loop3A_390, %parallel_loop3A_388 : vector<16xi32>
      %parallel_loop3A_392 = vector.bitcast %parallel_loop3A_391 : vector<16xi32> to vector<16xf32>
      %parallel_loop3A_393 = arith.constant 5.000000e-01 : f32
      %parallel_loop3A_394 = vector.broadcast %parallel_loop3A_393 : f32 to vector<16xf32>
      %parallel_loop3A_395 = arith.mulf %parallel_loop3A_394, %parallel_loop3A_384 : vector<16xf32>
      %parallel_loop3A_396 = arith.mulf %parallel_loop3A_395, %parallel_loop3A_392 : vector<16xf32>
      %parallel_loop3A_397 = arith.mulf %parallel_loop3A_396, %parallel_loop3A_392 : vector<16xf32>
      %parallel_loop3A_398 = arith.constant 1.500000e+00 : f32
      %parallel_loop3A_399 = vector.broadcast %parallel_loop3A_398 : f32 to vector<16xf32>
      %parallel_loop3A_400 = arith.subf %parallel_loop3A_399, %parallel_loop3A_397 : vector<16xf32>
      %parallel_loop3A_401 = arith.mulf %parallel_loop3A_392, %parallel_loop3A_400 : vector<16xf32>
      %parallel_loop3A_402 = arith.constant 5.000000e-01 : f32
      %parallel_loop3A_403 = vector.broadcast %parallel_loop3A_402 : f32 to vector<16xf32>
      %parallel_loop3A_404 = arith.mulf %parallel_loop3A_403, %parallel_loop3A_384 : vector<16xf32>
      %parallel_loop3A_405 = arith.mulf %parallel_loop3A_404, %parallel_loop3A_401 : vector<16xf32>
      %parallel_loop3A_406 = arith.mulf %parallel_loop3A_405, %parallel_loop3A_401 : vector<16xf32>
      %parallel_loop3A_407 = arith.constant 1.500000e+00 : f32
      %parallel_loop3A_408 = vector.broadcast %parallel_loop3A_407 : f32 to vector<16xf32>
      %parallel_loop3A_409 = arith.subf %parallel_loop3A_408, %parallel_loop3A_406 : vector<16xf32>
      %parallel_loop3A_410 = arith.mulf %parallel_loop3A_401, %parallel_loop3A_409 : vector<16xf32>
      %parallel_loop3A_411 = arith.constant 5.000000e-01 : f32
      %parallel_loop3A_412 = vector.broadcast %parallel_loop3A_411 : f32 to vector<16xf32>
      %parallel_loop3A_413 = arith.mulf %parallel_loop3A_412, %parallel_loop3A_384 : vector<16xf32>
      %parallel_loop3A_414 = arith.mulf %parallel_loop3A_413, %parallel_loop3A_410 : vector<16xf32>
      %parallel_loop3A_415 = arith.mulf %parallel_loop3A_414, %parallel_loop3A_410 : vector<16xf32>
      %parallel_loop3A_416 = arith.constant 1.500000e+00 : f32
      %parallel_loop3A_417 = vector.broadcast %parallel_loop3A_416 : f32 to vector<16xf32>
      %parallel_loop3A_418 = arith.subf %parallel_loop3A_417, %parallel_loop3A_415 : vector<16xf32>
      %parallel_loop3A_419 = arith.mulf %parallel_loop3A_410, %parallel_loop3A_418 : vector<16xf32>
      %parallel_loop3A_420 = arith.mulf %parallel_loop3A_337, %parallel_loop3A_419 : vector<16xf32>
      %parallel_loop3A_421 = arith.constant 1.000000e+00 : f32
      %parallel_loop3A_422 = vector.broadcast %parallel_loop3A_421 : f32 to vector<16xf32>
      %parallel_loop3A_423 = arith.subf %parallel_loop3A_422, %parallel_loop3A_383 : vector<16xf32>
      %parallel_loop3A_424 = arith.addf %parallel_loop3A_423, %parallel_loop3A_420 : vector<16xf32>
      %parallel_loop3A_425 = arith.constant 0.000000e+00 : f32
      %parallel_loop3A_426 = vector.broadcast %parallel_loop3A_425 : f32 to vector<16xf32>
      %parallel_loop3A_427 = arith.maximumf %parallel_loop3A_426, %parallel_loop3A_424 : vector<16xf32>
      %parallel_loop3A_428 = arith.addf %parallel_loop3A_322, %parallel_loop3A_427 : vector<16xf32>
      scf.yield %parallel_loop3A_428 : vector<16xf32>
    } {sc.loop_unroll_factor = 2 : i64, sc.parallel_access}
    %dma_start3A_124 = arith.constant 320 : i32
    %dma_start3A_125 = tpu.memref_slice %arg8[%dma_start3A_124] : memref<512xi32, #tpu.memory_space<vmem>> -> memref<64xi32, #tpu.memory_space<vmem>>
    %dma_start3A_126 = arith.constant 0 : i32
    %dma_start3A_127 = arith.constant 0 : i32
    %dma_start3A_128 = tpu.memref_slice %arg5[%dma_start3A_126, %dma_start3A_127] : memref<100001x128xf32, #tpu.memory_space<hbm>> -> memref<100001x128xf32, #tpu.memory_space<hbm>>
    tpu.enqueue_indirect_dma source(%dma_start3A_128 : memref<100001x128xf32, #tpu.memory_space<hbm>>) target(%arg14 : memref<64x128xf32, #tpu.memory_space<vmem>>) offsets(%dma_start3A_125 : memref<64xi32, #tpu.memory_space<vmem>>) semaphore(%arg30 : memref<!tpu.dma_semaphore, #tpu.memory_space<semaphore_mem>>)
    %dma_start3A_129 = arith.constant 320 : i32
    %dma_start3A_130 = tpu.memref_slice %arg9[%dma_start3A_129] : memref<512xi32, #tpu.memory_space<vmem>> -> memref<64xi32, #tpu.memory_space<vmem>>
    %dma_start3A_131 = arith.constant 0 : i32
    %dma_start3A_132 = arith.constant 0 : i32
    %dma_start3A_133 = tpu.memref_slice %arg6[%dma_start3A_131, %dma_start3A_132] : memref<100001x128xf32, #tpu.memory_space<hbm>> -> memref<100001x128xf32, #tpu.memory_space<hbm>>
    tpu.enqueue_indirect_dma source(%dma_start3A_133 : memref<100001x128xf32, #tpu.memory_space<hbm>>) target(%arg15 : memref<64x128xf32, #tpu.memory_space<vmem>>) offsets(%dma_start3A_130 : memref<64xi32, #tpu.memory_space<vmem>>) semaphore(%arg30 : memref<!tpu.dma_semaphore, #tpu.memory_space<semaphore_mem>>)
    %dma_start3A_134 = arith.constant 320 : i32
    %dma_start3A_135 = tpu.memref_slice %arg10[%dma_start3A_134] : memref<512xi32, #tpu.memory_space<vmem>> -> memref<64xi32, #tpu.memory_space<vmem>>
    %dma_start3A_136 = arith.constant 0 : i32
    %dma_start3A_137 = arith.constant 0 : i32
    %dma_start3A_138 = tpu.memref_slice %arg6[%dma_start3A_136, %dma_start3A_137] : memref<100001x128xf32, #tpu.memory_space<hbm>> -> memref<100001x128xf32, #tpu.memory_space<hbm>>
    tpu.enqueue_indirect_dma source(%dma_start3A_138 : memref<100001x128xf32, #tpu.memory_space<hbm>>) target(%arg16 : memref<64x128xf32, #tpu.memory_space<vmem>>) offsets(%dma_start3A_135 : memref<64xi32, #tpu.memory_space<vmem>>) semaphore(%arg30 : memref<!tpu.dma_semaphore, #tpu.memory_space<semaphore_mem>>)
    %dma_wait3A_139 = arith.constant 128 : i32
    %dma_wait3A_140 = tpu.memref_slice %arg8[%dma_wait3A_139] : memref<512xi32, #tpu.memory_space<vmem>> -> memref<64xi32, #tpu.memory_space<vmem>>
    %dma_wait3A_141 = arith.constant 0 : i32
    %dma_wait3A_142 = arith.constant 0 : i32
    %dma_wait3A_143 = tpu.memref_slice %arg5[%dma_wait3A_141, %dma_wait3A_142] : memref<100001x128xf32, #tpu.memory_space<hbm>> -> memref<100001x128xf32, #tpu.memory_space<hbm>>
    tpu.wait_indirect_dma semaphore(%arg31 : memref<!tpu.dma_semaphore, #tpu.memory_space<semaphore_mem>>) src(%dma_wait3A_143 : memref<100001x128xf32, #tpu.memory_space<hbm>>) dst(%arg17 : memref<64x128xf32, #tpu.memory_space<vmem>>)
    %dma_wait3A_144 = arith.constant 128 : i32
    %dma_wait3A_145 = tpu.memref_slice %arg9[%dma_wait3A_144] : memref<512xi32, #tpu.memory_space<vmem>> -> memref<64xi32, #tpu.memory_space<vmem>>
    %dma_wait3A_146 = arith.constant 0 : i32
    %dma_wait3A_147 = arith.constant 0 : i32
    %dma_wait3A_148 = tpu.memref_slice %arg6[%dma_wait3A_146, %dma_wait3A_147] : memref<100001x128xf32, #tpu.memory_space<hbm>> -> memref<100001x128xf32, #tpu.memory_space<hbm>>
    tpu.wait_indirect_dma semaphore(%arg31 : memref<!tpu.dma_semaphore, #tpu.memory_space<semaphore_mem>>) src(%dma_wait3A_148 : memref<100001x128xf32, #tpu.memory_space<hbm>>) dst(%arg18 : memref<64x128xf32, #tpu.memory_space<vmem>>)
    %dma_wait3A_149 = arith.constant 128 : i32
    %dma_wait3A_150 = tpu.memref_slice %arg10[%dma_wait3A_149] : memref<512xi32, #tpu.memory_space<vmem>> -> memref<64xi32, #tpu.memory_space<vmem>>
    %dma_wait3A_151 = arith.constant 0 : i32
    %dma_wait3A_152 = arith.constant 0 : i32
    %dma_wait3A_153 = tpu.memref_slice %arg6[%dma_wait3A_151, %dma_wait3A_152] : memref<100001x128xf32, #tpu.memory_space<hbm>> -> memref<100001x128xf32, #tpu.memory_space<hbm>>
    tpu.wait_indirect_dma semaphore(%arg31 : memref<!tpu.dma_semaphore, #tpu.memory_space<semaphore_mem>>) src(%dma_wait3A_153 : memref<100001x128xf32, #tpu.memory_space<hbm>>) dst(%arg19 : memref<64x128xf32, #tpu.memory_space<vmem>>)
    %broadcast_in_dim3A_154 = arith.constant 0.000000e+00 : f32
    %broadcast_in_dim3A_155 = vector.broadcast %broadcast_in_dim3A_154 : f32 to vector<16xf32>
    %parallel_loop3A_156 = arith.constant 0 : i32
    %parallel_loop3A_157 = arith.constant 64 : i32
    %parallel_loop3A_158 = arith.constant 1 : i32
    scf.for %parallel_loop3A_321 = %parallel_loop3A_156 to %parallel_loop3A_157 step %parallel_loop3A_158  : i32 {
      %parallel_loop3A_322 = arith.index_cast %parallel_loop3A_321 : i32 to index
      %parallel_loop3A_323 = arith.constant 0 : index
      %parallel_loop3A_324 = tpu.vector_load %arg17[%parallel_loop3A_322, %parallel_loop3A_323] {strides = array<i32>} : memref<64x128xf32, #tpu.memory_space<vmem>>, vector<16xf32>,
      %parallel_loop3A_325 = arith.index_cast %parallel_loop3A_321 : i32 to index
      %parallel_loop3A_326 = arith.constant 0 : index
      %parallel_loop3A_327 = tpu.vector_load %arg18[%parallel_loop3A_325, %parallel_loop3A_326] {strides = array<i32>} : memref<64x128xf32, #tpu.memory_space<vmem>>, vector<16xf32>,
      %parallel_loop3A_328 = arith.index_cast %parallel_loop3A_321 : i32 to index
      %parallel_loop3A_329 = arith.constant 0 : index
      %parallel_loop3A_330 = tpu.vector_load %arg19[%parallel_loop3A_328, %parallel_loop3A_329] {strides = array<i32>} : memref<64x128xf32, #tpu.memory_space<vmem>>, vector<16xf32>,
      %parallel_loop3A_331 = arith.mulf %parallel_loop3A_324, %parallel_loop3A_324 : vector<16xf32>
      %parallel_loop3A_332 = arith.addf %broadcast_in_dim3A_155, %parallel_loop3A_331 : vector<16xf32>
      %parallel_loop3A_333 = arith.mulf %parallel_loop3A_327, %parallel_loop3A_327 : vector<16xf32>
      %parallel_loop3A_334 = arith.addf %broadcast_in_dim3A_155, %parallel_loop3A_333 : vector<16xf32>
      %parallel_loop3A_335 = arith.mulf %parallel_loop3A_330, %parallel_loop3A_330 : vector<16xf32>
      %parallel_loop3A_336 = arith.addf %broadcast_in_dim3A_155, %parallel_loop3A_335 : vector<16xf32>
      %parallel_loop3A_337 = arith.mulf %parallel_loop3A_324, %parallel_loop3A_327 : vector<16xf32>
      %parallel_loop3A_338 = arith.addf %broadcast_in_dim3A_155, %parallel_loop3A_337 : vector<16xf32>
      %parallel_loop3A_339 = arith.mulf %parallel_loop3A_324, %parallel_loop3A_330 : vector<16xf32>
      %parallel_loop3A_340 = arith.addf %broadcast_in_dim3A_155, %parallel_loop3A_339 : vector<16xf32>
      %parallel_loop3A_341 = arith.index_cast %parallel_loop3A_321 : i32 to index
      %parallel_loop3A_342 = arith.constant 16 : index
      %parallel_loop3A_343 = tpu.vector_load %arg17[%parallel_loop3A_341, %parallel_loop3A_342] {strides = array<i32>} : memref<64x128xf32, #tpu.memory_space<vmem>>, vector<16xf32>,
      %parallel_loop3A_344 = arith.index_cast %parallel_loop3A_321 : i32 to index
      %parallel_loop3A_345 = arith.constant 16 : index
      %parallel_loop3A_346 = tpu.vector_load %arg18[%parallel_loop3A_344, %parallel_loop3A_345] {strides = array<i32>} : memref<64x128xf32, #tpu.memory_space<vmem>>, vector<16xf32>,
      %parallel_loop3A_347 = arith.index_cast %parallel_loop3A_321 : i32 to index
      %parallel_loop3A_348 = arith.constant 16 : index
      %parallel_loop3A_349 = tpu.vector_load %arg19[%parallel_loop3A_347, %parallel_loop3A_348] {strides = array<i32>} : memref<64x128xf32, #tpu.memory_space<vmem>>, vector<16xf32>,
      %parallel_loop3A_350 = arith.mulf %parallel_loop3A_343, %parallel_loop3A_343 : vector<16xf32>
      %parallel_loop3A_351 = arith.addf %parallel_loop3A_332, %parallel_loop3A_350 : vector<16xf32>
      %parallel_loop3A_352 = arith.mulf %parallel_loop3A_346, %parallel_loop3A_346 : vector<16xf32>
      %parallel_loop3A_353 = arith.addf %parallel_loop3A_334, %parallel_loop3A_352 : vector<16xf32>
      %parallel_loop3A_354 = arith.mulf %parallel_loop3A_349, %parallel_loop3A_349 : vector<16xf32>
      %parallel_loop3A_355 = arith.addf %parallel_loop3A_336, %parallel_loop3A_354 : vector<16xf32>
      %parallel_loop3A_356 = arith.mulf %parallel_loop3A_343, %parallel_loop3A_346 : vector<16xf32>
      %parallel_loop3A_357 = arith.addf %parallel_loop3A_338, %parallel_loop3A_356 : vector<16xf32>
      %parallel_loop3A_358 = arith.mulf %parallel_loop3A_343, %parallel_loop3A_349 : vector<16xf32>
      %parallel_loop3A_359 = arith.addf %parallel_loop3A_340, %parallel_loop3A_358 : vector<16xf32>
      %parallel_loop3A_360 = arith.index_cast %parallel_loop3A_321 : i32 to index
      %parallel_loop3A_361 = arith.constant 32 : index
      %parallel_loop3A_362 = tpu.vector_load %arg17[%parallel_loop3A_360, %parallel_loop3A_361] {strides = array<i32>} : memref<64x128xf32, #tpu.memory_space<vmem>>, vector<16xf32>,
      %parallel_loop3A_363 = arith.index_cast %parallel_loop3A_321 : i32 to index
      %parallel_loop3A_364 = arith.constant 32 : index
      %parallel_loop3A_365 = tpu.vector_load %arg18[%parallel_loop3A_363, %parallel_loop3A_364] {strides = array<i32>} : memref<64x128xf32, #tpu.memory_space<vmem>>, vector<16xf32>,
      %parallel_loop3A_366 = arith.index_cast %parallel_loop3A_321 : i32 to index
      %parallel_loop3A_367 = arith.constant 32 : index
      %parallel_loop3A_368 = tpu.vector_load %arg19[%parallel_loop3A_366, %parallel_loop3A_367] {strides = array<i32>} : memref<64x128xf32, #tpu.memory_space<vmem>>, vector<16xf32>,
      %parallel_loop3A_369 = arith.mulf %parallel_loop3A_362, %parallel_loop3A_362 : vector<16xf32>
      %parallel_loop3A_370 = arith.addf %parallel_loop3A_351, %parallel_loop3A_369 : vector<16xf32>
      %parallel_loop3A_371 = arith.mulf %parallel_loop3A_365, %parallel_loop3A_365 : vector<16xf32>
      %parallel_loop3A_372 = arith.addf %parallel_loop3A_353, %parallel_loop3A_371 : vector<16xf32>
      %parallel_loop3A_373 = arith.mulf %parallel_loop3A_368, %parallel_loop3A_368 : vector<16xf32>
      %parallel_loop3A_374 = arith.addf %parallel_loop3A_355, %parallel_loop3A_373 : vector<16xf32>
      %parallel_loop3A_375 = arith.mulf %parallel_loop3A_362, %parallel_loop3A_365 : vector<16xf32>
      %parallel_loop3A_376 = arith.addf %parallel_loop3A_357, %parallel_loop3A_375 : vector<16xf32>
      %parallel_loop3A_377 = arith.mulf %parallel_loop3A_362, %parallel_loop3A_368 : vector<16xf32>
      %parallel_loop3A_378 = arith.addf %parallel_loop3A_359, %parallel_loop3A_377 : vector<16xf32>
      %parallel_loop3A_379 = arith.index_cast %parallel_loop3A_321 : i32 to index
      %parallel_loop3A_380 = arith.constant 48 : index
      %parallel_loop3A_381 = tpu.vector_load %arg17[%parallel_loop3A_379, %parallel_loop3A_380] {strides = array<i32>} : memref<64x128xf32, #tpu.memory_space<vmem>>, vector<16xf32>,
      %parallel_loop3A_382 = arith.index_cast %parallel_loop3A_321 : i32 to index
      %parallel_loop3A_383 = arith.constant 48 : index
      %parallel_loop3A_384 = tpu.vector_load %arg18[%parallel_loop3A_382, %parallel_loop3A_383] {strides = array<i32>} : memref<64x128xf32, #tpu.memory_space<vmem>>, vector<16xf32>,
      %parallel_loop3A_385 = arith.index_cast %parallel_loop3A_321 : i32 to index
      %parallel_loop3A_386 = arith.constant 48 : index
      %parallel_loop3A_387 = tpu.vector_load %arg19[%parallel_loop3A_385, %parallel_loop3A_386] {strides = array<i32>} : memref<64x128xf32, #tpu.memory_space<vmem>>, vector<16xf32>,
      %parallel_loop3A_388 = arith.mulf %parallel_loop3A_381, %parallel_loop3A_381 : vector<16xf32>
      %parallel_loop3A_389 = arith.addf %parallel_loop3A_370, %parallel_loop3A_388 : vector<16xf32>
      %parallel_loop3A_390 = arith.mulf %parallel_loop3A_384, %parallel_loop3A_384 : vector<16xf32>
      %parallel_loop3A_391 = arith.addf %parallel_loop3A_372, %parallel_loop3A_390 : vector<16xf32>
      %parallel_loop3A_392 = arith.mulf %parallel_loop3A_387, %parallel_loop3A_387 : vector<16xf32>
      %parallel_loop3A_393 = arith.addf %parallel_loop3A_374, %parallel_loop3A_392 : vector<16xf32>
      %parallel_loop3A_394 = arith.mulf %parallel_loop3A_381, %parallel_loop3A_384 : vector<16xf32>
      %parallel_loop3A_395 = arith.addf %parallel_loop3A_376, %parallel_loop3A_394 : vector<16xf32>
      %parallel_loop3A_396 = arith.mulf %parallel_loop3A_381, %parallel_loop3A_387 : vector<16xf32>
      %parallel_loop3A_397 = arith.addf %parallel_loop3A_378, %parallel_loop3A_396 : vector<16xf32>
      %parallel_loop3A_398 = arith.index_cast %parallel_loop3A_321 : i32 to index
      %parallel_loop3A_399 = arith.constant 64 : index
      %parallel_loop3A_400 = tpu.vector_load %arg17[%parallel_loop3A_398, %parallel_loop3A_399] {strides = array<i32>} : memref<64x128xf32, #tpu.memory_space<vmem>>, vector<16xf32>,
      %parallel_loop3A_401 = arith.index_cast %parallel_loop3A_321 : i32 to index
      %parallel_loop3A_402 = arith.constant 64 : index
      %parallel_loop3A_403 = tpu.vector_load %arg18[%parallel_loop3A_401, %parallel_loop3A_402] {strides = array<i32>} : memref<64x128xf32, #tpu.memory_space<vmem>>, vector<16xf32>,
      %parallel_loop3A_404 = arith.index_cast %parallel_loop3A_321 : i32 to index
      %parallel_loop3A_405 = arith.constant 64 : index
      %parallel_loop3A_406 = tpu.vector_load %arg19[%parallel_loop3A_404, %parallel_loop3A_405] {strides = array<i32>} : memref<64x128xf32, #tpu.memory_space<vmem>>, vector<16xf32>,
      %parallel_loop3A_407 = arith.mulf %parallel_loop3A_400, %parallel_loop3A_400 : vector<16xf32>
      %parallel_loop3A_408 = arith.addf %parallel_loop3A_389, %parallel_loop3A_407 : vector<16xf32>
      %parallel_loop3A_409 = arith.mulf %parallel_loop3A_403, %parallel_loop3A_403 : vector<16xf32>
      %parallel_loop3A_410 = arith.addf %parallel_loop3A_391, %parallel_loop3A_409 : vector<16xf32>
      %parallel_loop3A_411 = arith.mulf %parallel_loop3A_406, %parallel_loop3A_406 : vector<16xf32>
      %parallel_loop3A_412 = arith.addf %parallel_loop3A_393, %parallel_loop3A_411 : vector<16xf32>
      %parallel_loop3A_413 = arith.mulf %parallel_loop3A_400, %parallel_loop3A_403 : vector<16xf32>
      %parallel_loop3A_414 = arith.addf %parallel_loop3A_395, %parallel_loop3A_413 : vector<16xf32>
      %parallel_loop3A_415 = arith.mulf %parallel_loop3A_400, %parallel_loop3A_406 : vector<16xf32>
      %parallel_loop3A_416 = arith.addf %parallel_loop3A_397, %parallel_loop3A_415 : vector<16xf32>
      %parallel_loop3A_417 = arith.index_cast %parallel_loop3A_321 : i32 to index
      %parallel_loop3A_418 = arith.constant 80 : index
      %parallel_loop3A_419 = tpu.vector_load %arg17[%parallel_loop3A_417, %parallel_loop3A_418] {strides = array<i32>} : memref<64x128xf32, #tpu.memory_space<vmem>>, vector<16xf32>,
      %parallel_loop3A_420 = arith.index_cast %parallel_loop3A_321 : i32 to index
      %parallel_loop3A_421 = arith.constant 80 : index
      %parallel_loop3A_422 = tpu.vector_load %arg18[%parallel_loop3A_420, %parallel_loop3A_421] {strides = array<i32>} : memref<64x128xf32, #tpu.memory_space<vmem>>, vector<16xf32>,
      %parallel_loop3A_423 = arith.index_cast %parallel_loop3A_321 : i32 to index
      %parallel_loop3A_424 = arith.constant 80 : index
      %parallel_loop3A_425 = tpu.vector_load %arg19[%parallel_loop3A_423, %parallel_loop3A_424] {strides = array<i32>} : memref<64x128xf32, #tpu.memory_space<vmem>>, vector<16xf32>,
      %parallel_loop3A_426 = arith.mulf %parallel_loop3A_419, %parallel_loop3A_419 : vector<16xf32>
      %parallel_loop3A_427 = arith.addf %parallel_loop3A_408, %parallel_loop3A_426 : vector<16xf32>
      %parallel_loop3A_428 = arith.mulf %parallel_loop3A_422, %parallel_loop3A_422 : vector<16xf32>
      %parallel_loop3A_429 = arith.addf %parallel_loop3A_410, %parallel_loop3A_428 : vector<16xf32>
      %parallel_loop3A_430 = arith.mulf %parallel_loop3A_425, %parallel_loop3A_425 : vector<16xf32>
      %parallel_loop3A_431 = arith.addf %parallel_loop3A_412, %parallel_loop3A_430 : vector<16xf32>
      %parallel_loop3A_432 = arith.mulf %parallel_loop3A_419, %parallel_loop3A_422 : vector<16xf32>
      %parallel_loop3A_433 = arith.addf %parallel_loop3A_414, %parallel_loop3A_432 : vector<16xf32>
      %parallel_loop3A_434 = arith.mulf %parallel_loop3A_419, %parallel_loop3A_425 : vector<16xf32>
      %parallel_loop3A_435 = arith.addf %parallel_loop3A_416, %parallel_loop3A_434 : vector<16xf32>
      %parallel_loop3A_436 = arith.index_cast %parallel_loop3A_321 : i32 to index
      %parallel_loop3A_437 = arith.constant 96 : index
      %parallel_loop3A_438 = tpu.vector_load %arg17[%parallel_loop3A_436, %parallel_loop3A_437] {strides = array<i32>} : memref<64x128xf32, #tpu.memory_space<vmem>>, vector<16xf32>,
      %parallel_loop3A_439 = arith.index_cast %parallel_loop3A_321 : i32 to index
      %parallel_loop3A_440 = arith.constant 96 : index
      %parallel_loop3A_441 = tpu.vector_load %arg18[%parallel_loop3A_439, %parallel_loop3A_440] {strides = array<i32>} : memref<64x128xf32, #tpu.memory_space<vmem>>, vector<16xf32>,
      %parallel_loop3A_442 = arith.index_cast %parallel_loop3A_321 : i32 to index
      %parallel_loop3A_443 = arith.constant 96 : index
      %parallel_loop3A_444 = tpu.vector_load %arg19[%parallel_loop3A_442, %parallel_loop3A_443] {strides = array<i32>} : memref<64x128xf32, #tpu.memory_space<vmem>>, vector<16xf32>,
      %parallel_loop3A_445 = arith.mulf %parallel_loop3A_438, %parallel_loop3A_438 : vector<16xf32>
      %parallel_loop3A_446 = arith.addf %parallel_loop3A_427, %parallel_loop3A_445 : vector<16xf32>
      %parallel_loop3A_447 = arith.mulf %parallel_loop3A_441, %parallel_loop3A_441 : vector<16xf32>
      %parallel_loop3A_448 = arith.addf %parallel_loop3A_429, %parallel_loop3A_447 : vector<16xf32>
      %parallel_loop3A_449 = arith.mulf %parallel_loop3A_444, %parallel_loop3A_444 : vector<16xf32>
      %parallel_loop3A_450 = arith.addf %parallel_loop3A_431, %parallel_loop3A_449 : vector<16xf32>
      %parallel_loop3A_451 = arith.mulf %parallel_loop3A_438, %parallel_loop3A_441 : vector<16xf32>
      %parallel_loop3A_452 = arith.addf %parallel_loop3A_433, %parallel_loop3A_451 : vector<16xf32>
      %parallel_loop3A_453 = arith.mulf %parallel_loop3A_438, %parallel_loop3A_444 : vector<16xf32>
      %parallel_loop3A_454 = arith.addf %parallel_loop3A_435, %parallel_loop3A_453 : vector<16xf32>
      %parallel_loop3A_455 = arith.index_cast %parallel_loop3A_321 : i32 to index
      %parallel_loop3A_456 = arith.constant 112 : index
      %parallel_loop3A_457 = tpu.vector_load %arg17[%parallel_loop3A_455, %parallel_loop3A_456] {strides = array<i32>} : memref<64x128xf32, #tpu.memory_space<vmem>>, vector<16xf32>,
      %parallel_loop3A_458 = arith.index_cast %parallel_loop3A_321 : i32 to index
      %parallel_loop3A_459 = arith.constant 112 : index
      %parallel_loop3A_460 = tpu.vector_load %arg18[%parallel_loop3A_458, %parallel_loop3A_459] {strides = array<i32>} : memref<64x128xf32, #tpu.memory_space<vmem>>, vector<16xf32>,
      %parallel_loop3A_461 = arith.index_cast %parallel_loop3A_321 : i32 to index
      %parallel_loop3A_462 = arith.constant 112 : index
      %parallel_loop3A_463 = tpu.vector_load %arg19[%parallel_loop3A_461, %parallel_loop3A_462] {strides = array<i32>} : memref<64x128xf32, #tpu.memory_space<vmem>>, vector<16xf32>,
      %parallel_loop3A_464 = arith.mulf %parallel_loop3A_457, %parallel_loop3A_457 : vector<16xf32>
      %parallel_loop3A_465 = arith.addf %parallel_loop3A_446, %parallel_loop3A_464 : vector<16xf32>
      %parallel_loop3A_466 = arith.mulf %parallel_loop3A_460, %parallel_loop3A_460 : vector<16xf32>
      %parallel_loop3A_467 = arith.addf %parallel_loop3A_448, %parallel_loop3A_466 : vector<16xf32>
      %parallel_loop3A_468 = arith.mulf %parallel_loop3A_463, %parallel_loop3A_463 : vector<16xf32>
      %parallel_loop3A_469 = arith.addf %parallel_loop3A_450, %parallel_loop3A_468 : vector<16xf32>
      %parallel_loop3A_470 = arith.mulf %parallel_loop3A_457, %parallel_loop3A_460 : vector<16xf32>
      %parallel_loop3A_471 = arith.addf %parallel_loop3A_452, %parallel_loop3A_470 : vector<16xf32>
      %parallel_loop3A_472 = arith.mulf %parallel_loop3A_457, %parallel_loop3A_463 : vector<16xf32>
      %parallel_loop3A_473 = arith.addf %parallel_loop3A_454, %parallel_loop3A_472 : vector<16xf32>
      %parallel_loop3A_474 = arith.constant 16 : i32
      %parallel_loop3A_475 = arith.muli %parallel_loop3A_321, %parallel_loop3A_474 : i32
      %parallel_loop3A_476 = arith.constant true
      %parallel_loop3A_477 = vector.broadcast %parallel_loop3A_476 : i1 to vector<16xi1>
      %parallel_loop3A_478 = tpu.scan <sum>, %parallel_loop3A_465 masked %parallel_loop3A_477 : vector<16xf32>, vector<16xi1> -> vector<16xf32>
      %parallel_loop3A_479 = arith.index_cast %parallel_loop3A_475 : i32 to index
      %parallel_loop3A_480 = tpu.vector_load %arg23[%parallel_loop3A_479] {strides = array<i32>} : memref<1024xf32, #tpu.memory_space<vmem>>, vector<16xf32>,
      tpu.vector_store %arg23[%parallel_loop3A_479], %parallel_loop3A_478 {strides = array<i32>} : memref<1024xf32, #tpu.memory_space<vmem>>, vector<16xf32>,
      %parallel_loop3A_481 = arith.constant true
      %parallel_loop3A_482 = vector.broadcast %parallel_loop3A_481 : i1 to vector<16xi1>
      %parallel_loop3A_483 = tpu.scan <sum>, %parallel_loop3A_467 masked %parallel_loop3A_482 : vector<16xf32>, vector<16xi1> -> vector<16xf32>
      %parallel_loop3A_484 = arith.index_cast %parallel_loop3A_475 : i32 to index
      %parallel_loop3A_485 = tpu.vector_load %arg24[%parallel_loop3A_484] {strides = array<i32>} : memref<1024xf32, #tpu.memory_space<vmem>>, vector<16xf32>,
      tpu.vector_store %arg24[%parallel_loop3A_484], %parallel_loop3A_483 {strides = array<i32>} : memref<1024xf32, #tpu.memory_space<vmem>>, vector<16xf32>,
      %parallel_loop3A_486 = arith.constant true
      %parallel_loop3A_487 = vector.broadcast %parallel_loop3A_486 : i1 to vector<16xi1>
      %parallel_loop3A_488 = tpu.scan <sum>, %parallel_loop3A_469 masked %parallel_loop3A_487 : vector<16xf32>, vector<16xi1> -> vector<16xf32>
      %parallel_loop3A_489 = arith.index_cast %parallel_loop3A_475 : i32 to index
      %parallel_loop3A_490 = tpu.vector_load %arg25[%parallel_loop3A_489] {strides = array<i32>} : memref<1024xf32, #tpu.memory_space<vmem>>, vector<16xf32>,
      tpu.vector_store %arg25[%parallel_loop3A_489], %parallel_loop3A_488 {strides = array<i32>} : memref<1024xf32, #tpu.memory_space<vmem>>, vector<16xf32>,
      %parallel_loop3A_491 = arith.constant true
      %parallel_loop3A_492 = vector.broadcast %parallel_loop3A_491 : i1 to vector<16xi1>
      %parallel_loop3A_493 = tpu.scan <sum>, %parallel_loop3A_471 masked %parallel_loop3A_492 : vector<16xf32>, vector<16xi1> -> vector<16xf32>
      %parallel_loop3A_494 = arith.index_cast %parallel_loop3A_475 : i32 to index
      %parallel_loop3A_495 = tpu.vector_load %arg26[%parallel_loop3A_494] {strides = array<i32>} : memref<1024xf32, #tpu.memory_space<vmem>>, vector<16xf32>,
      tpu.vector_store %arg26[%parallel_loop3A_494], %parallel_loop3A_493 {strides = array<i32>} : memref<1024xf32, #tpu.memory_space<vmem>>, vector<16xf32>,
      %parallel_loop3A_496 = arith.constant true
      %parallel_loop3A_497 = vector.broadcast %parallel_loop3A_496 : i1 to vector<16xi1>
      %parallel_loop3A_498 = tpu.scan <sum>, %parallel_loop3A_473 masked %parallel_loop3A_497 : vector<16xf32>, vector<16xi1> -> vector<16xf32>
      %parallel_loop3A_499 = arith.index_cast %parallel_loop3A_475 : i32 to index
      %parallel_loop3A_500 = tpu.vector_load %arg27[%parallel_loop3A_499] {strides = array<i32>} : memref<1024xf32, #tpu.memory_space<vmem>>, vector<16xf32>,
      tpu.vector_store %arg27[%parallel_loop3A_499], %parallel_loop3A_498 {strides = array<i32>} : memref<1024xf32, #tpu.memory_space<vmem>>, vector<16xf32>,
    } {sc.loop_unroll_factor = 2 : i64, sc.parallel_access}
    %parallel_loop3A_159 = arith.constant 0 : i32
    %parallel_loop3A_160 = arith.constant 4 : i32
    %parallel_loop3A_161 = arith.constant 1 : i32
    %parallel_loop3A_162 = scf.for %parallel_loop3A_321 = %parallel_loop3A_159 to %parallel_loop3A_160 step %parallel_loop3A_161 iter_args(%parallel_loop3A_322 = %parallel_loop3A_123) -> (vector<16xf32>)  : i32 {
      %parallel_loop3A_323 = arith.constant 16 : i32
      %parallel_loop3A_324 = arith.muli %parallel_loop3A_321, %parallel_loop3A_323 : i32
      %parallel_loop3A_325 = vector.broadcast %parallel_loop3A_324 : i32 to vector<16xi32>
      %parallel_loop3A_326 = arith.addi %iota3A, %parallel_loop3A_325 : vector<16xi32>
      %parallel_loop3A_327 = arith.constant 16 : i32
      %parallel_loop3A_328 = vector.broadcast %parallel_loop3A_327 : i32 to vector<16xi32>
      %parallel_loop3A_329 = arith.muli %parallel_loop3A_326, %parallel_loop3A_328 : vector<16xi32>
      %parallel_loop3A_330 = arith.constant 15 : i32
      %parallel_loop3A_331 = vector.broadcast %parallel_loop3A_330 : i32 to vector<16xi32>
      %parallel_loop3A_332 = arith.addi %parallel_loop3A_329, %parallel_loop3A_331 : vector<16xi32>
      %parallel_loop3A_333 = tpu.vector_load_idx %arg23[%parallel_loop3A_332] : memref<1024xf32, #tpu.memory_space<vmem>>[vector<16xi32>], vector<16xf32>,
      %parallel_loop3A_334 = tpu.vector_load_idx %arg24[%parallel_loop3A_332] : memref<1024xf32, #tpu.memory_space<vmem>>[vector<16xi32>], vector<16xf32>,
      %parallel_loop3A_335 = tpu.vector_load_idx %arg25[%parallel_loop3A_332] : memref<1024xf32, #tpu.memory_space<vmem>>[vector<16xi32>], vector<16xf32>,
      %parallel_loop3A_336 = tpu.vector_load_idx %arg26[%parallel_loop3A_332] : memref<1024xf32, #tpu.memory_space<vmem>>[vector<16xi32>], vector<16xf32>,
      %parallel_loop3A_337 = tpu.vector_load_idx %arg27[%parallel_loop3A_332] : memref<1024xf32, #tpu.memory_space<vmem>>[vector<16xi32>], vector<16xf32>,
      %parallel_loop3A_338 = arith.constant 1.000000e-24 : f32
      %parallel_loop3A_339 = vector.broadcast %parallel_loop3A_338 : f32 to vector<16xf32>
      %parallel_loop3A_340 = arith.maximumf %parallel_loop3A_333, %parallel_loop3A_339 : vector<16xf32>
      %parallel_loop3A_341 = arith.constant 1.000000e-24 : f32
      %parallel_loop3A_342 = vector.broadcast %parallel_loop3A_341 : f32 to vector<16xf32>
      %parallel_loop3A_343 = arith.maximumf %parallel_loop3A_334, %parallel_loop3A_342 : vector<16xf32>
      %parallel_loop3A_344 = arith.constant 1.000000e-24 : f32
      %parallel_loop3A_345 = vector.broadcast %parallel_loop3A_344 : f32 to vector<16xf32>
      %parallel_loop3A_346 = arith.maximumf %parallel_loop3A_335, %parallel_loop3A_345 : vector<16xf32>
      %parallel_loop3A_347 = arith.mulf %parallel_loop3A_340, %parallel_loop3A_343 : vector<16xf32>
      %parallel_loop3A_348 = vector.bitcast %parallel_loop3A_347 : vector<16xf32> to vector<16xi32>
      %parallel_loop3A_349 = arith.constant 1 : i32
      %parallel_loop3A_350 = vector.broadcast %parallel_loop3A_349 : i32 to vector<16xi32>
      %parallel_loop3A_351 = arith.shrui %parallel_loop3A_348, %parallel_loop3A_350 : vector<16xi32>
      %parallel_loop3A_352 = arith.constant 1597463007 : i32
      %parallel_loop3A_353 = vector.broadcast %parallel_loop3A_352 : i32 to vector<16xi32>
      %parallel_loop3A_354 = arith.subi %parallel_loop3A_353, %parallel_loop3A_351 : vector<16xi32>
      %parallel_loop3A_355 = vector.bitcast %parallel_loop3A_354 : vector<16xi32> to vector<16xf32>
      %parallel_loop3A_356 = arith.constant 5.000000e-01 : f32
      %parallel_loop3A_357 = vector.broadcast %parallel_loop3A_356 : f32 to vector<16xf32>
      %parallel_loop3A_358 = arith.mulf %parallel_loop3A_357, %parallel_loop3A_347 : vector<16xf32>
      %parallel_loop3A_359 = arith.mulf %parallel_loop3A_358, %parallel_loop3A_355 : vector<16xf32>
      %parallel_loop3A_360 = arith.mulf %parallel_loop3A_359, %parallel_loop3A_355 : vector<16xf32>
      %parallel_loop3A_361 = arith.constant 1.500000e+00 : f32
      %parallel_loop3A_362 = vector.broadcast %parallel_loop3A_361 : f32 to vector<16xf32>
      %parallel_loop3A_363 = arith.subf %parallel_loop3A_362, %parallel_loop3A_360 : vector<16xf32>
      %parallel_loop3A_364 = arith.mulf %parallel_loop3A_355, %parallel_loop3A_363 : vector<16xf32>
      %parallel_loop3A_365 = arith.constant 5.000000e-01 : f32
      %parallel_loop3A_366 = vector.broadcast %parallel_loop3A_365 : f32 to vector<16xf32>
      %parallel_loop3A_367 = arith.mulf %parallel_loop3A_366, %parallel_loop3A_347 : vector<16xf32>
      %parallel_loop3A_368 = arith.mulf %parallel_loop3A_367, %parallel_loop3A_364 : vector<16xf32>
      %parallel_loop3A_369 = arith.mulf %parallel_loop3A_368, %parallel_loop3A_364 : vector<16xf32>
      %parallel_loop3A_370 = arith.constant 1.500000e+00 : f32
      %parallel_loop3A_371 = vector.broadcast %parallel_loop3A_370 : f32 to vector<16xf32>
      %parallel_loop3A_372 = arith.subf %parallel_loop3A_371, %parallel_loop3A_369 : vector<16xf32>
      %parallel_loop3A_373 = arith.mulf %parallel_loop3A_364, %parallel_loop3A_372 : vector<16xf32>
      %parallel_loop3A_374 = arith.constant 5.000000e-01 : f32
      %parallel_loop3A_375 = vector.broadcast %parallel_loop3A_374 : f32 to vector<16xf32>
      %parallel_loop3A_376 = arith.mulf %parallel_loop3A_375, %parallel_loop3A_347 : vector<16xf32>
      %parallel_loop3A_377 = arith.mulf %parallel_loop3A_376, %parallel_loop3A_373 : vector<16xf32>
      %parallel_loop3A_378 = arith.mulf %parallel_loop3A_377, %parallel_loop3A_373 : vector<16xf32>
      %parallel_loop3A_379 = arith.constant 1.500000e+00 : f32
      %parallel_loop3A_380 = vector.broadcast %parallel_loop3A_379 : f32 to vector<16xf32>
      %parallel_loop3A_381 = arith.subf %parallel_loop3A_380, %parallel_loop3A_378 : vector<16xf32>
      %parallel_loop3A_382 = arith.mulf %parallel_loop3A_373, %parallel_loop3A_381 : vector<16xf32>
      %parallel_loop3A_383 = arith.mulf %parallel_loop3A_336, %parallel_loop3A_382 : vector<16xf32>
      %parallel_loop3A_384 = arith.mulf %parallel_loop3A_340, %parallel_loop3A_346 : vector<16xf32>
      %parallel_loop3A_385 = vector.bitcast %parallel_loop3A_384 : vector<16xf32> to vector<16xi32>
      %parallel_loop3A_386 = arith.constant 1 : i32
      %parallel_loop3A_387 = vector.broadcast %parallel_loop3A_386 : i32 to vector<16xi32>
      %parallel_loop3A_388 = arith.shrui %parallel_loop3A_385, %parallel_loop3A_387 : vector<16xi32>
      %parallel_loop3A_389 = arith.constant 1597463007 : i32
      %parallel_loop3A_390 = vector.broadcast %parallel_loop3A_389 : i32 to vector<16xi32>
      %parallel_loop3A_391 = arith.subi %parallel_loop3A_390, %parallel_loop3A_388 : vector<16xi32>
      %parallel_loop3A_392 = vector.bitcast %parallel_loop3A_391 : vector<16xi32> to vector<16xf32>
      %parallel_loop3A_393 = arith.constant 5.000000e-01 : f32
      %parallel_loop3A_394 = vector.broadcast %parallel_loop3A_393 : f32 to vector<16xf32>
      %parallel_loop3A_395 = arith.mulf %parallel_loop3A_394, %parallel_loop3A_384 : vector<16xf32>
      %parallel_loop3A_396 = arith.mulf %parallel_loop3A_395, %parallel_loop3A_392 : vector<16xf32>
      %parallel_loop3A_397 = arith.mulf %parallel_loop3A_396, %parallel_loop3A_392 : vector<16xf32>
      %parallel_loop3A_398 = arith.constant 1.500000e+00 : f32
      %parallel_loop3A_399 = vector.broadcast %parallel_loop3A_398 : f32 to vector<16xf32>
      %parallel_loop3A_400 = arith.subf %parallel_loop3A_399, %parallel_loop3A_397 : vector<16xf32>
      %parallel_loop3A_401 = arith.mulf %parallel_loop3A_392, %parallel_loop3A_400 : vector<16xf32>
      %parallel_loop3A_402 = arith.constant 5.000000e-01 : f32
      %parallel_loop3A_403 = vector.broadcast %parallel_loop3A_402 : f32 to vector<16xf32>
      %parallel_loop3A_404 = arith.mulf %parallel_loop3A_403, %parallel_loop3A_384 : vector<16xf32>
      %parallel_loop3A_405 = arith.mulf %parallel_loop3A_404, %parallel_loop3A_401 : vector<16xf32>
      %parallel_loop3A_406 = arith.mulf %parallel_loop3A_405, %parallel_loop3A_401 : vector<16xf32>
      %parallel_loop3A_407 = arith.constant 1.500000e+00 : f32
      %parallel_loop3A_408 = vector.broadcast %parallel_loop3A_407 : f32 to vector<16xf32>
      %parallel_loop3A_409 = arith.subf %parallel_loop3A_408, %parallel_loop3A_406 : vector<16xf32>
      %parallel_loop3A_410 = arith.mulf %parallel_loop3A_401, %parallel_loop3A_409 : vector<16xf32>
      %parallel_loop3A_411 = arith.constant 5.000000e-01 : f32
      %parallel_loop3A_412 = vector.broadcast %parallel_loop3A_411 : f32 to vector<16xf32>
      %parallel_loop3A_413 = arith.mulf %parallel_loop3A_412, %parallel_loop3A_384 : vector<16xf32>
      %parallel_loop3A_414 = arith.mulf %parallel_loop3A_413, %parallel_loop3A_410 : vector<16xf32>
      %parallel_loop3A_415 = arith.mulf %parallel_loop3A_414, %parallel_loop3A_410 : vector<16xf32>
      %parallel_loop3A_416 = arith.constant 1.500000e+00 : f32
      %parallel_loop3A_417 = vector.broadcast %parallel_loop3A_416 : f32 to vector<16xf32>
      %parallel_loop3A_418 = arith.subf %parallel_loop3A_417, %parallel_loop3A_415 : vector<16xf32>
      %parallel_loop3A_419 = arith.mulf %parallel_loop3A_410, %parallel_loop3A_418 : vector<16xf32>
      %parallel_loop3A_420 = arith.mulf %parallel_loop3A_337, %parallel_loop3A_419 : vector<16xf32>
      %parallel_loop3A_421 = arith.constant 1.000000e+00 : f32
      %parallel_loop3A_422 = vector.broadcast %parallel_loop3A_421 : f32 to vector<16xf32>
      %parallel_loop3A_423 = arith.subf %parallel_loop3A_422, %parallel_loop3A_383 : vector<16xf32>
      %parallel_loop3A_424 = arith.addf %parallel_loop3A_423, %parallel_loop3A_420 : vector<16xf32>
      %parallel_loop3A_425 = arith.constant 0.000000e+00 : f32
      %parallel_loop3A_426 = vector.broadcast %parallel_loop3A_425 : f32 to vector<16xf32>
      %parallel_loop3A_427 = arith.maximumf %parallel_loop3A_426, %parallel_loop3A_424 : vector<16xf32>
      %parallel_loop3A_428 = arith.addf %parallel_loop3A_322, %parallel_loop3A_427 : vector<16xf32>
      scf.yield %parallel_loop3A_428 : vector<16xf32>
    } {sc.loop_unroll_factor = 2 : i64, sc.parallel_access}
    %dma_start3A_163 = arith.constant 384 : i32
    %dma_start3A_164 = tpu.memref_slice %arg8[%dma_start3A_163] : memref<512xi32, #tpu.memory_space<vmem>> -> memref<64xi32, #tpu.memory_space<vmem>>
    %dma_start3A_165 = arith.constant 0 : i32
    %dma_start3A_166 = arith.constant 0 : i32
    %dma_start3A_167 = tpu.memref_slice %arg5[%dma_start3A_165, %dma_start3A_166] : memref<100001x128xf32, #tpu.memory_space<hbm>> -> memref<100001x128xf32, #tpu.memory_space<hbm>>
    tpu.enqueue_indirect_dma source(%dma_start3A_167 : memref<100001x128xf32, #tpu.memory_space<hbm>>) target(%arg17 : memref<64x128xf32, #tpu.memory_space<vmem>>) offsets(%dma_start3A_164 : memref<64xi32, #tpu.memory_space<vmem>>) semaphore(%arg31 : memref<!tpu.dma_semaphore, #tpu.memory_space<semaphore_mem>>)
    %dma_start3A_168 = arith.constant 384 : i32
    %dma_start3A_169 = tpu.memref_slice %arg9[%dma_start3A_168] : memref<512xi32, #tpu.memory_space<vmem>> -> memref<64xi32, #tpu.memory_space<vmem>>
    %dma_start3A_170 = arith.constant 0 : i32
    %dma_start3A_171 = arith.constant 0 : i32
    %dma_start3A_172 = tpu.memref_slice %arg6[%dma_start3A_170, %dma_start3A_171] : memref<100001x128xf32, #tpu.memory_space<hbm>> -> memref<100001x128xf32, #tpu.memory_space<hbm>>
    tpu.enqueue_indirect_dma source(%dma_start3A_172 : memref<100001x128xf32, #tpu.memory_space<hbm>>) target(%arg18 : memref<64x128xf32, #tpu.memory_space<vmem>>) offsets(%dma_start3A_169 : memref<64xi32, #tpu.memory_space<vmem>>) semaphore(%arg31 : memref<!tpu.dma_semaphore, #tpu.memory_space<semaphore_mem>>)
    %dma_start3A_173 = arith.constant 384 : i32
    %dma_start3A_174 = tpu.memref_slice %arg10[%dma_start3A_173] : memref<512xi32, #tpu.memory_space<vmem>> -> memref<64xi32, #tpu.memory_space<vmem>>
    %dma_start3A_175 = arith.constant 0 : i32
    %dma_start3A_176 = arith.constant 0 : i32
    %dma_start3A_177 = tpu.memref_slice %arg6[%dma_start3A_175, %dma_start3A_176] : memref<100001x128xf32, #tpu.memory_space<hbm>> -> memref<100001x128xf32, #tpu.memory_space<hbm>>
    tpu.enqueue_indirect_dma source(%dma_start3A_177 : memref<100001x128xf32, #tpu.memory_space<hbm>>) target(%arg19 : memref<64x128xf32, #tpu.memory_space<vmem>>) offsets(%dma_start3A_174 : memref<64xi32, #tpu.memory_space<vmem>>) semaphore(%arg31 : memref<!tpu.dma_semaphore, #tpu.memory_space<semaphore_mem>>)
    %dma_wait3A_178 = arith.constant 192 : i32
    %dma_wait3A_179 = tpu.memref_slice %arg8[%dma_wait3A_178] : memref<512xi32, #tpu.memory_space<vmem>> -> memref<64xi32, #tpu.memory_space<vmem>>
    %dma_wait3A_180 = arith.constant 0 : i32
    %dma_wait3A_181 = arith.constant 0 : i32
    %dma_wait3A_182 = tpu.memref_slice %arg5[%dma_wait3A_180, %dma_wait3A_181] : memref<100001x128xf32, #tpu.memory_space<hbm>> -> memref<100001x128xf32, #tpu.memory_space<hbm>>
    tpu.wait_indirect_dma semaphore(%arg32 : memref<!tpu.dma_semaphore, #tpu.memory_space<semaphore_mem>>) src(%dma_wait3A_182 : memref<100001x128xf32, #tpu.memory_space<hbm>>) dst(%arg20 : memref<64x128xf32, #tpu.memory_space<vmem>>)
    %dma_wait3A_183 = arith.constant 192 : i32
    %dma_wait3A_184 = tpu.memref_slice %arg9[%dma_wait3A_183] : memref<512xi32, #tpu.memory_space<vmem>> -> memref<64xi32, #tpu.memory_space<vmem>>
    %dma_wait3A_185 = arith.constant 0 : i32
    %dma_wait3A_186 = arith.constant 0 : i32
    %dma_wait3A_187 = tpu.memref_slice %arg6[%dma_wait3A_185, %dma_wait3A_186] : memref<100001x128xf32, #tpu.memory_space<hbm>> -> memref<100001x128xf32, #tpu.memory_space<hbm>>
    tpu.wait_indirect_dma semaphore(%arg32 : memref<!tpu.dma_semaphore, #tpu.memory_space<semaphore_mem>>) src(%dma_wait3A_187 : memref<100001x128xf32, #tpu.memory_space<hbm>>) dst(%arg21 : memref<64x128xf32, #tpu.memory_space<vmem>>)
    %dma_wait3A_188 = arith.constant 192 : i32
    %dma_wait3A_189 = tpu.memref_slice %arg10[%dma_wait3A_188] : memref<512xi32, #tpu.memory_space<vmem>> -> memref<64xi32, #tpu.memory_space<vmem>>
    %dma_wait3A_190 = arith.constant 0 : i32
    %dma_wait3A_191 = arith.constant 0 : i32
    %dma_wait3A_192 = tpu.memref_slice %arg6[%dma_wait3A_190, %dma_wait3A_191] : memref<100001x128xf32, #tpu.memory_space<hbm>> -> memref<100001x128xf32, #tpu.memory_space<hbm>>
    tpu.wait_indirect_dma semaphore(%arg32 : memref<!tpu.dma_semaphore, #tpu.memory_space<semaphore_mem>>) src(%dma_wait3A_192 : memref<100001x128xf32, #tpu.memory_space<hbm>>) dst(%arg22 : memref<64x128xf32, #tpu.memory_space<vmem>>)
    %broadcast_in_dim3A_193 = arith.constant 0.000000e+00 : f32
    %broadcast_in_dim3A_194 = vector.broadcast %broadcast_in_dim3A_193 : f32 to vector<16xf32>
    %parallel_loop3A_195 = arith.constant 0 : i32
    %parallel_loop3A_196 = arith.constant 64 : i32
    %parallel_loop3A_197 = arith.constant 1 : i32
    scf.for %parallel_loop3A_321 = %parallel_loop3A_195 to %parallel_loop3A_196 step %parallel_loop3A_197  : i32 {
      %parallel_loop3A_322 = arith.index_cast %parallel_loop3A_321 : i32 to index
      %parallel_loop3A_323 = arith.constant 0 : index
      %parallel_loop3A_324 = tpu.vector_load %arg20[%parallel_loop3A_322, %parallel_loop3A_323] {strides = array<i32>} : memref<64x128xf32, #tpu.memory_space<vmem>>, vector<16xf32>,
      %parallel_loop3A_325 = arith.index_cast %parallel_loop3A_321 : i32 to index
      %parallel_loop3A_326 = arith.constant 0 : index
      %parallel_loop3A_327 = tpu.vector_load %arg21[%parallel_loop3A_325, %parallel_loop3A_326] {strides = array<i32>} : memref<64x128xf32, #tpu.memory_space<vmem>>, vector<16xf32>,
      %parallel_loop3A_328 = arith.index_cast %parallel_loop3A_321 : i32 to index
      %parallel_loop3A_329 = arith.constant 0 : index
      %parallel_loop3A_330 = tpu.vector_load %arg22[%parallel_loop3A_328, %parallel_loop3A_329] {strides = array<i32>} : memref<64x128xf32, #tpu.memory_space<vmem>>, vector<16xf32>,
      %parallel_loop3A_331 = arith.mulf %parallel_loop3A_324, %parallel_loop3A_324 : vector<16xf32>
      %parallel_loop3A_332 = arith.addf %broadcast_in_dim3A_194, %parallel_loop3A_331 : vector<16xf32>
      %parallel_loop3A_333 = arith.mulf %parallel_loop3A_327, %parallel_loop3A_327 : vector<16xf32>
      %parallel_loop3A_334 = arith.addf %broadcast_in_dim3A_194, %parallel_loop3A_333 : vector<16xf32>
      %parallel_loop3A_335 = arith.mulf %parallel_loop3A_330, %parallel_loop3A_330 : vector<16xf32>
      %parallel_loop3A_336 = arith.addf %broadcast_in_dim3A_194, %parallel_loop3A_335 : vector<16xf32>
      %parallel_loop3A_337 = arith.mulf %parallel_loop3A_324, %parallel_loop3A_327 : vector<16xf32>
      %parallel_loop3A_338 = arith.addf %broadcast_in_dim3A_194, %parallel_loop3A_337 : vector<16xf32>
      %parallel_loop3A_339 = arith.mulf %parallel_loop3A_324, %parallel_loop3A_330 : vector<16xf32>
      %parallel_loop3A_340 = arith.addf %broadcast_in_dim3A_194, %parallel_loop3A_339 : vector<16xf32>
      %parallel_loop3A_341 = arith.index_cast %parallel_loop3A_321 : i32 to index
      %parallel_loop3A_342 = arith.constant 16 : index
      %parallel_loop3A_343 = tpu.vector_load %arg20[%parallel_loop3A_341, %parallel_loop3A_342] {strides = array<i32>} : memref<64x128xf32, #tpu.memory_space<vmem>>, vector<16xf32>,
      %parallel_loop3A_344 = arith.index_cast %parallel_loop3A_321 : i32 to index
      %parallel_loop3A_345 = arith.constant 16 : index
      %parallel_loop3A_346 = tpu.vector_load %arg21[%parallel_loop3A_344, %parallel_loop3A_345] {strides = array<i32>} : memref<64x128xf32, #tpu.memory_space<vmem>>, vector<16xf32>,
      %parallel_loop3A_347 = arith.index_cast %parallel_loop3A_321 : i32 to index
      %parallel_loop3A_348 = arith.constant 16 : index
      %parallel_loop3A_349 = tpu.vector_load %arg22[%parallel_loop3A_347, %parallel_loop3A_348] {strides = array<i32>} : memref<64x128xf32, #tpu.memory_space<vmem>>, vector<16xf32>,
      %parallel_loop3A_350 = arith.mulf %parallel_loop3A_343, %parallel_loop3A_343 : vector<16xf32>
      %parallel_loop3A_351 = arith.addf %parallel_loop3A_332, %parallel_loop3A_350 : vector<16xf32>
      %parallel_loop3A_352 = arith.mulf %parallel_loop3A_346, %parallel_loop3A_346 : vector<16xf32>
      %parallel_loop3A_353 = arith.addf %parallel_loop3A_334, %parallel_loop3A_352 : vector<16xf32>
      %parallel_loop3A_354 = arith.mulf %parallel_loop3A_349, %parallel_loop3A_349 : vector<16xf32>
      %parallel_loop3A_355 = arith.addf %parallel_loop3A_336, %parallel_loop3A_354 : vector<16xf32>
      %parallel_loop3A_356 = arith.mulf %parallel_loop3A_343, %parallel_loop3A_346 : vector<16xf32>
      %parallel_loop3A_357 = arith.addf %parallel_loop3A_338, %parallel_loop3A_356 : vector<16xf32>
      %parallel_loop3A_358 = arith.mulf %parallel_loop3A_343, %parallel_loop3A_349 : vector<16xf32>
      %parallel_loop3A_359 = arith.addf %parallel_loop3A_340, %parallel_loop3A_358 : vector<16xf32>
      %parallel_loop3A_360 = arith.index_cast %parallel_loop3A_321 : i32 to index
      %parallel_loop3A_361 = arith.constant 32 : index
      %parallel_loop3A_362 = tpu.vector_load %arg20[%parallel_loop3A_360, %parallel_loop3A_361] {strides = array<i32>} : memref<64x128xf32, #tpu.memory_space<vmem>>, vector<16xf32>,
      %parallel_loop3A_363 = arith.index_cast %parallel_loop3A_321 : i32 to index
      %parallel_loop3A_364 = arith.constant 32 : index
      %parallel_loop3A_365 = tpu.vector_load %arg21[%parallel_loop3A_363, %parallel_loop3A_364] {strides = array<i32>} : memref<64x128xf32, #tpu.memory_space<vmem>>, vector<16xf32>,
      %parallel_loop3A_366 = arith.index_cast %parallel_loop3A_321 : i32 to index
      %parallel_loop3A_367 = arith.constant 32 : index
      %parallel_loop3A_368 = tpu.vector_load %arg22[%parallel_loop3A_366, %parallel_loop3A_367] {strides = array<i32>} : memref<64x128xf32, #tpu.memory_space<vmem>>, vector<16xf32>,
      %parallel_loop3A_369 = arith.mulf %parallel_loop3A_362, %parallel_loop3A_362 : vector<16xf32>
      %parallel_loop3A_370 = arith.addf %parallel_loop3A_351, %parallel_loop3A_369 : vector<16xf32>
      %parallel_loop3A_371 = arith.mulf %parallel_loop3A_365, %parallel_loop3A_365 : vector<16xf32>
      %parallel_loop3A_372 = arith.addf %parallel_loop3A_353, %parallel_loop3A_371 : vector<16xf32>
      %parallel_loop3A_373 = arith.mulf %parallel_loop3A_368, %parallel_loop3A_368 : vector<16xf32>
      %parallel_loop3A_374 = arith.addf %parallel_loop3A_355, %parallel_loop3A_373 : vector<16xf32>
      %parallel_loop3A_375 = arith.mulf %parallel_loop3A_362, %parallel_loop3A_365 : vector<16xf32>
      %parallel_loop3A_376 = arith.addf %parallel_loop3A_357, %parallel_loop3A_375 : vector<16xf32>
      %parallel_loop3A_377 = arith.mulf %parallel_loop3A_362, %parallel_loop3A_368 : vector<16xf32>
      %parallel_loop3A_378 = arith.addf %parallel_loop3A_359, %parallel_loop3A_377 : vector<16xf32>
      %parallel_loop3A_379 = arith.index_cast %parallel_loop3A_321 : i32 to index
      %parallel_loop3A_380 = arith.constant 48 : index
      %parallel_loop3A_381 = tpu.vector_load %arg20[%parallel_loop3A_379, %parallel_loop3A_380] {strides = array<i32>} : memref<64x128xf32, #tpu.memory_space<vmem>>, vector<16xf32>,
      %parallel_loop3A_382 = arith.index_cast %parallel_loop3A_321 : i32 to index
      %parallel_loop3A_383 = arith.constant 48 : index
      %parallel_loop3A_384 = tpu.vector_load %arg21[%parallel_loop3A_382, %parallel_loop3A_383] {strides = array<i32>} : memref<64x128xf32, #tpu.memory_space<vmem>>, vector<16xf32>,
      %parallel_loop3A_385 = arith.index_cast %parallel_loop3A_321 : i32 to index
      %parallel_loop3A_386 = arith.constant 48 : index
      %parallel_loop3A_387 = tpu.vector_load %arg22[%parallel_loop3A_385, %parallel_loop3A_386] {strides = array<i32>} : memref<64x128xf32, #tpu.memory_space<vmem>>, vector<16xf32>,
      %parallel_loop3A_388 = arith.mulf %parallel_loop3A_381, %parallel_loop3A_381 : vector<16xf32>
      %parallel_loop3A_389 = arith.addf %parallel_loop3A_370, %parallel_loop3A_388 : vector<16xf32>
      %parallel_loop3A_390 = arith.mulf %parallel_loop3A_384, %parallel_loop3A_384 : vector<16xf32>
      %parallel_loop3A_391 = arith.addf %parallel_loop3A_372, %parallel_loop3A_390 : vector<16xf32>
      %parallel_loop3A_392 = arith.mulf %parallel_loop3A_387, %parallel_loop3A_387 : vector<16xf32>
      %parallel_loop3A_393 = arith.addf %parallel_loop3A_374, %parallel_loop3A_392 : vector<16xf32>
      %parallel_loop3A_394 = arith.mulf %parallel_loop3A_381, %parallel_loop3A_384 : vector<16xf32>
      %parallel_loop3A_395 = arith.addf %parallel_loop3A_376, %parallel_loop3A_394 : vector<16xf32>
      %parallel_loop3A_396 = arith.mulf %parallel_loop3A_381, %parallel_loop3A_387 : vector<16xf32>
      %parallel_loop3A_397 = arith.addf %parallel_loop3A_378, %parallel_loop3A_396 : vector<16xf32>
      %parallel_loop3A_398 = arith.index_cast %parallel_loop3A_321 : i32 to index
      %parallel_loop3A_399 = arith.constant 64 : index
      %parallel_loop3A_400 = tpu.vector_load %arg20[%parallel_loop3A_398, %parallel_loop3A_399] {strides = array<i32>} : memref<64x128xf32, #tpu.memory_space<vmem>>, vector<16xf32>,
      %parallel_loop3A_401 = arith.index_cast %parallel_loop3A_321 : i32 to index
      %parallel_loop3A_402 = arith.constant 64 : index
      %parallel_loop3A_403 = tpu.vector_load %arg21[%parallel_loop3A_401, %parallel_loop3A_402] {strides = array<i32>} : memref<64x128xf32, #tpu.memory_space<vmem>>, vector<16xf32>,
      %parallel_loop3A_404 = arith.index_cast %parallel_loop3A_321 : i32 to index
      %parallel_loop3A_405 = arith.constant 64 : index
      %parallel_loop3A_406 = tpu.vector_load %arg22[%parallel_loop3A_404, %parallel_loop3A_405] {strides = array<i32>} : memref<64x128xf32, #tpu.memory_space<vmem>>, vector<16xf32>,
      %parallel_loop3A_407 = arith.mulf %parallel_loop3A_400, %parallel_loop3A_400 : vector<16xf32>
      %parallel_loop3A_408 = arith.addf %parallel_loop3A_389, %parallel_loop3A_407 : vector<16xf32>
      %parallel_loop3A_409 = arith.mulf %parallel_loop3A_403, %parallel_loop3A_403 : vector<16xf32>
      %parallel_loop3A_410 = arith.addf %parallel_loop3A_391, %parallel_loop3A_409 : vector<16xf32>
      %parallel_loop3A_411 = arith.mulf %parallel_loop3A_406, %parallel_loop3A_406 : vector<16xf32>
      %parallel_loop3A_412 = arith.addf %parallel_loop3A_393, %parallel_loop3A_411 : vector<16xf32>
      %parallel_loop3A_413 = arith.mulf %parallel_loop3A_400, %parallel_loop3A_403 : vector<16xf32>
      %parallel_loop3A_414 = arith.addf %parallel_loop3A_395, %parallel_loop3A_413 : vector<16xf32>
      %parallel_loop3A_415 = arith.mulf %parallel_loop3A_400, %parallel_loop3A_406 : vector<16xf32>
      %parallel_loop3A_416 = arith.addf %parallel_loop3A_397, %parallel_loop3A_415 : vector<16xf32>
      %parallel_loop3A_417 = arith.index_cast %parallel_loop3A_321 : i32 to index
      %parallel_loop3A_418 = arith.constant 80 : index
      %parallel_loop3A_419 = tpu.vector_load %arg20[%parallel_loop3A_417, %parallel_loop3A_418] {strides = array<i32>} : memref<64x128xf32, #tpu.memory_space<vmem>>, vector<16xf32>,
      %parallel_loop3A_420 = arith.index_cast %parallel_loop3A_321 : i32 to index
      %parallel_loop3A_421 = arith.constant 80 : index
      %parallel_loop3A_422 = tpu.vector_load %arg21[%parallel_loop3A_420, %parallel_loop3A_421] {strides = array<i32>} : memref<64x128xf32, #tpu.memory_space<vmem>>, vector<16xf32>,
      %parallel_loop3A_423 = arith.index_cast %parallel_loop3A_321 : i32 to index
      %parallel_loop3A_424 = arith.constant 80 : index
      %parallel_loop3A_425 = tpu.vector_load %arg22[%parallel_loop3A_423, %parallel_loop3A_424] {strides = array<i32>} : memref<64x128xf32, #tpu.memory_space<vmem>>, vector<16xf32>,
      %parallel_loop3A_426 = arith.mulf %parallel_loop3A_419, %parallel_loop3A_419 : vector<16xf32>
      %parallel_loop3A_427 = arith.addf %parallel_loop3A_408, %parallel_loop3A_426 : vector<16xf32>
      %parallel_loop3A_428 = arith.mulf %parallel_loop3A_422, %parallel_loop3A_422 : vector<16xf32>
      %parallel_loop3A_429 = arith.addf %parallel_loop3A_410, %parallel_loop3A_428 : vector<16xf32>
      %parallel_loop3A_430 = arith.mulf %parallel_loop3A_425, %parallel_loop3A_425 : vector<16xf32>
      %parallel_loop3A_431 = arith.addf %parallel_loop3A_412, %parallel_loop3A_430 : vector<16xf32>
      %parallel_loop3A_432 = arith.mulf %parallel_loop3A_419, %parallel_loop3A_422 : vector<16xf32>
      %parallel_loop3A_433 = arith.addf %parallel_loop3A_414, %parallel_loop3A_432 : vector<16xf32>
      %parallel_loop3A_434 = arith.mulf %parallel_loop3A_419, %parallel_loop3A_425 : vector<16xf32>
      %parallel_loop3A_435 = arith.addf %parallel_loop3A_416, %parallel_loop3A_434 : vector<16xf32>
      %parallel_loop3A_436 = arith.index_cast %parallel_loop3A_321 : i32 to index
      %parallel_loop3A_437 = arith.constant 96 : index
      %parallel_loop3A_438 = tpu.vector_load %arg20[%parallel_loop3A_436, %parallel_loop3A_437] {strides = array<i32>} : memref<64x128xf32, #tpu.memory_space<vmem>>, vector<16xf32>,
      %parallel_loop3A_439 = arith.index_cast %parallel_loop3A_321 : i32 to index
      %parallel_loop3A_440 = arith.constant 96 : index
      %parallel_loop3A_441 = tpu.vector_load %arg21[%parallel_loop3A_439, %parallel_loop3A_440] {strides = array<i32>} : memref<64x128xf32, #tpu.memory_space<vmem>>, vector<16xf32>,
      %parallel_loop3A_442 = arith.index_cast %parallel_loop3A_321 : i32 to index
      %parallel_loop3A_443 = arith.constant 96 : index
      %parallel_loop3A_444 = tpu.vector_load %arg22[%parallel_loop3A_442, %parallel_loop3A_443] {strides = array<i32>} : memref<64x128xf32, #tpu.memory_space<vmem>>, vector<16xf32>,
      %parallel_loop3A_445 = arith.mulf %parallel_loop3A_438, %parallel_loop3A_438 : vector<16xf32>
      %parallel_loop3A_446 = arith.addf %parallel_loop3A_427, %parallel_loop3A_445 : vector<16xf32>
      %parallel_loop3A_447 = arith.mulf %parallel_loop3A_441, %parallel_loop3A_441 : vector<16xf32>
      %parallel_loop3A_448 = arith.addf %parallel_loop3A_429, %parallel_loop3A_447 : vector<16xf32>
      %parallel_loop3A_449 = arith.mulf %parallel_loop3A_444, %parallel_loop3A_444 : vector<16xf32>
      %parallel_loop3A_450 = arith.addf %parallel_loop3A_431, %parallel_loop3A_449 : vector<16xf32>
      %parallel_loop3A_451 = arith.mulf %parallel_loop3A_438, %parallel_loop3A_441 : vector<16xf32>
      %parallel_loop3A_452 = arith.addf %parallel_loop3A_433, %parallel_loop3A_451 : vector<16xf32>
      %parallel_loop3A_453 = arith.mulf %parallel_loop3A_438, %parallel_loop3A_444 : vector<16xf32>
      %parallel_loop3A_454 = arith.addf %parallel_loop3A_435, %parallel_loop3A_453 : vector<16xf32>
      %parallel_loop3A_455 = arith.index_cast %parallel_loop3A_321 : i32 to index
      %parallel_loop3A_456 = arith.constant 112 : index
      %parallel_loop3A_457 = tpu.vector_load %arg20[%parallel_loop3A_455, %parallel_loop3A_456] {strides = array<i32>} : memref<64x128xf32, #tpu.memory_space<vmem>>, vector<16xf32>,
      %parallel_loop3A_458 = arith.index_cast %parallel_loop3A_321 : i32 to index
      %parallel_loop3A_459 = arith.constant 112 : index
      %parallel_loop3A_460 = tpu.vector_load %arg21[%parallel_loop3A_458, %parallel_loop3A_459] {strides = array<i32>} : memref<64x128xf32, #tpu.memory_space<vmem>>, vector<16xf32>,
      %parallel_loop3A_461 = arith.index_cast %parallel_loop3A_321 : i32 to index
      %parallel_loop3A_462 = arith.constant 112 : index
      %parallel_loop3A_463 = tpu.vector_load %arg22[%parallel_loop3A_461, %parallel_loop3A_462] {strides = array<i32>} : memref<64x128xf32, #tpu.memory_space<vmem>>, vector<16xf32>,
      %parallel_loop3A_464 = arith.mulf %parallel_loop3A_457, %parallel_loop3A_457 : vector<16xf32>
      %parallel_loop3A_465 = arith.addf %parallel_loop3A_446, %parallel_loop3A_464 : vector<16xf32>
      %parallel_loop3A_466 = arith.mulf %parallel_loop3A_460, %parallel_loop3A_460 : vector<16xf32>
      %parallel_loop3A_467 = arith.addf %parallel_loop3A_448, %parallel_loop3A_466 : vector<16xf32>
      %parallel_loop3A_468 = arith.mulf %parallel_loop3A_463, %parallel_loop3A_463 : vector<16xf32>
      %parallel_loop3A_469 = arith.addf %parallel_loop3A_450, %parallel_loop3A_468 : vector<16xf32>
      %parallel_loop3A_470 = arith.mulf %parallel_loop3A_457, %parallel_loop3A_460 : vector<16xf32>
      %parallel_loop3A_471 = arith.addf %parallel_loop3A_452, %parallel_loop3A_470 : vector<16xf32>
      %parallel_loop3A_472 = arith.mulf %parallel_loop3A_457, %parallel_loop3A_463 : vector<16xf32>
      %parallel_loop3A_473 = arith.addf %parallel_loop3A_454, %parallel_loop3A_472 : vector<16xf32>
      %parallel_loop3A_474 = arith.constant 16 : i32
      %parallel_loop3A_475 = arith.muli %parallel_loop3A_321, %parallel_loop3A_474 : i32
      %parallel_loop3A_476 = arith.constant true
      %parallel_loop3A_477 = vector.broadcast %parallel_loop3A_476 : i1 to vector<16xi1>
      %parallel_loop3A_478 = tpu.scan <sum>, %parallel_loop3A_465 masked %parallel_loop3A_477 : vector<16xf32>, vector<16xi1> -> vector<16xf32>
      %parallel_loop3A_479 = arith.index_cast %parallel_loop3A_475 : i32 to index
      %parallel_loop3A_480 = tpu.vector_load %arg23[%parallel_loop3A_479] {strides = array<i32>} : memref<1024xf32, #tpu.memory_space<vmem>>, vector<16xf32>,
      tpu.vector_store %arg23[%parallel_loop3A_479], %parallel_loop3A_478 {strides = array<i32>} : memref<1024xf32, #tpu.memory_space<vmem>>, vector<16xf32>,
      %parallel_loop3A_481 = arith.constant true
      %parallel_loop3A_482 = vector.broadcast %parallel_loop3A_481 : i1 to vector<16xi1>
      %parallel_loop3A_483 = tpu.scan <sum>, %parallel_loop3A_467 masked %parallel_loop3A_482 : vector<16xf32>, vector<16xi1> -> vector<16xf32>
      %parallel_loop3A_484 = arith.index_cast %parallel_loop3A_475 : i32 to index
      %parallel_loop3A_485 = tpu.vector_load %arg24[%parallel_loop3A_484] {strides = array<i32>} : memref<1024xf32, #tpu.memory_space<vmem>>, vector<16xf32>,
      tpu.vector_store %arg24[%parallel_loop3A_484], %parallel_loop3A_483 {strides = array<i32>} : memref<1024xf32, #tpu.memory_space<vmem>>, vector<16xf32>,
      %parallel_loop3A_486 = arith.constant true
      %parallel_loop3A_487 = vector.broadcast %parallel_loop3A_486 : i1 to vector<16xi1>
      %parallel_loop3A_488 = tpu.scan <sum>, %parallel_loop3A_469 masked %parallel_loop3A_487 : vector<16xf32>, vector<16xi1> -> vector<16xf32>
      %parallel_loop3A_489 = arith.index_cast %parallel_loop3A_475 : i32 to index
      %parallel_loop3A_490 = tpu.vector_load %arg25[%parallel_loop3A_489] {strides = array<i32>} : memref<1024xf32, #tpu.memory_space<vmem>>, vector<16xf32>,
      tpu.vector_store %arg25[%parallel_loop3A_489], %parallel_loop3A_488 {strides = array<i32>} : memref<1024xf32, #tpu.memory_space<vmem>>, vector<16xf32>,
      %parallel_loop3A_491 = arith.constant true
      %parallel_loop3A_492 = vector.broadcast %parallel_loop3A_491 : i1 to vector<16xi1>
      %parallel_loop3A_493 = tpu.scan <sum>, %parallel_loop3A_471 masked %parallel_loop3A_492 : vector<16xf32>, vector<16xi1> -> vector<16xf32>
      %parallel_loop3A_494 = arith.index_cast %parallel_loop3A_475 : i32 to index
      %parallel_loop3A_495 = tpu.vector_load %arg26[%parallel_loop3A_494] {strides = array<i32>} : memref<1024xf32, #tpu.memory_space<vmem>>, vector<16xf32>,
      tpu.vector_store %arg26[%parallel_loop3A_494], %parallel_loop3A_493 {strides = array<i32>} : memref<1024xf32, #tpu.memory_space<vmem>>, vector<16xf32>,
      %parallel_loop3A_496 = arith.constant true
      %parallel_loop3A_497 = vector.broadcast %parallel_loop3A_496 : i1 to vector<16xi1>
      %parallel_loop3A_498 = tpu.scan <sum>, %parallel_loop3A_473 masked %parallel_loop3A_497 : vector<16xf32>, vector<16xi1> -> vector<16xf32>
      %parallel_loop3A_499 = arith.index_cast %parallel_loop3A_475 : i32 to index
      %parallel_loop3A_500 = tpu.vector_load %arg27[%parallel_loop3A_499] {strides = array<i32>} : memref<1024xf32, #tpu.memory_space<vmem>>, vector<16xf32>,
      tpu.vector_store %arg27[%parallel_loop3A_499], %parallel_loop3A_498 {strides = array<i32>} : memref<1024xf32, #tpu.memory_space<vmem>>, vector<16xf32>,
    } {sc.loop_unroll_factor = 2 : i64, sc.parallel_access}
    %parallel_loop3A_198 = arith.constant 0 : i32
    %parallel_loop3A_199 = arith.constant 4 : i32
    %parallel_loop3A_200 = arith.constant 1 : i32
    %parallel_loop3A_201 = scf.for %parallel_loop3A_321 = %parallel_loop3A_198 to %parallel_loop3A_199 step %parallel_loop3A_200 iter_args(%parallel_loop3A_322 = %parallel_loop3A_162) -> (vector<16xf32>)  : i32 {
      %parallel_loop3A_323 = arith.constant 16 : i32
      %parallel_loop3A_324 = arith.muli %parallel_loop3A_321, %parallel_loop3A_323 : i32
      %parallel_loop3A_325 = vector.broadcast %parallel_loop3A_324 : i32 to vector<16xi32>
      %parallel_loop3A_326 = arith.addi %iota3A, %parallel_loop3A_325 : vector<16xi32>
      %parallel_loop3A_327 = arith.constant 16 : i32
      %parallel_loop3A_328 = vector.broadcast %parallel_loop3A_327 : i32 to vector<16xi32>
      %parallel_loop3A_329 = arith.muli %parallel_loop3A_326, %parallel_loop3A_328 : vector<16xi32>
      %parallel_loop3A_330 = arith.constant 15 : i32
      %parallel_loop3A_331 = vector.broadcast %parallel_loop3A_330 : i32 to vector<16xi32>
      %parallel_loop3A_332 = arith.addi %parallel_loop3A_329, %parallel_loop3A_331 : vector<16xi32>
      %parallel_loop3A_333 = tpu.vector_load_idx %arg23[%parallel_loop3A_332] : memref<1024xf32, #tpu.memory_space<vmem>>[vector<16xi32>], vector<16xf32>,
      %parallel_loop3A_334 = tpu.vector_load_idx %arg24[%parallel_loop3A_332] : memref<1024xf32, #tpu.memory_space<vmem>>[vector<16xi32>], vector<16xf32>,
      %parallel_loop3A_335 = tpu.vector_load_idx %arg25[%parallel_loop3A_332] : memref<1024xf32, #tpu.memory_space<vmem>>[vector<16xi32>], vector<16xf32>,
      %parallel_loop3A_336 = tpu.vector_load_idx %arg26[%parallel_loop3A_332] : memref<1024xf32, #tpu.memory_space<vmem>>[vector<16xi32>], vector<16xf32>,
      %parallel_loop3A_337 = tpu.vector_load_idx %arg27[%parallel_loop3A_332] : memref<1024xf32, #tpu.memory_space<vmem>>[vector<16xi32>], vector<16xf32>,
      %parallel_loop3A_338 = arith.constant 1.000000e-24 : f32
      %parallel_loop3A_339 = vector.broadcast %parallel_loop3A_338 : f32 to vector<16xf32>
      %parallel_loop3A_340 = arith.maximumf %parallel_loop3A_333, %parallel_loop3A_339 : vector<16xf32>
      %parallel_loop3A_341 = arith.constant 1.000000e-24 : f32
      %parallel_loop3A_342 = vector.broadcast %parallel_loop3A_341 : f32 to vector<16xf32>
      %parallel_loop3A_343 = arith.maximumf %parallel_loop3A_334, %parallel_loop3A_342 : vector<16xf32>
      %parallel_loop3A_344 = arith.constant 1.000000e-24 : f32
      %parallel_loop3A_345 = vector.broadcast %parallel_loop3A_344 : f32 to vector<16xf32>
      %parallel_loop3A_346 = arith.maximumf %parallel_loop3A_335, %parallel_loop3A_345 : vector<16xf32>
      %parallel_loop3A_347 = arith.mulf %parallel_loop3A_340, %parallel_loop3A_343 : vector<16xf32>
      %parallel_loop3A_348 = vector.bitcast %parallel_loop3A_347 : vector<16xf32> to vector<16xi32>
      %parallel_loop3A_349 = arith.constant 1 : i32
      %parallel_loop3A_350 = vector.broadcast %parallel_loop3A_349 : i32 to vector<16xi32>
      %parallel_loop3A_351 = arith.shrui %parallel_loop3A_348, %parallel_loop3A_350 : vector<16xi32>
      %parallel_loop3A_352 = arith.constant 1597463007 : i32
      %parallel_loop3A_353 = vector.broadcast %parallel_loop3A_352 : i32 to vector<16xi32>
      %parallel_loop3A_354 = arith.subi %parallel_loop3A_353, %parallel_loop3A_351 : vector<16xi32>
      %parallel_loop3A_355 = vector.bitcast %parallel_loop3A_354 : vector<16xi32> to vector<16xf32>
      %parallel_loop3A_356 = arith.constant 5.000000e-01 : f32
      %parallel_loop3A_357 = vector.broadcast %parallel_loop3A_356 : f32 to vector<16xf32>
      %parallel_loop3A_358 = arith.mulf %parallel_loop3A_357, %parallel_loop3A_347 : vector<16xf32>
      %parallel_loop3A_359 = arith.mulf %parallel_loop3A_358, %parallel_loop3A_355 : vector<16xf32>
      %parallel_loop3A_360 = arith.mulf %parallel_loop3A_359, %parallel_loop3A_355 : vector<16xf32>
      %parallel_loop3A_361 = arith.constant 1.500000e+00 : f32
      %parallel_loop3A_362 = vector.broadcast %parallel_loop3A_361 : f32 to vector<16xf32>
      %parallel_loop3A_363 = arith.subf %parallel_loop3A_362, %parallel_loop3A_360 : vector<16xf32>
      %parallel_loop3A_364 = arith.mulf %parallel_loop3A_355, %parallel_loop3A_363 : vector<16xf32>
      %parallel_loop3A_365 = arith.constant 5.000000e-01 : f32
      %parallel_loop3A_366 = vector.broadcast %parallel_loop3A_365 : f32 to vector<16xf32>
      %parallel_loop3A_367 = arith.mulf %parallel_loop3A_366, %parallel_loop3A_347 : vector<16xf32>
      %parallel_loop3A_368 = arith.mulf %parallel_loop3A_367, %parallel_loop3A_364 : vector<16xf32>
      %parallel_loop3A_369 = arith.mulf %parallel_loop3A_368, %parallel_loop3A_364 : vector<16xf32>
      %parallel_loop3A_370 = arith.constant 1.500000e+00 : f32
      %parallel_loop3A_371 = vector.broadcast %parallel_loop3A_370 : f32 to vector<16xf32>
      %parallel_loop3A_372 = arith.subf %parallel_loop3A_371, %parallel_loop3A_369 : vector<16xf32>
      %parallel_loop3A_373 = arith.mulf %parallel_loop3A_364, %parallel_loop3A_372 : vector<16xf32>
      %parallel_loop3A_374 = arith.constant 5.000000e-01 : f32
      %parallel_loop3A_375 = vector.broadcast %parallel_loop3A_374 : f32 to vector<16xf32>
      %parallel_loop3A_376 = arith.mulf %parallel_loop3A_375, %parallel_loop3A_347 : vector<16xf32>
      %parallel_loop3A_377 = arith.mulf %parallel_loop3A_376, %parallel_loop3A_373 : vector<16xf32>
      %parallel_loop3A_378 = arith.mulf %parallel_loop3A_377, %parallel_loop3A_373 : vector<16xf32>
      %parallel_loop3A_379 = arith.constant 1.500000e+00 : f32
      %parallel_loop3A_380 = vector.broadcast %parallel_loop3A_379 : f32 to vector<16xf32>
      %parallel_loop3A_381 = arith.subf %parallel_loop3A_380, %parallel_loop3A_378 : vector<16xf32>
      %parallel_loop3A_382 = arith.mulf %parallel_loop3A_373, %parallel_loop3A_381 : vector<16xf32>
      %parallel_loop3A_383 = arith.mulf %parallel_loop3A_336, %parallel_loop3A_382 : vector<16xf32>
      %parallel_loop3A_384 = arith.mulf %parallel_loop3A_340, %parallel_loop3A_346 : vector<16xf32>
      %parallel_loop3A_385 = vector.bitcast %parallel_loop3A_384 : vector<16xf32> to vector<16xi32>
      %parallel_loop3A_386 = arith.constant 1 : i32
      %parallel_loop3A_387 = vector.broadcast %parallel_loop3A_386 : i32 to vector<16xi32>
      %parallel_loop3A_388 = arith.shrui %parallel_loop3A_385, %parallel_loop3A_387 : vector<16xi32>
      %parallel_loop3A_389 = arith.constant 1597463007 : i32
      %parallel_loop3A_390 = vector.broadcast %parallel_loop3A_389 : i32 to vector<16xi32>
      %parallel_loop3A_391 = arith.subi %parallel_loop3A_390, %parallel_loop3A_388 : vector<16xi32>
      %parallel_loop3A_392 = vector.bitcast %parallel_loop3A_391 : vector<16xi32> to vector<16xf32>
      %parallel_loop3A_393 = arith.constant 5.000000e-01 : f32
      %parallel_loop3A_394 = vector.broadcast %parallel_loop3A_393 : f32 to vector<16xf32>
      %parallel_loop3A_395 = arith.mulf %parallel_loop3A_394, %parallel_loop3A_384 : vector<16xf32>
      %parallel_loop3A_396 = arith.mulf %parallel_loop3A_395, %parallel_loop3A_392 : vector<16xf32>
      %parallel_loop3A_397 = arith.mulf %parallel_loop3A_396, %parallel_loop3A_392 : vector<16xf32>
      %parallel_loop3A_398 = arith.constant 1.500000e+00 : f32
      %parallel_loop3A_399 = vector.broadcast %parallel_loop3A_398 : f32 to vector<16xf32>
      %parallel_loop3A_400 = arith.subf %parallel_loop3A_399, %parallel_loop3A_397 : vector<16xf32>
      %parallel_loop3A_401 = arith.mulf %parallel_loop3A_392, %parallel_loop3A_400 : vector<16xf32>
      %parallel_loop3A_402 = arith.constant 5.000000e-01 : f32
      %parallel_loop3A_403 = vector.broadcast %parallel_loop3A_402 : f32 to vector<16xf32>
      %parallel_loop3A_404 = arith.mulf %parallel_loop3A_403, %parallel_loop3A_384 : vector<16xf32>
      %parallel_loop3A_405 = arith.mulf %parallel_loop3A_404, %parallel_loop3A_401 : vector<16xf32>
      %parallel_loop3A_406 = arith.mulf %parallel_loop3A_405, %parallel_loop3A_401 : vector<16xf32>
      %parallel_loop3A_407 = arith.constant 1.500000e+00 : f32
      %parallel_loop3A_408 = vector.broadcast %parallel_loop3A_407 : f32 to vector<16xf32>
      %parallel_loop3A_409 = arith.subf %parallel_loop3A_408, %parallel_loop3A_406 : vector<16xf32>
      %parallel_loop3A_410 = arith.mulf %parallel_loop3A_401, %parallel_loop3A_409 : vector<16xf32>
      %parallel_loop3A_411 = arith.constant 5.000000e-01 : f32
      %parallel_loop3A_412 = vector.broadcast %parallel_loop3A_411 : f32 to vector<16xf32>
      %parallel_loop3A_413 = arith.mulf %parallel_loop3A_412, %parallel_loop3A_384 : vector<16xf32>
      %parallel_loop3A_414 = arith.mulf %parallel_loop3A_413, %parallel_loop3A_410 : vector<16xf32>
      %parallel_loop3A_415 = arith.mulf %parallel_loop3A_414, %parallel_loop3A_410 : vector<16xf32>
      %parallel_loop3A_416 = arith.constant 1.500000e+00 : f32
      %parallel_loop3A_417 = vector.broadcast %parallel_loop3A_416 : f32 to vector<16xf32>
      %parallel_loop3A_418 = arith.subf %parallel_loop3A_417, %parallel_loop3A_415 : vector<16xf32>
      %parallel_loop3A_419 = arith.mulf %parallel_loop3A_410, %parallel_loop3A_418 : vector<16xf32>
      %parallel_loop3A_420 = arith.mulf %parallel_loop3A_337, %parallel_loop3A_419 : vector<16xf32>
      %parallel_loop3A_421 = arith.constant 1.000000e+00 : f32
      %parallel_loop3A_422 = vector.broadcast %parallel_loop3A_421 : f32 to vector<16xf32>
      %parallel_loop3A_423 = arith.subf %parallel_loop3A_422, %parallel_loop3A_383 : vector<16xf32>
      %parallel_loop3A_424 = arith.addf %parallel_loop3A_423, %parallel_loop3A_420 : vector<16xf32>
      %parallel_loop3A_425 = arith.constant 0.000000e+00 : f32
      %parallel_loop3A_426 = vector.broadcast %parallel_loop3A_425 : f32 to vector<16xf32>
      %parallel_loop3A_427 = arith.maximumf %parallel_loop3A_426, %parallel_loop3A_424 : vector<16xf32>
      %parallel_loop3A_428 = arith.addf %parallel_loop3A_322, %parallel_loop3A_427 : vector<16xf32>
      scf.yield %parallel_loop3A_428 : vector<16xf32>
    } {sc.loop_unroll_factor = 2 : i64, sc.parallel_access}
    %dma_start3A_202 = arith.constant 448 : i32
    %dma_start3A_203 = tpu.memref_slice %arg8[%dma_start3A_202] : memref<512xi32, #tpu.memory_space<vmem>> -> memref<64xi32, #tpu.memory_space<vmem>>
    %dma_start3A_204 = arith.constant 0 : i32
    %dma_start3A_205 = arith.constant 0 : i32
    %dma_start3A_206 = tpu.memref_slice %arg5[%dma_start3A_204, %dma_start3A_205] : memref<100001x128xf32, #tpu.memory_space<hbm>> -> memref<100001x128xf32, #tpu.memory_space<hbm>>
    tpu.enqueue_indirect_dma source(%dma_start3A_206 : memref<100001x128xf32, #tpu.memory_space<hbm>>) target(%arg20 : memref<64x128xf32, #tpu.memory_space<vmem>>) offsets(%dma_start3A_203 : memref<64xi32, #tpu.memory_space<vmem>>) semaphore(%arg32 : memref<!tpu.dma_semaphore, #tpu.memory_space<semaphore_mem>>)
    %dma_start3A_207 = arith.constant 448 : i32
    %dma_start3A_208 = tpu.memref_slice %arg9[%dma_start3A_207] : memref<512xi32, #tpu.memory_space<vmem>> -> memref<64xi32, #tpu.memory_space<vmem>>
    %dma_start3A_209 = arith.constant 0 : i32
    %dma_start3A_210 = arith.constant 0 : i32
    %dma_start3A_211 = tpu.memref_slice %arg6[%dma_start3A_209, %dma_start3A_210] : memref<100001x128xf32, #tpu.memory_space<hbm>> -> memref<100001x128xf32, #tpu.memory_space<hbm>>
    tpu.enqueue_indirect_dma source(%dma_start3A_211 : memref<100001x128xf32, #tpu.memory_space<hbm>>) target(%arg21 : memref<64x128xf32, #tpu.memory_space<vmem>>) offsets(%dma_start3A_208 : memref<64xi32, #tpu.memory_space<vmem>>) semaphore(%arg32 : memref<!tpu.dma_semaphore, #tpu.memory_space<semaphore_mem>>)
    %dma_start3A_212 = arith.constant 448 : i32
    %dma_start3A_213 = tpu.memref_slice %arg10[%dma_start3A_212] : memref<512xi32, #tpu.memory_space<vmem>> -> memref<64xi32, #tpu.memory_space<vmem>>
    %dma_start3A_214 = arith.constant 0 : i32
    %dma_start3A_215 = arith.constant 0 : i32
    %dma_start3A_216 = tpu.memref_slice %arg6[%dma_start3A_214, %dma_start3A_215] : memref<100001x128xf32, #tpu.memory_space<hbm>> -> memref<100001x128xf32, #tpu.memory_space<hbm>>
    tpu.enqueue_indirect_dma source(%dma_start3A_216 : memref<100001x128xf32, #tpu.memory_space<hbm>>) target(%arg22 : memref<64x128xf32, #tpu.memory_space<vmem>>) offsets(%dma_start3A_213 : memref<64xi32, #tpu.memory_space<vmem>>) semaphore(%arg32 : memref<!tpu.dma_semaphore, #tpu.memory_space<semaphore_mem>>)
    %dma_wait3A_217 = arith.constant 256 : i32
    %dma_wait3A_218 = tpu.memref_slice %arg8[%dma_wait3A_217] : memref<512xi32, #tpu.memory_space<vmem>> -> memref<64xi32, #tpu.memory_space<vmem>>
    %dma_wait3A_219 = arith.constant 0 : i32
    %dma_wait3A_220 = arith.constant 0 : i32
    %dma_wait3A_221 = tpu.memref_slice %arg5[%dma_wait3A_219, %dma_wait3A_220] : memref<100001x128xf32, #tpu.memory_space<hbm>> -> memref<100001x128xf32, #tpu.memory_space<hbm>>
    tpu.wait_indirect_dma semaphore(%arg29 : memref<!tpu.dma_semaphore, #tpu.memory_space<semaphore_mem>>) src(%dma_wait3A_221 : memref<100001x128xf32, #tpu.memory_space<hbm>>) dst(%arg11 : memref<64x128xf32, #tpu.memory_space<vmem>>)
    %dma_wait3A_222 = arith.constant 256 : i32
    %dma_wait3A_223 = tpu.memref_slice %arg9[%dma_wait3A_222] : memref<512xi32, #tpu.memory_space<vmem>> -> memref<64xi32, #tpu.memory_space<vmem>>
    %dma_wait3A_224 = arith.constant 0 : i32
    %dma_wait3A_225 = arith.constant 0 : i32
    %dma_wait3A_226 = tpu.memref_slice %arg6[%dma_wait3A_224, %dma_wait3A_225] : memref<100001x128xf32, #tpu.memory_space<hbm>> -> memref<100001x128xf32, #tpu.memory_space<hbm>>
    tpu.wait_indirect_dma semaphore(%arg29 : memref<!tpu.dma_semaphore, #tpu.memory_space<semaphore_mem>>) src(%dma_wait3A_226 : memref<100001x128xf32, #tpu.memory_space<hbm>>) dst(%arg12 : memref<64x128xf32, #tpu.memory_space<vmem>>)
    %dma_wait3A_227 = arith.constant 256 : i32
    %dma_wait3A_228 = tpu.memref_slice %arg10[%dma_wait3A_227] : memref<512xi32, #tpu.memory_space<vmem>> -> memref<64xi32, #tpu.memory_space<vmem>>
    %dma_wait3A_229 = arith.constant 0 : i32
    %dma_wait3A_230 = arith.constant 0 : i32
    %dma_wait3A_231 = tpu.memref_slice %arg6[%dma_wait3A_229, %dma_wait3A_230] : memref<100001x128xf32, #tpu.memory_space<hbm>> -> memref<100001x128xf32, #tpu.memory_space<hbm>>
    tpu.wait_indirect_dma semaphore(%arg29 : memref<!tpu.dma_semaphore, #tpu.memory_space<semaphore_mem>>) src(%dma_wait3A_231 : memref<100001x128xf32, #tpu.memory_space<hbm>>) dst(%arg13 : memref<64x128xf32, #tpu.memory_space<vmem>>)
    %broadcast_in_dim3A_232 = arith.constant 0.000000e+00 : f32
    %broadcast_in_dim3A_233 = vector.broadcast %broadcast_in_dim3A_232 : f32 to vector<16xf32>
    %parallel_loop3A_234 = arith.constant 0 : i32
    %parallel_loop3A_235 = arith.constant 64 : i32
    %parallel_loop3A_236 = arith.constant 1 : i32
    scf.for %parallel_loop3A_321 = %parallel_loop3A_234 to %parallel_loop3A_235 step %parallel_loop3A_236  : i32 {
      %parallel_loop3A_322 = arith.index_cast %parallel_loop3A_321 : i32 to index
      %parallel_loop3A_323 = arith.constant 0 : index
      %parallel_loop3A_324 = tpu.vector_load %arg11[%parallel_loop3A_322, %parallel_loop3A_323] {strides = array<i32>} : memref<64x128xf32, #tpu.memory_space<vmem>>, vector<16xf32>,
      %parallel_loop3A_325 = arith.index_cast %parallel_loop3A_321 : i32 to index
      %parallel_loop3A_326 = arith.constant 0 : index
      %parallel_loop3A_327 = tpu.vector_load %arg12[%parallel_loop3A_325, %parallel_loop3A_326] {strides = array<i32>} : memref<64x128xf32, #tpu.memory_space<vmem>>, vector<16xf32>,
      %parallel_loop3A_328 = arith.index_cast %parallel_loop3A_321 : i32 to index
      %parallel_loop3A_329 = arith.constant 0 : index
      %parallel_loop3A_330 = tpu.vector_load %arg13[%parallel_loop3A_328, %parallel_loop3A_329] {strides = array<i32>} : memref<64x128xf32, #tpu.memory_space<vmem>>, vector<16xf32>,
      %parallel_loop3A_331 = arith.mulf %parallel_loop3A_324, %parallel_loop3A_324 : vector<16xf32>
      %parallel_loop3A_332 = arith.addf %broadcast_in_dim3A_233, %parallel_loop3A_331 : vector<16xf32>
      %parallel_loop3A_333 = arith.mulf %parallel_loop3A_327, %parallel_loop3A_327 : vector<16xf32>
      %parallel_loop3A_334 = arith.addf %broadcast_in_dim3A_233, %parallel_loop3A_333 : vector<16xf32>
      %parallel_loop3A_335 = arith.mulf %parallel_loop3A_330, %parallel_loop3A_330 : vector<16xf32>
      %parallel_loop3A_336 = arith.addf %broadcast_in_dim3A_233, %parallel_loop3A_335 : vector<16xf32>
      %parallel_loop3A_337 = arith.mulf %parallel_loop3A_324, %parallel_loop3A_327 : vector<16xf32>
      %parallel_loop3A_338 = arith.addf %broadcast_in_dim3A_233, %parallel_loop3A_337 : vector<16xf32>
      %parallel_loop3A_339 = arith.mulf %parallel_loop3A_324, %parallel_loop3A_330 : vector<16xf32>
      %parallel_loop3A_340 = arith.addf %broadcast_in_dim3A_233, %parallel_loop3A_339 : vector<16xf32>
      %parallel_loop3A_341 = arith.index_cast %parallel_loop3A_321 : i32 to index
      %parallel_loop3A_342 = arith.constant 16 : index
      %parallel_loop3A_343 = tpu.vector_load %arg11[%parallel_loop3A_341, %parallel_loop3A_342] {strides = array<i32>} : memref<64x128xf32, #tpu.memory_space<vmem>>, vector<16xf32>,
      %parallel_loop3A_344 = arith.index_cast %parallel_loop3A_321 : i32 to index
      %parallel_loop3A_345 = arith.constant 16 : index
      %parallel_loop3A_346 = tpu.vector_load %arg12[%parallel_loop3A_344, %parallel_loop3A_345] {strides = array<i32>} : memref<64x128xf32, #tpu.memory_space<vmem>>, vector<16xf32>,
      %parallel_loop3A_347 = arith.index_cast %parallel_loop3A_321 : i32 to index
      %parallel_loop3A_348 = arith.constant 16 : index
      %parallel_loop3A_349 = tpu.vector_load %arg13[%parallel_loop3A_347, %parallel_loop3A_348] {strides = array<i32>} : memref<64x128xf32, #tpu.memory_space<vmem>>, vector<16xf32>,
      %parallel_loop3A_350 = arith.mulf %parallel_loop3A_343, %parallel_loop3A_343 : vector<16xf32>
      %parallel_loop3A_351 = arith.addf %parallel_loop3A_332, %parallel_loop3A_350 : vector<16xf32>
      %parallel_loop3A_352 = arith.mulf %parallel_loop3A_346, %parallel_loop3A_346 : vector<16xf32>
      %parallel_loop3A_353 = arith.addf %parallel_loop3A_334, %parallel_loop3A_352 : vector<16xf32>
      %parallel_loop3A_354 = arith.mulf %parallel_loop3A_349, %parallel_loop3A_349 : vector<16xf32>
      %parallel_loop3A_355 = arith.addf %parallel_loop3A_336, %parallel_loop3A_354 : vector<16xf32>
      %parallel_loop3A_356 = arith.mulf %parallel_loop3A_343, %parallel_loop3A_346 : vector<16xf32>
      %parallel_loop3A_357 = arith.addf %parallel_loop3A_338, %parallel_loop3A_356 : vector<16xf32>
      %parallel_loop3A_358 = arith.mulf %parallel_loop3A_343, %parallel_loop3A_349 : vector<16xf32>
      %parallel_loop3A_359 = arith.addf %parallel_loop3A_340, %parallel_loop3A_358 : vector<16xf32>
      %parallel_loop3A_360 = arith.index_cast %parallel_loop3A_321 : i32 to index
      %parallel_loop3A_361 = arith.constant 32 : index
      %parallel_loop3A_362 = tpu.vector_load %arg11[%parallel_loop3A_360, %parallel_loop3A_361] {strides = array<i32>} : memref<64x128xf32, #tpu.memory_space<vmem>>, vector<16xf32>,
      %parallel_loop3A_363 = arith.index_cast %parallel_loop3A_321 : i32 to index
      %parallel_loop3A_364 = arith.constant 32 : index
      %parallel_loop3A_365 = tpu.vector_load %arg12[%parallel_loop3A_363, %parallel_loop3A_364] {strides = array<i32>} : memref<64x128xf32, #tpu.memory_space<vmem>>, vector<16xf32>,
      %parallel_loop3A_366 = arith.index_cast %parallel_loop3A_321 : i32 to index
      %parallel_loop3A_367 = arith.constant 32 : index
      %parallel_loop3A_368 = tpu.vector_load %arg13[%parallel_loop3A_366, %parallel_loop3A_367] {strides = array<i32>} : memref<64x128xf32, #tpu.memory_space<vmem>>, vector<16xf32>,
      %parallel_loop3A_369 = arith.mulf %parallel_loop3A_362, %parallel_loop3A_362 : vector<16xf32>
      %parallel_loop3A_370 = arith.addf %parallel_loop3A_351, %parallel_loop3A_369 : vector<16xf32>
      %parallel_loop3A_371 = arith.mulf %parallel_loop3A_365, %parallel_loop3A_365 : vector<16xf32>
      %parallel_loop3A_372 = arith.addf %parallel_loop3A_353, %parallel_loop3A_371 : vector<16xf32>
      %parallel_loop3A_373 = arith.mulf %parallel_loop3A_368, %parallel_loop3A_368 : vector<16xf32>
      %parallel_loop3A_374 = arith.addf %parallel_loop3A_355, %parallel_loop3A_373 : vector<16xf32>
      %parallel_loop3A_375 = arith.mulf %parallel_loop3A_362, %parallel_loop3A_365 : vector<16xf32>
      %parallel_loop3A_376 = arith.addf %parallel_loop3A_357, %parallel_loop3A_375 : vector<16xf32>
      %parallel_loop3A_377 = arith.mulf %parallel_loop3A_362, %parallel_loop3A_368 : vector<16xf32>
      %parallel_loop3A_378 = arith.addf %parallel_loop3A_359, %parallel_loop3A_377 : vector<16xf32>
      %parallel_loop3A_379 = arith.index_cast %parallel_loop3A_321 : i32 to index
      %parallel_loop3A_380 = arith.constant 48 : index
      %parallel_loop3A_381 = tpu.vector_load %arg11[%parallel_loop3A_379, %parallel_loop3A_380] {strides = array<i32>} : memref<64x128xf32, #tpu.memory_space<vmem>>, vector<16xf32>,
      %parallel_loop3A_382 = arith.index_cast %parallel_loop3A_321 : i32 to index
      %parallel_loop3A_383 = arith.constant 48 : index
      %parallel_loop3A_384 = tpu.vector_load %arg12[%parallel_loop3A_382, %parallel_loop3A_383] {strides = array<i32>} : memref<64x128xf32, #tpu.memory_space<vmem>>, vector<16xf32>,
      %parallel_loop3A_385 = arith.index_cast %parallel_loop3A_321 : i32 to index
      %parallel_loop3A_386 = arith.constant 48 : index
      %parallel_loop3A_387 = tpu.vector_load %arg13[%parallel_loop3A_385, %parallel_loop3A_386] {strides = array<i32>} : memref<64x128xf32, #tpu.memory_space<vmem>>, vector<16xf32>,
      %parallel_loop3A_388 = arith.mulf %parallel_loop3A_381, %parallel_loop3A_381 : vector<16xf32>
      %parallel_loop3A_389 = arith.addf %parallel_loop3A_370, %parallel_loop3A_388 : vector<16xf32>
      %parallel_loop3A_390 = arith.mulf %parallel_loop3A_384, %parallel_loop3A_384 : vector<16xf32>
      %parallel_loop3A_391 = arith.addf %parallel_loop3A_372, %parallel_loop3A_390 : vector<16xf32>
      %parallel_loop3A_392 = arith.mulf %parallel_loop3A_387, %parallel_loop3A_387 : vector<16xf32>
      %parallel_loop3A_393 = arith.addf %parallel_loop3A_374, %parallel_loop3A_392 : vector<16xf32>
      %parallel_loop3A_394 = arith.mulf %parallel_loop3A_381, %parallel_loop3A_384 : vector<16xf32>
      %parallel_loop3A_395 = arith.addf %parallel_loop3A_376, %parallel_loop3A_394 : vector<16xf32>
      %parallel_loop3A_396 = arith.mulf %parallel_loop3A_381, %parallel_loop3A_387 : vector<16xf32>
      %parallel_loop3A_397 = arith.addf %parallel_loop3A_378, %parallel_loop3A_396 : vector<16xf32>
      %parallel_loop3A_398 = arith.index_cast %parallel_loop3A_321 : i32 to index
      %parallel_loop3A_399 = arith.constant 64 : index
      %parallel_loop3A_400 = tpu.vector_load %arg11[%parallel_loop3A_398, %parallel_loop3A_399] {strides = array<i32>} : memref<64x128xf32, #tpu.memory_space<vmem>>, vector<16xf32>,
      %parallel_loop3A_401 = arith.index_cast %parallel_loop3A_321 : i32 to index
      %parallel_loop3A_402 = arith.constant 64 : index
      %parallel_loop3A_403 = tpu.vector_load %arg12[%parallel_loop3A_401, %parallel_loop3A_402] {strides = array<i32>} : memref<64x128xf32, #tpu.memory_space<vmem>>, vector<16xf32>,
      %parallel_loop3A_404 = arith.index_cast %parallel_loop3A_321 : i32 to index
      %parallel_loop3A_405 = arith.constant 64 : index
      %parallel_loop3A_406 = tpu.vector_load %arg13[%parallel_loop3A_404, %parallel_loop3A_405] {strides = array<i32>} : memref<64x128xf32, #tpu.memory_space<vmem>>, vector<16xf32>,
      %parallel_loop3A_407 = arith.mulf %parallel_loop3A_400, %parallel_loop3A_400 : vector<16xf32>
      %parallel_loop3A_408 = arith.addf %parallel_loop3A_389, %parallel_loop3A_407 : vector<16xf32>
      %parallel_loop3A_409 = arith.mulf %parallel_loop3A_403, %parallel_loop3A_403 : vector<16xf32>
      %parallel_loop3A_410 = arith.addf %parallel_loop3A_391, %parallel_loop3A_409 : vector<16xf32>
      %parallel_loop3A_411 = arith.mulf %parallel_loop3A_406, %parallel_loop3A_406 : vector<16xf32>
      %parallel_loop3A_412 = arith.addf %parallel_loop3A_393, %parallel_loop3A_411 : vector<16xf32>
      %parallel_loop3A_413 = arith.mulf %parallel_loop3A_400, %parallel_loop3A_403 : vector<16xf32>
      %parallel_loop3A_414 = arith.addf %parallel_loop3A_395, %parallel_loop3A_413 : vector<16xf32>
      %parallel_loop3A_415 = arith.mulf %parallel_loop3A_400, %parallel_loop3A_406 : vector<16xf32>
      %parallel_loop3A_416 = arith.addf %parallel_loop3A_397, %parallel_loop3A_415 : vector<16xf32>
      %parallel_loop3A_417 = arith.index_cast %parallel_loop3A_321 : i32 to index
      %parallel_loop3A_418 = arith.constant 80 : index
      %parallel_loop3A_419 = tpu.vector_load %arg11[%parallel_loop3A_417, %parallel_loop3A_418] {strides = array<i32>} : memref<64x128xf32, #tpu.memory_space<vmem>>, vector<16xf32>,
      %parallel_loop3A_420 = arith.index_cast %parallel_loop3A_321 : i32 to index
      %parallel_loop3A_421 = arith.constant 80 : index
      %parallel_loop3A_422 = tpu.vector_load %arg12[%parallel_loop3A_420, %parallel_loop3A_421] {strides = array<i32>} : memref<64x128xf32, #tpu.memory_space<vmem>>, vector<16xf32>,
      %parallel_loop3A_423 = arith.index_cast %parallel_loop3A_321 : i32 to index
      %parallel_loop3A_424 = arith.constant 80 : index
      %parallel_loop3A_425 = tpu.vector_load %arg13[%parallel_loop3A_423, %parallel_loop3A_424] {strides = array<i32>} : memref<64x128xf32, #tpu.memory_space<vmem>>, vector<16xf32>,
      %parallel_loop3A_426 = arith.mulf %parallel_loop3A_419, %parallel_loop3A_419 : vector<16xf32>
      %parallel_loop3A_427 = arith.addf %parallel_loop3A_408, %parallel_loop3A_426 : vector<16xf32>
      %parallel_loop3A_428 = arith.mulf %parallel_loop3A_422, %parallel_loop3A_422 : vector<16xf32>
      %parallel_loop3A_429 = arith.addf %parallel_loop3A_410, %parallel_loop3A_428 : vector<16xf32>
      %parallel_loop3A_430 = arith.mulf %parallel_loop3A_425, %parallel_loop3A_425 : vector<16xf32>
      %parallel_loop3A_431 = arith.addf %parallel_loop3A_412, %parallel_loop3A_430 : vector<16xf32>
      %parallel_loop3A_432 = arith.mulf %parallel_loop3A_419, %parallel_loop3A_422 : vector<16xf32>
      %parallel_loop3A_433 = arith.addf %parallel_loop3A_414, %parallel_loop3A_432 : vector<16xf32>
      %parallel_loop3A_434 = arith.mulf %parallel_loop3A_419, %parallel_loop3A_425 : vector<16xf32>
      %parallel_loop3A_435 = arith.addf %parallel_loop3A_416, %parallel_loop3A_434 : vector<16xf32>
      %parallel_loop3A_436 = arith.index_cast %parallel_loop3A_321 : i32 to index
      %parallel_loop3A_437 = arith.constant 96 : index
      %parallel_loop3A_438 = tpu.vector_load %arg11[%parallel_loop3A_436, %parallel_loop3A_437] {strides = array<i32>} : memref<64x128xf32, #tpu.memory_space<vmem>>, vector<16xf32>,
      %parallel_loop3A_439 = arith.index_cast %parallel_loop3A_321 : i32 to index
      %parallel_loop3A_440 = arith.constant 96 : index
      %parallel_loop3A_441 = tpu.vector_load %arg12[%parallel_loop3A_439, %parallel_loop3A_440] {strides = array<i32>} : memref<64x128xf32, #tpu.memory_space<vmem>>, vector<16xf32>,
      %parallel_loop3A_442 = arith.index_cast %parallel_loop3A_321 : i32 to index
      %parallel_loop3A_443 = arith.constant 96 : index
      %parallel_loop3A_444 = tpu.vector_load %arg13[%parallel_loop3A_442, %parallel_loop3A_443] {strides = array<i32>} : memref<64x128xf32, #tpu.memory_space<vmem>>, vector<16xf32>,
      %parallel_loop3A_445 = arith.mulf %parallel_loop3A_438, %parallel_loop3A_438 : vector<16xf32>
      %parallel_loop3A_446 = arith.addf %parallel_loop3A_427, %parallel_loop3A_445 : vector<16xf32>
      %parallel_loop3A_447 = arith.mulf %parallel_loop3A_441, %parallel_loop3A_441 : vector<16xf32>
      %parallel_loop3A_448 = arith.addf %parallel_loop3A_429, %parallel_loop3A_447 : vector<16xf32>
      %parallel_loop3A_449 = arith.mulf %parallel_loop3A_444, %parallel_loop3A_444 : vector<16xf32>
      %parallel_loop3A_450 = arith.addf %parallel_loop3A_431, %parallel_loop3A_449 : vector<16xf32>
      %parallel_loop3A_451 = arith.mulf %parallel_loop3A_438, %parallel_loop3A_441 : vector<16xf32>
      %parallel_loop3A_452 = arith.addf %parallel_loop3A_433, %parallel_loop3A_451 : vector<16xf32>
      %parallel_loop3A_453 = arith.mulf %parallel_loop3A_438, %parallel_loop3A_444 : vector<16xf32>
      %parallel_loop3A_454 = arith.addf %parallel_loop3A_435, %parallel_loop3A_453 : vector<16xf32>
      %parallel_loop3A_455 = arith.index_cast %parallel_loop3A_321 : i32 to index
      %parallel_loop3A_456 = arith.constant 112 : index
      %parallel_loop3A_457 = tpu.vector_load %arg11[%parallel_loop3A_455, %parallel_loop3A_456] {strides = array<i32>} : memref<64x128xf32, #tpu.memory_space<vmem>>, vector<16xf32>,
      %parallel_loop3A_458 = arith.index_cast %parallel_loop3A_321 : i32 to index
      %parallel_loop3A_459 = arith.constant 112 : index
      %parallel_loop3A_460 = tpu.vector_load %arg12[%parallel_loop3A_458, %parallel_loop3A_459] {strides = array<i32>} : memref<64x128xf32, #tpu.memory_space<vmem>>, vector<16xf32>,
      %parallel_loop3A_461 = arith.index_cast %parallel_loop3A_321 : i32 to index
      %parallel_loop3A_462 = arith.constant 112 : index
      %parallel_loop3A_463 = tpu.vector_load %arg13[%parallel_loop3A_461, %parallel_loop3A_462] {strides = array<i32>} : memref<64x128xf32, #tpu.memory_space<vmem>>, vector<16xf32>,
      %parallel_loop3A_464 = arith.mulf %parallel_loop3A_457, %parallel_loop3A_457 : vector<16xf32>
      %parallel_loop3A_465 = arith.addf %parallel_loop3A_446, %parallel_loop3A_464 : vector<16xf32>
      %parallel_loop3A_466 = arith.mulf %parallel_loop3A_460, %parallel_loop3A_460 : vector<16xf32>
      %parallel_loop3A_467 = arith.addf %parallel_loop3A_448, %parallel_loop3A_466 : vector<16xf32>
      %parallel_loop3A_468 = arith.mulf %parallel_loop3A_463, %parallel_loop3A_463 : vector<16xf32>
      %parallel_loop3A_469 = arith.addf %parallel_loop3A_450, %parallel_loop3A_468 : vector<16xf32>
      %parallel_loop3A_470 = arith.mulf %parallel_loop3A_457, %parallel_loop3A_460 : vector<16xf32>
      %parallel_loop3A_471 = arith.addf %parallel_loop3A_452, %parallel_loop3A_470 : vector<16xf32>
      %parallel_loop3A_472 = arith.mulf %parallel_loop3A_457, %parallel_loop3A_463 : vector<16xf32>
      %parallel_loop3A_473 = arith.addf %parallel_loop3A_454, %parallel_loop3A_472 : vector<16xf32>
      %parallel_loop3A_474 = arith.constant 16 : i32
      %parallel_loop3A_475 = arith.muli %parallel_loop3A_321, %parallel_loop3A_474 : i32
      %parallel_loop3A_476 = arith.constant true
      %parallel_loop3A_477 = vector.broadcast %parallel_loop3A_476 : i1 to vector<16xi1>
      %parallel_loop3A_478 = tpu.scan <sum>, %parallel_loop3A_465 masked %parallel_loop3A_477 : vector<16xf32>, vector<16xi1> -> vector<16xf32>
      %parallel_loop3A_479 = arith.index_cast %parallel_loop3A_475 : i32 to index
      %parallel_loop3A_480 = tpu.vector_load %arg23[%parallel_loop3A_479] {strides = array<i32>} : memref<1024xf32, #tpu.memory_space<vmem>>, vector<16xf32>,
      tpu.vector_store %arg23[%parallel_loop3A_479], %parallel_loop3A_478 {strides = array<i32>} : memref<1024xf32, #tpu.memory_space<vmem>>, vector<16xf32>,
      %parallel_loop3A_481 = arith.constant true
      %parallel_loop3A_482 = vector.broadcast %parallel_loop3A_481 : i1 to vector<16xi1>
      %parallel_loop3A_483 = tpu.scan <sum>, %parallel_loop3A_467 masked %parallel_loop3A_482 : vector<16xf32>, vector<16xi1> -> vector<16xf32>
      %parallel_loop3A_484 = arith.index_cast %parallel_loop3A_475 : i32 to index
      %parallel_loop3A_485 = tpu.vector_load %arg24[%parallel_loop3A_484] {strides = array<i32>} : memref<1024xf32, #tpu.memory_space<vmem>>, vector<16xf32>,
      tpu.vector_store %arg24[%parallel_loop3A_484], %parallel_loop3A_483 {strides = array<i32>} : memref<1024xf32, #tpu.memory_space<vmem>>, vector<16xf32>,
      %parallel_loop3A_486 = arith.constant true
      %parallel_loop3A_487 = vector.broadcast %parallel_loop3A_486 : i1 to vector<16xi1>
      %parallel_loop3A_488 = tpu.scan <sum>, %parallel_loop3A_469 masked %parallel_loop3A_487 : vector<16xf32>, vector<16xi1> -> vector<16xf32>
      %parallel_loop3A_489 = arith.index_cast %parallel_loop3A_475 : i32 to index
      %parallel_loop3A_490 = tpu.vector_load %arg25[%parallel_loop3A_489] {strides = array<i32>} : memref<1024xf32, #tpu.memory_space<vmem>>, vector<16xf32>,
      tpu.vector_store %arg25[%parallel_loop3A_489], %parallel_loop3A_488 {strides = array<i32>} : memref<1024xf32, #tpu.memory_space<vmem>>, vector<16xf32>,
      %parallel_loop3A_491 = arith.constant true
      %parallel_loop3A_492 = vector.broadcast %parallel_loop3A_491 : i1 to vector<16xi1>
      %parallel_loop3A_493 = tpu.scan <sum>, %parallel_loop3A_471 masked %parallel_loop3A_492 : vector<16xf32>, vector<16xi1> -> vector<16xf32>
      %parallel_loop3A_494 = arith.index_cast %parallel_loop3A_475 : i32 to index
      %parallel_loop3A_495 = tpu.vector_load %arg26[%parallel_loop3A_494] {strides = array<i32>} : memref<1024xf32, #tpu.memory_space<vmem>>, vector<16xf32>,
      tpu.vector_store %arg26[%parallel_loop3A_494], %parallel_loop3A_493 {strides = array<i32>} : memref<1024xf32, #tpu.memory_space<vmem>>, vector<16xf32>,
      %parallel_loop3A_496 = arith.constant true
      %parallel_loop3A_497 = vector.broadcast %parallel_loop3A_496 : i1 to vector<16xi1>
      %parallel_loop3A_498 = tpu.scan <sum>, %parallel_loop3A_473 masked %parallel_loop3A_497 : vector<16xf32>, vector<16xi1> -> vector<16xf32>
      %parallel_loop3A_499 = arith.index_cast %parallel_loop3A_475 : i32 to index
      %parallel_loop3A_500 = tpu.vector_load %arg27[%parallel_loop3A_499] {strides = array<i32>} : memref<1024xf32, #tpu.memory_space<vmem>>, vector<16xf32>,
      tpu.vector_store %arg27[%parallel_loop3A_499], %parallel_loop3A_498 {strides = array<i32>} : memref<1024xf32, #tpu.memory_space<vmem>>, vector<16xf32>,
    } {sc.loop_unroll_factor = 2 : i64, sc.parallel_access}
    %parallel_loop3A_237 = arith.constant 0 : i32
    %parallel_loop3A_238 = arith.constant 4 : i32
    %parallel_loop3A_239 = arith.constant 1 : i32
    %parallel_loop3A_240 = scf.for %parallel_loop3A_321 = %parallel_loop3A_237 to %parallel_loop3A_238 step %parallel_loop3A_239 iter_args(%parallel_loop3A_322 = %parallel_loop3A_201) -> (vector<16xf32>)  : i32 {
      %parallel_loop3A_323 = arith.constant 16 : i32
      %parallel_loop3A_324 = arith.muli %parallel_loop3A_321, %parallel_loop3A_323 : i32
      %parallel_loop3A_325 = vector.broadcast %parallel_loop3A_324 : i32 to vector<16xi32>
      %parallel_loop3A_326 = arith.addi %iota3A, %parallel_loop3A_325 : vector<16xi32>
      %parallel_loop3A_327 = arith.constant 16 : i32
      %parallel_loop3A_328 = vector.broadcast %parallel_loop3A_327 : i32 to vector<16xi32>
      %parallel_loop3A_329 = arith.muli %parallel_loop3A_326, %parallel_loop3A_328 : vector<16xi32>
      %parallel_loop3A_330 = arith.constant 15 : i32
      %parallel_loop3A_331 = vector.broadcast %parallel_loop3A_330 : i32 to vector<16xi32>
      %parallel_loop3A_332 = arith.addi %parallel_loop3A_329, %parallel_loop3A_331 : vector<16xi32>
      %parallel_loop3A_333 = tpu.vector_load_idx %arg23[%parallel_loop3A_332] : memref<1024xf32, #tpu.memory_space<vmem>>[vector<16xi32>], vector<16xf32>,
      %parallel_loop3A_334 = tpu.vector_load_idx %arg24[%parallel_loop3A_332] : memref<1024xf32, #tpu.memory_space<vmem>>[vector<16xi32>], vector<16xf32>,
      %parallel_loop3A_335 = tpu.vector_load_idx %arg25[%parallel_loop3A_332] : memref<1024xf32, #tpu.memory_space<vmem>>[vector<16xi32>], vector<16xf32>,
      %parallel_loop3A_336 = tpu.vector_load_idx %arg26[%parallel_loop3A_332] : memref<1024xf32, #tpu.memory_space<vmem>>[vector<16xi32>], vector<16xf32>,
      %parallel_loop3A_337 = tpu.vector_load_idx %arg27[%parallel_loop3A_332] : memref<1024xf32, #tpu.memory_space<vmem>>[vector<16xi32>], vector<16xf32>,
      %parallel_loop3A_338 = arith.constant 1.000000e-24 : f32
      %parallel_loop3A_339 = vector.broadcast %parallel_loop3A_338 : f32 to vector<16xf32>
      %parallel_loop3A_340 = arith.maximumf %parallel_loop3A_333, %parallel_loop3A_339 : vector<16xf32>
      %parallel_loop3A_341 = arith.constant 1.000000e-24 : f32
      %parallel_loop3A_342 = vector.broadcast %parallel_loop3A_341 : f32 to vector<16xf32>
      %parallel_loop3A_343 = arith.maximumf %parallel_loop3A_334, %parallel_loop3A_342 : vector<16xf32>
      %parallel_loop3A_344 = arith.constant 1.000000e-24 : f32
      %parallel_loop3A_345 = vector.broadcast %parallel_loop3A_344 : f32 to vector<16xf32>
      %parallel_loop3A_346 = arith.maximumf %parallel_loop3A_335, %parallel_loop3A_345 : vector<16xf32>
      %parallel_loop3A_347 = arith.mulf %parallel_loop3A_340, %parallel_loop3A_343 : vector<16xf32>
      %parallel_loop3A_348 = vector.bitcast %parallel_loop3A_347 : vector<16xf32> to vector<16xi32>
      %parallel_loop3A_349 = arith.constant 1 : i32
      %parallel_loop3A_350 = vector.broadcast %parallel_loop3A_349 : i32 to vector<16xi32>
      %parallel_loop3A_351 = arith.shrui %parallel_loop3A_348, %parallel_loop3A_350 : vector<16xi32>
      %parallel_loop3A_352 = arith.constant 1597463007 : i32
      %parallel_loop3A_353 = vector.broadcast %parallel_loop3A_352 : i32 to vector<16xi32>
      %parallel_loop3A_354 = arith.subi %parallel_loop3A_353, %parallel_loop3A_351 : vector<16xi32>
      %parallel_loop3A_355 = vector.bitcast %parallel_loop3A_354 : vector<16xi32> to vector<16xf32>
      %parallel_loop3A_356 = arith.constant 5.000000e-01 : f32
      %parallel_loop3A_357 = vector.broadcast %parallel_loop3A_356 : f32 to vector<16xf32>
      %parallel_loop3A_358 = arith.mulf %parallel_loop3A_357, %parallel_loop3A_347 : vector<16xf32>
      %parallel_loop3A_359 = arith.mulf %parallel_loop3A_358, %parallel_loop3A_355 : vector<16xf32>
      %parallel_loop3A_360 = arith.mulf %parallel_loop3A_359, %parallel_loop3A_355 : vector<16xf32>
      %parallel_loop3A_361 = arith.constant 1.500000e+00 : f32
      %parallel_loop3A_362 = vector.broadcast %parallel_loop3A_361 : f32 to vector<16xf32>
      %parallel_loop3A_363 = arith.subf %parallel_loop3A_362, %parallel_loop3A_360 : vector<16xf32>
      %parallel_loop3A_364 = arith.mulf %parallel_loop3A_355, %parallel_loop3A_363 : vector<16xf32>
      %parallel_loop3A_365 = arith.constant 5.000000e-01 : f32
      %parallel_loop3A_366 = vector.broadcast %parallel_loop3A_365 : f32 to vector<16xf32>
      %parallel_loop3A_367 = arith.mulf %parallel_loop3A_366, %parallel_loop3A_347 : vector<16xf32>
      %parallel_loop3A_368 = arith.mulf %parallel_loop3A_367, %parallel_loop3A_364 : vector<16xf32>
      %parallel_loop3A_369 = arith.mulf %parallel_loop3A_368, %parallel_loop3A_364 : vector<16xf32>
      %parallel_loop3A_370 = arith.constant 1.500000e+00 : f32
      %parallel_loop3A_371 = vector.broadcast %parallel_loop3A_370 : f32 to vector<16xf32>
      %parallel_loop3A_372 = arith.subf %parallel_loop3A_371, %parallel_loop3A_369 : vector<16xf32>
      %parallel_loop3A_373 = arith.mulf %parallel_loop3A_364, %parallel_loop3A_372 : vector<16xf32>
      %parallel_loop3A_374 = arith.constant 5.000000e-01 : f32
      %parallel_loop3A_375 = vector.broadcast %parallel_loop3A_374 : f32 to vector<16xf32>
      %parallel_loop3A_376 = arith.mulf %parallel_loop3A_375, %parallel_loop3A_347 : vector<16xf32>
      %parallel_loop3A_377 = arith.mulf %parallel_loop3A_376, %parallel_loop3A_373 : vector<16xf32>
      %parallel_loop3A_378 = arith.mulf %parallel_loop3A_377, %parallel_loop3A_373 : vector<16xf32>
      %parallel_loop3A_379 = arith.constant 1.500000e+00 : f32
      %parallel_loop3A_380 = vector.broadcast %parallel_loop3A_379 : f32 to vector<16xf32>
      %parallel_loop3A_381 = arith.subf %parallel_loop3A_380, %parallel_loop3A_378 : vector<16xf32>
      %parallel_loop3A_382 = arith.mulf %parallel_loop3A_373, %parallel_loop3A_381 : vector<16xf32>
      %parallel_loop3A_383 = arith.mulf %parallel_loop3A_336, %parallel_loop3A_382 : vector<16xf32>
      %parallel_loop3A_384 = arith.mulf %parallel_loop3A_340, %parallel_loop3A_346 : vector<16xf32>
      %parallel_loop3A_385 = vector.bitcast %parallel_loop3A_384 : vector<16xf32> to vector<16xi32>
      %parallel_loop3A_386 = arith.constant 1 : i32
      %parallel_loop3A_387 = vector.broadcast %parallel_loop3A_386 : i32 to vector<16xi32>
      %parallel_loop3A_388 = arith.shrui %parallel_loop3A_385, %parallel_loop3A_387 : vector<16xi32>
      %parallel_loop3A_389 = arith.constant 1597463007 : i32
      %parallel_loop3A_390 = vector.broadcast %parallel_loop3A_389 : i32 to vector<16xi32>
      %parallel_loop3A_391 = arith.subi %parallel_loop3A_390, %parallel_loop3A_388 : vector<16xi32>
      %parallel_loop3A_392 = vector.bitcast %parallel_loop3A_391 : vector<16xi32> to vector<16xf32>
      %parallel_loop3A_393 = arith.constant 5.000000e-01 : f32
      %parallel_loop3A_394 = vector.broadcast %parallel_loop3A_393 : f32 to vector<16xf32>
      %parallel_loop3A_395 = arith.mulf %parallel_loop3A_394, %parallel_loop3A_384 : vector<16xf32>
      %parallel_loop3A_396 = arith.mulf %parallel_loop3A_395, %parallel_loop3A_392 : vector<16xf32>
      %parallel_loop3A_397 = arith.mulf %parallel_loop3A_396, %parallel_loop3A_392 : vector<16xf32>
      %parallel_loop3A_398 = arith.constant 1.500000e+00 : f32
      %parallel_loop3A_399 = vector.broadcast %parallel_loop3A_398 : f32 to vector<16xf32>
      %parallel_loop3A_400 = arith.subf %parallel_loop3A_399, %parallel_loop3A_397 : vector<16xf32>
      %parallel_loop3A_401 = arith.mulf %parallel_loop3A_392, %parallel_loop3A_400 : vector<16xf32>
      %parallel_loop3A_402 = arith.constant 5.000000e-01 : f32
      %parallel_loop3A_403 = vector.broadcast %parallel_loop3A_402 : f32 to vector<16xf32>
      %parallel_loop3A_404 = arith.mulf %parallel_loop3A_403, %parallel_loop3A_384 : vector<16xf32>
      %parallel_loop3A_405 = arith.mulf %parallel_loop3A_404, %parallel_loop3A_401 : vector<16xf32>
      %parallel_loop3A_406 = arith.mulf %parallel_loop3A_405, %parallel_loop3A_401 : vector<16xf32>
      %parallel_loop3A_407 = arith.constant 1.500000e+00 : f32
      %parallel_loop3A_408 = vector.broadcast %parallel_loop3A_407 : f32 to vector<16xf32>
      %parallel_loop3A_409 = arith.subf %parallel_loop3A_408, %parallel_loop3A_406 : vector<16xf32>
      %parallel_loop3A_410 = arith.mulf %parallel_loop3A_401, %parallel_loop3A_409 : vector<16xf32>
      %parallel_loop3A_411 = arith.constant 5.000000e-01 : f32
      %parallel_loop3A_412 = vector.broadcast %parallel_loop3A_411 : f32 to vector<16xf32>
      %parallel_loop3A_413 = arith.mulf %parallel_loop3A_412, %parallel_loop3A_384 : vector<16xf32>
      %parallel_loop3A_414 = arith.mulf %parallel_loop3A_413, %parallel_loop3A_410 : vector<16xf32>
      %parallel_loop3A_415 = arith.mulf %parallel_loop3A_414, %parallel_loop3A_410 : vector<16xf32>
      %parallel_loop3A_416 = arith.constant 1.500000e+00 : f32
      %parallel_loop3A_417 = vector.broadcast %parallel_loop3A_416 : f32 to vector<16xf32>
      %parallel_loop3A_418 = arith.subf %parallel_loop3A_417, %parallel_loop3A_415 : vector<16xf32>
      %parallel_loop3A_419 = arith.mulf %parallel_loop3A_410, %parallel_loop3A_418 : vector<16xf32>
      %parallel_loop3A_420 = arith.mulf %parallel_loop3A_337, %parallel_loop3A_419 : vector<16xf32>
      %parallel_loop3A_421 = arith.constant 1.000000e+00 : f32
      %parallel_loop3A_422 = vector.broadcast %parallel_loop3A_421 : f32 to vector<16xf32>
      %parallel_loop3A_423 = arith.subf %parallel_loop3A_422, %parallel_loop3A_383 : vector<16xf32>
      %parallel_loop3A_424 = arith.addf %parallel_loop3A_423, %parallel_loop3A_420 : vector<16xf32>
      %parallel_loop3A_425 = arith.constant 0.000000e+00 : f32
      %parallel_loop3A_426 = vector.broadcast %parallel_loop3A_425 : f32 to vector<16xf32>
      %parallel_loop3A_427 = arith.maximumf %parallel_loop3A_426, %parallel_loop3A_424 : vector<16xf32>
      %parallel_loop3A_428 = arith.addf %parallel_loop3A_322, %parallel_loop3A_427 : vector<16xf32>
      scf.yield %parallel_loop3A_428 : vector<16xf32>
    } {sc.loop_unroll_factor = 2 : i64, sc.parallel_access}
    %dma_wait3A_241 = arith.constant 320 : i32
    %dma_wait3A_242 = tpu.memref_slice %arg8[%dma_wait3A_241] : memref<512xi32, #tpu.memory_space<vmem>> -> memref<64xi32, #tpu.memory_space<vmem>>
    %dma_wait3A_243 = arith.constant 0 : i32
    %dma_wait3A_244 = arith.constant 0 : i32
    %dma_wait3A_245 = tpu.memref_slice %arg5[%dma_wait3A_243, %dma_wait3A_244] : memref<100001x128xf32, #tpu.memory_space<hbm>> -> memref<100001x128xf32, #tpu.memory_space<hbm>>
    tpu.wait_indirect_dma semaphore(%arg30 : memref<!tpu.dma_semaphore, #tpu.memory_space<semaphore_mem>>) src(%dma_wait3A_245 : memref<100001x128xf32, #tpu.memory_space<hbm>>) dst(%arg14 : memref<64x128xf32, #tpu.memory_space<vmem>>)
    %dma_wait3A_246 = arith.constant 320 : i32
    %dma_wait3A_247 = tpu.memref_slice %arg9[%dma_wait3A_246] : memref<512xi32, #tpu.memory_space<vmem>> -> memref<64xi32, #tpu.memory_space<vmem>>
    %dma_wait3A_248 = arith.constant 0 : i32
    %dma_wait3A_249 = arith.constant 0 : i32
    %dma_wait3A_250 = tpu.memref_slice %arg6[%dma_wait3A_248, %dma_wait3A_249] : memref<100001x128xf32, #tpu.memory_space<hbm>> -> memref<100001x128xf32, #tpu.memory_space<hbm>>
    tpu.wait_indirect_dma semaphore(%arg30 : memref<!tpu.dma_semaphore, #tpu.memory_space<semaphore_mem>>) src(%dma_wait3A_250 : memref<100001x128xf32, #tpu.memory_space<hbm>>) dst(%arg15 : memref<64x128xf32, #tpu.memory_space<vmem>>)
    %dma_wait3A_251 = arith.constant 320 : i32
    %dma_wait3A_252 = tpu.memref_slice %arg10[%dma_wait3A_251] : memref<512xi32, #tpu.memory_space<vmem>> -> memref<64xi32, #tpu.memory_space<vmem>>
    %dma_wait3A_253 = arith.constant 0 : i32
    %dma_wait3A_254 = arith.constant 0 : i32
    %dma_wait3A_255 = tpu.memref_slice %arg6[%dma_wait3A_253, %dma_wait3A_254] : memref<100001x128xf32, #tpu.memory_space<hbm>> -> memref<100001x128xf32, #tpu.memory_space<hbm>>
    tpu.wait_indirect_dma semaphore(%arg30 : memref<!tpu.dma_semaphore, #tpu.memory_space<semaphore_mem>>) src(%dma_wait3A_255 : memref<100001x128xf32, #tpu.memory_space<hbm>>) dst(%arg16 : memref<64x128xf32, #tpu.memory_space<vmem>>)
    %broadcast_in_dim3A_256 = arith.constant 0.000000e+00 : f32
    %broadcast_in_dim3A_257 = vector.broadcast %broadcast_in_dim3A_256 : f32 to vector<16xf32>
    %parallel_loop3A_258 = arith.constant 0 : i32
    %parallel_loop3A_259 = arith.constant 64 : i32
    %parallel_loop3A_260 = arith.constant 1 : i32
    scf.for %parallel_loop3A_321 = %parallel_loop3A_258 to %parallel_loop3A_259 step %parallel_loop3A_260  : i32 {
      %parallel_loop3A_322 = arith.index_cast %parallel_loop3A_321 : i32 to index
      %parallel_loop3A_323 = arith.constant 0 : index
      %parallel_loop3A_324 = tpu.vector_load %arg14[%parallel_loop3A_322, %parallel_loop3A_323] {strides = array<i32>} : memref<64x128xf32, #tpu.memory_space<vmem>>, vector<16xf32>,
      %parallel_loop3A_325 = arith.index_cast %parallel_loop3A_321 : i32 to index
      %parallel_loop3A_326 = arith.constant 0 : index
      %parallel_loop3A_327 = tpu.vector_load %arg15[%parallel_loop3A_325, %parallel_loop3A_326] {strides = array<i32>} : memref<64x128xf32, #tpu.memory_space<vmem>>, vector<16xf32>,
      %parallel_loop3A_328 = arith.index_cast %parallel_loop3A_321 : i32 to index
      %parallel_loop3A_329 = arith.constant 0 : index
      %parallel_loop3A_330 = tpu.vector_load %arg16[%parallel_loop3A_328, %parallel_loop3A_329] {strides = array<i32>} : memref<64x128xf32, #tpu.memory_space<vmem>>, vector<16xf32>,
      %parallel_loop3A_331 = arith.mulf %parallel_loop3A_324, %parallel_loop3A_324 : vector<16xf32>
      %parallel_loop3A_332 = arith.addf %broadcast_in_dim3A_257, %parallel_loop3A_331 : vector<16xf32>
      %parallel_loop3A_333 = arith.mulf %parallel_loop3A_327, %parallel_loop3A_327 : vector<16xf32>
      %parallel_loop3A_334 = arith.addf %broadcast_in_dim3A_257, %parallel_loop3A_333 : vector<16xf32>
      %parallel_loop3A_335 = arith.mulf %parallel_loop3A_330, %parallel_loop3A_330 : vector<16xf32>
      %parallel_loop3A_336 = arith.addf %broadcast_in_dim3A_257, %parallel_loop3A_335 : vector<16xf32>
      %parallel_loop3A_337 = arith.mulf %parallel_loop3A_324, %parallel_loop3A_327 : vector<16xf32>
      %parallel_loop3A_338 = arith.addf %broadcast_in_dim3A_257, %parallel_loop3A_337 : vector<16xf32>
      %parallel_loop3A_339 = arith.mulf %parallel_loop3A_324, %parallel_loop3A_330 : vector<16xf32>
      %parallel_loop3A_340 = arith.addf %broadcast_in_dim3A_257, %parallel_loop3A_339 : vector<16xf32>
      %parallel_loop3A_341 = arith.index_cast %parallel_loop3A_321 : i32 to index
      %parallel_loop3A_342 = arith.constant 16 : index
      %parallel_loop3A_343 = tpu.vector_load %arg14[%parallel_loop3A_341, %parallel_loop3A_342] {strides = array<i32>} : memref<64x128xf32, #tpu.memory_space<vmem>>, vector<16xf32>,
      %parallel_loop3A_344 = arith.index_cast %parallel_loop3A_321 : i32 to index
      %parallel_loop3A_345 = arith.constant 16 : index
      %parallel_loop3A_346 = tpu.vector_load %arg15[%parallel_loop3A_344, %parallel_loop3A_345] {strides = array<i32>} : memref<64x128xf32, #tpu.memory_space<vmem>>, vector<16xf32>,
      %parallel_loop3A_347 = arith.index_cast %parallel_loop3A_321 : i32 to index
      %parallel_loop3A_348 = arith.constant 16 : index
      %parallel_loop3A_349 = tpu.vector_load %arg16[%parallel_loop3A_347, %parallel_loop3A_348] {strides = array<i32>} : memref<64x128xf32, #tpu.memory_space<vmem>>, vector<16xf32>,
      %parallel_loop3A_350 = arith.mulf %parallel_loop3A_343, %parallel_loop3A_343 : vector<16xf32>
      %parallel_loop3A_351 = arith.addf %parallel_loop3A_332, %parallel_loop3A_350 : vector<16xf32>
      %parallel_loop3A_352 = arith.mulf %parallel_loop3A_346, %parallel_loop3A_346 : vector<16xf32>
      %parallel_loop3A_353 = arith.addf %parallel_loop3A_334, %parallel_loop3A_352 : vector<16xf32>
      %parallel_loop3A_354 = arith.mulf %parallel_loop3A_349, %parallel_loop3A_349 : vector<16xf32>
      %parallel_loop3A_355 = arith.addf %parallel_loop3A_336, %parallel_loop3A_354 : vector<16xf32>
      %parallel_loop3A_356 = arith.mulf %parallel_loop3A_343, %parallel_loop3A_346 : vector<16xf32>
      %parallel_loop3A_357 = arith.addf %parallel_loop3A_338, %parallel_loop3A_356 : vector<16xf32>
      %parallel_loop3A_358 = arith.mulf %parallel_loop3A_343, %parallel_loop3A_349 : vector<16xf32>
      %parallel_loop3A_359 = arith.addf %parallel_loop3A_340, %parallel_loop3A_358 : vector<16xf32>
      %parallel_loop3A_360 = arith.index_cast %parallel_loop3A_321 : i32 to index
      %parallel_loop3A_361 = arith.constant 32 : index
      %parallel_loop3A_362 = tpu.vector_load %arg14[%parallel_loop3A_360, %parallel_loop3A_361] {strides = array<i32>} : memref<64x128xf32, #tpu.memory_space<vmem>>, vector<16xf32>,
      %parallel_loop3A_363 = arith.index_cast %parallel_loop3A_321 : i32 to index
      %parallel_loop3A_364 = arith.constant 32 : index
      %parallel_loop3A_365 = tpu.vector_load %arg15[%parallel_loop3A_363, %parallel_loop3A_364] {strides = array<i32>} : memref<64x128xf32, #tpu.memory_space<vmem>>, vector<16xf32>,
      %parallel_loop3A_366 = arith.index_cast %parallel_loop3A_321 : i32 to index
      %parallel_loop3A_367 = arith.constant 32 : index
      %parallel_loop3A_368 = tpu.vector_load %arg16[%parallel_loop3A_366, %parallel_loop3A_367] {strides = array<i32>} : memref<64x128xf32, #tpu.memory_space<vmem>>, vector<16xf32>,
      %parallel_loop3A_369 = arith.mulf %parallel_loop3A_362, %parallel_loop3A_362 : vector<16xf32>
      %parallel_loop3A_370 = arith.addf %parallel_loop3A_351, %parallel_loop3A_369 : vector<16xf32>
      %parallel_loop3A_371 = arith.mulf %parallel_loop3A_365, %parallel_loop3A_365 : vector<16xf32>
      %parallel_loop3A_372 = arith.addf %parallel_loop3A_353, %parallel_loop3A_371 : vector<16xf32>
      %parallel_loop3A_373 = arith.mulf %parallel_loop3A_368, %parallel_loop3A_368 : vector<16xf32>
      %parallel_loop3A_374 = arith.addf %parallel_loop3A_355, %parallel_loop3A_373 : vector<16xf32>
      %parallel_loop3A_375 = arith.mulf %parallel_loop3A_362, %parallel_loop3A_365 : vector<16xf32>
      %parallel_loop3A_376 = arith.addf %parallel_loop3A_357, %parallel_loop3A_375 : vector<16xf32>
      %parallel_loop3A_377 = arith.mulf %parallel_loop3A_362, %parallel_loop3A_368 : vector<16xf32>
      %parallel_loop3A_378 = arith.addf %parallel_loop3A_359, %parallel_loop3A_377 : vector<16xf32>
      %parallel_loop3A_379 = arith.index_cast %parallel_loop3A_321 : i32 to index
      %parallel_loop3A_380 = arith.constant 48 : index
      %parallel_loop3A_381 = tpu.vector_load %arg14[%parallel_loop3A_379, %parallel_loop3A_380] {strides = array<i32>} : memref<64x128xf32, #tpu.memory_space<vmem>>, vector<16xf32>,
      %parallel_loop3A_382 = arith.index_cast %parallel_loop3A_321 : i32 to index
      %parallel_loop3A_383 = arith.constant 48 : index
      %parallel_loop3A_384 = tpu.vector_load %arg15[%parallel_loop3A_382, %parallel_loop3A_383] {strides = array<i32>} : memref<64x128xf32, #tpu.memory_space<vmem>>, vector<16xf32>,
      %parallel_loop3A_385 = arith.index_cast %parallel_loop3A_321 : i32 to index
      %parallel_loop3A_386 = arith.constant 48 : index
      %parallel_loop3A_387 = tpu.vector_load %arg16[%parallel_loop3A_385, %parallel_loop3A_386] {strides = array<i32>} : memref<64x128xf32, #tpu.memory_space<vmem>>, vector<16xf32>,
      %parallel_loop3A_388 = arith.mulf %parallel_loop3A_381, %parallel_loop3A_381 : vector<16xf32>
      %parallel_loop3A_389 = arith.addf %parallel_loop3A_370, %parallel_loop3A_388 : vector<16xf32>
      %parallel_loop3A_390 = arith.mulf %parallel_loop3A_384, %parallel_loop3A_384 : vector<16xf32>
      %parallel_loop3A_391 = arith.addf %parallel_loop3A_372, %parallel_loop3A_390 : vector<16xf32>
      %parallel_loop3A_392 = arith.mulf %parallel_loop3A_387, %parallel_loop3A_387 : vector<16xf32>
      %parallel_loop3A_393 = arith.addf %parallel_loop3A_374, %parallel_loop3A_392 : vector<16xf32>
      %parallel_loop3A_394 = arith.mulf %parallel_loop3A_381, %parallel_loop3A_384 : vector<16xf32>
      %parallel_loop3A_395 = arith.addf %parallel_loop3A_376, %parallel_loop3A_394 : vector<16xf32>
      %parallel_loop3A_396 = arith.mulf %parallel_loop3A_381, %parallel_loop3A_387 : vector<16xf32>
      %parallel_loop3A_397 = arith.addf %parallel_loop3A_378, %parallel_loop3A_396 : vector<16xf32>
      %parallel_loop3A_398 = arith.index_cast %parallel_loop3A_321 : i32 to index
      %parallel_loop3A_399 = arith.constant 64 : index
      %parallel_loop3A_400 = tpu.vector_load %arg14[%parallel_loop3A_398, %parallel_loop3A_399] {strides = array<i32>} : memref<64x128xf32, #tpu.memory_space<vmem>>, vector<16xf32>,
      %parallel_loop3A_401 = arith.index_cast %parallel_loop3A_321 : i32 to index
      %parallel_loop3A_402 = arith.constant 64 : index
      %parallel_loop3A_403 = tpu.vector_load %arg15[%parallel_loop3A_401, %parallel_loop3A_402] {strides = array<i32>} : memref<64x128xf32, #tpu.memory_space<vmem>>, vector<16xf32>,
      %parallel_loop3A_404 = arith.index_cast %parallel_loop3A_321 : i32 to index
      %parallel_loop3A_405 = arith.constant 64 : index
      %parallel_loop3A_406 = tpu.vector_load %arg16[%parallel_loop3A_404, %parallel_loop3A_405] {strides = array<i32>} : memref<64x128xf32, #tpu.memory_space<vmem>>, vector<16xf32>,
      %parallel_loop3A_407 = arith.mulf %parallel_loop3A_400, %parallel_loop3A_400 : vector<16xf32>
      %parallel_loop3A_408 = arith.addf %parallel_loop3A_389, %parallel_loop3A_407 : vector<16xf32>
      %parallel_loop3A_409 = arith.mulf %parallel_loop3A_403, %parallel_loop3A_403 : vector<16xf32>
      %parallel_loop3A_410 = arith.addf %parallel_loop3A_391, %parallel_loop3A_409 : vector<16xf32>
      %parallel_loop3A_411 = arith.mulf %parallel_loop3A_406, %parallel_loop3A_406 : vector<16xf32>
      %parallel_loop3A_412 = arith.addf %parallel_loop3A_393, %parallel_loop3A_411 : vector<16xf32>
      %parallel_loop3A_413 = arith.mulf %parallel_loop3A_400, %parallel_loop3A_403 : vector<16xf32>
      %parallel_loop3A_414 = arith.addf %parallel_loop3A_395, %parallel_loop3A_413 : vector<16xf32>
      %parallel_loop3A_415 = arith.mulf %parallel_loop3A_400, %parallel_loop3A_406 : vector<16xf32>
      %parallel_loop3A_416 = arith.addf %parallel_loop3A_397, %parallel_loop3A_415 : vector<16xf32>
      %parallel_loop3A_417 = arith.index_cast %parallel_loop3A_321 : i32 to index
      %parallel_loop3A_418 = arith.constant 80 : index
      %parallel_loop3A_419 = tpu.vector_load %arg14[%parallel_loop3A_417, %parallel_loop3A_418] {strides = array<i32>} : memref<64x128xf32, #tpu.memory_space<vmem>>, vector<16xf32>,
      %parallel_loop3A_420 = arith.index_cast %parallel_loop3A_321 : i32 to index
      %parallel_loop3A_421 = arith.constant 80 : index
      %parallel_loop3A_422 = tpu.vector_load %arg15[%parallel_loop3A_420, %parallel_loop3A_421] {strides = array<i32>} : memref<64x128xf32, #tpu.memory_space<vmem>>, vector<16xf32>,
      %parallel_loop3A_423 = arith.index_cast %parallel_loop3A_321 : i32 to index
      %parallel_loop3A_424 = arith.constant 80 : index
      %parallel_loop3A_425 = tpu.vector_load %arg16[%parallel_loop3A_423, %parallel_loop3A_424] {strides = array<i32>} : memref<64x128xf32, #tpu.memory_space<vmem>>, vector<16xf32>,
      %parallel_loop3A_426 = arith.mulf %parallel_loop3A_419, %parallel_loop3A_419 : vector<16xf32>
      %parallel_loop3A_427 = arith.addf %parallel_loop3A_408, %parallel_loop3A_426 : vector<16xf32>
      %parallel_loop3A_428 = arith.mulf %parallel_loop3A_422, %parallel_loop3A_422 : vector<16xf32>
      %parallel_loop3A_429 = arith.addf %parallel_loop3A_410, %parallel_loop3A_428 : vector<16xf32>
      %parallel_loop3A_430 = arith.mulf %parallel_loop3A_425, %parallel_loop3A_425 : vector<16xf32>
      %parallel_loop3A_431 = arith.addf %parallel_loop3A_412, %parallel_loop3A_430 : vector<16xf32>
      %parallel_loop3A_432 = arith.mulf %parallel_loop3A_419, %parallel_loop3A_422 : vector<16xf32>
      %parallel_loop3A_433 = arith.addf %parallel_loop3A_414, %parallel_loop3A_432 : vector<16xf32>
      %parallel_loop3A_434 = arith.mulf %parallel_loop3A_419, %parallel_loop3A_425 : vector<16xf32>
      %parallel_loop3A_435 = arith.addf %parallel_loop3A_416, %parallel_loop3A_434 : vector<16xf32>
      %parallel_loop3A_436 = arith.index_cast %parallel_loop3A_321 : i32 to index
      %parallel_loop3A_437 = arith.constant 96 : index
      %parallel_loop3A_438 = tpu.vector_load %arg14[%parallel_loop3A_436, %parallel_loop3A_437] {strides = array<i32>} : memref<64x128xf32, #tpu.memory_space<vmem>>, vector<16xf32>,
      %parallel_loop3A_439 = arith.index_cast %parallel_loop3A_321 : i32 to index
      %parallel_loop3A_440 = arith.constant 96 : index
      %parallel_loop3A_441 = tpu.vector_load %arg15[%parallel_loop3A_439, %parallel_loop3A_440] {strides = array<i32>} : memref<64x128xf32, #tpu.memory_space<vmem>>, vector<16xf32>,
      %parallel_loop3A_442 = arith.index_cast %parallel_loop3A_321 : i32 to index
      %parallel_loop3A_443 = arith.constant 96 : index
      %parallel_loop3A_444 = tpu.vector_load %arg16[%parallel_loop3A_442, %parallel_loop3A_443] {strides = array<i32>} : memref<64x128xf32, #tpu.memory_space<vmem>>, vector<16xf32>,
      %parallel_loop3A_445 = arith.mulf %parallel_loop3A_438, %parallel_loop3A_438 : vector<16xf32>
      %parallel_loop3A_446 = arith.addf %parallel_loop3A_427, %parallel_loop3A_445 : vector<16xf32>
      %parallel_loop3A_447 = arith.mulf %parallel_loop3A_441, %parallel_loop3A_441 : vector<16xf32>
      %parallel_loop3A_448 = arith.addf %parallel_loop3A_429, %parallel_loop3A_447 : vector<16xf32>
      %parallel_loop3A_449 = arith.mulf %parallel_loop3A_444, %parallel_loop3A_444 : vector<16xf32>
      %parallel_loop3A_450 = arith.addf %parallel_loop3A_431, %parallel_loop3A_449 : vector<16xf32>
      %parallel_loop3A_451 = arith.mulf %parallel_loop3A_438, %parallel_loop3A_441 : vector<16xf32>
      %parallel_loop3A_452 = arith.addf %parallel_loop3A_433, %parallel_loop3A_451 : vector<16xf32>
      %parallel_loop3A_453 = arith.mulf %parallel_loop3A_438, %parallel_loop3A_444 : vector<16xf32>
      %parallel_loop3A_454 = arith.addf %parallel_loop3A_435, %parallel_loop3A_453 : vector<16xf32>
      %parallel_loop3A_455 = arith.index_cast %parallel_loop3A_321 : i32 to index
      %parallel_loop3A_456 = arith.constant 112 : index
      %parallel_loop3A_457 = tpu.vector_load %arg14[%parallel_loop3A_455, %parallel_loop3A_456] {strides = array<i32>} : memref<64x128xf32, #tpu.memory_space<vmem>>, vector<16xf32>,
      %parallel_loop3A_458 = arith.index_cast %parallel_loop3A_321 : i32 to index
      %parallel_loop3A_459 = arith.constant 112 : index
      %parallel_loop3A_460 = tpu.vector_load %arg15[%parallel_loop3A_458, %parallel_loop3A_459] {strides = array<i32>} : memref<64x128xf32, #tpu.memory_space<vmem>>, vector<16xf32>,
      %parallel_loop3A_461 = arith.index_cast %parallel_loop3A_321 : i32 to index
      %parallel_loop3A_462 = arith.constant 112 : index
      %parallel_loop3A_463 = tpu.vector_load %arg16[%parallel_loop3A_461, %parallel_loop3A_462] {strides = array<i32>} : memref<64x128xf32, #tpu.memory_space<vmem>>, vector<16xf32>,
      %parallel_loop3A_464 = arith.mulf %parallel_loop3A_457, %parallel_loop3A_457 : vector<16xf32>
      %parallel_loop3A_465 = arith.addf %parallel_loop3A_446, %parallel_loop3A_464 : vector<16xf32>
      %parallel_loop3A_466 = arith.mulf %parallel_loop3A_460, %parallel_loop3A_460 : vector<16xf32>
      %parallel_loop3A_467 = arith.addf %parallel_loop3A_448, %parallel_loop3A_466 : vector<16xf32>
      %parallel_loop3A_468 = arith.mulf %parallel_loop3A_463, %parallel_loop3A_463 : vector<16xf32>
      %parallel_loop3A_469 = arith.addf %parallel_loop3A_450, %parallel_loop3A_468 : vector<16xf32>
      %parallel_loop3A_470 = arith.mulf %parallel_loop3A_457, %parallel_loop3A_460 : vector<16xf32>
      %parallel_loop3A_471 = arith.addf %parallel_loop3A_452, %parallel_loop3A_470 : vector<16xf32>
      %parallel_loop3A_472 = arith.mulf %parallel_loop3A_457, %parallel_loop3A_463 : vector<16xf32>
      %parallel_loop3A_473 = arith.addf %parallel_loop3A_454, %parallel_loop3A_472 : vector<16xf32>
      %parallel_loop3A_474 = arith.constant 16 : i32
      %parallel_loop3A_475 = arith.muli %parallel_loop3A_321, %parallel_loop3A_474 : i32
      %parallel_loop3A_476 = arith.constant true
      %parallel_loop3A_477 = vector.broadcast %parallel_loop3A_476 : i1 to vector<16xi1>
      %parallel_loop3A_478 = tpu.scan <sum>, %parallel_loop3A_465 masked %parallel_loop3A_477 : vector<16xf32>, vector<16xi1> -> vector<16xf32>
      %parallel_loop3A_479 = arith.index_cast %parallel_loop3A_475 : i32 to index
      %parallel_loop3A_480 = tpu.vector_load %arg23[%parallel_loop3A_479] {strides = array<i32>} : memref<1024xf32, #tpu.memory_space<vmem>>, vector<16xf32>,
      tpu.vector_store %arg23[%parallel_loop3A_479], %parallel_loop3A_478 {strides = array<i32>} : memref<1024xf32, #tpu.memory_space<vmem>>, vector<16xf32>,
      %parallel_loop3A_481 = arith.constant true
      %parallel_loop3A_482 = vector.broadcast %parallel_loop3A_481 : i1 to vector<16xi1>
      %parallel_loop3A_483 = tpu.scan <sum>, %parallel_loop3A_467 masked %parallel_loop3A_482 : vector<16xf32>, vector<16xi1> -> vector<16xf32>
      %parallel_loop3A_484 = arith.index_cast %parallel_loop3A_475 : i32 to index
      %parallel_loop3A_485 = tpu.vector_load %arg24[%parallel_loop3A_484] {strides = array<i32>} : memref<1024xf32, #tpu.memory_space<vmem>>, vector<16xf32>,
      tpu.vector_store %arg24[%parallel_loop3A_484], %parallel_loop3A_483 {strides = array<i32>} : memref<1024xf32, #tpu.memory_space<vmem>>, vector<16xf32>,
      %parallel_loop3A_486 = arith.constant true
      %parallel_loop3A_487 = vector.broadcast %parallel_loop3A_486 : i1 to vector<16xi1>
      %parallel_loop3A_488 = tpu.scan <sum>, %parallel_loop3A_469 masked %parallel_loop3A_487 : vector<16xf32>, vector<16xi1> -> vector<16xf32>
      %parallel_loop3A_489 = arith.index_cast %parallel_loop3A_475 : i32 to index
      %parallel_loop3A_490 = tpu.vector_load %arg25[%parallel_loop3A_489] {strides = array<i32>} : memref<1024xf32, #tpu.memory_space<vmem>>, vector<16xf32>,
      tpu.vector_store %arg25[%parallel_loop3A_489], %parallel_loop3A_488 {strides = array<i32>} : memref<1024xf32, #tpu.memory_space<vmem>>, vector<16xf32>,
      %parallel_loop3A_491 = arith.constant true
      %parallel_loop3A_492 = vector.broadcast %parallel_loop3A_491 : i1 to vector<16xi1>
      %parallel_loop3A_493 = tpu.scan <sum>, %parallel_loop3A_471 masked %parallel_loop3A_492 : vector<16xf32>, vector<16xi1> -> vector<16xf32>
      %parallel_loop3A_494 = arith.index_cast %parallel_loop3A_475 : i32 to index
      %parallel_loop3A_495 = tpu.vector_load %arg26[%parallel_loop3A_494] {strides = array<i32>} : memref<1024xf32, #tpu.memory_space<vmem>>, vector<16xf32>,
      tpu.vector_store %arg26[%parallel_loop3A_494], %parallel_loop3A_493 {strides = array<i32>} : memref<1024xf32, #tpu.memory_space<vmem>>, vector<16xf32>,
      %parallel_loop3A_496 = arith.constant true
      %parallel_loop3A_497 = vector.broadcast %parallel_loop3A_496 : i1 to vector<16xi1>
      %parallel_loop3A_498 = tpu.scan <sum>, %parallel_loop3A_473 masked %parallel_loop3A_497 : vector<16xf32>, vector<16xi1> -> vector<16xf32>
      %parallel_loop3A_499 = arith.index_cast %parallel_loop3A_475 : i32 to index
      %parallel_loop3A_500 = tpu.vector_load %arg27[%parallel_loop3A_499] {strides = array<i32>} : memref<1024xf32, #tpu.memory_space<vmem>>, vector<16xf32>,
      tpu.vector_store %arg27[%parallel_loop3A_499], %parallel_loop3A_498 {strides = array<i32>} : memref<1024xf32, #tpu.memory_space<vmem>>, vector<16xf32>,
    } {sc.loop_unroll_factor = 2 : i64, sc.parallel_access}
    %parallel_loop3A_261 = arith.constant 0 : i32
    %parallel_loop3A_262 = arith.constant 4 : i32
    %parallel_loop3A_263 = arith.constant 1 : i32
    %parallel_loop3A_264 = scf.for %parallel_loop3A_321 = %parallel_loop3A_261 to %parallel_loop3A_262 step %parallel_loop3A_263 iter_args(%parallel_loop3A_322 = %parallel_loop3A_240) -> (vector<16xf32>)  : i32 {
      %parallel_loop3A_323 = arith.constant 16 : i32
      %parallel_loop3A_324 = arith.muli %parallel_loop3A_321, %parallel_loop3A_323 : i32
      %parallel_loop3A_325 = vector.broadcast %parallel_loop3A_324 : i32 to vector<16xi32>
      %parallel_loop3A_326 = arith.addi %iota3A, %parallel_loop3A_325 : vector<16xi32>
      %parallel_loop3A_327 = arith.constant 16 : i32
      %parallel_loop3A_328 = vector.broadcast %parallel_loop3A_327 : i32 to vector<16xi32>
      %parallel_loop3A_329 = arith.muli %parallel_loop3A_326, %parallel_loop3A_328 : vector<16xi32>
      %parallel_loop3A_330 = arith.constant 15 : i32
      %parallel_loop3A_331 = vector.broadcast %parallel_loop3A_330 : i32 to vector<16xi32>
      %parallel_loop3A_332 = arith.addi %parallel_loop3A_329, %parallel_loop3A_331 : vector<16xi32>
      %parallel_loop3A_333 = tpu.vector_load_idx %arg23[%parallel_loop3A_332] : memref<1024xf32, #tpu.memory_space<vmem>>[vector<16xi32>], vector<16xf32>,
      %parallel_loop3A_334 = tpu.vector_load_idx %arg24[%parallel_loop3A_332] : memref<1024xf32, #tpu.memory_space<vmem>>[vector<16xi32>], vector<16xf32>,
      %parallel_loop3A_335 = tpu.vector_load_idx %arg25[%parallel_loop3A_332] : memref<1024xf32, #tpu.memory_space<vmem>>[vector<16xi32>], vector<16xf32>,
      %parallel_loop3A_336 = tpu.vector_load_idx %arg26[%parallel_loop3A_332] : memref<1024xf32, #tpu.memory_space<vmem>>[vector<16xi32>], vector<16xf32>,
      %parallel_loop3A_337 = tpu.vector_load_idx %arg27[%parallel_loop3A_332] : memref<1024xf32, #tpu.memory_space<vmem>>[vector<16xi32>], vector<16xf32>,
      %parallel_loop3A_338 = arith.constant 1.000000e-24 : f32
      %parallel_loop3A_339 = vector.broadcast %parallel_loop3A_338 : f32 to vector<16xf32>
      %parallel_loop3A_340 = arith.maximumf %parallel_loop3A_333, %parallel_loop3A_339 : vector<16xf32>
      %parallel_loop3A_341 = arith.constant 1.000000e-24 : f32
      %parallel_loop3A_342 = vector.broadcast %parallel_loop3A_341 : f32 to vector<16xf32>
      %parallel_loop3A_343 = arith.maximumf %parallel_loop3A_334, %parallel_loop3A_342 : vector<16xf32>
      %parallel_loop3A_344 = arith.constant 1.000000e-24 : f32
      %parallel_loop3A_345 = vector.broadcast %parallel_loop3A_344 : f32 to vector<16xf32>
      %parallel_loop3A_346 = arith.maximumf %parallel_loop3A_335, %parallel_loop3A_345 : vector<16xf32>
      %parallel_loop3A_347 = arith.mulf %parallel_loop3A_340, %parallel_loop3A_343 : vector<16xf32>
      %parallel_loop3A_348 = vector.bitcast %parallel_loop3A_347 : vector<16xf32> to vector<16xi32>
      %parallel_loop3A_349 = arith.constant 1 : i32
      %parallel_loop3A_350 = vector.broadcast %parallel_loop3A_349 : i32 to vector<16xi32>
      %parallel_loop3A_351 = arith.shrui %parallel_loop3A_348, %parallel_loop3A_350 : vector<16xi32>
      %parallel_loop3A_352 = arith.constant 1597463007 : i32
      %parallel_loop3A_353 = vector.broadcast %parallel_loop3A_352 : i32 to vector<16xi32>
      %parallel_loop3A_354 = arith.subi %parallel_loop3A_353, %parallel_loop3A_351 : vector<16xi32>
      %parallel_loop3A_355 = vector.bitcast %parallel_loop3A_354 : vector<16xi32> to vector<16xf32>
      %parallel_loop3A_356 = arith.constant 5.000000e-01 : f32
      %parallel_loop3A_357 = vector.broadcast %parallel_loop3A_356 : f32 to vector<16xf32>
      %parallel_loop3A_358 = arith.mulf %parallel_loop3A_357, %parallel_loop3A_347 : vector<16xf32>
      %parallel_loop3A_359 = arith.mulf %parallel_loop3A_358, %parallel_loop3A_355 : vector<16xf32>
      %parallel_loop3A_360 = arith.mulf %parallel_loop3A_359, %parallel_loop3A_355 : vector<16xf32>
      %parallel_loop3A_361 = arith.constant 1.500000e+00 : f32
      %parallel_loop3A_362 = vector.broadcast %parallel_loop3A_361 : f32 to vector<16xf32>
      %parallel_loop3A_363 = arith.subf %parallel_loop3A_362, %parallel_loop3A_360 : vector<16xf32>
      %parallel_loop3A_364 = arith.mulf %parallel_loop3A_355, %parallel_loop3A_363 : vector<16xf32>
      %parallel_loop3A_365 = arith.constant 5.000000e-01 : f32
      %parallel_loop3A_366 = vector.broadcast %parallel_loop3A_365 : f32 to vector<16xf32>
      %parallel_loop3A_367 = arith.mulf %parallel_loop3A_366, %parallel_loop3A_347 : vector<16xf32>
      %parallel_loop3A_368 = arith.mulf %parallel_loop3A_367, %parallel_loop3A_364 : vector<16xf32>
      %parallel_loop3A_369 = arith.mulf %parallel_loop3A_368, %parallel_loop3A_364 : vector<16xf32>
      %parallel_loop3A_370 = arith.constant 1.500000e+00 : f32
      %parallel_loop3A_371 = vector.broadcast %parallel_loop3A_370 : f32 to vector<16xf32>
      %parallel_loop3A_372 = arith.subf %parallel_loop3A_371, %parallel_loop3A_369 : vector<16xf32>
      %parallel_loop3A_373 = arith.mulf %parallel_loop3A_364, %parallel_loop3A_372 : vector<16xf32>
      %parallel_loop3A_374 = arith.constant 5.000000e-01 : f32
      %parallel_loop3A_375 = vector.broadcast %parallel_loop3A_374 : f32 to vector<16xf32>
      %parallel_loop3A_376 = arith.mulf %parallel_loop3A_375, %parallel_loop3A_347 : vector<16xf32>
      %parallel_loop3A_377 = arith.mulf %parallel_loop3A_376, %parallel_loop3A_373 : vector<16xf32>
      %parallel_loop3A_378 = arith.mulf %parallel_loop3A_377, %parallel_loop3A_373 : vector<16xf32>
      %parallel_loop3A_379 = arith.constant 1.500000e+00 : f32
      %parallel_loop3A_380 = vector.broadcast %parallel_loop3A_379 : f32 to vector<16xf32>
      %parallel_loop3A_381 = arith.subf %parallel_loop3A_380, %parallel_loop3A_378 : vector<16xf32>
      %parallel_loop3A_382 = arith.mulf %parallel_loop3A_373, %parallel_loop3A_381 : vector<16xf32>
      %parallel_loop3A_383 = arith.mulf %parallel_loop3A_336, %parallel_loop3A_382 : vector<16xf32>
      %parallel_loop3A_384 = arith.mulf %parallel_loop3A_340, %parallel_loop3A_346 : vector<16xf32>
      %parallel_loop3A_385 = vector.bitcast %parallel_loop3A_384 : vector<16xf32> to vector<16xi32>
      %parallel_loop3A_386 = arith.constant 1 : i32
      %parallel_loop3A_387 = vector.broadcast %parallel_loop3A_386 : i32 to vector<16xi32>
      %parallel_loop3A_388 = arith.shrui %parallel_loop3A_385, %parallel_loop3A_387 : vector<16xi32>
      %parallel_loop3A_389 = arith.constant 1597463007 : i32
      %parallel_loop3A_390 = vector.broadcast %parallel_loop3A_389 : i32 to vector<16xi32>
      %parallel_loop3A_391 = arith.subi %parallel_loop3A_390, %parallel_loop3A_388 : vector<16xi32>
      %parallel_loop3A_392 = vector.bitcast %parallel_loop3A_391 : vector<16xi32> to vector<16xf32>
      %parallel_loop3A_393 = arith.constant 5.000000e-01 : f32
      %parallel_loop3A_394 = vector.broadcast %parallel_loop3A_393 : f32 to vector<16xf32>
      %parallel_loop3A_395 = arith.mulf %parallel_loop3A_394, %parallel_loop3A_384 : vector<16xf32>
      %parallel_loop3A_396 = arith.mulf %parallel_loop3A_395, %parallel_loop3A_392 : vector<16xf32>
      %parallel_loop3A_397 = arith.mulf %parallel_loop3A_396, %parallel_loop3A_392 : vector<16xf32>
      %parallel_loop3A_398 = arith.constant 1.500000e+00 : f32
      %parallel_loop3A_399 = vector.broadcast %parallel_loop3A_398 : f32 to vector<16xf32>
      %parallel_loop3A_400 = arith.subf %parallel_loop3A_399, %parallel_loop3A_397 : vector<16xf32>
      %parallel_loop3A_401 = arith.mulf %parallel_loop3A_392, %parallel_loop3A_400 : vector<16xf32>
      %parallel_loop3A_402 = arith.constant 5.000000e-01 : f32
      %parallel_loop3A_403 = vector.broadcast %parallel_loop3A_402 : f32 to vector<16xf32>
      %parallel_loop3A_404 = arith.mulf %parallel_loop3A_403, %parallel_loop3A_384 : vector<16xf32>
      %parallel_loop3A_405 = arith.mulf %parallel_loop3A_404, %parallel_loop3A_401 : vector<16xf32>
      %parallel_loop3A_406 = arith.mulf %parallel_loop3A_405, %parallel_loop3A_401 : vector<16xf32>
      %parallel_loop3A_407 = arith.constant 1.500000e+00 : f32
      %parallel_loop3A_408 = vector.broadcast %parallel_loop3A_407 : f32 to vector<16xf32>
      %parallel_loop3A_409 = arith.subf %parallel_loop3A_408, %parallel_loop3A_406 : vector<16xf32>
      %parallel_loop3A_410 = arith.mulf %parallel_loop3A_401, %parallel_loop3A_409 : vector<16xf32>
      %parallel_loop3A_411 = arith.constant 5.000000e-01 : f32
      %parallel_loop3A_412 = vector.broadcast %parallel_loop3A_411 : f32 to vector<16xf32>
      %parallel_loop3A_413 = arith.mulf %parallel_loop3A_412, %parallel_loop3A_384 : vector<16xf32>
      %parallel_loop3A_414 = arith.mulf %parallel_loop3A_413, %parallel_loop3A_410 : vector<16xf32>
      %parallel_loop3A_415 = arith.mulf %parallel_loop3A_414, %parallel_loop3A_410 : vector<16xf32>
      %parallel_loop3A_416 = arith.constant 1.500000e+00 : f32
      %parallel_loop3A_417 = vector.broadcast %parallel_loop3A_416 : f32 to vector<16xf32>
      %parallel_loop3A_418 = arith.subf %parallel_loop3A_417, %parallel_loop3A_415 : vector<16xf32>
      %parallel_loop3A_419 = arith.mulf %parallel_loop3A_410, %parallel_loop3A_418 : vector<16xf32>
      %parallel_loop3A_420 = arith.mulf %parallel_loop3A_337, %parallel_loop3A_419 : vector<16xf32>
      %parallel_loop3A_421 = arith.constant 1.000000e+00 : f32
      %parallel_loop3A_422 = vector.broadcast %parallel_loop3A_421 : f32 to vector<16xf32>
      %parallel_loop3A_423 = arith.subf %parallel_loop3A_422, %parallel_loop3A_383 : vector<16xf32>
      %parallel_loop3A_424 = arith.addf %parallel_loop3A_423, %parallel_loop3A_420 : vector<16xf32>
      %parallel_loop3A_425 = arith.constant 0.000000e+00 : f32
      %parallel_loop3A_426 = vector.broadcast %parallel_loop3A_425 : f32 to vector<16xf32>
      %parallel_loop3A_427 = arith.maximumf %parallel_loop3A_426, %parallel_loop3A_424 : vector<16xf32>
      %parallel_loop3A_428 = arith.addf %parallel_loop3A_322, %parallel_loop3A_427 : vector<16xf32>
      scf.yield %parallel_loop3A_428 : vector<16xf32>
    } {sc.loop_unroll_factor = 2 : i64, sc.parallel_access}
    %dma_wait3A_265 = arith.constant 384 : i32
    %dma_wait3A_266 = tpu.memref_slice %arg8[%dma_wait3A_265] : memref<512xi32, #tpu.memory_space<vmem>> -> memref<64xi32, #tpu.memory_space<vmem>>
    %dma_wait3A_267 = arith.constant 0 : i32
    %dma_wait3A_268 = arith.constant 0 : i32
    %dma_wait3A_269 = tpu.memref_slice %arg5[%dma_wait3A_267, %dma_wait3A_268] : memref<100001x128xf32, #tpu.memory_space<hbm>> -> memref<100001x128xf32, #tpu.memory_space<hbm>>
    tpu.wait_indirect_dma semaphore(%arg31 : memref<!tpu.dma_semaphore, #tpu.memory_space<semaphore_mem>>) src(%dma_wait3A_269 : memref<100001x128xf32, #tpu.memory_space<hbm>>) dst(%arg17 : memref<64x128xf32, #tpu.memory_space<vmem>>)
    %dma_wait3A_270 = arith.constant 384 : i32
    %dma_wait3A_271 = tpu.memref_slice %arg9[%dma_wait3A_270] : memref<512xi32, #tpu.memory_space<vmem>> -> memref<64xi32, #tpu.memory_space<vmem>>
    %dma_wait3A_272 = arith.constant 0 : i32
    %dma_wait3A_273 = arith.constant 0 : i32
    %dma_wait3A_274 = tpu.memref_slice %arg6[%dma_wait3A_272, %dma_wait3A_273] : memref<100001x128xf32, #tpu.memory_space<hbm>> -> memref<100001x128xf32, #tpu.memory_space<hbm>>
    tpu.wait_indirect_dma semaphore(%arg31 : memref<!tpu.dma_semaphore, #tpu.memory_space<semaphore_mem>>) src(%dma_wait3A_274 : memref<100001x128xf32, #tpu.memory_space<hbm>>) dst(%arg18 : memref<64x128xf32, #tpu.memory_space<vmem>>)
    %dma_wait3A_275 = arith.constant 384 : i32
    %dma_wait3A_276 = tpu.memref_slice %arg10[%dma_wait3A_275] : memref<512xi32, #tpu.memory_space<vmem>> -> memref<64xi32, #tpu.memory_space<vmem>>
    %dma_wait3A_277 = arith.constant 0 : i32
    %dma_wait3A_278 = arith.constant 0 : i32
    %dma_wait3A_279 = tpu.memref_slice %arg6[%dma_wait3A_277, %dma_wait3A_278] : memref<100001x128xf32, #tpu.memory_space<hbm>> -> memref<100001x128xf32, #tpu.memory_space<hbm>>
    tpu.wait_indirect_dma semaphore(%arg31 : memref<!tpu.dma_semaphore, #tpu.memory_space<semaphore_mem>>) src(%dma_wait3A_279 : memref<100001x128xf32, #tpu.memory_space<hbm>>) dst(%arg19 : memref<64x128xf32, #tpu.memory_space<vmem>>)
    %broadcast_in_dim3A_280 = arith.constant 0.000000e+00 : f32
    %broadcast_in_dim3A_281 = vector.broadcast %broadcast_in_dim3A_280 : f32 to vector<16xf32>
    %parallel_loop3A_282 = arith.constant 0 : i32
    %parallel_loop3A_283 = arith.constant 64 : i32
    %parallel_loop3A_284 = arith.constant 1 : i32
    scf.for %parallel_loop3A_321 = %parallel_loop3A_282 to %parallel_loop3A_283 step %parallel_loop3A_284  : i32 {
      %parallel_loop3A_322 = arith.index_cast %parallel_loop3A_321 : i32 to index
      %parallel_loop3A_323 = arith.constant 0 : index
      %parallel_loop3A_324 = tpu.vector_load %arg17[%parallel_loop3A_322, %parallel_loop3A_323] {strides = array<i32>} : memref<64x128xf32, #tpu.memory_space<vmem>>, vector<16xf32>,
      %parallel_loop3A_325 = arith.index_cast %parallel_loop3A_321 : i32 to index
      %parallel_loop3A_326 = arith.constant 0 : index
      %parallel_loop3A_327 = tpu.vector_load %arg18[%parallel_loop3A_325, %parallel_loop3A_326] {strides = array<i32>} : memref<64x128xf32, #tpu.memory_space<vmem>>, vector<16xf32>,
      %parallel_loop3A_328 = arith.index_cast %parallel_loop3A_321 : i32 to index
      %parallel_loop3A_329 = arith.constant 0 : index
      %parallel_loop3A_330 = tpu.vector_load %arg19[%parallel_loop3A_328, %parallel_loop3A_329] {strides = array<i32>} : memref<64x128xf32, #tpu.memory_space<vmem>>, vector<16xf32>,
      %parallel_loop3A_331 = arith.mulf %parallel_loop3A_324, %parallel_loop3A_324 : vector<16xf32>
      %parallel_loop3A_332 = arith.addf %broadcast_in_dim3A_281, %parallel_loop3A_331 : vector<16xf32>
      %parallel_loop3A_333 = arith.mulf %parallel_loop3A_327, %parallel_loop3A_327 : vector<16xf32>
      %parallel_loop3A_334 = arith.addf %broadcast_in_dim3A_281, %parallel_loop3A_333 : vector<16xf32>
      %parallel_loop3A_335 = arith.mulf %parallel_loop3A_330, %parallel_loop3A_330 : vector<16xf32>
      %parallel_loop3A_336 = arith.addf %broadcast_in_dim3A_281, %parallel_loop3A_335 : vector<16xf32>
      %parallel_loop3A_337 = arith.mulf %parallel_loop3A_324, %parallel_loop3A_327 : vector<16xf32>
      %parallel_loop3A_338 = arith.addf %broadcast_in_dim3A_281, %parallel_loop3A_337 : vector<16xf32>
      %parallel_loop3A_339 = arith.mulf %parallel_loop3A_324, %parallel_loop3A_330 : vector<16xf32>
      %parallel_loop3A_340 = arith.addf %broadcast_in_dim3A_281, %parallel_loop3A_339 : vector<16xf32>
      %parallel_loop3A_341 = arith.index_cast %parallel_loop3A_321 : i32 to index
      %parallel_loop3A_342 = arith.constant 16 : index
      %parallel_loop3A_343 = tpu.vector_load %arg17[%parallel_loop3A_341, %parallel_loop3A_342] {strides = array<i32>} : memref<64x128xf32, #tpu.memory_space<vmem>>, vector<16xf32>,
      %parallel_loop3A_344 = arith.index_cast %parallel_loop3A_321 : i32 to index
      %parallel_loop3A_345 = arith.constant 16 : index
      %parallel_loop3A_346 = tpu.vector_load %arg18[%parallel_loop3A_344, %parallel_loop3A_345] {strides = array<i32>} : memref<64x128xf32, #tpu.memory_space<vmem>>, vector<16xf32>,
      %parallel_loop3A_347 = arith.index_cast %parallel_loop3A_321 : i32 to index
      %parallel_loop3A_348 = arith.constant 16 : index
      %parallel_loop3A_349 = tpu.vector_load %arg19[%parallel_loop3A_347, %parallel_loop3A_348] {strides = array<i32>} : memref<64x128xf32, #tpu.memory_space<vmem>>, vector<16xf32>,
      %parallel_loop3A_350 = arith.mulf %parallel_loop3A_343, %parallel_loop3A_343 : vector<16xf32>
      %parallel_loop3A_351 = arith.addf %parallel_loop3A_332, %parallel_loop3A_350 : vector<16xf32>
      %parallel_loop3A_352 = arith.mulf %parallel_loop3A_346, %parallel_loop3A_346 : vector<16xf32>
      %parallel_loop3A_353 = arith.addf %parallel_loop3A_334, %parallel_loop3A_352 : vector<16xf32>
      %parallel_loop3A_354 = arith.mulf %parallel_loop3A_349, %parallel_loop3A_349 : vector<16xf32>
      %parallel_loop3A_355 = arith.addf %parallel_loop3A_336, %parallel_loop3A_354 : vector<16xf32>
      %parallel_loop3A_356 = arith.mulf %parallel_loop3A_343, %parallel_loop3A_346 : vector<16xf32>
      %parallel_loop3A_357 = arith.addf %parallel_loop3A_338, %parallel_loop3A_356 : vector<16xf32>
      %parallel_loop3A_358 = arith.mulf %parallel_loop3A_343, %parallel_loop3A_349 : vector<16xf32>
      %parallel_loop3A_359 = arith.addf %parallel_loop3A_340, %parallel_loop3A_358 : vector<16xf32>
      %parallel_loop3A_360 = arith.index_cast %parallel_loop3A_321 : i32 to index
      %parallel_loop3A_361 = arith.constant 32 : index
      %parallel_loop3A_362 = tpu.vector_load %arg17[%parallel_loop3A_360, %parallel_loop3A_361] {strides = array<i32>} : memref<64x128xf32, #tpu.memory_space<vmem>>, vector<16xf32>,
      %parallel_loop3A_363 = arith.index_cast %parallel_loop3A_321 : i32 to index
      %parallel_loop3A_364 = arith.constant 32 : index
      %parallel_loop3A_365 = tpu.vector_load %arg18[%parallel_loop3A_363, %parallel_loop3A_364] {strides = array<i32>} : memref<64x128xf32, #tpu.memory_space<vmem>>, vector<16xf32>,
      %parallel_loop3A_366 = arith.index_cast %parallel_loop3A_321 : i32 to index
      %parallel_loop3A_367 = arith.constant 32 : index
      %parallel_loop3A_368 = tpu.vector_load %arg19[%parallel_loop3A_366, %parallel_loop3A_367] {strides = array<i32>} : memref<64x128xf32, #tpu.memory_space<vmem>>, vector<16xf32>,
      %parallel_loop3A_369 = arith.mulf %parallel_loop3A_362, %parallel_loop3A_362 : vector<16xf32>
      %parallel_loop3A_370 = arith.addf %parallel_loop3A_351, %parallel_loop3A_369 : vector<16xf32>
      %parallel_loop3A_371 = arith.mulf %parallel_loop3A_365, %parallel_loop3A_365 : vector<16xf32>
      %parallel_loop3A_372 = arith.addf %parallel_loop3A_353, %parallel_loop3A_371 : vector<16xf32>
      %parallel_loop3A_373 = arith.mulf %parallel_loop3A_368, %parallel_loop3A_368 : vector<16xf32>
      %parallel_loop3A_374 = arith.addf %parallel_loop3A_355, %parallel_loop3A_373 : vector<16xf32>
      %parallel_loop3A_375 = arith.mulf %parallel_loop3A_362, %parallel_loop3A_365 : vector<16xf32>
      %parallel_loop3A_376 = arith.addf %parallel_loop3A_357, %parallel_loop3A_375 : vector<16xf32>
      %parallel_loop3A_377 = arith.mulf %parallel_loop3A_362, %parallel_loop3A_368 : vector<16xf32>
      %parallel_loop3A_378 = arith.addf %parallel_loop3A_359, %parallel_loop3A_377 : vector<16xf32>
      %parallel_loop3A_379 = arith.index_cast %parallel_loop3A_321 : i32 to index
      %parallel_loop3A_380 = arith.constant 48 : index
      %parallel_loop3A_381 = tpu.vector_load %arg17[%parallel_loop3A_379, %parallel_loop3A_380] {strides = array<i32>} : memref<64x128xf32, #tpu.memory_space<vmem>>, vector<16xf32>,
      %parallel_loop3A_382 = arith.index_cast %parallel_loop3A_321 : i32 to index
      %parallel_loop3A_383 = arith.constant 48 : index
      %parallel_loop3A_384 = tpu.vector_load %arg18[%parallel_loop3A_382, %parallel_loop3A_383] {strides = array<i32>} : memref<64x128xf32, #tpu.memory_space<vmem>>, vector<16xf32>,
      %parallel_loop3A_385 = arith.index_cast %parallel_loop3A_321 : i32 to index
      %parallel_loop3A_386 = arith.constant 48 : index
      %parallel_loop3A_387 = tpu.vector_load %arg19[%parallel_loop3A_385, %parallel_loop3A_386] {strides = array<i32>} : memref<64x128xf32, #tpu.memory_space<vmem>>, vector<16xf32>,
      %parallel_loop3A_388 = arith.mulf %parallel_loop3A_381, %parallel_loop3A_381 : vector<16xf32>
      %parallel_loop3A_389 = arith.addf %parallel_loop3A_370, %parallel_loop3A_388 : vector<16xf32>
      %parallel_loop3A_390 = arith.mulf %parallel_loop3A_384, %parallel_loop3A_384 : vector<16xf32>
      %parallel_loop3A_391 = arith.addf %parallel_loop3A_372, %parallel_loop3A_390 : vector<16xf32>
      %parallel_loop3A_392 = arith.mulf %parallel_loop3A_387, %parallel_loop3A_387 : vector<16xf32>
      %parallel_loop3A_393 = arith.addf %parallel_loop3A_374, %parallel_loop3A_392 : vector<16xf32>
      %parallel_loop3A_394 = arith.mulf %parallel_loop3A_381, %parallel_loop3A_384 : vector<16xf32>
      %parallel_loop3A_395 = arith.addf %parallel_loop3A_376, %parallel_loop3A_394 : vector<16xf32>
      %parallel_loop3A_396 = arith.mulf %parallel_loop3A_381, %parallel_loop3A_387 : vector<16xf32>
      %parallel_loop3A_397 = arith.addf %parallel_loop3A_378, %parallel_loop3A_396 : vector<16xf32>
      %parallel_loop3A_398 = arith.index_cast %parallel_loop3A_321 : i32 to index
      %parallel_loop3A_399 = arith.constant 64 : index
      %parallel_loop3A_400 = tpu.vector_load %arg17[%parallel_loop3A_398, %parallel_loop3A_399] {strides = array<i32>} : memref<64x128xf32, #tpu.memory_space<vmem>>, vector<16xf32>,
      %parallel_loop3A_401 = arith.index_cast %parallel_loop3A_321 : i32 to index
      %parallel_loop3A_402 = arith.constant 64 : index
      %parallel_loop3A_403 = tpu.vector_load %arg18[%parallel_loop3A_401, %parallel_loop3A_402] {strides = array<i32>} : memref<64x128xf32, #tpu.memory_space<vmem>>, vector<16xf32>,
      %parallel_loop3A_404 = arith.index_cast %parallel_loop3A_321 : i32 to index
      %parallel_loop3A_405 = arith.constant 64 : index
      %parallel_loop3A_406 = tpu.vector_load %arg19[%parallel_loop3A_404, %parallel_loop3A_405] {strides = array<i32>} : memref<64x128xf32, #tpu.memory_space<vmem>>, vector<16xf32>,
      %parallel_loop3A_407 = arith.mulf %parallel_loop3A_400, %parallel_loop3A_400 : vector<16xf32>
      %parallel_loop3A_408 = arith.addf %parallel_loop3A_389, %parallel_loop3A_407 : vector<16xf32>
      %parallel_loop3A_409 = arith.mulf %parallel_loop3A_403, %parallel_loop3A_403 : vector<16xf32>
      %parallel_loop3A_410 = arith.addf %parallel_loop3A_391, %parallel_loop3A_409 : vector<16xf32>
      %parallel_loop3A_411 = arith.mulf %parallel_loop3A_406, %parallel_loop3A_406 : vector<16xf32>
      %parallel_loop3A_412 = arith.addf %parallel_loop3A_393, %parallel_loop3A_411 : vector<16xf32>
      %parallel_loop3A_413 = arith.mulf %parallel_loop3A_400, %parallel_loop3A_403 : vector<16xf32>
      %parallel_loop3A_414 = arith.addf %parallel_loop3A_395, %parallel_loop3A_413 : vector<16xf32>
      %parallel_loop3A_415 = arith.mulf %parallel_loop3A_400, %parallel_loop3A_406 : vector<16xf32>
      %parallel_loop3A_416 = arith.addf %parallel_loop3A_397, %parallel_loop3A_415 : vector<16xf32>
      %parallel_loop3A_417 = arith.index_cast %parallel_loop3A_321 : i32 to index
      %parallel_loop3A_418 = arith.constant 80 : index
      %parallel_loop3A_419 = tpu.vector_load %arg17[%parallel_loop3A_417, %parallel_loop3A_418] {strides = array<i32>} : memref<64x128xf32, #tpu.memory_space<vmem>>, vector<16xf32>,
      %parallel_loop3A_420 = arith.index_cast %parallel_loop3A_321 : i32 to index
      %parallel_loop3A_421 = arith.constant 80 : index
      %parallel_loop3A_422 = tpu.vector_load %arg18[%parallel_loop3A_420, %parallel_loop3A_421] {strides = array<i32>} : memref<64x128xf32, #tpu.memory_space<vmem>>, vector<16xf32>,
      %parallel_loop3A_423 = arith.index_cast %parallel_loop3A_321 : i32 to index
      %parallel_loop3A_424 = arith.constant 80 : index
      %parallel_loop3A_425 = tpu.vector_load %arg19[%parallel_loop3A_423, %parallel_loop3A_424] {strides = array<i32>} : memref<64x128xf32, #tpu.memory_space<vmem>>, vector<16xf32>,
      %parallel_loop3A_426 = arith.mulf %parallel_loop3A_419, %parallel_loop3A_419 : vector<16xf32>
      %parallel_loop3A_427 = arith.addf %parallel_loop3A_408, %parallel_loop3A_426 : vector<16xf32>
      %parallel_loop3A_428 = arith.mulf %parallel_loop3A_422, %parallel_loop3A_422 : vector<16xf32>
      %parallel_loop3A_429 = arith.addf %parallel_loop3A_410, %parallel_loop3A_428 : vector<16xf32>
      %parallel_loop3A_430 = arith.mulf %parallel_loop3A_425, %parallel_loop3A_425 : vector<16xf32>
      %parallel_loop3A_431 = arith.addf %parallel_loop3A_412, %parallel_loop3A_430 : vector<16xf32>
      %parallel_loop3A_432 = arith.mulf %parallel_loop3A_419, %parallel_loop3A_422 : vector<16xf32>
      %parallel_loop3A_433 = arith.addf %parallel_loop3A_414, %parallel_loop3A_432 : vector<16xf32>
      %parallel_loop3A_434 = arith.mulf %parallel_loop3A_419, %parallel_loop3A_425 : vector<16xf32>
      %parallel_loop3A_435 = arith.addf %parallel_loop3A_416, %parallel_loop3A_434 : vector<16xf32>
      %parallel_loop3A_436 = arith.index_cast %parallel_loop3A_321 : i32 to index
      %parallel_loop3A_437 = arith.constant 96 : index
      %parallel_loop3A_438 = tpu.vector_load %arg17[%parallel_loop3A_436, %parallel_loop3A_437] {strides = array<i32>} : memref<64x128xf32, #tpu.memory_space<vmem>>, vector<16xf32>,
      %parallel_loop3A_439 = arith.index_cast %parallel_loop3A_321 : i32 to index
      %parallel_loop3A_440 = arith.constant 96 : index
      %parallel_loop3A_441 = tpu.vector_load %arg18[%parallel_loop3A_439, %parallel_loop3A_440] {strides = array<i32>} : memref<64x128xf32, #tpu.memory_space<vmem>>, vector<16xf32>,
      %parallel_loop3A_442 = arith.index_cast %parallel_loop3A_321 : i32 to index
      %parallel_loop3A_443 = arith.constant 96 : index
      %parallel_loop3A_444 = tpu.vector_load %arg19[%parallel_loop3A_442, %parallel_loop3A_443] {strides = array<i32>} : memref<64x128xf32, #tpu.memory_space<vmem>>, vector<16xf32>,
      %parallel_loop3A_445 = arith.mulf %parallel_loop3A_438, %parallel_loop3A_438 : vector<16xf32>
      %parallel_loop3A_446 = arith.addf %parallel_loop3A_427, %parallel_loop3A_445 : vector<16xf32>
      %parallel_loop3A_447 = arith.mulf %parallel_loop3A_441, %parallel_loop3A_441 : vector<16xf32>
      %parallel_loop3A_448 = arith.addf %parallel_loop3A_429, %parallel_loop3A_447 : vector<16xf32>
      %parallel_loop3A_449 = arith.mulf %parallel_loop3A_444, %parallel_loop3A_444 : vector<16xf32>
      %parallel_loop3A_450 = arith.addf %parallel_loop3A_431, %parallel_loop3A_449 : vector<16xf32>
      %parallel_loop3A_451 = arith.mulf %parallel_loop3A_438, %parallel_loop3A_441 : vector<16xf32>
      %parallel_loop3A_452 = arith.addf %parallel_loop3A_433, %parallel_loop3A_451 : vector<16xf32>
      %parallel_loop3A_453 = arith.mulf %parallel_loop3A_438, %parallel_loop3A_444 : vector<16xf32>
      %parallel_loop3A_454 = arith.addf %parallel_loop3A_435, %parallel_loop3A_453 : vector<16xf32>
      %parallel_loop3A_455 = arith.index_cast %parallel_loop3A_321 : i32 to index
      %parallel_loop3A_456 = arith.constant 112 : index
      %parallel_loop3A_457 = tpu.vector_load %arg17[%parallel_loop3A_455, %parallel_loop3A_456] {strides = array<i32>} : memref<64x128xf32, #tpu.memory_space<vmem>>, vector<16xf32>,
      %parallel_loop3A_458 = arith.index_cast %parallel_loop3A_321 : i32 to index
      %parallel_loop3A_459 = arith.constant 112 : index
      %parallel_loop3A_460 = tpu.vector_load %arg18[%parallel_loop3A_458, %parallel_loop3A_459] {strides = array<i32>} : memref<64x128xf32, #tpu.memory_space<vmem>>, vector<16xf32>,
      %parallel_loop3A_461 = arith.index_cast %parallel_loop3A_321 : i32 to index
      %parallel_loop3A_462 = arith.constant 112 : index
      %parallel_loop3A_463 = tpu.vector_load %arg19[%parallel_loop3A_461, %parallel_loop3A_462] {strides = array<i32>} : memref<64x128xf32, #tpu.memory_space<vmem>>, vector<16xf32>,
      %parallel_loop3A_464 = arith.mulf %parallel_loop3A_457, %parallel_loop3A_457 : vector<16xf32>
      %parallel_loop3A_465 = arith.addf %parallel_loop3A_446, %parallel_loop3A_464 : vector<16xf32>
      %parallel_loop3A_466 = arith.mulf %parallel_loop3A_460, %parallel_loop3A_460 : vector<16xf32>
      %parallel_loop3A_467 = arith.addf %parallel_loop3A_448, %parallel_loop3A_466 : vector<16xf32>
      %parallel_loop3A_468 = arith.mulf %parallel_loop3A_463, %parallel_loop3A_463 : vector<16xf32>
      %parallel_loop3A_469 = arith.addf %parallel_loop3A_450, %parallel_loop3A_468 : vector<16xf32>
      %parallel_loop3A_470 = arith.mulf %parallel_loop3A_457, %parallel_loop3A_460 : vector<16xf32>
      %parallel_loop3A_471 = arith.addf %parallel_loop3A_452, %parallel_loop3A_470 : vector<16xf32>
      %parallel_loop3A_472 = arith.mulf %parallel_loop3A_457, %parallel_loop3A_463 : vector<16xf32>
      %parallel_loop3A_473 = arith.addf %parallel_loop3A_454, %parallel_loop3A_472 : vector<16xf32>
      %parallel_loop3A_474 = arith.constant 16 : i32
      %parallel_loop3A_475 = arith.muli %parallel_loop3A_321, %parallel_loop3A_474 : i32
      %parallel_loop3A_476 = arith.constant true
      %parallel_loop3A_477 = vector.broadcast %parallel_loop3A_476 : i1 to vector<16xi1>
      %parallel_loop3A_478 = tpu.scan <sum>, %parallel_loop3A_465 masked %parallel_loop3A_477 : vector<16xf32>, vector<16xi1> -> vector<16xf32>
      %parallel_loop3A_479 = arith.index_cast %parallel_loop3A_475 : i32 to index
      %parallel_loop3A_480 = tpu.vector_load %arg23[%parallel_loop3A_479] {strides = array<i32>} : memref<1024xf32, #tpu.memory_space<vmem>>, vector<16xf32>,
      tpu.vector_store %arg23[%parallel_loop3A_479], %parallel_loop3A_478 {strides = array<i32>} : memref<1024xf32, #tpu.memory_space<vmem>>, vector<16xf32>,
      %parallel_loop3A_481 = arith.constant true
      %parallel_loop3A_482 = vector.broadcast %parallel_loop3A_481 : i1 to vector<16xi1>
      %parallel_loop3A_483 = tpu.scan <sum>, %parallel_loop3A_467 masked %parallel_loop3A_482 : vector<16xf32>, vector<16xi1> -> vector<16xf32>
      %parallel_loop3A_484 = arith.index_cast %parallel_loop3A_475 : i32 to index
      %parallel_loop3A_485 = tpu.vector_load %arg24[%parallel_loop3A_484] {strides = array<i32>} : memref<1024xf32, #tpu.memory_space<vmem>>, vector<16xf32>,
      tpu.vector_store %arg24[%parallel_loop3A_484], %parallel_loop3A_483 {strides = array<i32>} : memref<1024xf32, #tpu.memory_space<vmem>>, vector<16xf32>,
      %parallel_loop3A_486 = arith.constant true
      %parallel_loop3A_487 = vector.broadcast %parallel_loop3A_486 : i1 to vector<16xi1>
      %parallel_loop3A_488 = tpu.scan <sum>, %parallel_loop3A_469 masked %parallel_loop3A_487 : vector<16xf32>, vector<16xi1> -> vector<16xf32>
      %parallel_loop3A_489 = arith.index_cast %parallel_loop3A_475 : i32 to index
      %parallel_loop3A_490 = tpu.vector_load %arg25[%parallel_loop3A_489] {strides = array<i32>} : memref<1024xf32, #tpu.memory_space<vmem>>, vector<16xf32>,
      tpu.vector_store %arg25[%parallel_loop3A_489], %parallel_loop3A_488 {strides = array<i32>} : memref<1024xf32, #tpu.memory_space<vmem>>, vector<16xf32>,
      %parallel_loop3A_491 = arith.constant true
      %parallel_loop3A_492 = vector.broadcast %parallel_loop3A_491 : i1 to vector<16xi1>
      %parallel_loop3A_493 = tpu.scan <sum>, %parallel_loop3A_471 masked %parallel_loop3A_492 : vector<16xf32>, vector<16xi1> -> vector<16xf32>
      %parallel_loop3A_494 = arith.index_cast %parallel_loop3A_475 : i32 to index
      %parallel_loop3A_495 = tpu.vector_load %arg26[%parallel_loop3A_494] {strides = array<i32>} : memref<1024xf32, #tpu.memory_space<vmem>>, vector<16xf32>,
      tpu.vector_store %arg26[%parallel_loop3A_494], %parallel_loop3A_493 {strides = array<i32>} : memref<1024xf32, #tpu.memory_space<vmem>>, vector<16xf32>,
      %parallel_loop3A_496 = arith.constant true
      %parallel_loop3A_497 = vector.broadcast %parallel_loop3A_496 : i1 to vector<16xi1>
      %parallel_loop3A_498 = tpu.scan <sum>, %parallel_loop3A_473 masked %parallel_loop3A_497 : vector<16xf32>, vector<16xi1> -> vector<16xf32>
      %parallel_loop3A_499 = arith.index_cast %parallel_loop3A_475 : i32 to index
      %parallel_loop3A_500 = tpu.vector_load %arg27[%parallel_loop3A_499] {strides = array<i32>} : memref<1024xf32, #tpu.memory_space<vmem>>, vector<16xf32>,
      tpu.vector_store %arg27[%parallel_loop3A_499], %parallel_loop3A_498 {strides = array<i32>} : memref<1024xf32, #tpu.memory_space<vmem>>, vector<16xf32>,
    } {sc.loop_unroll_factor = 2 : i64, sc.parallel_access}
    %parallel_loop3A_285 = arith.constant 0 : i32
    %parallel_loop3A_286 = arith.constant 4 : i32
    %parallel_loop3A_287 = arith.constant 1 : i32
    %parallel_loop3A_288 = scf.for %parallel_loop3A_321 = %parallel_loop3A_285 to %parallel_loop3A_286 step %parallel_loop3A_287 iter_args(%parallel_loop3A_322 = %parallel_loop3A_264) -> (vector<16xf32>)  : i32 {
      %parallel_loop3A_323 = arith.constant 16 : i32
      %parallel_loop3A_324 = arith.muli %parallel_loop3A_321, %parallel_loop3A_323 : i32
      %parallel_loop3A_325 = vector.broadcast %parallel_loop3A_324 : i32 to vector<16xi32>
      %parallel_loop3A_326 = arith.addi %iota3A, %parallel_loop3A_325 : vector<16xi32>
      %parallel_loop3A_327 = arith.constant 16 : i32
      %parallel_loop3A_328 = vector.broadcast %parallel_loop3A_327 : i32 to vector<16xi32>
      %parallel_loop3A_329 = arith.muli %parallel_loop3A_326, %parallel_loop3A_328 : vector<16xi32>
      %parallel_loop3A_330 = arith.constant 15 : i32
      %parallel_loop3A_331 = vector.broadcast %parallel_loop3A_330 : i32 to vector<16xi32>
      %parallel_loop3A_332 = arith.addi %parallel_loop3A_329, %parallel_loop3A_331 : vector<16xi32>
      %parallel_loop3A_333 = tpu.vector_load_idx %arg23[%parallel_loop3A_332] : memref<1024xf32, #tpu.memory_space<vmem>>[vector<16xi32>], vector<16xf32>,
      %parallel_loop3A_334 = tpu.vector_load_idx %arg24[%parallel_loop3A_332] : memref<1024xf32, #tpu.memory_space<vmem>>[vector<16xi32>], vector<16xf32>,
      %parallel_loop3A_335 = tpu.vector_load_idx %arg25[%parallel_loop3A_332] : memref<1024xf32, #tpu.memory_space<vmem>>[vector<16xi32>], vector<16xf32>,
      %parallel_loop3A_336 = tpu.vector_load_idx %arg26[%parallel_loop3A_332] : memref<1024xf32, #tpu.memory_space<vmem>>[vector<16xi32>], vector<16xf32>,
      %parallel_loop3A_337 = tpu.vector_load_idx %arg27[%parallel_loop3A_332] : memref<1024xf32, #tpu.memory_space<vmem>>[vector<16xi32>], vector<16xf32>,
      %parallel_loop3A_338 = arith.constant 1.000000e-24 : f32
      %parallel_loop3A_339 = vector.broadcast %parallel_loop3A_338 : f32 to vector<16xf32>
      %parallel_loop3A_340 = arith.maximumf %parallel_loop3A_333, %parallel_loop3A_339 : vector<16xf32>
      %parallel_loop3A_341 = arith.constant 1.000000e-24 : f32
      %parallel_loop3A_342 = vector.broadcast %parallel_loop3A_341 : f32 to vector<16xf32>
      %parallel_loop3A_343 = arith.maximumf %parallel_loop3A_334, %parallel_loop3A_342 : vector<16xf32>
      %parallel_loop3A_344 = arith.constant 1.000000e-24 : f32
      %parallel_loop3A_345 = vector.broadcast %parallel_loop3A_344 : f32 to vector<16xf32>
      %parallel_loop3A_346 = arith.maximumf %parallel_loop3A_335, %parallel_loop3A_345 : vector<16xf32>
      %parallel_loop3A_347 = arith.mulf %parallel_loop3A_340, %parallel_loop3A_343 : vector<16xf32>
      %parallel_loop3A_348 = vector.bitcast %parallel_loop3A_347 : vector<16xf32> to vector<16xi32>
      %parallel_loop3A_349 = arith.constant 1 : i32
      %parallel_loop3A_350 = vector.broadcast %parallel_loop3A_349 : i32 to vector<16xi32>
      %parallel_loop3A_351 = arith.shrui %parallel_loop3A_348, %parallel_loop3A_350 : vector<16xi32>
      %parallel_loop3A_352 = arith.constant 1597463007 : i32
      %parallel_loop3A_353 = vector.broadcast %parallel_loop3A_352 : i32 to vector<16xi32>
      %parallel_loop3A_354 = arith.subi %parallel_loop3A_353, %parallel_loop3A_351 : vector<16xi32>
      %parallel_loop3A_355 = vector.bitcast %parallel_loop3A_354 : vector<16xi32> to vector<16xf32>
      %parallel_loop3A_356 = arith.constant 5.000000e-01 : f32
      %parallel_loop3A_357 = vector.broadcast %parallel_loop3A_356 : f32 to vector<16xf32>
      %parallel_loop3A_358 = arith.mulf %parallel_loop3A_357, %parallel_loop3A_347 : vector<16xf32>
      %parallel_loop3A_359 = arith.mulf %parallel_loop3A_358, %parallel_loop3A_355 : vector<16xf32>
      %parallel_loop3A_360 = arith.mulf %parallel_loop3A_359, %parallel_loop3A_355 : vector<16xf32>
      %parallel_loop3A_361 = arith.constant 1.500000e+00 : f32
      %parallel_loop3A_362 = vector.broadcast %parallel_loop3A_361 : f32 to vector<16xf32>
      %parallel_loop3A_363 = arith.subf %parallel_loop3A_362, %parallel_loop3A_360 : vector<16xf32>
      %parallel_loop3A_364 = arith.mulf %parallel_loop3A_355, %parallel_loop3A_363 : vector<16xf32>
      %parallel_loop3A_365 = arith.constant 5.000000e-01 : f32
      %parallel_loop3A_366 = vector.broadcast %parallel_loop3A_365 : f32 to vector<16xf32>
      %parallel_loop3A_367 = arith.mulf %parallel_loop3A_366, %parallel_loop3A_347 : vector<16xf32>
      %parallel_loop3A_368 = arith.mulf %parallel_loop3A_367, %parallel_loop3A_364 : vector<16xf32>
      %parallel_loop3A_369 = arith.mulf %parallel_loop3A_368, %parallel_loop3A_364 : vector<16xf32>
      %parallel_loop3A_370 = arith.constant 1.500000e+00 : f32
      %parallel_loop3A_371 = vector.broadcast %parallel_loop3A_370 : f32 to vector<16xf32>
      %parallel_loop3A_372 = arith.subf %parallel_loop3A_371, %parallel_loop3A_369 : vector<16xf32>
      %parallel_loop3A_373 = arith.mulf %parallel_loop3A_364, %parallel_loop3A_372 : vector<16xf32>
      %parallel_loop3A_374 = arith.constant 5.000000e-01 : f32
      %parallel_loop3A_375 = vector.broadcast %parallel_loop3A_374 : f32 to vector<16xf32>
      %parallel_loop3A_376 = arith.mulf %parallel_loop3A_375, %parallel_loop3A_347 : vector<16xf32>
      %parallel_loop3A_377 = arith.mulf %parallel_loop3A_376, %parallel_loop3A_373 : vector<16xf32>
      %parallel_loop3A_378 = arith.mulf %parallel_loop3A_377, %parallel_loop3A_373 : vector<16xf32>
      %parallel_loop3A_379 = arith.constant 1.500000e+00 : f32
      %parallel_loop3A_380 = vector.broadcast %parallel_loop3A_379 : f32 to vector<16xf32>
      %parallel_loop3A_381 = arith.subf %parallel_loop3A_380, %parallel_loop3A_378 : vector<16xf32>
      %parallel_loop3A_382 = arith.mulf %parallel_loop3A_373, %parallel_loop3A_381 : vector<16xf32>
      %parallel_loop3A_383 = arith.mulf %parallel_loop3A_336, %parallel_loop3A_382 : vector<16xf32>
      %parallel_loop3A_384 = arith.mulf %parallel_loop3A_340, %parallel_loop3A_346 : vector<16xf32>
      %parallel_loop3A_385 = vector.bitcast %parallel_loop3A_384 : vector<16xf32> to vector<16xi32>
      %parallel_loop3A_386 = arith.constant 1 : i32
      %parallel_loop3A_387 = vector.broadcast %parallel_loop3A_386 : i32 to vector<16xi32>
      %parallel_loop3A_388 = arith.shrui %parallel_loop3A_385, %parallel_loop3A_387 : vector<16xi32>
      %parallel_loop3A_389 = arith.constant 1597463007 : i32
      %parallel_loop3A_390 = vector.broadcast %parallel_loop3A_389 : i32 to vector<16xi32>
      %parallel_loop3A_391 = arith.subi %parallel_loop3A_390, %parallel_loop3A_388 : vector<16xi32>
      %parallel_loop3A_392 = vector.bitcast %parallel_loop3A_391 : vector<16xi32> to vector<16xf32>
      %parallel_loop3A_393 = arith.constant 5.000000e-01 : f32
      %parallel_loop3A_394 = vector.broadcast %parallel_loop3A_393 : f32 to vector<16xf32>
      %parallel_loop3A_395 = arith.mulf %parallel_loop3A_394, %parallel_loop3A_384 : vector<16xf32>
      %parallel_loop3A_396 = arith.mulf %parallel_loop3A_395, %parallel_loop3A_392 : vector<16xf32>
      %parallel_loop3A_397 = arith.mulf %parallel_loop3A_396, %parallel_loop3A_392 : vector<16xf32>
      %parallel_loop3A_398 = arith.constant 1.500000e+00 : f32
      %parallel_loop3A_399 = vector.broadcast %parallel_loop3A_398 : f32 to vector<16xf32>
      %parallel_loop3A_400 = arith.subf %parallel_loop3A_399, %parallel_loop3A_397 : vector<16xf32>
      %parallel_loop3A_401 = arith.mulf %parallel_loop3A_392, %parallel_loop3A_400 : vector<16xf32>
      %parallel_loop3A_402 = arith.constant 5.000000e-01 : f32
      %parallel_loop3A_403 = vector.broadcast %parallel_loop3A_402 : f32 to vector<16xf32>
      %parallel_loop3A_404 = arith.mulf %parallel_loop3A_403, %parallel_loop3A_384 : vector<16xf32>
      %parallel_loop3A_405 = arith.mulf %parallel_loop3A_404, %parallel_loop3A_401 : vector<16xf32>
      %parallel_loop3A_406 = arith.mulf %parallel_loop3A_405, %parallel_loop3A_401 : vector<16xf32>
      %parallel_loop3A_407 = arith.constant 1.500000e+00 : f32
      %parallel_loop3A_408 = vector.broadcast %parallel_loop3A_407 : f32 to vector<16xf32>
      %parallel_loop3A_409 = arith.subf %parallel_loop3A_408, %parallel_loop3A_406 : vector<16xf32>
      %parallel_loop3A_410 = arith.mulf %parallel_loop3A_401, %parallel_loop3A_409 : vector<16xf32>
      %parallel_loop3A_411 = arith.constant 5.000000e-01 : f32
      %parallel_loop3A_412 = vector.broadcast %parallel_loop3A_411 : f32 to vector<16xf32>
      %parallel_loop3A_413 = arith.mulf %parallel_loop3A_412, %parallel_loop3A_384 : vector<16xf32>
      %parallel_loop3A_414 = arith.mulf %parallel_loop3A_413, %parallel_loop3A_410 : vector<16xf32>
      %parallel_loop3A_415 = arith.mulf %parallel_loop3A_414, %parallel_loop3A_410 : vector<16xf32>
      %parallel_loop3A_416 = arith.constant 1.500000e+00 : f32
      %parallel_loop3A_417 = vector.broadcast %parallel_loop3A_416 : f32 to vector<16xf32>
      %parallel_loop3A_418 = arith.subf %parallel_loop3A_417, %parallel_loop3A_415 : vector<16xf32>
      %parallel_loop3A_419 = arith.mulf %parallel_loop3A_410, %parallel_loop3A_418 : vector<16xf32>
      %parallel_loop3A_420 = arith.mulf %parallel_loop3A_337, %parallel_loop3A_419 : vector<16xf32>
      %parallel_loop3A_421 = arith.constant 1.000000e+00 : f32
      %parallel_loop3A_422 = vector.broadcast %parallel_loop3A_421 : f32 to vector<16xf32>
      %parallel_loop3A_423 = arith.subf %parallel_loop3A_422, %parallel_loop3A_383 : vector<16xf32>
      %parallel_loop3A_424 = arith.addf %parallel_loop3A_423, %parallel_loop3A_420 : vector<16xf32>
      %parallel_loop3A_425 = arith.constant 0.000000e+00 : f32
      %parallel_loop3A_426 = vector.broadcast %parallel_loop3A_425 : f32 to vector<16xf32>
      %parallel_loop3A_427 = arith.maximumf %parallel_loop3A_426, %parallel_loop3A_424 : vector<16xf32>
      %parallel_loop3A_428 = arith.addf %parallel_loop3A_322, %parallel_loop3A_427 : vector<16xf32>
      scf.yield %parallel_loop3A_428 : vector<16xf32>
    } {sc.loop_unroll_factor = 2 : i64, sc.parallel_access}
    %dma_wait3A_289 = arith.constant 448 : i32
    %dma_wait3A_290 = tpu.memref_slice %arg8[%dma_wait3A_289] : memref<512xi32, #tpu.memory_space<vmem>> -> memref<64xi32, #tpu.memory_space<vmem>>
    %dma_wait3A_291 = arith.constant 0 : i32
    %dma_wait3A_292 = arith.constant 0 : i32
    %dma_wait3A_293 = tpu.memref_slice %arg5[%dma_wait3A_291, %dma_wait3A_292] : memref<100001x128xf32, #tpu.memory_space<hbm>> -> memref<100001x128xf32, #tpu.memory_space<hbm>>
    tpu.wait_indirect_dma semaphore(%arg32 : memref<!tpu.dma_semaphore, #tpu.memory_space<semaphore_mem>>) src(%dma_wait3A_293 : memref<100001x128xf32, #tpu.memory_space<hbm>>) dst(%arg20 : memref<64x128xf32, #tpu.memory_space<vmem>>)
    %dma_wait3A_294 = arith.constant 448 : i32
    %dma_wait3A_295 = tpu.memref_slice %arg9[%dma_wait3A_294] : memref<512xi32, #tpu.memory_space<vmem>> -> memref<64xi32, #tpu.memory_space<vmem>>
    %dma_wait3A_296 = arith.constant 0 : i32
    %dma_wait3A_297 = arith.constant 0 : i32
    %dma_wait3A_298 = tpu.memref_slice %arg6[%dma_wait3A_296, %dma_wait3A_297] : memref<100001x128xf32, #tpu.memory_space<hbm>> -> memref<100001x128xf32, #tpu.memory_space<hbm>>
    tpu.wait_indirect_dma semaphore(%arg32 : memref<!tpu.dma_semaphore, #tpu.memory_space<semaphore_mem>>) src(%dma_wait3A_298 : memref<100001x128xf32, #tpu.memory_space<hbm>>) dst(%arg21 : memref<64x128xf32, #tpu.memory_space<vmem>>)
    %dma_wait3A_299 = arith.constant 448 : i32
    %dma_wait3A_300 = tpu.memref_slice %arg10[%dma_wait3A_299] : memref<512xi32, #tpu.memory_space<vmem>> -> memref<64xi32, #tpu.memory_space<vmem>>
    %dma_wait3A_301 = arith.constant 0 : i32
    %dma_wait3A_302 = arith.constant 0 : i32
    %dma_wait3A_303 = tpu.memref_slice %arg6[%dma_wait3A_301, %dma_wait3A_302] : memref<100001x128xf32, #tpu.memory_space<hbm>> -> memref<100001x128xf32, #tpu.memory_space<hbm>>
    tpu.wait_indirect_dma semaphore(%arg32 : memref<!tpu.dma_semaphore, #tpu.memory_space<semaphore_mem>>) src(%dma_wait3A_303 : memref<100001x128xf32, #tpu.memory_space<hbm>>) dst(%arg22 : memref<64x128xf32, #tpu.memory_space<vmem>>)
    %broadcast_in_dim3A_304 = arith.constant 0.000000e+00 : f32
    %broadcast_in_dim3A_305 = vector.broadcast %broadcast_in_dim3A_304 : f32 to vector<16xf32>
    %parallel_loop3A_306 = arith.constant 0 : i32
    %parallel_loop3A_307 = arith.constant 64 : i32
    %parallel_loop3A_308 = arith.constant 1 : i32
    scf.for %parallel_loop3A_321 = %parallel_loop3A_306 to %parallel_loop3A_307 step %parallel_loop3A_308  : i32 {
      %parallel_loop3A_322 = arith.index_cast %parallel_loop3A_321 : i32 to index
      %parallel_loop3A_323 = arith.constant 0 : index
      %parallel_loop3A_324 = tpu.vector_load %arg20[%parallel_loop3A_322, %parallel_loop3A_323] {strides = array<i32>} : memref<64x128xf32, #tpu.memory_space<vmem>>, vector<16xf32>,
      %parallel_loop3A_325 = arith.index_cast %parallel_loop3A_321 : i32 to index
      %parallel_loop3A_326 = arith.constant 0 : index
      %parallel_loop3A_327 = tpu.vector_load %arg21[%parallel_loop3A_325, %parallel_loop3A_326] {strides = array<i32>} : memref<64x128xf32, #tpu.memory_space<vmem>>, vector<16xf32>,
      %parallel_loop3A_328 = arith.index_cast %parallel_loop3A_321 : i32 to index
      %parallel_loop3A_329 = arith.constant 0 : index
      %parallel_loop3A_330 = tpu.vector_load %arg22[%parallel_loop3A_328, %parallel_loop3A_329] {strides = array<i32>} : memref<64x128xf32, #tpu.memory_space<vmem>>, vector<16xf32>,
      %parallel_loop3A_331 = arith.mulf %parallel_loop3A_324, %parallel_loop3A_324 : vector<16xf32>
      %parallel_loop3A_332 = arith.addf %broadcast_in_dim3A_305, %parallel_loop3A_331 : vector<16xf32>
      %parallel_loop3A_333 = arith.mulf %parallel_loop3A_327, %parallel_loop3A_327 : vector<16xf32>
      %parallel_loop3A_334 = arith.addf %broadcast_in_dim3A_305, %parallel_loop3A_333 : vector<16xf32>
      %parallel_loop3A_335 = arith.mulf %parallel_loop3A_330, %parallel_loop3A_330 : vector<16xf32>
      %parallel_loop3A_336 = arith.addf %broadcast_in_dim3A_305, %parallel_loop3A_335 : vector<16xf32>
      %parallel_loop3A_337 = arith.mulf %parallel_loop3A_324, %parallel_loop3A_327 : vector<16xf32>
      %parallel_loop3A_338 = arith.addf %broadcast_in_dim3A_305, %parallel_loop3A_337 : vector<16xf32>
      %parallel_loop3A_339 = arith.mulf %parallel_loop3A_324, %parallel_loop3A_330 : vector<16xf32>
      %parallel_loop3A_340 = arith.addf %broadcast_in_dim3A_305, %parallel_loop3A_339 : vector<16xf32>
      %parallel_loop3A_341 = arith.index_cast %parallel_loop3A_321 : i32 to index
      %parallel_loop3A_342 = arith.constant 16 : index
      %parallel_loop3A_343 = tpu.vector_load %arg20[%parallel_loop3A_341, %parallel_loop3A_342] {strides = array<i32>} : memref<64x128xf32, #tpu.memory_space<vmem>>, vector<16xf32>,
      %parallel_loop3A_344 = arith.index_cast %parallel_loop3A_321 : i32 to index
      %parallel_loop3A_345 = arith.constant 16 : index
      %parallel_loop3A_346 = tpu.vector_load %arg21[%parallel_loop3A_344, %parallel_loop3A_345] {strides = array<i32>} : memref<64x128xf32, #tpu.memory_space<vmem>>, vector<16xf32>,
      %parallel_loop3A_347 = arith.index_cast %parallel_loop3A_321 : i32 to index
      %parallel_loop3A_348 = arith.constant 16 : index
      %parallel_loop3A_349 = tpu.vector_load %arg22[%parallel_loop3A_347, %parallel_loop3A_348] {strides = array<i32>} : memref<64x128xf32, #tpu.memory_space<vmem>>, vector<16xf32>,
      %parallel_loop3A_350 = arith.mulf %parallel_loop3A_343, %parallel_loop3A_343 : vector<16xf32>
      %parallel_loop3A_351 = arith.addf %parallel_loop3A_332, %parallel_loop3A_350 : vector<16xf32>
      %parallel_loop3A_352 = arith.mulf %parallel_loop3A_346, %parallel_loop3A_346 : vector<16xf32>
      %parallel_loop3A_353 = arith.addf %parallel_loop3A_334, %parallel_loop3A_352 : vector<16xf32>
      %parallel_loop3A_354 = arith.mulf %parallel_loop3A_349, %parallel_loop3A_349 : vector<16xf32>
      %parallel_loop3A_355 = arith.addf %parallel_loop3A_336, %parallel_loop3A_354 : vector<16xf32>
      %parallel_loop3A_356 = arith.mulf %parallel_loop3A_343, %parallel_loop3A_346 : vector<16xf32>
      %parallel_loop3A_357 = arith.addf %parallel_loop3A_338, %parallel_loop3A_356 : vector<16xf32>
      %parallel_loop3A_358 = arith.mulf %parallel_loop3A_343, %parallel_loop3A_349 : vector<16xf32>
      %parallel_loop3A_359 = arith.addf %parallel_loop3A_340, %parallel_loop3A_358 : vector<16xf32>
      %parallel_loop3A_360 = arith.index_cast %parallel_loop3A_321 : i32 to index
      %parallel_loop3A_361 = arith.constant 32 : index
      %parallel_loop3A_362 = tpu.vector_load %arg20[%parallel_loop3A_360, %parallel_loop3A_361] {strides = array<i32>} : memref<64x128xf32, #tpu.memory_space<vmem>>, vector<16xf32>,
      %parallel_loop3A_363 = arith.index_cast %parallel_loop3A_321 : i32 to index
      %parallel_loop3A_364 = arith.constant 32 : index
      %parallel_loop3A_365 = tpu.vector_load %arg21[%parallel_loop3A_363, %parallel_loop3A_364] {strides = array<i32>} : memref<64x128xf32, #tpu.memory_space<vmem>>, vector<16xf32>,
      %parallel_loop3A_366 = arith.index_cast %parallel_loop3A_321 : i32 to index
      %parallel_loop3A_367 = arith.constant 32 : index
      %parallel_loop3A_368 = tpu.vector_load %arg22[%parallel_loop3A_366, %parallel_loop3A_367] {strides = array<i32>} : memref<64x128xf32, #tpu.memory_space<vmem>>, vector<16xf32>,
      %parallel_loop3A_369 = arith.mulf %parallel_loop3A_362, %parallel_loop3A_362 : vector<16xf32>
      %parallel_loop3A_370 = arith.addf %parallel_loop3A_351, %parallel_loop3A_369 : vector<16xf32>
      %parallel_loop3A_371 = arith.mulf %parallel_loop3A_365, %parallel_loop3A_365 : vector<16xf32>
      %parallel_loop3A_372 = arith.addf %parallel_loop3A_353, %parallel_loop3A_371 : vector<16xf32>
      %parallel_loop3A_373 = arith.mulf %parallel_loop3A_368, %parallel_loop3A_368 : vector<16xf32>
      %parallel_loop3A_374 = arith.addf %parallel_loop3A_355, %parallel_loop3A_373 : vector<16xf32>
      %parallel_loop3A_375 = arith.mulf %parallel_loop3A_362, %parallel_loop3A_365 : vector<16xf32>
      %parallel_loop3A_376 = arith.addf %parallel_loop3A_357, %parallel_loop3A_375 : vector<16xf32>
      %parallel_loop3A_377 = arith.mulf %parallel_loop3A_362, %parallel_loop3A_368 : vector<16xf32>
      %parallel_loop3A_378 = arith.addf %parallel_loop3A_359, %parallel_loop3A_377 : vector<16xf32>
      %parallel_loop3A_379 = arith.index_cast %parallel_loop3A_321 : i32 to index
      %parallel_loop3A_380 = arith.constant 48 : index
      %parallel_loop3A_381 = tpu.vector_load %arg20[%parallel_loop3A_379, %parallel_loop3A_380] {strides = array<i32>} : memref<64x128xf32, #tpu.memory_space<vmem>>, vector<16xf32>,
      %parallel_loop3A_382 = arith.index_cast %parallel_loop3A_321 : i32 to index
      %parallel_loop3A_383 = arith.constant 48 : index
      %parallel_loop3A_384 = tpu.vector_load %arg21[%parallel_loop3A_382, %parallel_loop3A_383] {strides = array<i32>} : memref<64x128xf32, #tpu.memory_space<vmem>>, vector<16xf32>,
      %parallel_loop3A_385 = arith.index_cast %parallel_loop3A_321 : i32 to index
      %parallel_loop3A_386 = arith.constant 48 : index
      %parallel_loop3A_387 = tpu.vector_load %arg22[%parallel_loop3A_385, %parallel_loop3A_386] {strides = array<i32>} : memref<64x128xf32, #tpu.memory_space<vmem>>, vector<16xf32>,
      %parallel_loop3A_388 = arith.mulf %parallel_loop3A_381, %parallel_loop3A_381 : vector<16xf32>
      %parallel_loop3A_389 = arith.addf %parallel_loop3A_370, %parallel_loop3A_388 : vector<16xf32>
      %parallel_loop3A_390 = arith.mulf %parallel_loop3A_384, %parallel_loop3A_384 : vector<16xf32>
      %parallel_loop3A_391 = arith.addf %parallel_loop3A_372, %parallel_loop3A_390 : vector<16xf32>
      %parallel_loop3A_392 = arith.mulf %parallel_loop3A_387, %parallel_loop3A_387 : vector<16xf32>
      %parallel_loop3A_393 = arith.addf %parallel_loop3A_374, %parallel_loop3A_392 : vector<16xf32>
      %parallel_loop3A_394 = arith.mulf %parallel_loop3A_381, %parallel_loop3A_384 : vector<16xf32>
      %parallel_loop3A_395 = arith.addf %parallel_loop3A_376, %parallel_loop3A_394 : vector<16xf32>
      %parallel_loop3A_396 = arith.mulf %parallel_loop3A_381, %parallel_loop3A_387 : vector<16xf32>
      %parallel_loop3A_397 = arith.addf %parallel_loop3A_378, %parallel_loop3A_396 : vector<16xf32>
      %parallel_loop3A_398 = arith.index_cast %parallel_loop3A_321 : i32 to index
      %parallel_loop3A_399 = arith.constant 64 : index
      %parallel_loop3A_400 = tpu.vector_load %arg20[%parallel_loop3A_398, %parallel_loop3A_399] {strides = array<i32>} : memref<64x128xf32, #tpu.memory_space<vmem>>, vector<16xf32>,
      %parallel_loop3A_401 = arith.index_cast %parallel_loop3A_321 : i32 to index
      %parallel_loop3A_402 = arith.constant 64 : index
      %parallel_loop3A_403 = tpu.vector_load %arg21[%parallel_loop3A_401, %parallel_loop3A_402] {strides = array<i32>} : memref<64x128xf32, #tpu.memory_space<vmem>>, vector<16xf32>,
      %parallel_loop3A_404 = arith.index_cast %parallel_loop3A_321 : i32 to index
      %parallel_loop3A_405 = arith.constant 64 : index
      %parallel_loop3A_406 = tpu.vector_load %arg22[%parallel_loop3A_404, %parallel_loop3A_405] {strides = array<i32>} : memref<64x128xf32, #tpu.memory_space<vmem>>, vector<16xf32>,
      %parallel_loop3A_407 = arith.mulf %parallel_loop3A_400, %parallel_loop3A_400 : vector<16xf32>
      %parallel_loop3A_408 = arith.addf %parallel_loop3A_389, %parallel_loop3A_407 : vector<16xf32>
      %parallel_loop3A_409 = arith.mulf %parallel_loop3A_403, %parallel_loop3A_403 : vector<16xf32>
      %parallel_loop3A_410 = arith.addf %parallel_loop3A_391, %parallel_loop3A_409 : vector<16xf32>
      %parallel_loop3A_411 = arith.mulf %parallel_loop3A_406, %parallel_loop3A_406 : vector<16xf32>
      %parallel_loop3A_412 = arith.addf %parallel_loop3A_393, %parallel_loop3A_411 : vector<16xf32>
      %parallel_loop3A_413 = arith.mulf %parallel_loop3A_400, %parallel_loop3A_403 : vector<16xf32>
      %parallel_loop3A_414 = arith.addf %parallel_loop3A_395, %parallel_loop3A_413 : vector<16xf32>
      %parallel_loop3A_415 = arith.mulf %parallel_loop3A_400, %parallel_loop3A_406 : vector<16xf32>
      %parallel_loop3A_416 = arith.addf %parallel_loop3A_397, %parallel_loop3A_415 : vector<16xf32>
      %parallel_loop3A_417 = arith.index_cast %parallel_loop3A_321 : i32 to index
      %parallel_loop3A_418 = arith.constant 80 : index
      %parallel_loop3A_419 = tpu.vector_load %arg20[%parallel_loop3A_417, %parallel_loop3A_418] {strides = array<i32>} : memref<64x128xf32, #tpu.memory_space<vmem>>, vector<16xf32>,
      %parallel_loop3A_420 = arith.index_cast %parallel_loop3A_321 : i32 to index
      %parallel_loop3A_421 = arith.constant 80 : index
      %parallel_loop3A_422 = tpu.vector_load %arg21[%parallel_loop3A_420, %parallel_loop3A_421] {strides = array<i32>} : memref<64x128xf32, #tpu.memory_space<vmem>>, vector<16xf32>,
      %parallel_loop3A_423 = arith.index_cast %parallel_loop3A_321 : i32 to index
      %parallel_loop3A_424 = arith.constant 80 : index
      %parallel_loop3A_425 = tpu.vector_load %arg22[%parallel_loop3A_423, %parallel_loop3A_424] {strides = array<i32>} : memref<64x128xf32, #tpu.memory_space<vmem>>, vector<16xf32>,
      %parallel_loop3A_426 = arith.mulf %parallel_loop3A_419, %parallel_loop3A_419 : vector<16xf32>
      %parallel_loop3A_427 = arith.addf %parallel_loop3A_408, %parallel_loop3A_426 : vector<16xf32>
      %parallel_loop3A_428 = arith.mulf %parallel_loop3A_422, %parallel_loop3A_422 : vector<16xf32>
      %parallel_loop3A_429 = arith.addf %parallel_loop3A_410, %parallel_loop3A_428 : vector<16xf32>
      %parallel_loop3A_430 = arith.mulf %parallel_loop3A_425, %parallel_loop3A_425 : vector<16xf32>
      %parallel_loop3A_431 = arith.addf %parallel_loop3A_412, %parallel_loop3A_430 : vector<16xf32>
      %parallel_loop3A_432 = arith.mulf %parallel_loop3A_419, %parallel_loop3A_422 : vector<16xf32>
      %parallel_loop3A_433 = arith.addf %parallel_loop3A_414, %parallel_loop3A_432 : vector<16xf32>
      %parallel_loop3A_434 = arith.mulf %parallel_loop3A_419, %parallel_loop3A_425 : vector<16xf32>
      %parallel_loop3A_435 = arith.addf %parallel_loop3A_416, %parallel_loop3A_434 : vector<16xf32>
      %parallel_loop3A_436 = arith.index_cast %parallel_loop3A_321 : i32 to index
      %parallel_loop3A_437 = arith.constant 96 : index
      %parallel_loop3A_438 = tpu.vector_load %arg20[%parallel_loop3A_436, %parallel_loop3A_437] {strides = array<i32>} : memref<64x128xf32, #tpu.memory_space<vmem>>, vector<16xf32>,
      %parallel_loop3A_439 = arith.index_cast %parallel_loop3A_321 : i32 to index
      %parallel_loop3A_440 = arith.constant 96 : index
      %parallel_loop3A_441 = tpu.vector_load %arg21[%parallel_loop3A_439, %parallel_loop3A_440] {strides = array<i32>} : memref<64x128xf32, #tpu.memory_space<vmem>>, vector<16xf32>,
      %parallel_loop3A_442 = arith.index_cast %parallel_loop3A_321 : i32 to index
      %parallel_loop3A_443 = arith.constant 96 : index
      %parallel_loop3A_444 = tpu.vector_load %arg22[%parallel_loop3A_442, %parallel_loop3A_443] {strides = array<i32>} : memref<64x128xf32, #tpu.memory_space<vmem>>, vector<16xf32>,
      %parallel_loop3A_445 = arith.mulf %parallel_loop3A_438, %parallel_loop3A_438 : vector<16xf32>
      %parallel_loop3A_446 = arith.addf %parallel_loop3A_427, %parallel_loop3A_445 : vector<16xf32>
      %parallel_loop3A_447 = arith.mulf %parallel_loop3A_441, %parallel_loop3A_441 : vector<16xf32>
      %parallel_loop3A_448 = arith.addf %parallel_loop3A_429, %parallel_loop3A_447 : vector<16xf32>
      %parallel_loop3A_449 = arith.mulf %parallel_loop3A_444, %parallel_loop3A_444 : vector<16xf32>
      %parallel_loop3A_450 = arith.addf %parallel_loop3A_431, %parallel_loop3A_449 : vector<16xf32>
      %parallel_loop3A_451 = arith.mulf %parallel_loop3A_438, %parallel_loop3A_441 : vector<16xf32>
      %parallel_loop3A_452 = arith.addf %parallel_loop3A_433, %parallel_loop3A_451 : vector<16xf32>
      %parallel_loop3A_453 = arith.mulf %parallel_loop3A_438, %parallel_loop3A_444 : vector<16xf32>
      %parallel_loop3A_454 = arith.addf %parallel_loop3A_435, %parallel_loop3A_453 : vector<16xf32>
      %parallel_loop3A_455 = arith.index_cast %parallel_loop3A_321 : i32 to index
      %parallel_loop3A_456 = arith.constant 112 : index
      %parallel_loop3A_457 = tpu.vector_load %arg20[%parallel_loop3A_455, %parallel_loop3A_456] {strides = array<i32>} : memref<64x128xf32, #tpu.memory_space<vmem>>, vector<16xf32>,
      %parallel_loop3A_458 = arith.index_cast %parallel_loop3A_321 : i32 to index
      %parallel_loop3A_459 = arith.constant 112 : index
      %parallel_loop3A_460 = tpu.vector_load %arg21[%parallel_loop3A_458, %parallel_loop3A_459] {strides = array<i32>} : memref<64x128xf32, #tpu.memory_space<vmem>>, vector<16xf32>,
      %parallel_loop3A_461 = arith.index_cast %parallel_loop3A_321 : i32 to index
      %parallel_loop3A_462 = arith.constant 112 : index
      %parallel_loop3A_463 = tpu.vector_load %arg22[%parallel_loop3A_461, %parallel_loop3A_462] {strides = array<i32>} : memref<64x128xf32, #tpu.memory_space<vmem>>, vector<16xf32>,
      %parallel_loop3A_464 = arith.mulf %parallel_loop3A_457, %parallel_loop3A_457 : vector<16xf32>
      %parallel_loop3A_465 = arith.addf %parallel_loop3A_446, %parallel_loop3A_464 : vector<16xf32>
      %parallel_loop3A_466 = arith.mulf %parallel_loop3A_460, %parallel_loop3A_460 : vector<16xf32>
      %parallel_loop3A_467 = arith.addf %parallel_loop3A_448, %parallel_loop3A_466 : vector<16xf32>
      %parallel_loop3A_468 = arith.mulf %parallel_loop3A_463, %parallel_loop3A_463 : vector<16xf32>
      %parallel_loop3A_469 = arith.addf %parallel_loop3A_450, %parallel_loop3A_468 : vector<16xf32>
      %parallel_loop3A_470 = arith.mulf %parallel_loop3A_457, %parallel_loop3A_460 : vector<16xf32>
      %parallel_loop3A_471 = arith.addf %parallel_loop3A_452, %parallel_loop3A_470 : vector<16xf32>
      %parallel_loop3A_472 = arith.mulf %parallel_loop3A_457, %parallel_loop3A_463 : vector<16xf32>
      %parallel_loop3A_473 = arith.addf %parallel_loop3A_454, %parallel_loop3A_472 : vector<16xf32>
      %parallel_loop3A_474 = arith.constant 16 : i32
      %parallel_loop3A_475 = arith.muli %parallel_loop3A_321, %parallel_loop3A_474 : i32
      %parallel_loop3A_476 = arith.constant true
      %parallel_loop3A_477 = vector.broadcast %parallel_loop3A_476 : i1 to vector<16xi1>
      %parallel_loop3A_478 = tpu.scan <sum>, %parallel_loop3A_465 masked %parallel_loop3A_477 : vector<16xf32>, vector<16xi1> -> vector<16xf32>
      %parallel_loop3A_479 = arith.index_cast %parallel_loop3A_475 : i32 to index
      %parallel_loop3A_480 = tpu.vector_load %arg23[%parallel_loop3A_479] {strides = array<i32>} : memref<1024xf32, #tpu.memory_space<vmem>>, vector<16xf32>,
      tpu.vector_store %arg23[%parallel_loop3A_479], %parallel_loop3A_478 {strides = array<i32>} : memref<1024xf32, #tpu.memory_space<vmem>>, vector<16xf32>,
      %parallel_loop3A_481 = arith.constant true
      %parallel_loop3A_482 = vector.broadcast %parallel_loop3A_481 : i1 to vector<16xi1>
      %parallel_loop3A_483 = tpu.scan <sum>, %parallel_loop3A_467 masked %parallel_loop3A_482 : vector<16xf32>, vector<16xi1> -> vector<16xf32>
      %parallel_loop3A_484 = arith.index_cast %parallel_loop3A_475 : i32 to index
      %parallel_loop3A_485 = tpu.vector_load %arg24[%parallel_loop3A_484] {strides = array<i32>} : memref<1024xf32, #tpu.memory_space<vmem>>, vector<16xf32>,
      tpu.vector_store %arg24[%parallel_loop3A_484], %parallel_loop3A_483 {strides = array<i32>} : memref<1024xf32, #tpu.memory_space<vmem>>, vector<16xf32>,
      %parallel_loop3A_486 = arith.constant true
      %parallel_loop3A_487 = vector.broadcast %parallel_loop3A_486 : i1 to vector<16xi1>
      %parallel_loop3A_488 = tpu.scan <sum>, %parallel_loop3A_469 masked %parallel_loop3A_487 : vector<16xf32>, vector<16xi1> -> vector<16xf32>
      %parallel_loop3A_489 = arith.index_cast %parallel_loop3A_475 : i32 to index
      %parallel_loop3A_490 = tpu.vector_load %arg25[%parallel_loop3A_489] {strides = array<i32>} : memref<1024xf32, #tpu.memory_space<vmem>>, vector<16xf32>,
      tpu.vector_store %arg25[%parallel_loop3A_489], %parallel_loop3A_488 {strides = array<i32>} : memref<1024xf32, #tpu.memory_space<vmem>>, vector<16xf32>,
      %parallel_loop3A_491 = arith.constant true
      %parallel_loop3A_492 = vector.broadcast %parallel_loop3A_491 : i1 to vector<16xi1>
      %parallel_loop3A_493 = tpu.scan <sum>, %parallel_loop3A_471 masked %parallel_loop3A_492 : vector<16xf32>, vector<16xi1> -> vector<16xf32>
      %parallel_loop3A_494 = arith.index_cast %parallel_loop3A_475 : i32 to index
      %parallel_loop3A_495 = tpu.vector_load %arg26[%parallel_loop3A_494] {strides = array<i32>} : memref<1024xf32, #tpu.memory_space<vmem>>, vector<16xf32>,
      tpu.vector_store %arg26[%parallel_loop3A_494], %parallel_loop3A_493 {strides = array<i32>} : memref<1024xf32, #tpu.memory_space<vmem>>, vector<16xf32>,
      %parallel_loop3A_496 = arith.constant true
      %parallel_loop3A_497 = vector.broadcast %parallel_loop3A_496 : i1 to vector<16xi1>
      %parallel_loop3A_498 = tpu.scan <sum>, %parallel_loop3A_473 masked %parallel_loop3A_497 : vector<16xf32>, vector<16xi1> -> vector<16xf32>
      %parallel_loop3A_499 = arith.index_cast %parallel_loop3A_475 : i32 to index
      %parallel_loop3A_500 = tpu.vector_load %arg27[%parallel_loop3A_499] {strides = array<i32>} : memref<1024xf32, #tpu.memory_space<vmem>>, vector<16xf32>,
      tpu.vector_store %arg27[%parallel_loop3A_499], %parallel_loop3A_498 {strides = array<i32>} : memref<1024xf32, #tpu.memory_space<vmem>>, vector<16xf32>,
    } {sc.loop_unroll_factor = 2 : i64, sc.parallel_access}
    %parallel_loop3A_309 = arith.constant 0 : i32
    %parallel_loop3A_310 = arith.constant 4 : i32
    %parallel_loop3A_311 = arith.constant 1 : i32
    %parallel_loop3A_312 = scf.for %parallel_loop3A_321 = %parallel_loop3A_309 to %parallel_loop3A_310 step %parallel_loop3A_311 iter_args(%parallel_loop3A_322 = %parallel_loop3A_288) -> (vector<16xf32>)  : i32 {
      %parallel_loop3A_323 = arith.constant 16 : i32
      %parallel_loop3A_324 = arith.muli %parallel_loop3A_321, %parallel_loop3A_323 : i32
      %parallel_loop3A_325 = vector.broadcast %parallel_loop3A_324 : i32 to vector<16xi32>
      %parallel_loop3A_326 = arith.addi %iota3A, %parallel_loop3A_325 : vector<16xi32>
      %parallel_loop3A_327 = arith.constant 16 : i32
      %parallel_loop3A_328 = vector.broadcast %parallel_loop3A_327 : i32 to vector<16xi32>
      %parallel_loop3A_329 = arith.muli %parallel_loop3A_326, %parallel_loop3A_328 : vector<16xi32>
      %parallel_loop3A_330 = arith.constant 15 : i32
      %parallel_loop3A_331 = vector.broadcast %parallel_loop3A_330 : i32 to vector<16xi32>
      %parallel_loop3A_332 = arith.addi %parallel_loop3A_329, %parallel_loop3A_331 : vector<16xi32>
      %parallel_loop3A_333 = tpu.vector_load_idx %arg23[%parallel_loop3A_332] : memref<1024xf32, #tpu.memory_space<vmem>>[vector<16xi32>], vector<16xf32>,
      %parallel_loop3A_334 = tpu.vector_load_idx %arg24[%parallel_loop3A_332] : memref<1024xf32, #tpu.memory_space<vmem>>[vector<16xi32>], vector<16xf32>,
      %parallel_loop3A_335 = tpu.vector_load_idx %arg25[%parallel_loop3A_332] : memref<1024xf32, #tpu.memory_space<vmem>>[vector<16xi32>], vector<16xf32>,
      %parallel_loop3A_336 = tpu.vector_load_idx %arg26[%parallel_loop3A_332] : memref<1024xf32, #tpu.memory_space<vmem>>[vector<16xi32>], vector<16xf32>,
      %parallel_loop3A_337 = tpu.vector_load_idx %arg27[%parallel_loop3A_332] : memref<1024xf32, #tpu.memory_space<vmem>>[vector<16xi32>], vector<16xf32>,
      %parallel_loop3A_338 = arith.constant 1.000000e-24 : f32
      %parallel_loop3A_339 = vector.broadcast %parallel_loop3A_338 : f32 to vector<16xf32>
      %parallel_loop3A_340 = arith.maximumf %parallel_loop3A_333, %parallel_loop3A_339 : vector<16xf32>
      %parallel_loop3A_341 = arith.constant 1.000000e-24 : f32
      %parallel_loop3A_342 = vector.broadcast %parallel_loop3A_341 : f32 to vector<16xf32>
      %parallel_loop3A_343 = arith.maximumf %parallel_loop3A_334, %parallel_loop3A_342 : vector<16xf32>
      %parallel_loop3A_344 = arith.constant 1.000000e-24 : f32
      %parallel_loop3A_345 = vector.broadcast %parallel_loop3A_344 : f32 to vector<16xf32>
      %parallel_loop3A_346 = arith.maximumf %parallel_loop3A_335, %parallel_loop3A_345 : vector<16xf32>
      %parallel_loop3A_347 = arith.mulf %parallel_loop3A_340, %parallel_loop3A_343 : vector<16xf32>
      %parallel_loop3A_348 = vector.bitcast %parallel_loop3A_347 : vector<16xf32> to vector<16xi32>
      %parallel_loop3A_349 = arith.constant 1 : i32
      %parallel_loop3A_350 = vector.broadcast %parallel_loop3A_349 : i32 to vector<16xi32>
      %parallel_loop3A_351 = arith.shrui %parallel_loop3A_348, %parallel_loop3A_350 : vector<16xi32>
      %parallel_loop3A_352 = arith.constant 1597463007 : i32
      %parallel_loop3A_353 = vector.broadcast %parallel_loop3A_352 : i32 to vector<16xi32>
      %parallel_loop3A_354 = arith.subi %parallel_loop3A_353, %parallel_loop3A_351 : vector<16xi32>
      %parallel_loop3A_355 = vector.bitcast %parallel_loop3A_354 : vector<16xi32> to vector<16xf32>
      %parallel_loop3A_356 = arith.constant 5.000000e-01 : f32
      %parallel_loop3A_357 = vector.broadcast %parallel_loop3A_356 : f32 to vector<16xf32>
      %parallel_loop3A_358 = arith.mulf %parallel_loop3A_357, %parallel_loop3A_347 : vector<16xf32>
      %parallel_loop3A_359 = arith.mulf %parallel_loop3A_358, %parallel_loop3A_355 : vector<16xf32>
      %parallel_loop3A_360 = arith.mulf %parallel_loop3A_359, %parallel_loop3A_355 : vector<16xf32>
      %parallel_loop3A_361 = arith.constant 1.500000e+00 : f32
      %parallel_loop3A_362 = vector.broadcast %parallel_loop3A_361 : f32 to vector<16xf32>
      %parallel_loop3A_363 = arith.subf %parallel_loop3A_362, %parallel_loop3A_360 : vector<16xf32>
      %parallel_loop3A_364 = arith.mulf %parallel_loop3A_355, %parallel_loop3A_363 : vector<16xf32>
      %parallel_loop3A_365 = arith.constant 5.000000e-01 : f32
      %parallel_loop3A_366 = vector.broadcast %parallel_loop3A_365 : f32 to vector<16xf32>
      %parallel_loop3A_367 = arith.mulf %parallel_loop3A_366, %parallel_loop3A_347 : vector<16xf32>
      %parallel_loop3A_368 = arith.mulf %parallel_loop3A_367, %parallel_loop3A_364 : vector<16xf32>
      %parallel_loop3A_369 = arith.mulf %parallel_loop3A_368, %parallel_loop3A_364 : vector<16xf32>
      %parallel_loop3A_370 = arith.constant 1.500000e+00 : f32
      %parallel_loop3A_371 = vector.broadcast %parallel_loop3A_370 : f32 to vector<16xf32>
      %parallel_loop3A_372 = arith.subf %parallel_loop3A_371, %parallel_loop3A_369 : vector<16xf32>
      %parallel_loop3A_373 = arith.mulf %parallel_loop3A_364, %parallel_loop3A_372 : vector<16xf32>
      %parallel_loop3A_374 = arith.constant 5.000000e-01 : f32
      %parallel_loop3A_375 = vector.broadcast %parallel_loop3A_374 : f32 to vector<16xf32>
      %parallel_loop3A_376 = arith.mulf %parallel_loop3A_375, %parallel_loop3A_347 : vector<16xf32>
      %parallel_loop3A_377 = arith.mulf %parallel_loop3A_376, %parallel_loop3A_373 : vector<16xf32>
      %parallel_loop3A_378 = arith.mulf %parallel_loop3A_377, %parallel_loop3A_373 : vector<16xf32>
      %parallel_loop3A_379 = arith.constant 1.500000e+00 : f32
      %parallel_loop3A_380 = vector.broadcast %parallel_loop3A_379 : f32 to vector<16xf32>
      %parallel_loop3A_381 = arith.subf %parallel_loop3A_380, %parallel_loop3A_378 : vector<16xf32>
      %parallel_loop3A_382 = arith.mulf %parallel_loop3A_373, %parallel_loop3A_381 : vector<16xf32>
      %parallel_loop3A_383 = arith.mulf %parallel_loop3A_336, %parallel_loop3A_382 : vector<16xf32>
      %parallel_loop3A_384 = arith.mulf %parallel_loop3A_340, %parallel_loop3A_346 : vector<16xf32>
      %parallel_loop3A_385 = vector.bitcast %parallel_loop3A_384 : vector<16xf32> to vector<16xi32>
      %parallel_loop3A_386 = arith.constant 1 : i32
      %parallel_loop3A_387 = vector.broadcast %parallel_loop3A_386 : i32 to vector<16xi32>
      %parallel_loop3A_388 = arith.shrui %parallel_loop3A_385, %parallel_loop3A_387 : vector<16xi32>
      %parallel_loop3A_389 = arith.constant 1597463007 : i32
      %parallel_loop3A_390 = vector.broadcast %parallel_loop3A_389 : i32 to vector<16xi32>
      %parallel_loop3A_391 = arith.subi %parallel_loop3A_390, %parallel_loop3A_388 : vector<16xi32>
      %parallel_loop3A_392 = vector.bitcast %parallel_loop3A_391 : vector<16xi32> to vector<16xf32>
      %parallel_loop3A_393 = arith.constant 5.000000e-01 : f32
      %parallel_loop3A_394 = vector.broadcast %parallel_loop3A_393 : f32 to vector<16xf32>
      %parallel_loop3A_395 = arith.mulf %parallel_loop3A_394, %parallel_loop3A_384 : vector<16xf32>
      %parallel_loop3A_396 = arith.mulf %parallel_loop3A_395, %parallel_loop3A_392 : vector<16xf32>
      %parallel_loop3A_397 = arith.mulf %parallel_loop3A_396, %parallel_loop3A_392 : vector<16xf32>
      %parallel_loop3A_398 = arith.constant 1.500000e+00 : f32
      %parallel_loop3A_399 = vector.broadcast %parallel_loop3A_398 : f32 to vector<16xf32>
      %parallel_loop3A_400 = arith.subf %parallel_loop3A_399, %parallel_loop3A_397 : vector<16xf32>
      %parallel_loop3A_401 = arith.mulf %parallel_loop3A_392, %parallel_loop3A_400 : vector<16xf32>
      %parallel_loop3A_402 = arith.constant 5.000000e-01 : f32
      %parallel_loop3A_403 = vector.broadcast %parallel_loop3A_402 : f32 to vector<16xf32>
      %parallel_loop3A_404 = arith.mulf %parallel_loop3A_403, %parallel_loop3A_384 : vector<16xf32>
      %parallel_loop3A_405 = arith.mulf %parallel_loop3A_404, %parallel_loop3A_401 : vector<16xf32>
      %parallel_loop3A_406 = arith.mulf %parallel_loop3A_405, %parallel_loop3A_401 : vector<16xf32>
      %parallel_loop3A_407 = arith.constant 1.500000e+00 : f32
      %parallel_loop3A_408 = vector.broadcast %parallel_loop3A_407 : f32 to vector<16xf32>
      %parallel_loop3A_409 = arith.subf %parallel_loop3A_408, %parallel_loop3A_406 : vector<16xf32>
      %parallel_loop3A_410 = arith.mulf %parallel_loop3A_401, %parallel_loop3A_409 : vector<16xf32>
      %parallel_loop3A_411 = arith.constant 5.000000e-01 : f32
      %parallel_loop3A_412 = vector.broadcast %parallel_loop3A_411 : f32 to vector<16xf32>
      %parallel_loop3A_413 = arith.mulf %parallel_loop3A_412, %parallel_loop3A_384 : vector<16xf32>
      %parallel_loop3A_414 = arith.mulf %parallel_loop3A_413, %parallel_loop3A_410 : vector<16xf32>
      %parallel_loop3A_415 = arith.mulf %parallel_loop3A_414, %parallel_loop3A_410 : vector<16xf32>
      %parallel_loop3A_416 = arith.constant 1.500000e+00 : f32
      %parallel_loop3A_417 = vector.broadcast %parallel_loop3A_416 : f32 to vector<16xf32>
      %parallel_loop3A_418 = arith.subf %parallel_loop3A_417, %parallel_loop3A_415 : vector<16xf32>
      %parallel_loop3A_419 = arith.mulf %parallel_loop3A_410, %parallel_loop3A_418 : vector<16xf32>
      %parallel_loop3A_420 = arith.mulf %parallel_loop3A_337, %parallel_loop3A_419 : vector<16xf32>
      %parallel_loop3A_421 = arith.constant 1.000000e+00 : f32
      %parallel_loop3A_422 = vector.broadcast %parallel_loop3A_421 : f32 to vector<16xf32>
      %parallel_loop3A_423 = arith.subf %parallel_loop3A_422, %parallel_loop3A_383 : vector<16xf32>
      %parallel_loop3A_424 = arith.addf %parallel_loop3A_423, %parallel_loop3A_420 : vector<16xf32>
      %parallel_loop3A_425 = arith.constant 0.000000e+00 : f32
      %parallel_loop3A_426 = vector.broadcast %parallel_loop3A_425 : f32 to vector<16xf32>
      %parallel_loop3A_427 = arith.maximumf %parallel_loop3A_426, %parallel_loop3A_424 : vector<16xf32>
      %parallel_loop3A_428 = arith.addf %parallel_loop3A_322, %parallel_loop3A_427 : vector<16xf32>
      scf.yield %parallel_loop3A_428 : vector<16xf32>
    } {sc.loop_unroll_factor = 2 : i64, sc.parallel_access}
    %reduce_sum3A = arith.constant true
    %reduce_sum3A_313 = vector.broadcast %reduce_sum3A : i1 to vector<16xi1>
    %reduce_sum3A_314 = tpu.scan <sum>, %parallel_loop3A_312 masked %reduce_sum3A_313 : vector<16xf32>, vector<16xi1> -> vector<16xf32>
    %reduce_sum3A_315 = vector.extract %reduce_sum3A_314[15] : f32 from vector<16xf32>
    %eq3A = arith.constant 0 : i32
    %eq3A_316 = vector.broadcast %eq3A : i32 to vector<16xi32>
    %eq3A_317 = arith.cmpi eq, %iota3A, %eq3A_316 : vector<16xi32>
    %jit3A = arith.constant 0.000000e+00 : f32
    %broadcast_in_dim3A_318 = vector.broadcast %reduce_sum3A_315 : f32 to vector<16xf32>
    %broadcast_in_dim3A_319 = vector.broadcast %jit3A : f32 to vector<16xf32>
    %select_n3A = arith.select %eq3A_317, %broadcast_in_dim3A_318, %broadcast_in_dim3A_319 : vector<16xi1>, vector<16xf32>
    %swap3A = arith.constant 0 : index
    %swap3A_320 = tpu.vector_load %arg28[%swap3A] {strides = array<i32>} : memref<16xf32, #tpu.memory_space<vmem>>, vector<16xf32>,
    tpu.vector_store %arg28[%swap3A], %select_n3A {strides = array<i32>} : memref<16xf32, #tpu.memory_space<vmem>>, vector<16xf32>,
    "tpu.region"() ({
      %run_scoped3A = tpu.sem_alloc : memref<!tpu.dma_semaphore, #tpu.memory_space<semaphore_mem>>
      %dma_start3A_321 = arith.constant 0 : i32
      %dma_start3A_322 = tpu.memref_slice %arg7[%add3A, %dma_start3A_321] : memref<32x16xf32, #tpu.memory_space<hbm>> -> memref<1x16xf32, #tpu.memory_space<hbm>>
      %dma_start3A_323 = tpu.memref_squeeze %dma_start3A_322 : memref<1x16xf32, #tpu.memory_space<hbm>> -> memref<16xf32, #tpu.memory_space<hbm>>
      %dma_start3A_324 = arith.constant 0 : i32
      %dma_start3A_325 = tpu.memref_slice %arg7[%add3A, %dma_start3A_324] : memref<32x16xf32, #tpu.memory_space<hbm>> -> memref<1x16xf32, #tpu.memory_space<hbm>>
      %dma_start3A_326 = tpu.memref_squeeze %dma_start3A_325 : memref<1x16xf32, #tpu.memory_space<hbm>> -> memref<16xf32, #tpu.memory_space<hbm>>
      tpu.enqueue_dma source(%arg28 : memref<16xf32, #tpu.memory_space<vmem>>) target(%dma_start3A_326 : memref<16xf32, #tpu.memory_space<hbm>>) target_semaphore(%run_scoped3A : memref<!tpu.dma_semaphore, #tpu.memory_space<semaphore_mem>>)
      %dma_wait3A_327 = arith.constant 0 : i32
      %dma_wait3A_328 = tpu.memref_slice %arg7[%add3A, %dma_wait3A_327] : memref<32x16xf32, #tpu.memory_space<hbm>> -> memref<1x16xf32, #tpu.memory_space<hbm>>
      %dma_wait3A_329 = tpu.memref_squeeze %dma_wait3A_328 : memref<1x16xf32, #tpu.memory_space<hbm>> -> memref<16xf32, #tpu.memory_space<hbm>>
      %dma_wait3A_330 = arith.constant 0 : i32
      %dma_wait3A_331 = tpu.memref_slice %arg7[%add3A, %dma_wait3A_330] : memref<32x16xf32, #tpu.memory_space<hbm>> -> memref<1x16xf32, #tpu.memory_space<hbm>>
      %dma_wait3A_332 = tpu.memref_squeeze %dma_wait3A_331 : memref<1x16xf32, #tpu.memory_space<hbm>> -> memref<16xf32, #tpu.memory_space<hbm>>
      tpu.wait_dma2 semaphore(%run_scoped3A : memref<!tpu.dma_semaphore, #tpu.memory_space<semaphore_mem>>) src(%arg28 : memref<16xf32, #tpu.memory_space<vmem>>) dst(%dma_wait3A_332 : memref<16xf32, #tpu.memory_space<hbm>>)
      tpu.yield
    }) : () -> ()
    return
  }
}

</mosaic_0001>

<sc_bundles>
// kernel: kernel.3.cloned.1.call-start
scs
__scs_entry_jumppad:
0x0: {  	(pc) =	sbr.rel $0x88, $3  }
0x1: {  	(tag) =	ssettag $0x0;
	lr =	simm.s32 $0x1  }
0x2: {  	[smem:$0x3F9C] =	sst lr;
	_ =	strace $0xD0000000  }
0x3: {  	_ = 	snop  }
0x4: {  	_ = 	snop  }
0x5: {  	_ = 	snop  }
0x6: {  	_ = 	snop  }
0x7: {  	_ = 	snop  }
__scs_overlays_trampoline_lowered:
0x8: {  	[smem:$0x3FAB] =	sst s0  }
0x9: {  	[smem:$0x3FAC] =	sst s1  }
0xa: {  	[smem:$0x3FAD] =	sst s2  }
0xb: {  	[smem:$0x3FAE] =	sst s3  }
0xc: {  	[smem:$0x3FAF] =	sst s4  }
0xd: {  	[smem:$0x3FB0] =	sst s5  }
0xe: {  	[smem:$0x3FB1] =	sst s6  }
0xf: {  	[smem:$0x3FB2] =	sst s7  }
0x10: {  	[smem:$0x3FB3] =	sst s8  }
0x11: {  	[smem:$0x3FB4] =	sst s9;
	s0 =	simm.s32 @!p0 $0x0  }
0x12: {  	s1 =	sld [smem:$0x3F9A];
	s0 =	simm.s32 @p0 $0x1  }
0x13: {  	[smem:$0x3FB5] =	sst s0;
	s0 =	simm.s32 @!p1 $0x0  }
0x14: {  	s2 =	sld [smem:$0x3F99];
	s0 =	simm.s32 @p1 $0x1  }
0x15: {  	[smem:$0x3FB6] =	sst s0;
	s0 =	simm.s32 @!p2 $0x0  }
0x16: {  	s3 =	sld [smem:$0x3FDB];
	s0 =	simm.s32 @p2 $0x1  }
0x17: {  	s4 =	simm.s32 $0x1BF5;
	[smem:$0x3FB8] =	sst s0  }
0x18: {  	s0 =	sld [smem:$0x3F9B];
	_ =	swait.ge [sflag:s4], $0x0  }
0x19: {  	s7 =	sld [smem:$0x3F9C]  }
0x1a: {  	s8 =	sadd.s32 $0xFFFFE003, lr  }
0x1b: {  	s9 =	sadd.s32 $0xFFFFFEF7, lr;
	s5 =	simm.s32 $0xFFFFFFFF;
	p2 =	slt.u32 s8, $0xFFFFF086  }
0x1c: {  	p1 =	slt.u32 s9, $0xF7A;
	s5 =	simm.s32 @!p2 $0x0  }
0x1d: {  	s5 =	simm.s32 @p1 $0x1;
	p0 =	seq.s32 s7, s2  }
0x1e: {  	s7 =	smul.u32 @!p0 $0xF7A, s2;
	p2 =	seq.s32 @!p0 s5, $0x0  }
0x1f: {  	s9 =	smul.u32 $0xF7A, s1;
	s8 =	simm.s32 @!p0 $0x1BF5;
	p2 =	por !p2, p0  }
0x20: {  	[sflag:s8] =	ssyncset.s32 @!p0 $0xFFFFF086;
	s6 =	sadd.s32 @!p0 s3, s7;
	s7 =	simm.s32 @!p0 $0x108  }
0x21: {  	s3 =	sadd.s32 s3, s9;
	s6 =	sadd.s32 @!p0 $0x88, s6;
	s7 =	simm.s32 @p2 $0x1082  }
0x22: {  	[simem:s7], [sflag:s8] =	dma.local @!p0 [hbm:s6], $0xF7A  }
0x23: {  	s9 =	sor.u32 $0xD0000000, s2;
	s6 =	simm.s32 $0x108;
	_ =	swait.ge @!p0 [sflag:s8], $0x0  }
0x24: {  	s3 =	sadd.s32 $0x88, s3;
	s6 =	simm.s32 @!p1 $0x1082;
	[sflag:s4] =	ssyncset.s32 $0xFFFFF086  }
0x25: {  	[simem:s6], [sflag:s4] =	dma.local [hbm:s3], $0xF7A  }
0x26: {  	[smem:$0x3F9C] =	sst s1;
	(tag) =	ssettag s2;
	_ =	strace s9  }
0x27: {  	s1 =	sld [smem:$0x3FAC]  }
0x28: {  	s2 =	sld [smem:$0x3FAD]  }
0x29: {  	s4 =	sld [smem:$0x3FAF]  }
0x2a: {  	p0 =	seq.s32 s5, $0x0;
	s5 =	sld [smem:$0x3FB0]  }
0x2b: {  	s6 =	sld [smem:$0x3FB1]  }
0x2c: {  	s7 =	sld [smem:$0x3FB2]  }
0x2d: {  	s3 =	simm.s32 $0x108;
	s8 =	sld [smem:$0x3FB3]  }
0x2e: {  	s3 =	simm.s32 @!p0 $0x1082;
	s9 =	sld [smem:$0x3FB4]  }
0x2f: {  	lr =	sadd.s32 s0, s3;
	s0 =	sld [smem:$0x3FAB]  }
0x30: {  	s3 =	sld [smem:$0x3FAE]  }
0x31: {  	[smem:$0x3FB7] =	sst s10  }
0x32: {  	s10 =	sld [smem:$0x3FB5];
	_ =	sdelay $0x3  }
0x33: {  	p0 =	seq.s32 s10, $0x1;
	s10 =	sld [smem:$0x3FB7];
	_ =	sdelay $0x3  }
0x34: {  	[smem:$0x3FB7] =	sst s10  }
0x35: {  	s10 =	sld [smem:$0x3FB6];
	_ =	sdelay $0x3  }
0x36: {  	p1 =	seq.s32 s10, $0x1;
	s10 =	sld [smem:$0x3FB7];
	_ =	sdelay $0x3  }
0x37: {  	[smem:$0x3FB7] =	sst s10  }
0x38: {  	s10 =	sld [smem:$0x3FB8]  }
0x39: {  	_ = 	snop;
	(pc) =	sbr.ind lr, $3  }
0x3a: {  	_ = 	snop  }
0x3b: {  	_ = 	snop  }
0x3c: {  	p2 =	seq.s32 s10, $0x1;
	s10 =	sld [smem:$0x3FB7]  }
0x3d: {  	_ =	shalt  }
0x3e: {  	_ =	shalt  }
0x3f: {  	_ =	shalt  }
0x40: {  	_ =	shalt  }
0x41: {  	_ =	shalt  }
0x42: {  	_ =	shalt  }
0x43: {  	_ =	shalt  }
0x44: {  	_ =	shalt  }
0x45: {  	_ =	shalt  }
0x46: {  	_ =	shalt  }
0x47: {  	_ =	shalt  }
0x48: {  	_ =	shalt  }
0x49: {  	_ =	shalt  }
0x4a: {  	_ =	shalt  }
0x4b: {  	_ =	shalt  }
0x4c: {  	_ =	shalt  }
0x4d: {  	_ =	shalt  }
0x4e: {  	_ =	shalt  }
0x4f: {  	_ =	shalt  }
0x50: {  	_ =	shalt  }
0x51: {  	_ =	shalt  }
0x52: {  	_ =	shalt  }
0x53: {  	_ =	shalt  }
0x54: {  	_ =	shalt  }
0x55: {  	_ =	shalt  }
0x56: {  	_ =	shalt  }
0x57: {  	_ =	shalt  }
0x58: {  	_ =	shalt  }
0x59: {  	_ =	shalt  }
0x5a: {  	_ =	shalt  }
0x5b: {  	_ =	shalt  }
0x5c: {  	_ =	shalt  }
0x5d: {  	_ =	shalt  }
0x5e: {  	_ =	shalt  }
0x5f: {  	_ =	shalt  }
0x60: {  	_ =	shalt  }
0x61: {  	_ =	shalt  }
0x62: {  	_ =	shalt  }
0x63: {  	_ =	shalt  }
0x64: {  	_ =	shalt  }
0x65: {  	_ =	shalt  }
0x66: {  	_ =	shalt  }
0x67: {  	_ =	shalt  }
0x68: {  	_ =	shalt  }
0x69: {  	_ =	shalt  }
0x6a: {  	_ =	shalt  }
0x6b: {  	_ =	shalt  }
0x6c: {  	_ =	shalt  }
0x6d: {  	_ =	shalt  }
0x6e: {  	_ =	shalt  }
0x6f: {  	_ =	shalt  }
0x70: {  	_ =	shalt  }
0x71: {  	_ =	shalt  }
0x72: {  	_ =	shalt  }
0x73: {  	_ =	shalt  }
0x74: {  	_ =	shalt  }
0x75: {  	_ =	shalt  }
0x76: {  	_ =	shalt  }
0x77: {  	_ =	shalt  }
0x78: {  	_ =	shalt  }
0x79: {  	_ =	shalt  }
0x7a: {  	_ =	shalt  }
0x7b: {  	_ =	shalt  }
0x7c: {  	_ =	shalt  }
0x7d: {  	_ =	shalt  }
0x7e: {  	_ =	shalt  }
0x7f: {  	_ =	shalt  }
0x80: {  	_ =	shalt  }
0x81: {  	_ =	shalt  }
0x82: {  	_ =	shalt  }
0x83: {  	_ =	shalt  }
0x84: {  	_ =	shalt  }
0x85: {  	_ =	shalt  }
0x86: {  	_ =	shalt  }
0x87: {  	_ =	shalt  }
.Lfunc_end0:
.L_simem_size_0:
called_computation_lowered:
.L_overlay_start_0:
0x88: {  	s2 =	sld [smem:$0x3FD9]  }
0x89: {  	s3 =	sld [smem:$0x3FFE];
	_ =	sdelay $0x1  }
0x8a: {  	s1 =	srdreg.scid  }
0x8b: {  	s0 =	sand.u32 $0x1, s1  }
0x8c: {  	s17 =	sshll.u32 s0, $0xA;
	s2 =	sadd.s32 s3, s2  }
0x8d: {  	s2 =	sadd.s32 s2, s17  }
0x8e: {  	[smem:$0x3FC3] =	sst s2  }
0x8f: {  	_ = 	snop  }
0x90: {  	s2 =	sld [smem:$0x3FC9]  }
0x91: {  	s18 =	sld [smem:$0x3FC8]  }
0x92: {  	s4 =	sld [smem:$0x3FC7]  }
0x93: {  	s5 =	sld [smem:$0x3FC6]  }
0x94: {  	s6 =	sld [smem:$0x3FC5];
	(tm) =	ssettm $0x1  }
0x95: {  	s7 =	sld [smem:$0x3FFB];
	_ =	sdelay $0x3  }
0x96: {  	_ =	strace s7  }
0x97: {  	s7 =	sld [smem:$0x3FFC];
	_ =	sdelay $0x3  }
0x98: {  	_ =	strace s7  }
0x99: {  	s7 =	sld [smem:$0x3FFD];
	_ =	sdelay $0x3  }
0x9a: {  	_ =	strace s7  }
0x9b: {  	_ =	strace $0x8FFFFFFF  }
0x9c: {  	s19 =	sld [smem:$0x3FDB];
	_ =	sdelay $0x1  }
0x9d: {  	s8 =	simm.s32 $_scs_section_size  }
0x9e: {  	s9 =	simm.s32 $_size__tile_overlayer_lowered;
	s10 =	simm.s32 $_tile_overlayer_lowered  }
0x9f: {  	s22 =	simm.s32 $0x1BFF;
	s21 =	sshll.u32 s10, $0x1;
	s7 =	sadd.s32 s8, s19  }
0xa0: {  	s11 =	simm.s32 $0x0;
	s20 =	sshll.u32 s9, $0x1;
	s9 =	sadd.s32 s21, s7  }
0xa1: {  	[timem:s11], [sflag:s22] =	dma.local [hbm:s9], s20  }
0xa2: {  	_ =	swait.ge [sflag:s22], s20  }
0xa3: {  	s8 =	ssub.s32 $0x0, s20;
	[sflag:s22] =	ssyncset.done $0x0  }
0xa4: {  	[sflag:s22] =	ssyncadd.s32 s8;
	_ =	sdelay $0x1  }
0xa5: {  	s23 =	simm.s32 $0x1B8B  }
0xa6: {  	_ =	swait.ge [sflag:s23], $0x1  }
0xa7: {  	[sflag:s23] =	ssyncset.done $0x0  }
0xa8: {  	s25 =	simm.s32 $0x1B8E;
	s24 =	sld [smem:$0x3FFE];
	[sflag:s23] =	ssyncadd.s32 $0xFFFFFFFF  }
0xa9: {  	s26 =	simm.s32 $execute0_lowered;
	[smem:$0x3FD2] =	sst s25  }
0xaa: {  	s9 =	sshll.u32 s26, $0x1;
	_ =	strace $0x80000046;
	[dreg:$0x1] =	wrdreg $0xFFFFFFFF  }
0xab: {  	s28 =	simm.s32 $_size_execute0_lowered;
	s7 =	sadd.s32 s7, s9;
	[dreg:$0x0] =	wrdreg $0x0  }
0xac: {  	s9 =	sshll.u32 s28, $0x1;
	[dreg:$0x2] =	wrdreg s7  }
0xad: {  	[dreg:$0x3] =	wrdreg s9  }
0xae: {  	[dreg:$0x4] =	wrdreg $0xC0  }
0xaf: {  	_ =	task [dreg:s11], $0x5FFFF  }
0xb0: {  	[dreg:$0x1] =	wrdreg $0xFFFFFFFF  }
0xb1: {  	[dreg:$0x0] =	wrdreg $0x60  }
0xb2: {  	[dreg:$0x2] =	wrdreg s2  }
0xb3: {  	[dreg:$0x3] =	wrdreg s18  }
0xb4: {  	[dreg:$0x4] =	wrdreg s4  }
0xb5: {  	[dreg:$0x5] =	wrdreg s5  }
0xb6: {  	[dreg:$0x6] =	wrdreg s6  }
0xb7: {  	[dreg:$0x7] =	wrdreg s24  }
0xb8: {  	[dreg:$0x8] =	wrdreg $0x9  }
0xb9: {  	_ =	task.clear_ibuf [dreg:s11], $0x9FFFF;
	_ =	strace $0x90000046  }
0xba: {  	s29 =	simm.s32 $0x9;
	_ =	strace $0x80000048  }
0xbb: {  	_ =	swait.ge [sflag:s29], $0x1  }
0xbc: {  	[sflag:s29] =	ssyncadd.s32 $0xFFFFFFFF  }
0xbd: {  	_ =	strace $0x90000048  }
0xbe: {  	_ =	sfence  }
0xbf: {  	s30 =	sld [smem:$0x0];
	_ =	sdelay $0x2  }
0xc0: {  	s31 =	sshll.u32 s1, $0xD;
	s1 =	sshrl.u32 s1, $0x2  }
0xc1: {  	s3 =	sand.u32 $0x4000, s31;
	s1 =	sadd.s32 s1, s30  }
0xc2: {  	s0 =	sor.u32 s3, s0;
	s1 =	sshll.u32 s1, $0x11  }
0xc3: {  	s0 =	sor.u32 s1, s0  }
0xc4: {  	s0 =	sadd.s32 $0x8F2B, s0  }
0xc5: {  	[sflag:s0] =	ssyncadd.remote.s32 $0x1  }
0xc6: {  	_ =	sfence.sel $0xFFFF  }
0xc7: {  	[dreg:$0x0] =	wrdreg $0xFFFFFFFF;
	(pc) =	sbr.abs _section_cstart, $3  }
0xc8: {  	[dreg:$0x1] =	wrdreg $0xFFFFFFFF  }
0xc9: {  	_ =	task.clear_ibuf [dreg:s11], $0x2FFFF;
	_ =	strace $0x9FFFFFFF  }
0xca: {  	(tm) =	ssettm $0x7FFFFFFF  }
0xcb: {  	_ =	shalt  }
tec
execute0_lowered:
.L_overlay_start_1:
0x0: {  	(tag) =	ssettag $0x1  }
0x1: {  	s0 =	rddreg [dreg:$0x0]  }
0x2: {  	s1 =	rddreg [dreg:$0x1]  }
0x3: {  	s2 =	rddreg [dreg:$0x2]  }
0x4: {  	s9 =	rddreg [dreg:$0x3]  }
0x5: {  	s3 =	rddreg [dreg:$0x4]  }
0x6: {  	s4 =	rddreg [dreg:$0x5];
	s5 =	srdreg.scid  }
0x7: {  	s6 =	stileid.u32;
	s10 =	simm.s32 $0x0;
	s13 =	simm.s32 $0x40  }
0x8: {  	s14 =	simm.s32 $0x600;
	s30 =	simm.s32 $0x2600;
	s20 =	simm.s32 $0x1  }
0x9: {  	s22 =	simm.s32 $0x18600;
	s29 =	simm.s32 $0x19200;
	s31 =	simm.s32 $0x19600  }
0xa: {  	s11 =	simm.s32 $0x3;
	s5 =	sand.u32 $0x1, s5;
	s6 =	sshll.u32 s6, $0x1  }
0xb: {  	[smem:$0x7FF] =	sst s10;
	s7 =	ssub.s32 $0x2, s5;
	s5 =	sor.u32 s5, s6  }
0xc: {  	s12 =	simm.s32 $0x4;
	_ =	strace $0x80000047;
	s8 =	sshll.u32 s5, $0x6  }
0xd: {  	s24 =	sshrl.u32 s7, $0x1;
	s25 =	sshll.u32 s5, $0x4;
	s0 =	sadd.s32 s0, s8  }
0xe: {  	s6 =	ssub.s32 s7, s24;
	s1 =	sadd.s32 s1, s8;
	[dreg:$0x7] =	wrdreg s0  }
0xf: {  	s26 =	sadd.s32 s2, s8;
	s24 =	simm.s32 $0x18A00;
	[dreg:$0x8] =	wrdreg s1  }
0x10: {  	s2 =	simm.s32 $0x2;
	[dreg:$0x9] =	wrdreg s26;
	s0 =	sadd.s32 s4, s25  }
0x11: {  	v0 =	vlaneseq.u32;
	s28 =	smax.u32 s6, $0x1;
	s1 =	simm.s32 $0x5;
	[dreg:$0xa] =	wrdreg s0  }
0x12: {  	vm0 =	vmmov $0x1;
	v0 =	vmul.u32 $0x10, v0;
	s26 =	simm.s32 $0x18E00;
	s4 =	simm.s32 $0x0;
	[dreg:$0xb] =	wrdreg s28  }
.LBB2_1:
0x13: {  	[dreg:$0xc] =	wrdreg s4  }
0x14: {  	s0 =	rddreg [dreg:$0x7]  }
0x15: {  	[tilespmem:s10], [sflag:$0x5] =	stream.linear.gather [hbm4b:s0+s10], $0x200, $0x38;
	[tilespmem:$0x19A80] =	vst v63  }
0x16: {  	_ =	swait.ge [sflag:s1], $0x200  }
0x17: {  	[sflag:s1] =	ssyncset.done $0x0  }
0x18: {  	s15 =	simm.s32 $0x200;
	s8 =	rddreg [dreg:$0x8];
	[sflag:s1] =	ssyncadd.s32 $0xFFFFFE00  }
0x19: {  	[tilespmem:s15], [sflag:$0x5] =	stream.linear.gather [hbm4b:s8+s10], $0x200, $0x38;
	[tilespmem:$0x19A80] =	vst v63  }
0x1a: {  	_ =	swait.ge [sflag:s1], $0x200  }
0x1b: {  	[sflag:s1] =	ssyncset.done $0x0  }
0x1c: {  	s5 =	simm.s32 $0x400;
	s16 =	rddreg [dreg:$0x9];
	[sflag:s1] =	ssyncadd.s32 $0xFFFFFE00  }
0x1d: {  	[tilespmem:s5], [sflag:$0x5] =	stream.linear.gather [hbm4b:s16+s10], $0x200, $0x38;
	[tilespmem:$0x19A80] =	vst v63  }
0x1e: {  	_ =	swait.ge [sflag:s1], $0x200  }
0x1f: {  	[sflag:s1] =	ssyncset.done $0x0  }
0x20: {  	[sflag:s1] =	ssyncadd.s32 $0xFFFFFE00  }
0x21: {  	[tilespmem:s14], [sflag:$0x1] =	stream.indirect.gather [hbm4b:s9+s13], $0x80, s10, s13, $0xb8;
	[tilespmem:$0x19A80] =	vst v63  }
0x22: {  	_ = 	snop  }
0x23: {  	[tilespmem:s30], [sflag:$0x1] =	stream.indirect.gather [hbm4b:s3+s13], $0x80, s15, s13, $0xb8;
	[tilespmem:$0x19A80] =	vst v63  }
0x24: {  	s17 =	simm.s32 $0x4600  }
0x25: {  	[tilespmem:s17], [sflag:$0x1] =	stream.indirect.gather [hbm4b:s3+s13], $0x80, s5, s13, $0xb8;
	[tilespmem:$0x19A80] =	vst v63  }
0x26: {  	s18 =	simm.s32 $0x6600  }
0x27: {  	[tilespmem:s18], [sflag:$0x2] =	stream.indirect.gather [hbm4b:s9+s13], $0x80, s13, s13, $0xb8;
	[tilespmem:$0x19A80] =	vst v63  }
0x28: {  	s19 =	simm.s32 $0x240;
	s21 =	simm.s32 $0x8600  }
0x29: {  	[tilespmem:s21], [sflag:$0x2] =	stream.indirect.gather [hbm4b:s3+s13], $0x80, s19, s13, $0xb8;
	[tilespmem:$0x19A80] =	vst v63  }
0x2a: {  	s23 =	simm.s32 $0x440;
	s25 =	simm.s32 $0xA600  }
0x2b: {  	[tilespmem:s25], [sflag:$0x2] =	stream.indirect.gather [hbm4b:s3+s13], $0x80, s23, s13, $0xb8;
	[tilespmem:$0x19A80] =	vst v63  }
0x2c: {  	s4 =	simm.s32 $0xC600;
	s1 =	simm.s32 $0x80  }
0x2d: {  	[tilespmem:s4], [sflag:$0x3] =	stream.indirect.gather [hbm4b:s9+s13], $0x80, s1, s13, $0xb8;
	[tilespmem:$0x19A80] =	vst v63  }
0x2e: {  	s6 =	simm.s32 $0xE600;
	s5 =	simm.s32 $0x280  }
0x2f: {  	[tilespmem:s6], [sflag:$0x3] =	stream.indirect.gather [hbm4b:s3+s13], $0x80, s5, s13, $0xb8;
	[tilespmem:$0x19A80] =	vst v63  }
0x30: {  	s7 =	simm.s32 $0x480;
	s8 =	simm.s32 $0x10600  }
0x31: {  	[tilespmem:s8], [sflag:$0x3] =	stream.indirect.gather [hbm4b:s3+s13], $0x80, s7, s13, $0xb8;
	[tilespmem:$0x19A80] =	vst v63  }
0x32: {  	s10 =	simm.s32 $0xC0;
	s15 =	simm.s32 $0x12600  }
0x33: {  	[tilespmem:s15], [sflag:$0x4] =	stream.indirect.gather [hbm4b:s9+s13], $0x80, s10, s13, $0xb8;
	[tilespmem:$0x19A80] =	vst v63  }
0x34: {  	s16 =	simm.s32 $0x2C0;
	s17 =	simm.s32 $0x14600  }
0x35: {  	[tilespmem:s17], [sflag:$0x4] =	stream.indirect.gather [hbm4b:s3+s13], $0x80, s16, s13, $0xb8;
	[tilespmem:$0x19A80] =	vst v63  }
0x36: {  	s18 =	simm.s32 $0x4C0;
	s19 =	simm.s32 $0x16600  }
0x37: {  	[tilespmem:s19], [sflag:$0x4] =	stream.indirect.gather [hbm4b:s3+s13], $0x80, s18, s13, $0xb8;
	[tilespmem:$0x19A80] =	vst v63  }
0x38: {  	_ =	swait.ge [sflag:s20], $0x2000  }
0x39: {  	[sflag:s20] =	ssyncset.done $0x0  }
0x3a: {  	[sflag:s20] =	ssyncadd.s32 $0xFFFFE000  }
0x3b: {  	_ =	swait.ge [sflag:s20], $0x2000  }
0x3c: {  	[sflag:s20] =	ssyncset.done $0x0  }
0x3d: {  	[sflag:s20] =	ssyncadd.s32 $0xFFFFE000  }
0x3e: {  	_ =	swait.ge [sflag:s20], $0x2000  }
0x3f: {  	[sflag:s20] =	ssyncset.done $0x0  }
0x40: {  	s21 =	simm.s32 $0x680;
	[sflag:s20] =	ssyncadd.s32 $0xFFFFE000  }
0x41: {  	s15 =	simm.s32 $0x2680;
	v2 =	vld [tilespmem:s21+$0xFFFFFFF0]  }
0x42: {  	v6 =	vld [tilespmem:s15+$0xFFFFFFA0]  }
0x43: {  	v10 =	vld [tilespmem:s15+$0x40]  }
0x44: {  	v1 =	vld [tilespmem:s15+$0x30]  }
0x45: {  	v5 =	vld [tilespmem:s21+$0x20]  }
0x46: {  	s23 =	simm.s32 $0x4680;
	v4 =	vld [tilespmem:s15+$0x20]  }
0x47: {  	v7 =	vld [tilespmem:s23+$0x20]  }
0x48: {  	v8 =	vld [tilespmem:s23+$0x0]  }
0x49: {  	v9 =	vld [tilespmem:s15+$0x10]  }
0x4a: {  	v16 =	vld [tilespmem:s23+$0xFFFFFF80]  }
0x4b: {  	v11 =	vld [tilespmem:s15+$0x0]  }
0x4c: {  	v12 =	vld [tilespmem:s23+$0x10];
	v3 =	vmul.f32 v2, v2  }
0x4d: {  	v14 =	vld [tilespmem:s21+$0xFFFFFF80];
	v13 =	vmul.f32 v7, v5;
	v15 =	vmul.f32 v6, v6  }
0x4e: {  	v18 =	vld [tilespmem:s21+$0x10];
	v17 =	vmul.f32 v10, v10;
	v19 =	vmul.f32 v4, v5  }
0x4f: {  	v21 =	vld [tilespmem:s21+$0x0];
	v20 =	vmul.f32 v1, v1;
	v4 =	vmul.f32 v4, v4  }
0x50: {  	v22 =	vld [tilespmem:s21+$0xFFFFFF90];
	v7 =	vmul.f32 v7, v7;
	v23 =	vmul.f32 v11, v11  }
0x51: {  	v25 =	vld [tilespmem:s15+$0xFFFFFF80];
	v24 =	vmul.f32 v9, v9;
	v26 =	vmul.f32 v8, v8  }
0x52: {  	v30 =	vld [tilespmem:s15+$0x50];
	v27 =	vmul.f32 v12, v12;
	v28 =	vmul.f32 v14, v14  }
0x53: {  	v34 =	vld [tilespmem:s21+$0xFFFFFFA0];
	v29 =	vmul.f32 v16, v14;
	v31 =	vmul.f32 v18, v18  }
0x54: {  	v35 =	vld [tilespmem:s21+$0x40];
	v12 =	vmul.f32 v12, v18;
	v32 =	vmul.f32 v21, v21  }
0x55: {  	v11 =	vmul.f32 v11, v21;
	v33 =	vmul.f32 v22, v22;
	v23 =	vadd.f32 v24, v23;
	v24 =	vld [tilespmem:s15+$0xFFFFFF90]  }
0x56: {  	v8 =	vmul.f32 v8, v21;
	v18 =	vmul.f32 v9, v18;
	v26 =	vadd.f32 v27, v26;
	v27 =	vld [tilespmem:s23+$0xFFFFFF90]  }
0x57: {  	v38 =	vld [tilespmem:s23+$0xFFFFFFD0];
	v5 =	vmul.f32 v5, v5;
	v28 =	vadd.f32 v33, v28;
	v11 =	vadd.f32 $0.0e+00, v11  }
0x58: {  	v21 =	vadd.f32 v4, v23;
	v23 =	vmul.f32 v25, v25;
	v4 =	vmul.f32 v25, v14;
	v25 =	vld [tilespmem:s23+$0xFFFFFFA0]  }
0x59: {  	v14 =	vadd.f32 $0.0e+00, v29;
	v29 =	vadd.f32 v31, v32;
	v31 =	vmul.f32 v30, v30  }
0x5a: {  	v58 =	vld [tilespmem:s23+$0x30];
	v26 =	vadd.f32 v7, v26;
	v4 =	vadd.f32 $0.0e+00, v4;
	v9 =	vmul.f32 v24, v22  }
0x5b: {  	v11 =	vadd.f32 v18, v11;
	v18 =	vmul.f32 v35, v35;
	v7 =	vmul.f32 v27, v22  }
0x5c: {  	v32 =	vmul.f32 v38, v38;
	v22 =	vld [tilespmem:s21+$0x30];
	v4 =	vadd.f32 v9, v4;
	v9 =	vadd.f32 v20, v21  }
0x5d: {  	v7 =	vadd.f32 v7, v14;
	v14 =	vmul.f32 v25, v34;
	v20 =	vadd.f32 $0.0e+00, v8  }
0x5e: {  	v36 =	vld [tilespmem:s23+$0x50];
	v59 =	vmul.f32 v27, v27;
	v24 =	vmul.f32 v24, v24;
	v17 =	vadd.f32 v17, v9  }
0x5f: {  	v8 =	vld [tilespmem:s21+$0xFFFFFFB0];
	v27 =	vadd.f32 v14, v7;
	v14 =	vadd.f32 v12, v20;
	v12 =	vmul.f32 v58, v58  }
0x60: {  	v19 =	vadd.f32 v19, v11;
	v21 =	vld [tilespmem:s23+$0x40];
	v25 =	vmul.f32 v25, v25;
	v20 =	vadd.f32 v24, v23  }
0x61: {  	v9 =	vld [tilespmem:s15+$0xFFFFFFB0];
	v24 =	vmul.f32 v58, v22;
	v23 =	vadd.f32 v12, v26;
	v31 =	vadd.f32 v31, v17  }
0x62: {  	v7 =	vld [tilespmem:s21+$0xFFFFFFC0];
	v12 =	vmul.f32 v34, v34;
	v17 =	vadd.f32 v5, v29;
	v11 =	vadd.f32 v15, v20  }
0x63: {  	v26 =	vld [tilespmem:s21+$0x50];
	v20 =	vmul.f32 v1, v22;
	v22 =	vmul.f32 v22, v22;
	v60 =	vadd.f32 v13, v14  }
0x64: {  	v5 =	vld [tilespmem:s21+$0x70];
	v15 =	vmul.f32 v6, v34;
	v29 =	vmul.f32 v8, v8;
	v28 =	vadd.f32 v12, v28  }
0x65: {  	v39 =	vmul.f32 v21, v35;
	v35 =	vmul.f32 v10, v35;
	v10 =	vld [tilespmem:s23+$0xFFFFFFB0];
	v13 =	vadd.f32 v22, v17  }
0x66: {  	v14 =	vld [tilespmem:s21+$0xFFFFFFD0];
	v21 =	vmul.f32 v21, v21;
	v6 =	vmul.f32 v9, v9;
	v28 =	vadd.f32 v29, v28  }
0x67: {  	v37 =	vld [tilespmem:s23+$0xFFFFFFC0];
	v29 =	vmul.f32 v7, v7;
	v13 =	vadd.f32 v18, v13;
	v18 =	vadd.f32 v20, v19  }
0x68: {  	v12 =	vld [tilespmem:s21+$0x60];
	v19 =	vadd.f32 v21, v23;
	v20 =	vmul.f32 v36, v36;
	v17 =	vmul.f32 v26, v26  }
0x69: {  	v22 =	vmul.f32 v30, v26;
	v61 =	vadd.f32 v6, v11;
	v6 =	vmul.f32 v5, v5  }
0x6a: {  	v41 =	vld [tilespmem:s23+$0xFFFFFFE0];
	v1 =	vimm.f32 $0.0e+00;
	v40 =	vmul.f32 v10, v10;
	v21 =	vmul.f32 v10, v8  }
0x6b: {  	v42 =	vld [tilespmem:s15+$0x60];
	v23 =	vadd.f32 v29, v28;
	v28 =	vmul.f32 v14, v14;
	v10 =	vadd.f32 v20, v19  }
0x6c: {  	v29 =	vmul.f32 v16, v16;
	v19 =	vld [tilespmem:s23+$0x60];
	v20 =	vadd.f32 v21, v27;
	v21 =	vmul.f32 v37, v7  }
0x6d: {  	v11 =	vmul.f32 v12, v12;
	v13 =	vadd.f32 v17, v13;
	v27 =	vadd.f32 v35, v18;
	v18 =	vld [tilespmem:s15+$0xFFFFFFC0]  }
0x6e: {  	v17 =	vld [tilespmem:s21+$0xFFFFFFE0];
	v30 =	vadd.f32 v28, v23;
	v23 =	vmul.f32 v36, v26;
	v20 =	vadd.f32 v21, v20  }
0x6f: {  	s28 =	simm.s32 $0x18A10;
	v26 =	vmul.f32 v38, v14;
	v16 =	vadd.f32 v22, v27;
	v27 =	vadd.f32 v59, v29;
	v29 =	vld [tilespmem:s15+$0xFFFFFFD0]  }
0x70: {  	p0 =	por $0x1, $0x1;
	s0 =	simm.s32 $0x19630;
	s14 =	smov.u32 s9;
	v62 =	vadd.f32 v24, v60;
	v28 =	vld [tilespmem:s15+$0x70];
	v36 =	vmul.f32 v37, v37;
	v21 =	vmul.f32 v41, v41  }
0x71: {  	s30 =	simm.s32 $0x0;
	s25 =	simm.s32 $0x18610;
	s5 =	simm.s32 $0x4780;
	v22 =	vadd.f32 v26, v20;
	v20 =	vmul.f32 v42, v42;
	v27 =	vadd.f32 v25, v27  }
0x72: {  	s6 =	simm.s32 $0x18E30;
	s7 =	simm.s32 $0x19230;
	s8 =	simm.s32 $0x780;
	v24 =	vld [tilespmem:s15+$0xFFFFFFE0];
	v34 =	vadd.f32 v39, v62;
	v26 =	vmul.f32 v42, v12;
	v63 =	vmul.f32 v18, v18  }
0x73: {  	s16 =	simm.s32 $0x18E10;
	s17 =	simm.s32 $0x19610;
	s19 =	simm.s32 $0x19210;
	v25 =	vmul.f32 v41, v17;
	v33 =	vadd.f32 v20, v31;
	v35 =	vadd.f32 v40, v27;
	v27 =	vld [tilespmem:s23+$0x70]  }
0x74: {  	s18 =	simm.s32 $0x2780;
	s21 =	simm.s32 $0x18A10;
	v20 =	vmul.f32 v19, v19;
	v31 =	vld [tilespmem:s23+$0xFFFFFFF0];
	s23 =	simm.s32 $0x18610;
	v37 =	vadd.f32 v63, v61;
	v38 =	vmul.f32 v29, v29  }
.LBB2_2:
0x75: {  	v39 =	vld [tilespmem:s8+$0xFFFFFFF0];
	s30 =	sadd.s32 $0x2, s30;
	v35 =	vadd.f32 v36, v35;
	v36 =	vmul.f32 v17, v17;
	v40 =	vmul.f32 v28, v28;
	s25 =	sadd.s32 $0x20, s25;
	s28 =	sadd.s32 $0x20, s28  }
0x76: {  	v4 =	vadd.f32 v15, v4;
	v8 =	vmul.f32 v9, v8;
	s9 =	smov.u32 s17;
	s17 =	smov.u32 s0;
	p1 =	slt.u32 s30, $0x3E;
	v9 =	vadd.f32 v38, v37;
	v37 =	vld [tilespmem:s15+$0xFFFFFFF0]  }
0x77: {  	s4 =	smov.u32 s5;
	s1 =	smov.u32 s19;
	s15 =	smov.u32 s18;
	v15 =	vld [tilespmem:s18+$0xFFFFFFA0];
	v32 =	vadd.f32 v32, v35;
	v30 =	vadd.f32 v36, v30;
	v35 =	vmul.f32 v19, v12  }
0x78: {  	v7 =	vmul.f32 v18, v7;
	s19 =	smov.u32 s7;
	v4 =	vadd.f32 v8, v4;
	v8 =	vadd.f32 v40, v33;
	v19 =	vld [tilespmem:s18+$0x40]  }
0x79: {  	v12 =	vld [tilespmem:s18+$0x30];
	v18 =	vadd.f32 v21, v32;
	v21 =	vmul.f32 v31, v31;
	v32 =	vmul.f32 v27, v5  }
0x7a: {  	v4 =	vadd.f32 v7, v4;
	v7 =	vmul.f32 v29, v14;
	v14 =	vadd.f32 v23, v34;
	v33 =	vld [tilespmem:s8+$0x20];
	(xrf2) =	vadd.scan.msk.f32 $0xffff, v8  }
0x7b: {  	v23 =	vmul.f32 v31, v2;
	v8 =	vld [tilespmem:s18+$0x20];
	v18 =	vadd.f32 v21, v18;
	v21 =	vmul.f32 v37, v2;
	v2 =	vmovc v39  }
0x7c: {  	v3 =	vadd.f32 v3, v30;
	v4 =	vadd.f32 v7, v4;
	v7 =	vmul.f32 v24, v17;
	v29 =	vld [tilespmem:s5+$0x20]  }
0x7d: {  	v22 =	vadd.f32 v25, v22;
	v25 =	vadd.f32 v26, v16;
	v5 =	vmul.f32 v28, v5;
	v17 =	vld [tilespmem:s5+$0x0]  }
0x7e: {  	v14 =	vadd.f32 v35, v14;
	v4 =	vadd.f32 v7, v4;
	v7 =	vmul.f32 v37, v37;
	v26 =	vld [tilespmem:s18+$0x10]  }
0x7f: {  	v24 =	vmul.f32 v24, v24;
	v22 =	vadd.f32 v23, v22;
	v5 =	vadd.f32 v5, v25;
	v16 =	vld [tilespmem:s5+$0xFFFFFF80];
	(xrf2) =	vadd.scan.msk.f32 $0xffff, v3  }
0x80: {  	v3 =	vmul.f32 v39, v2;
	v21 =	vadd.f32 v21, v4;
	v4 =	vadd.f32 v11, v13;
	v23 =	vld [tilespmem:s18+$0x0]  }
0x81: {  	v9 =	vadd.f32 v24, v9;
	v24 =	vmul.f32 v27, v27;
	v13 =	vld [tilespmem:s5+$0x10];
	v11 =	vmul.f32 v29, v33  }
0x82: {  	v27 =	vmul.f32 v15, v15;
	v28 =	vmul.f32 v19, v19;
	v4 =	vadd.f32 v6, v4;
	v25 =	vld [tilespmem:s8+$0xFFFFFF80];
	(xrf2) =	vadd.scan.msk.f32 $0xffff, v5  }
0x83: {  	v14 =	vadd.f32 v32, v14;
	v30 =	vmul.f32 v12, v12;
	v6 =	vmul.f32 v8, v33;
	v5 =	vld [tilespmem:s8+$0x10]  }
0x84: {  	v8 =	vmul.f32 v8, v8;
	v29 =	vmul.f32 v29, v29;
	v31 =	vld [tilespmem:s8+$0x0];
	v32, _, _ =	vpop (xrf2)  }
0x85: {  	v10 =	vadd.f32 v20, v10;
	v36 =	vmul.f32 v26, v26;
	v34 =	vld [tilespmem:s8+$0xFFFFFF90];
	v35 =	vmul.f32 v23, v23;
	(xrf2) =	vadd.scan.msk.f32 $0xffff, v14  }
0x86: {  	v38 =	vadd.f32 v7, v9;
	v42 =	vmul.f32 v17, v17;
	v14 =	vld [tilespmem:s18+$0xFFFFFF80];
	v37 =	vmul.f32 v13, v13  }
0x87: {  	v7 =	vmul.f32 v25, v25;
	v9 =	vmul.f32 v16, v25;
	v35 =	vadd.f32 v36, v35;
	v36 =	vld [tilespmem:s18+$0x50]  }
0x88: {  	v39 =	vld [tilespmem:s18+$0xFFFFFF90];
	v40 =	vmul.f32 v5, v5;
	v37 =	vadd.f32 v37, v42;
	v13 =	vmul.f32 v13, v5;
	(xrf2) =	vadd.scan.msk.f32 $0xffff, v4  }
0x89: {  	v10 =	vadd.f32 v24, v10;
	v4 =	vld [tilespmem:s5+$0xFFFFFF90];
	v41 =	vmul.f32 v31, v31;
	v23 =	vmul.f32 v23, v31;
	v20, _, _ =	vpop (xrf2)  }
0x8a: {  	v17 =	vmul.f32 v17, v31;
	v8 =	vadd.f32 v8, v35;
	v24 =	vmul.f32 v34, v34;
	v42 =	vld [tilespmem:s8+$0xFFFFFFA0];
	[tilespmem:s23+$0xFFFFFFF0] =	vst v20  }
0x8b: {  	v9 =	vadd.f32 $0.0e+00, v9;
	v31 =	vmul.f32 v14, v14;
	v14 =	vmul.f32 v14, v25;
	v20 =	vld [tilespmem:s5+$0xFFFFFFA0];
	(xrf2) =	vadd.scan.msk.f32 $0xffff, v22  }
0x8c: {  	v5 =	vmul.f32 v26, v5;
	v22 =	vadd.f32 v40, v41;
	v25 =	vld [tilespmem:s8+$0x40];
	v26 =	vmul.f32 v36, v36;
	v35, _, _ =	vpop (xrf2)  }
0x8d: {  	v29 =	vadd.f32 v29, v37;
	v14 =	vadd.f32 $0.0e+00, v14;
	v40 =	vmul.f32 v39, v34;
	v37 =	vld [tilespmem:s5+$0x30]  }
0x8e: {  	v24 =	vadd.f32 v24, v7;
	v41 =	vmul.f32 v4, v4;
	v7 =	vmul.f32 v4, v34;
	v34 =	vld [tilespmem:s8+$0x30];
	(xrf2) =	vadd.scan.msk.f32 $0xffff, v10  }
0x8f: {  	v8 =	vadd.f32 v30, v8;
	v10 =	vmul.f32 v39, v39;
	v4 =	vadd.f32 v40, v14;
	v30 =	vld [tilespmem:s5+$0x40];
	v39, _, _ =	vpop (xrf2)  }
0x90: {  	v14 =	vadd.f32 $0.0e+00, v17;
	v7 =	vadd.f32 v7, v9;
	v9 =	vmul.f32 v20, v42  }
0x91: {  	v28 =	vadd.f32 v28, v8;
	v17 =	vadd.f32 $0.0e+00, v23;
	v23 =	vmul.f32 v33, v33;
	v33 =	vld [tilespmem:s18+$0x60];
	(xrf2) =	vadd.scan.msk.f32 $0xffff, v21  }
0x92: {  	v13 =	vadd.f32 v13, v14;
	v21 =	vadd.f32 v9, v7;
	v8 =	vld [tilespmem:s8+$0xFFFFFFB0];
	v14 =	vmul.f32 v37, v37;
	v40, _, _ =	vpop (xrf2)  }
0x93: {  	v10 =	vadd.f32 v10, v31;
	v5 =	vadd.f32 v5, v17;
	v17 =	vmul.f32 v25, v25;
	v9 =	vld [tilespmem:s18+$0xFFFFFFB0]  }
0x94: {  	v31 =	vmul.f32 v37, v34;
	v37 =	vadd.f32 v26, v28;
	v7 =	vld [tilespmem:s8+$0xFFFFFFC0];
	v29 =	vadd.f32 v14, v29;
	[tilespmem:s23+$0x0] =	vst v40;
	s23 =	smov.u32 s25  }
0x95: {  	v22 =	vadd.f32 v23, v22;
	v23 =	vadd.f32 v6, v5;
	v14 =	vmul.f32 v42, v42;
	v26 =	vld [tilespmem:s8+$0x50];
	[tilespmem:s21+$0x0] =	vst v32;
	v40, _, _ =	vpop (xrf2)  }
0x96: {  	v6 =	vadd.f32 v27, v10;
	v10 =	vmul.f32 v12, v34;
	v43 =	vmul.f32 v30, v25;
	v5 =	vld [tilespmem:s8+$0x70]  }
0x97: {  	v27 =	vmul.f32 v34, v34;
	v14 =	vadd.f32 v14, v24;
	v24 =	vmul.f32 v8, v8;
	v12 =	vld [tilespmem:s8+$0x60];
	(xrf2) =	vadd.scan.msk.f32 $0xffff, v38  }
0x98: {  	v19 =	vmul.f32 v19, v25;
	v32 =	vadd.f32 v11, v13;
	v25 =	vld [tilespmem:s5+$0x50];
	v11, _, _ =	vpop (xrf2)  }
0x99: {  	v15 =	vmul.f32 v15, v42;
	v28 =	vmul.f32 v9, v9;
	v13 =	vld [tilespmem:s5+$0xFFFFFFB0];
	v24 =	vadd.f32 v24, v14;
	[tilespmem:s16+$0x0] =	vst v11  }
0x9a: {  	v11 =	vadd.f32 v27, v22;
	v14 =	vld [tilespmem:s8+$0xFFFFFFD0];
	v22 =	vmul.f32 v26, v26;
	v27 =	vmul.f32 v36, v26;
	[tilespmem:s1+$0x0] =	vst v35  }
0x9b: {  	v34 =	vadd.f32 v28, v6;
	v28 =	vmul.f32 v30, v30;
	v36 =	vld [tilespmem:s5+$0xFFFFFFC0];
	v6 =	vmul.f32 v5, v5;
	(xrf2) =	vadd.scan.msk.f32 $0xffff, v18;
	v38, _, _ =	vpop (xrf2)  }
0x9c: {  	v30 =	vmul.f32 v7, v7;
	v17 =	vadd.f32 v17, v11;
	v35 =	vld [tilespmem:s5+$0xFFFFFFD0];
	v11 =	vmul.f32 v12, v12;
	[tilespmem:s9+$0x0] =	vst v39  }
0x9d: {  	v23 =	vadd.f32 v10, v23;
	v10 =	vadd.f32 v28, v29;
	v18 =	vld [tilespmem:s18+$0xFFFFFFC0];
	v28 =	vmul.f32 v25, v25  }
0x9e: {  	v39 =	vmul.f32 v13, v13;
	v29 =	vmul.f32 v13, v8;
	v42 =	vld [tilespmem:s5+$0xFFFFFFE0];
	v13 =	vadd.f32 v22, v17  }
0x9f: {  	v45 =	vadd.f32 v30, v24;
	v24 =	vmul.f32 v14, v14;
	v17 =	vld [tilespmem:s8+$0xFFFFFFE0];
	v10 =	vadd.f32 v28, v10  }
0xa0: {  	v21 =	vadd.f32 v29, v21;
	v28 =	vmul.f32 v36, v7;
	v29 =	vadd.f32 v19, v23;
	v19 =	vld [tilespmem:s5+$0x60]  }
0xa1: {  	v44 =	vmul.f32 v16, v16;
	v23 =	vmul.f32 v25, v26;
	v30 =	vadd.f32 v24, v45;
	v22, _, _ =	vpop (xrf2)  }
0xa2: {  	v25 =	vmul.f32 v35, v14;
	v24 =	vadd.f32 v28, v21;
	v16 =	vadd.f32 v27, v29;
	[tilespmem:s21+$0xFFFFFFF0] =	vst v22;
	s21 =	smov.u32 s28  }
0xa3: {  	v44 =	vadd.f32 v41, v44;
	v20 =	vmul.f32 v20, v20;
	v29 =	vld [tilespmem:s18+$0xFFFFFFD0];
	v21 =	vmul.f32 v42, v42  }
.Ltmp0:
0xa4: {  	v41 =	vmul.f32 v33, v33;
	v26 =	vmul.f32 v33, v12;
	v22 =	vadd.f32 v25, v24;
	v28 =	vld [tilespmem:s18+$0x70];
	(pc) =	sbr.rel @p1 .LBB2_2-.Ltmp0, $4  }
0xa5: {  	v20 =	vadd.f32 v20, v44;
	v25 =	vmul.f32 v42, v17;
	v42 =	vadd.f32 v31, v32;
	v27, _, _ =	vpop (xrf2)  }
0xa6: {  	s10 =	simm.s32 $0x0;
	v33 =	vadd.f32 v41, v37;
	v31 =	vmul.f32 v18, v18;
	v32 =	vmul.f32 v35, v35;
	v24 =	vld [tilespmem:s18+$0xFFFFFFE0];
	[tilespmem:s16+$0xFFFFFFF0] =	vst v27;
	s16 =	smov.u32 s6  }
0xa7: {  	s0 =	sadd.s32 $0x20, s0;
	v36 =	vmul.f32 v36, v36;
	s5 =	sadd.s32 $0x100, s5;
	v35 =	vadd.f32 v39, v20;
	v20 =	vmul.f32 v19, v19;
	s18 =	sadd.s32 $0x100, s18;
	v27 =	vld [tilespmem:s4+$0x70];
	[tilespmem:s1+$0xFFFFFFF0] =	vst v38  }
0xa8: {  	s7 =	sadd.s32 $0x20, s7;
	s8 =	sadd.s32 $0x100, s8;
	v37 =	vadd.f32 v31, v34;
	v34 =	vadd.f32 v43, v42;
	s6 =	sadd.s32 $0x20, s6;
	v38 =	vmul.f32 v29, v29;
	v31 =	vld [tilespmem:s4+$0xFFFFFFF0];
	[tilespmem:s9+$0xFFFFFFF0] =	vst v40  }
0xa9: {  	v4 =	vadd.f32 v15, v4;
	v8 =	vmul.f32 v9, v8  }
0xaa: {  	v63 =	vmul.f32 v17, v17;
	v35 =	vadd.f32 v36, v35;
	v41 =	vadd.f32 v26, v16  }
0xab: {  	v7 =	vmul.f32 v18, v7;
	v11 =	vadd.f32 v11, v13;
	v48 =	vadd.f32 v25, v22  }
0xac: {  	v36 =	vmul.f32 v28, v28;
	v50 =	vadd.f32 v20, v10;
	v37 =	vadd.f32 v38, v37  }
0xad: {  	v12 =	vmul.f32 v19, v12;
	v40 =	vadd.f32 v23, v34;
	v9 =	vadd.f32 v63, v30  }
0xae: {  	v42 =	vmul.f32 v28, v5;
	v4 =	vadd.f32 v8, v4;
	v39 =	vadd.f32 v36, v33  }
0xaf: {  	v43 =	vld [tilespmem:s15+$0xFFFFFFF0];
	v44 =	vmul.f32 v27, v5;
	v45 =	vadd.f32 v12, v40;
	v3 =	vadd.f32 v3, v9  }
0xb0: {  	v38 =	vmul.f32 v29, v14;
	v4 =	vadd.f32 v7, v4;
	(xrf2) =	vadd.scan.msk.f32 $0xffff, v39;
	v7 =	vadd.f32 v42, v41  }
0xb1: {  	v47 =	vmul.f32 v24, v17;
	v46 =	vmul.f32 v31, v2;
	(xrf2) =	vadd.scan.msk.f32 $0xffff, v3;
	v3 =	vadd.f32 v44, v45  }
0xb2: {  	v6 =	vadd.f32 v6, v11;
	v49 =	vmul.f32 v27, v27;
	v4 =	vadd.f32 v38, v4;
	(xrf2) =	vadd.scan.msk.f32 $0xffff, v7  }
0xb3: {  	v8 =	vadd.f32 v32, v35;
	v51 =	vmul.f32 v24, v24;
	v52 =	vadd.f32 v46, v48;
	(xrf2) =	vadd.scan.msk.f32 $0xffff, v3  }
0xb4: {  	v2 =	vmul.f32 v43, v2;
	v53 =	vadd.f32 v49, v50;
	v3 =	vadd.f32 v47, v4;
	(xrf2) =	vadd.scan.msk.f32 $0xffff, v6  }
0xb5: {  	v55 =	vadd.f32 v51, v37;
	v54 =	vmul.f32 v43, v43;
	(xrf2) =	vadd.scan.msk.f32 $0xffff, v52  }
0xb6: {  	v56 =	vadd.f32 v21, v8;
	v57 =	vmul.f32 v31, v31;
	v2 =	vadd.f32 v2, v3;
	(xrf2) =	vadd.scan.msk.f32 $0xffff, v53  }
0xb7: {  	v3 =	vadd.f32 v54, v55  }
0xb8: {  	v58 =	vadd.f32 v57, v56;
	(xrf2) =	vadd.scan.msk.f32 $0xffff, v2  }
0xb9: {  	(xrf2) =	vadd.scan.msk.f32 $0xffff, v3  }
0xba: {  	v2, _, _ =	vpop (xrf2);
	(xrf2) =	vadd.scan.msk.f32 $0xffff, v58  }
0xbb: {  	v3, _, _ =	vpop (xrf2)  }
0xbc: {  	v59, _, _ =	vpop (xrf2)  }
0xbd: {  	v60, _, _ =	vpop (xrf2)  }
0xbe: {  	[tilespmem:s23+$0xFFFFFFF0] =	vst v3;
	v61, _, _ =	vpop (xrf2)  }
0xbf: {  	v3, _, _ =	vpop (xrf2);
	[tilespmem:s23+$0x0] =	vst v61  }
0xc0: {  	[tilespmem:s21+$0x0] =	vst v2;
	v2, _, _ =	vpop (xrf2)  }
0xc1: {  	[tilespmem:s16+$0x0] =	vst v2  }
0xc2: {  	v2, _, _ =	vpop (xrf2);
	[tilespmem:s19+$0x0] =	vst v59  }
0xc3: {  	v62, _, _ =	vpop (xrf2);
	[tilespmem:s17+$0x0] =	vst v60  }
0xc4: {  	[tilespmem:s21+$0xFFFFFFF0] =	vst v62;
	v63, _, _ =	vpop (xrf2)  }
0xc5: {  	[tilespmem:s16+$0xFFFFFFF0] =	vst v63  }
0xc6: {  	[tilespmem:s19+$0xFFFFFFF0] =	vst v2  }
0xc7: {  	[tilespmem:s17+$0xFFFFFFF0] =	vst v3  }
.LBB2_4:
0xc8: {  	v2 =	vmov s10  }
0xc9: {  	v2 =	vshll.u32 v2, $0x4  }
0xca: {  	s0 =	sor.u32 $0x10, s10;
	v2 =	vor.u32 v0, v2  }
0xcb: {  	v3 =	vmov s0;
	v2 =	vor.u32 $0xF, v2  }
0xcc: {  	v3 =	vshll.u32 v3, $0x4  }
0xcd: {  	v3 =	vor.u32 v0, v3  }
0xce: {  	v3 =	vor.u32 $0xF, v3;
	_ =	sdelay $0x1  }
0xcf: {  	v4 =	vld.idx.msk [tilespmem:v2+s22+$0x0], $0xffff  }
0xd0: {  	v5 =	vld.idx.msk [tilespmem:v2+s24+$0x0], $0xffff  }
0xd1: {  	v6 =	vld.idx.msk [tilespmem:v2+s26+$0x0], $0xffff  }
0xd2: {  	v7 =	vld.idx.msk [tilespmem:v3+s22+$0x0], $0xffff  }
0xd3: {  	v8 =	vld.idx.msk [tilespmem:v3+s24+$0x0], $0xffff  }
0xd4: {  	v9 =	vld.idx.msk [tilespmem:v3+s26+$0x0], $0xffff;
	_ =	sdelay $0x2  }
0xd5: {  	v4 =	vmax.f32 v4, $1.000000020e-24;
	v5 =	vmax.f32 v5, $1.000000020e-24;
	v6 =	vmax.f32 v6, $1.000000020e-24  }
0xd6: {  	v5 =	vmul.f32 v5, v4;
	v4 =	vmul.f32 v6, v4  }
0xd7: {  	v7 =	vmax.f32 v7, $1.000000020e-24;
	v8 =	vmax.f32 v8, $1.000000020e-24;
	v9 =	vmax.f32 v9, $1.000000020e-24  }
0xd8: {  	v8 =	vmul.f32 v8, v7;
	v7 =	vmul.f32 v9, v7;
	v10 =	vshrl.u32 v5, $0x1  }
0xd9: {  	v5 =	vmul.f32 $5.000000000e-01, v5;
	v11 =	vshrl.u32 v4, $0x1;
	v4 =	vmul.f32 $5.000000000e-01, v4  }
0xda: {  	v40 =	vsub.s32 $0x5F3759DF, v10;
	v11 =	vsub.s32 $0x5F3759DF, v11;
	v12 =	vshrl.u32 v8, $0x1  }
0xdb: {  	v8 =	vmul.f32 $5.000000000e-01, v8;
	v14 =	vshrl.u32 v7, $0x1;
	v10 =	vmul.f32 v40, v5  }
0xdc: {  	v7 =	vmul.f32 $5.000000000e-01, v7;
	v42 =	vmul.f32 v11, v4;
	v12 =	vsub.s32 $0x5F3759DF, v12  }
0xdd: {  	v14 =	vsub.s32 $0x5F3759DF, v14;
	v13 =	vmul.f32 v12, v8;
	v41 =	vmul.f32 v40, v10  }
0xde: {  	v15 =	vmul.f32 v14, v7;
	v10 =	vmul.f32 v11, v42  }
0xdf: {  	v13 =	vmul.f32 v12, v13;
	v9 =	vsub.f32 $1.500000000e+00, v41  }
0xe0: {  	v45 =	vmul.f32 v14, v15;
	v43 =	vsub.f32 $1.500000000e+00, v10  }
0xe1: {  	v44 =	vsub.f32 $1.500000000e+00, v13;
	v6 =	vmul.f32 v40, v9  }
0xe2: {  	v47 =	vsub.f32 $1.500000000e+00, v45;
	v9 =	vmul.f32 v11, v43  }
0xe3: {  	v10 =	vmul.f32 v12, v44;
	v46 =	vmul.f32 v6, v5  }
0xe4: {  	v11 =	vmul.f32 v14, v47;
	v49 =	vmul.f32 v9, v4  }
0xe5: {  	v50 =	vmul.f32 v10, v8;
	v48 =	vmul.f32 v46, v6  }
0xe6: {  	v52 =	vmul.f32 v11, v7;
	v13 =	vmul.f32 v49, v9  }
0xe7: {  	v51 =	vmul.f32 v50, v10;
	v12 =	vsub.f32 $1.500000000e+00, v48  }
0xe8: {  	v55 =	vmul.f32 v52, v11;
	v53 =	vsub.f32 $1.500000000e+00, v13  }
0xe9: {  	v54 =	vsub.f32 $1.500000000e+00, v51;
	v6 =	vmul.f32 v12, v6  }
0xea: {  	v56 =	vsub.f32 $1.500000000e+00, v55;
	v9 =	vmul.f32 v53, v9  }
0xeb: {  	v10 =	vmul.f32 v54, v10;
	v5 =	vmul.f32 v6, v5  }
0xec: {  	v11 =	vmul.f32 v56, v11;
	v4 =	vmul.f32 v9, v4  }
0xed: {  	v8 =	vmul.f32 v10, v8;
	v5 =	vmul.f32 v5, v6  }
0xee: {  	v57 =	vld.idx.msk [tilespmem:v2+s29+$0x0], $0xffff;
	v7 =	vmul.f32 v11, v7;
	v4 =	vmul.f32 v4, v9  }
0xef: {  	v2 =	vld.idx.msk [tilespmem:v2+s31+$0x0], $0xffff;
	v8 =	vmul.f32 v8, v10;
	v5 =	vsub.f32 $1.500000000e+00, v5  }
0xf0: {  	v58 =	vld.idx.msk [tilespmem:v3+s29+$0x0], $0xffff;
	v7 =	vmul.f32 v7, v11;
	v4 =	vsub.f32 $1.500000000e+00, v4  }
0xf1: {  	v59 =	vsub.f32 $1.500000000e+00, v8;
	v5 =	vmul.f32 v5, v6  }
0xf2: {  	v3 =	vld.idx.msk [tilespmem:v3+s31+$0x0], $0xffff;
	v7 =	vsub.f32 $1.500000000e+00, v7;
	v4 =	vmul.f32 v4, v9  }
0xf3: {  	v6 =	vmul.f32 v59, v10;
	v5 =	vmul.f32 v5, v57  }
0xf4: {  	v62 =	vmul.f32 v7, v11  }
0xf5: {  	v2 =	vmul.f32 v4, v2;
	v61 =	vmul.f32 v6, v58;
	v60 =	vsub.f32 $1.000000000e+00, v5;
	_ =	sdelay $0x1  }
0xf6: {  	p1 =	por p0, p0;
	v3 =	vmul.f32 v62, v3;
	v63 =	vsub.f32 $1.000000000e+00, v61;
	v2 =	vadd.f32 v2, v60  }
.Ltmp1:
0xf7: {  	_ = 	snop;
	(pc) =	sbr.rel @p1 .LBB2_4-.Ltmp1, $4  }
0xf8: {  	v3 =	vadd.f32 v3, v63;
	v2 =	vmax.f32 v2, $0.0e+00  }
0xf9: {  	v1 =	vadd.f32 v2, v1  }
0xfa: {  	v2 =	vmax.f32 v3, $0.0e+00  }
0xfb: {  	s10 =	simm.s32 $0x20;
	p0 =	por $0x0, $0x0;
	v1 =	vadd.f32 v2, v1  }
0xfc: {  	s9 =	smov.u32 s14;
	s14 =	simm.s32 $0x600;
	s0 =	simm.s32 $0x100  }
0xfd: {  	[tilespmem:s14], [sflag:$0x1] =	stream.indirect.gather [hbm4b:s9+s13], $0x80, s0, s13, $0xb8;
	[tilespmem:$0x19A80] =	vst v63  }
0xfe: {  	s30 =	simm.s32 $0x2600;
	s17 =	simm.s32 $0x300  }
0xff: {  	[tilespmem:s30], [sflag:$0x1] =	stream.indirect.gather [hbm4b:s3+s13], $0x80, s17, s13, $0xb8;
	[tilespmem:$0x19A80] =	vst v63  }
0x100: {  	s18 =	simm.s32 $0x4600;
	s1 =	simm.s32 $0x500  }
0x101: {  	[tilespmem:s18], [sflag:$0x1] =	stream.indirect.gather [hbm4b:s3+s13], $0x80, s1, s13, $0xb8;
	[tilespmem:$0x19A80] =	vst v63  }
0x102: {  	_ =	swait.ge [sflag:s2], $0x2000  }
0x103: {  	[sflag:s2] =	ssyncset.done $0x0  }
0x104: {  	[sflag:s2] =	ssyncadd.s32 $0xFFFFE000  }
0x105: {  	_ =	swait.ge [sflag:s2], $0x2000  }
0x106: {  	[sflag:s2] =	ssyncset.done $0x0  }
0x107: {  	[sflag:s2] =	ssyncadd.s32 $0xFFFFE000  }
0x108: {  	_ =	swait.ge [sflag:s2], $0x2000  }
0x109: {  	[sflag:s2] =	ssyncset.done $0x0  }
0x10a: {  	s19 =	simm.s32 $0xA680;
	[sflag:s2] =	ssyncadd.s32 $0xFFFFE000  }
0x10b: {  	s4 =	simm.s32 $0x8680;
	v3 =	vld [tilespmem:s19+$0x60]  }
0x10c: {  	s21 =	simm.s32 $0x6680;
	v2 =	vld [tilespmem:s4+$0xFFFFFFE0]  }
0x10d: {  	v6 =	vld [tilespmem:s21+$0x20]  }
0x10e: {  	v5 =	vld [tilespmem:s19+$0xFFFFFF80]  }
0x10f: {  	v7 =	vld [tilespmem:s4+$0xFFFFFF90]  }
0x110: {  	v9 =	vld [tilespmem:s19+$0x30]  }
0x111: {  	v11 =	vld [tilespmem:s4+$0x30]  }
0x112: {  	v12 =	vld [tilespmem:s19+$0x20]  }
0x113: {  	v13 =	vld [tilespmem:s4+$0x20]  }
0x114: {  	v8 =	vld [tilespmem:s19+$0x0]  }
0x115: {  	v14 =	vld [tilespmem:s4+$0x10]  }
0x116: {  	v15 =	vld [tilespmem:s4+$0x0]  }
0x117: {  	v16 =	vld [tilespmem:s19+$0x10];
	v4 =	vmul.f32 v2, v2  }
0x118: {  	v17 =	vld [tilespmem:s21+$0xFFFFFF80];
	v10 =	vmul.f32 v5, v5;
	v22 =	vmul.f32 v3, v3  }
0x119: {  	v21 =	vld [tilespmem:s21+$0x10];
	v18 =	vmul.f32 v6, v6;
	v19 =	vmul.f32 v13, v13  }
0x11a: {  	v24 =	vld [tilespmem:s21+$0x0];
	v20 =	vmul.f32 v7, v7;
	v23 =	vmul.f32 v9, v9  }
0x11b: {  	v27 =	vld [tilespmem:s21+$0xFFFFFF90];
	v25 =	vmul.f32 v12, v12;
	v26 =	vmul.f32 v11, v11  }
0x11c: {  	v30 =	vld [tilespmem:s4+$0xFFFFFF80];
	v28 =	vmul.f32 v15, v15;
	v29 =	vmul.f32 v14, v14  }
0x11d: {  	v35 =	vld [tilespmem:s4+$0x50];
	v31 =	vmul.f32 v8, v8;
	v32 =	vmul.f32 v16, v16  }
0x11e: {  	v33 =	vmul.f32 v17, v17;
	v5 =	vmul.f32 v5, v17  }
0x11f: {  	v34 =	vld [tilespmem:s4+$0x40];
	v16 =	vmul.f32 v16, v21;
	v36 =	vmul.f32 v24, v24  }
0x120: {  	v52 =	vld [tilespmem:s19+$0xFFFFFF90];
	v15 =	vmul.f32 v15, v24;
	v8 =	vmul.f32 v8, v24  }
0x121: {  	v37 =	vld [tilespmem:s21+$0xFFFFFFA0];
	v17 =	vmul.f32 v30, v17;
	v14 =	vmul.f32 v14, v21  }
0x122: {  	v38 =	vld [tilespmem:s21+$0xFFFFFFB0];
	v53 =	vmul.f32 v7, v27;
	v39 =	vmul.f32 v35, v35;
	v28 =	vadd.f32 v29, v28  }
0x123: {  	v41 =	vld [tilespmem:s4+$0xFFFFFFC0];
	v13 =	vmul.f32 v13, v6;
	v31 =	vadd.f32 v32, v31;
	v5 =	vadd.f32 $0.0e+00, v5  }
0x124: {  	v7 =	vld [tilespmem:s21+$0xFFFFFFC0];
	v12 =	vmul.f32 v12, v6;
	v8 =	vadd.f32 $0.0e+00, v8;
	v17 =	vadd.f32 $0.0e+00, v17  }
0x125: {  	v6 =	vld [tilespmem:s21+$0xFFFFFFD0];
	v29 =	vmul.f32 v21, v21;
	v15 =	vadd.f32 $0.0e+00, v15;
	v19 =	vadd.f32 v19, v28  }
0x126: {  	v21 =	vld [tilespmem:s19+$0x40];
	v28 =	vmul.f32 v27, v27;
	v24 =	vadd.f32 v25, v31;
	v25 =	vmul.f32 v30, v30  }
0x127: {  	v30 =	vld [tilespmem:s4+$0xFFFFFFA0];
	v31 =	vmul.f32 v34, v34;
	v16 =	vadd.f32 v16, v8;
	v14 =	vadd.f32 v14, v15  }
0x128: {  	v8 =	vmul.f32 v52, v27;
	v15 =	vld [tilespmem:s21+$0x50];
	v17 =	vadd.f32 v53, v17;
	v28 =	vadd.f32 v28, v33  }
0x129: {  	v27 =	vmul.f32 v38, v38;
	v40 =	vadd.f32 v20, v25;
	v20 =	vld [tilespmem:s21+$0x30];
	v23 =	vadd.f32 v23, v24  }
0x12a: {  	v24 =	vmul.f32 v37, v37;
	v19 =	vadd.f32 v26, v19;
	v25 =	vadd.f32 v29, v36;
	v26 =	vld [tilespmem:s21+$0x40]  }
0x12b: {  	v58 =	vmul.f32 v41, v7;
	v42 =	vmul.f32 v6, v6;
	v12 =	vadd.f32 v12, v16;
	v16 =	vld [tilespmem:s4+$0xFFFFFFB0]  }
0x12c: {  	v24 =	vadd.f32 v24, v28;
	v18 =	vadd.f32 v18, v25;
	v25 =	vmul.f32 v7, v7  }
0x12d: {  	v19 =	vadd.f32 v31, v19;
	v31 =	vmul.f32 v30, v30;
	v57 =	vmul.f32 v15, v15  }
0x12e: {  	v13 =	vadd.f32 v13, v14;
	v9 =	vmul.f32 v9, v20;
	v11 =	vmul.f32 v11, v20  }
0x12f: {  	v54 =	vld [tilespmem:s4+$0x60];
	v24 =	vadd.f32 v27, v24;
	v20 =	vmul.f32 v20, v20;
	v27 =	vmul.f32 v26, v26  }
0x130: {  	v28 =	vld [tilespmem:s19+$0xFFFFFFB0];
	v55 =	vmul.f32 v16, v16;
	v9 =	vadd.f32 v9, v12;
	v12 =	vmul.f32 v21, v26  }
0x131: {  	v56 =	vld [tilespmem:s4+$0xFFFFFFD0];
	v16 =	vmul.f32 v16, v38;
	v40 =	vadd.f32 v31, v40;
	v14 =	vadd.f32 v20, v18  }
0x132: {  	v18 =	vmul.f32 v34, v26;
	v11 =	vadd.f32 v11, v13;
	v29 =	vadd.f32 v12, v9;
	v12 =	vld [tilespmem:s19+$0x50]  }
0x133: {  	v24 =	vadd.f32 v25, v24;
	v9 =	vadd.f32 v39, v19;
	v19 =	vmul.f32 v30, v37;
	v30 =	vld [tilespmem:s19+$0xFFFFFFA0]  }
0x134: {  	v13 =	vmul.f32 v35, v15;
	v20 =	vmul.f32 v54, v54;
	v11 =	vadd.f32 v18, v11  }
0x135: {  	v18 =	vmul.f32 v28, v38;
	v28 =	vmul.f32 v28, v28;
	v17 =	vadd.f32 v19, v17  }
0x136: {  	v38 =	vmul.f32 v41, v41;
	v19 =	vmul.f32 v21, v21;
	v21 =	vld [tilespmem:s21+$0x60];
	v25 =	vadd.f32 v20, v9  }
0x137: {  	v20 =	vld [tilespmem:s21+$0x70];
	v16 =	vadd.f32 v16, v17;
	v17 =	vadd.f32 v27, v14;
	v27 =	vmul.f32 v56, v56  }
0x138: {  	v9 =	vld [tilespmem:s4+$0x70];
	v19 =	vadd.f32 v19, v23;
	v23 =	vmul.f32 v12, v12;
	v26 =	vmul.f32 v30, v37  }
0x139: {  	v60 =	vadd.f32 v13, v11;
	v14 =	vld [tilespmem:s19+$0xFFFFFFE0];
	v59 =	vmul.f32 v12, v15;
	v15 =	vmul.f32 v56, v6  }
0x13a: {  	v12 =	vld [tilespmem:s4+$0xFFFFFFF0];
	v62 =	vmul.f32 v30, v30;
	v37 =	vadd.f32 v55, v40;
	v16 =	vadd.f32 v58, v16  }
0x13b: {  	v30 =	vmul.f32 v52, v52;
	v34 =	vadd.f32 v57, v17;
	v17 =	vld [tilespmem:s19+$0x70];
	v23 =	vadd.f32 v23, v19  }
0x13c: {  	s23 =	simm.s32 $0x18610;
	s25 =	simm.s32 $0x18A10;
	v31 =	vld [tilespmem:s19+$0xFFFFFFD0];
	v61 =	vmul.f32 v21, v21;
	v19 =	vmul.f32 v20, v20;
	v32 =	vadd.f32 v59, v29  }
0x13d: {  	s15 =	simm.s32 $0x19210;
	s16 =	simm.s32 $0x19610;
	s28 =	simm.s32 $0x0;
	v29 =	vld [tilespmem:s19+$0xFFFFFFC0];
	v63 =	vadd.f32 v30, v10;
	v35 =	vmul.f32 v9, v9;
	v15 =	vadd.f32 v15, v16  }
0x13e: {  	s5 =	simm.s32 $0x8780;
	s6 =	simm.s32 $0x18E30;
	s7 =	simm.s32 $0x19230;
	v11 =	vld [tilespmem:s21+$0xFFFFFFE0];
	v13 =	vadd.f32 v22, v23;
	v22 =	vadd.f32 v42, v24;
	v24 =	vmul.f32 v54, v21  }
0x13f: {  	s8 =	simm.s32 $0xA780;
	s0 =	simm.s32 $0x19630;
	s17 =	simm.s32 $0x18E10;
	v10 =	vld [tilespmem:s21+$0xFFFFFFF0];
	v23 =	vadd.f32 v61, v34;
	v16 =	vmul.f32 v14, v14;
	v36 =	vadd.f32 v62, v63  }
0x140: {  	s18 =	simm.s32 $0x6780;
	s21 =	simm.s32 $0x18A10;
	v33 =	vmul.f32 v12, v12;
	v30 =	vmul.f32 v17, v20;
	v34 =	vadd.f32 v24, v60;
	v24 =	vld [tilespmem:s19+$0xFFFFFFF0];
	s19 =	simm.s32 $0x18610  }
.LBB2_6:
0x141: {  	s28 =	sadd.s32 $0x2, s28;
	v5 =	vadd.f32 v8, v5;
	v8 =	vmul.f32 v3, v21;
	v3 =	vld [tilespmem:s8+$0x60];
	v25 =	vadd.f32 v35, v25;
	s23 =	sadd.s32 $0x20, s23;
	s25 =	sadd.s32 $0x20, s25  }
0x142: {  	v35 =	vld [tilespmem:s5+$0xFFFFFFE0];
	p0 =	slt.u32 s28, $0x3E;
	v28 =	vadd.f32 v28, v36;
	v36 =	vadd.f32 v38, v37;
	v7 =	vmul.f32 v29, v7  }
0x143: {  	v9 =	vmul.f32 v9, v20;
	v21 =	vld [tilespmem:s18+$0x20];
	v5 =	vadd.f32 v26, v5;
	v8 =	vadd.f32 v8, v32  }
0x144: {  	v32 =	vmul.f32 v10, v10;
	v20 =	vld [tilespmem:s8+$0xFFFFFF80];
	v26 =	vadd.f32 v27, v36;
	v27 =	vmul.f32 v31, v31  }
0x145: {  	v29 =	vmul.f32 v29, v29;
	v34 =	vadd.f32 v9, v34;
	v36 =	vld [tilespmem:s5+$0xFFFFFF90];
	v5 =	vadd.f32 v18, v5;
	(xrf2) =	vadd.scan.msk.f32 $0xffff, v25  }
0x146: {  	v25 =	vmul.f32 v2, v11;
	v9 =	vld [tilespmem:s8+$0x30];
	v4 =	vadd.f32 v4, v26;
	v26 =	vmul.f32 v24, v10  }
0x147: {  	v6 =	vmul.f32 v31, v6;
	v18 =	vld [tilespmem:s5+$0x30];
	v5 =	vadd.f32 v7, v5;
	v7 =	vadd.f32 v30, v8;
	v2 =	vmovc v35  }
0x148: {  	v24 =	vmul.f32 v24, v24;
	v8 =	vadd.f32 v29, v28;
	v30 =	vld [tilespmem:s8+$0x20];
	v4 =	vadd.f32 v33, v4;
	(xrf2) =	vadd.scan.msk.f32 $0xffff, v34  }
0x149: {  	v28 =	vld [tilespmem:s5+$0x20];
	v5 =	vadd.f32 v6, v5;
	v6 =	vmul.f32 v14, v11;
	v14 =	vmul.f32 v17, v17  }
0x14a: {  	v19 =	vadd.f32 v19, v23;
	v8 =	vadd.f32 v27, v8;
	v11 =	vmul.f32 v11, v11;
	v17 =	vld [tilespmem:s8+$0x0]  }
0x14b: {  	v23 =	vld [tilespmem:s5+$0x10];
	v5 =	vadd.f32 v6, v5;
	v6 =	vmul.f32 v12, v10;
	v12 =	vadd.f32 v14, v13;
	(xrf2) =	vadd.scan.msk.f32 $0xffff, v4  }
0x14c: {  	v15 =	vadd.f32 v25, v15;
	v4 =	vmul.f32 v35, v2;
	v11 =	vadd.f32 v11, v22;
	v14 =	vld [tilespmem:s5+$0x0]  }
0x14d: {  	v10 =	vmul.f32 v20, v20;
	v13 =	vmul.f32 v3, v3;
	v22 =	vld [tilespmem:s8+$0x10];
	v25 =	vadd.f32 v26, v5  }
0x14e: {  	v26 =	vmul.f32 v21, v21;
	v11 =	vadd.f32 v32, v11;
	v5 =	vld [tilespmem:s18+$0xFFFFFF80];
	v27 =	vmul.f32 v28, v28  }
0x14f: {  	v29 =	vmul.f32 v36, v36;
	v32 =	vmul.f32 v9, v9;
	v15 =	vadd.f32 v6, v15;
	v31 =	vld [tilespmem:s18+$0x10];
	v33, _, _ =	vpop (xrf2);
	(xrf2) =	vadd.scan.msk.f32 $0xffff, v7  }
0x150: {  	v8 =	vadd.f32 v16, v8;
	v34 =	vmul.f32 v18, v18;
	v7 =	vmul.f32 v30, v30;
	v6 =	vld [tilespmem:s18+$0x0]  }
0x151: {  	v37 =	vmul.f32 v23, v23;
	v35 =	vld [tilespmem:s18+$0xFFFFFF90];
	v16 =	vmul.f32 v14, v14  }
0x152: {  	v41 =	vadd.f32 v24, v8;
	v39 =	vmul.f32 v17, v17;
	v38 =	vld [tilespmem:s5+$0xFFFFFF80];
	v40 =	vmul.f32 v22, v22;
	(xrf2) =	vadd.scan.msk.f32 $0xffff, v12;
	v12, _, _ =	vpop (xrf2)  }
0x153: {  	v8 =	vmul.f32 v5, v5;
	v20 =	vmul.f32 v20, v5;
	v24 =	vadd.f32 v37, v16;
	v37 =	vld [tilespmem:s5+$0x40]  }
0x154: {  	v42 =	vmul.f32 v31, v31;
	v39 =	vadd.f32 v40, v39;
	v22 =	vmul.f32 v22, v31;
	v40 =	vld [tilespmem:s5+$0x50]  }
0x155: {  	v16 =	vld [tilespmem:s8+$0xFFFFFF90];
	v43 =	vmul.f32 v6, v6;
	v14 =	vmul.f32 v14, v6;
	v27 =	vadd.f32 v27, v24;
	v44, _, _ =	vpop (xrf2);
	(xrf2) =	vadd.scan.msk.f32 $0xffff, v19  }
0x156: {  	v6 =	vmul.f32 v17, v6;
	v19 =	vmul.f32 v35, v35;
	v45 =	vld [tilespmem:s18+$0xFFFFFFA0];
	v7 =	vadd.f32 v7, v39  }
0x157: {  	v17 =	vmul.f32 v38, v38;
	v38 =	vmul.f32 v38, v5;
	v5 =	vadd.f32 $0.0e+00, v20;
	v20 =	vld [tilespmem:s5+$0xFFFFFFA0]  }
0x158: {  	v23 =	vmul.f32 v23, v31;
	v19 =	vadd.f32 v19, v8;
	v31 =	vld [tilespmem:s8+$0x40];
	v39 =	vmul.f32 v37, v37  }
0x159: {  	v36 =	vmul.f32 v36, v35;
	v6 =	vadd.f32 $0.0e+00, v6;
	v46 =	vld [tilespmem:s18+$0xFFFFFFB0];
	v47 =	vmul.f32 v40, v40;
	(xrf2) =	vadd.scan.msk.f32 $0xffff, v11;
	v48, _, _ =	vpop (xrf2)  }
0x15a: {  	v24 =	vadd.f32 v29, v17;
	v17 =	vadd.f32 v32, v7;
	v8 =	vmul.f32 v16, v35;
	v11 =	vld [tilespmem:s18+$0x30]  }
0x15b: {  	v27 =	vadd.f32 v34, v27;
	v22 =	vadd.f32 v22, v6;
	v29 =	vmul.f32 v45, v45;
	v7 =	vld [tilespmem:s18+$0xFFFFFFC0]  }
0x15c: {  	v28 =	vmul.f32 v28, v21;
	v34 =	vadd.f32 v42, v43;
	v32 =	vadd.f32 $0.0e+00, v38;
	v35 =	vld [tilespmem:s18+$0x40];
	(xrf2) =	vadd.scan.msk.f32 $0xffff, v25;
	v25, _, _ =	vpop (xrf2)  }
0x15d: {  	v21 =	vmul.f32 v30, v21;
	v14 =	vadd.f32 $0.0e+00, v14;
	v19 =	vadd.f32 v29, v19;
	v6 =	vld [tilespmem:s18+$0xFFFFFFD0]  }
0x15e: {  	v26 =	vadd.f32 v26, v34;
	v27 =	vadd.f32 v39, v27;
	v29 =	vmul.f32 v46, v46;
	v30 =	vld [tilespmem:s5+$0x60]  }
0x15f: {  	v21 =	vadd.f32 v21, v22;
	v34 =	vmul.f32 v20, v20;
	v22 =	vmul.f32 v9, v11;
	v9 =	vld [tilespmem:s5+$0x70];
	v38, _, _ =	vpop (xrf2)  }
0x160: {  	v14 =	vadd.f32 v23, v14;
	v39 =	vld [tilespmem:s5+$0xFFFFFFB0];
	v19 =	vadd.f32 v29, v19;
	v29 =	vmul.f32 v7, v7;
	[tilespmem:s19+$0x0] =	vst v38  }
0x161: {  	v18 =	vmul.f32 v18, v11;
	v42 =	vadd.f32 v22, v21;
	v22 =	vmul.f32 v31, v35;
	v23 =	vld [tilespmem:s18+$0x50];
	(xrf2) =	vadd.scan.msk.f32 $0xffff, v41  }
0x162: {  	v11 =	vmul.f32 v11, v11;
	v38 =	vadd.f32 v29, v19;
	v19 =	vmul.f32 v35, v35;
	v29 =	vld [tilespmem:s8+$0x50];
	[tilespmem:s21+$0x0] =	vst v33  }
0x163: {  	v20 =	vmul.f32 v20, v45;
	v27 =	vadd.f32 v47, v27;
	v41 =	vld [tilespmem:s5+$0xFFFFFFC0];
	v22 =	vadd.f32 v22, v42;
	[tilespmem:s17+$0x0] =	vst v25;
	v21, _, _ =	vpop (xrf2)  }
0x164: {  	v14 =	vadd.f32 v28, v14;
	v26 =	vadd.f32 v11, v26;
	v25 =	vmul.f32 v37, v35;
	v33 =	vld [tilespmem:s8+$0xFFFFFFB0];
	[tilespmem:s19+$0xFFFFFFF0] =	vst v21;
	s19 =	smov.u32 s23  }
0x165: {  	v11 =	vadd.f32 v36, v32;
	v37 =	vmul.f32 v39, v39;
	v28 =	vmul.f32 v39, v46;
	v32 =	vld [tilespmem:s5+$0xFFFFFFD0];
	(xrf2) =	vadd.scan.msk.f32 $0xffff, v15  }
0x166: {  	v14 =	vadd.f32 v18, v14;
	v36 =	vmul.f32 v30, v30;
	v15 =	vld [tilespmem:s8+$0xFFFFFFA0];
	v35 =	vmul.f32 v40, v23;
	[tilespmem:s21+$0xFFFFFFF0] =	vst v44;
	v39, _, _ =	vpop (xrf2);
	s21 =	smov.u32 s25  }
0x167: {  	v31 =	vmul.f32 v31, v31;
	v18 =	vadd.f32 v20, v11;
	v40 =	vmul.f32 v23, v23;
	v21 =	vld [tilespmem:s18+$0x60];
	[tilespmem:s15+$0x0] =	vst v12  }
0x168: {  	v42 =	vmul.f32 v6, v6;
	v43 =	vadd.f32 v25, v14;
	v12 =	vmul.f32 v41, v7;
	v11 =	vld [tilespmem:s18+$0xFFFFFFE0];
	[tilespmem:s16+$0x0] =	vst v48  }
0x169: {  	v25 =	vadd.f32 v36, v27;
	v14 =	vadd.f32 v28, v18;
	v18 =	vmul.f32 v33, v46;
	v20 =	vld [tilespmem:s18+$0x70]  }
0x16a: {  	v19 =	vadd.f32 v19, v26;
	v28 =	vadd.f32 v31, v17;
	v31 =	vmul.f32 v29, v29;
	v17 =	vld [tilespmem:s8+$0x70]  }
0x16b: {  	v36 =	vadd.f32 v12, v14;
	v27 =	vmul.f32 v32, v32;
	v26 =	vmul.f32 v15, v45;
	v14 =	vld [tilespmem:s8+$0xFFFFFFE0];
	v44, _, _ =	vpop (xrf2)  }
0x16c: {  	v23 =	vmul.f32 v29, v23;
	v40 =	vadd.f32 v40, v19;
	v31 =	vadd.f32 v31, v28;
	v12 =	vld [tilespmem:s5+$0xFFFFFFF0];
	[tilespmem:s17+$0xFFFFFFF0] =	vst v44;
	s17 =	smov.u32 s6  }
0x16d: {  	v28 =	vmul.f32 v33, v33;
	v32 =	vmul.f32 v32, v6  }
0x16e: {  	v35 =	vadd.f32 v35, v43;
	v33 =	vmul.f32 v21, v21;
	v19 =	vmul.f32 v20, v20  }
0x16f: {  	v43 =	vmul.f32 v15, v15;
	v13 =	vadd.f32 v13, v31;
	v15 =	vadd.f32 v32, v36;
	v29, _, _ =	vpop (xrf2)  }
.Ltmp2:
0x170: {  	v31 =	vmul.f32 v16, v16;
	v32 =	vadd.f32 v23, v22;
	v23 =	vadd.f32 v33, v40;
	[tilespmem:s15+$0xFFFFFFF0] =	vst v29;
	s15 =	smov.u32 s7;
	(pc) =	sbr.rel @p0 .LBB2_6-.Ltmp2, $4  }
0x171: {  	v22 =	vadd.f32 v42, v38;
	v36 =	vmul.f32 v30, v21;
	v16 =	vmul.f32 v14, v14;
	v29 =	vld [tilespmem:s8+$0xFFFFFFC0];
	[tilespmem:s16+$0xFFFFFFF0] =	vst v39;
	s16 =	smov.u32 s0  }
0x172: {  	s1 =	simm.s32 $0x0;
	p1 =	por $0x1, $0x1;
	v24 =	vadd.f32 v34, v24;
	v38 =	vadd.f32 v31, v10;
	v30 =	vmul.f32 v17, v20;
	v10 =	vld [tilespmem:s18+$0xFFFFFFF0]  }
0x173: {  	s5 =	sadd.s32 $0x100, s5;
	v34 =	vadd.f32 v36, v35;
	v35 =	vmul.f32 v9, v9;
	v33 =	vmul.f32 v12, v12;
	s0 =	sadd.s32 $0x20, s0;
	s18 =	sadd.s32 $0x100, s18;
	v31 =	vld [tilespmem:s8+$0xFFFFFFD0]  }
0x174: {  	v37 =	vadd.f32 v37, v24;
	s6 =	sadd.s32 $0x20, s6;
	v36 =	vadd.f32 v43, v38;
	v38 =	vmul.f32 v41, v41;
	s7 =	sadd.s32 $0x20, s7;
	v24 =	vld [tilespmem:s8+$0xFFFFFFF0];
	s8 =	sadd.s32 $0x100, s8  }
0x175: {  	_ = 	snop  }
0x176: {  	v37 =	vadd.f32 v38, v37;
	_ =	sdelay $0x1  }
0x177: {  	v5 =	vadd.f32 v8, v5;
	v3 =	vmul.f32 v3, v21;
	v43 =	vadd.f32 v27, v37  }
0x178: {  	v44 =	vadd.f32 v35, v25;
	v9 =	vmul.f32 v9, v20;
	v53 =	vadd.f32 v19, v23  }
0x179: {  	v5 =	vadd.f32 v26, v5;
	v4 =	vadd.f32 v4, v43  }
0x17a: {  	v47 =	vmul.f32 v17, v17;
	v3 =	vadd.f32 v3, v32;
	v46 =	vadd.f32 v9, v34  }
0x17b: {  	v50 =	vmul.f32 v11, v11;
	v45 =	vadd.f32 v28, v36;
	(xrf2) =	vadd.scan.msk.f32 $0xffff, v44;
	v4 =	vadd.f32 v33, v4  }
0x17c: {  	v7 =	vmul.f32 v29, v7;
	v5 =	vadd.f32 v18, v5;
	v3 =	vadd.f32 v30, v3;
	(xrf2) =	vadd.scan.msk.f32 $0xffff, v46  }
0x17d: {  	v49 =	vmul.f32 v29, v29;
	v9 =	vadd.f32 v47, v13;
	v55 =	vadd.f32 v50, v22;
	(xrf2) =	vadd.scan.msk.f32 $0xffff, v4  }
0x17e: {  	v52 =	vmul.f32 v31, v6;
	v51 =	vadd.f32 v7, v5;
	(xrf2) =	vadd.scan.msk.f32 $0xffff, v3;
	v3 =	vmul.f32 v10, v10  }
0x17f: {  	v48 =	vmul.f32 v31, v31;
	v54 =	vadd.f32 v49, v45;
	(xrf2) =	vadd.scan.msk.f32 $0xffff, v9  }
0x180: {  	v56 =	vmul.f32 v14, v11;
	v4 =	vadd.f32 v52, v51;
	(xrf2) =	vadd.scan.msk.f32 $0xffff, v53;
	v3 =	vadd.f32 v3, v55  }
0x181: {  	v2 =	vmul.f32 v2, v11;
	v57 =	vadd.f32 v48, v54  }
0x182: {  	v58 =	vmul.f32 v24, v10;
	v4 =	vadd.f32 v56, v4;
	(xrf2) =	vadd.scan.msk.f32 $0xffff, v3;
	v3 =	vmul.f32 v12, v10  }
0x183: {  	v2 =	vadd.f32 v2, v15;
	v59 =	vmul.f32 v24, v24;
	v6 =	vadd.f32 v16, v57  }
0x184: {  	v4 =	vadd.f32 v58, v4  }
0x185: {  	v5 =	vadd.f32 v59, v6;
	v60, _, _ =	vpop (xrf2);
	v2 =	vadd.f32 v3, v2  }
0x186: {  	(xrf2) =	vadd.scan.msk.f32 $0xffff, v4;
	v3, _, _ =	vpop (xrf2)  }
0x187: {  	(xrf2) =	vadd.scan.msk.f32 $0xffff, v5;
	v61, _, _ =	vpop (xrf2)  }
0x188: {  	(xrf2) =	vadd.scan.msk.f32 $0xffff, v2;
	v62, _, _ =	vpop (xrf2)  }
0x189: {  	v2, _, _ =	vpop (xrf2)  }
0x18a: {  	v63, _, _ =	vpop (xrf2)  }
0x18b: {  	[tilespmem:s19+$0x0] =	vst v63  }
0x18c: {  	[tilespmem:s21+$0x0] =	vst v60  }
0x18d: {  	[tilespmem:s17+$0x0] =	vst v2;
	v2, _, _ =	vpop (xrf2)  }
0x18e: {  	[tilespmem:s19+$0xFFFFFFF0] =	vst v2  }
0x18f: {  	[tilespmem:s15+$0x0] =	vst v3  }
0x190: {  	v2, _, _ =	vpop (xrf2);
	[tilespmem:s21+$0xFFFFFFF0] =	vst v61  }
0x191: {  	[tilespmem:s16+$0x0] =	vst v62;
	v3, _, _ =	vpop (xrf2)  }
0x192: {  	[tilespmem:s17+$0xFFFFFFF0] =	vst v3;
	v3, _, _ =	vpop (xrf2)  }
0x193: {  	[tilespmem:s15+$0xFFFFFFF0] =	vst v3  }
0x194: {  	s10 =	simm.s32 $0x0;
	[tilespmem:s16+$0xFFFFFFF0] =	vst v2  }
.LBB2_8:
0x195: {  	v2 =	vmov s1  }
0x196: {  	v2 =	vshll.u32 v2, $0x4  }
0x197: {  	s0 =	sor.u32 $0x10, s1;
	v2 =	vor.u32 v0, v2  }
0x198: {  	v3 =	vmov s0;
	v2 =	vor.u32 $0xF, v2  }
0x199: {  	v3 =	vshll.u32 v3, $0x4  }
0x19a: {  	v3 =	vor.u32 v0, v3  }
0x19b: {  	v3 =	vor.u32 $0xF, v3;
	_ =	sdelay $0x1  }
0x19c: {  	v4 =	vld.idx.msk [tilespmem:v2+s22+$0x0], $0xffff  }
0x19d: {  	v5 =	vld.idx.msk [tilespmem:v2+s24+$0x0], $0xffff  }
0x19e: {  	v6 =	vld.idx.msk [tilespmem:v2+s26+$0x0], $0xffff  }
0x19f: {  	v7 =	vld.idx.msk [tilespmem:v3+s22+$0x0], $0xffff  }
0x1a0: {  	v8 =	vld.idx.msk [tilespmem:v3+s24+$0x0], $0xffff  }
0x1a1: {  	v9 =	vld.idx.msk [tilespmem:v3+s26+$0x0], $0xffff;
	_ =	sdelay $0x2  }
0x1a2: {  	v4 =	vmax.f32 v4, $1.000000020e-24;
	v5 =	vmax.f32 v5, $1.000000020e-24;
	v6 =	vmax.f32 v6, $1.000000020e-24  }
0x1a3: {  	v5 =	vmul.f32 v5, v4;
	v4 =	vmul.f32 v6, v4  }
0x1a4: {  	v7 =	vmax.f32 v7, $1.000000020e-24;
	v8 =	vmax.f32 v8, $1.000000020e-24;
	v9 =	vmax.f32 v9, $1.000000020e-24  }
0x1a5: {  	v8 =	vmul.f32 v8, v7;
	v7 =	vmul.f32 v9, v7;
	v10 =	vshrl.u32 v5, $0x1  }
0x1a6: {  	v5 =	vmul.f32 $5.000000000e-01, v5;
	v11 =	vshrl.u32 v4, $0x1;
	v4 =	vmul.f32 $5.000000000e-01, v4  }
0x1a7: {  	v40 =	vsub.s32 $0x5F3759DF, v10;
	v11 =	vsub.s32 $0x5F3759DF, v11;
	v12 =	vshrl.u32 v8, $0x1  }
0x1a8: {  	v8 =	vmul.f32 $5.000000000e-01, v8;
	v14 =	vshrl.u32 v7, $0x1;
	v10 =	vmul.f32 v40, v5  }
0x1a9: {  	v7 =	vmul.f32 $5.000000000e-01, v7;
	v42 =	vmul.f32 v11, v4;
	v12 =	vsub.s32 $0x5F3759DF, v12  }
0x1aa: {  	v14 =	vsub.s32 $0x5F3759DF, v14;
	v13 =	vmul.f32 v12, v8;
	v41 =	vmul.f32 v40, v10  }
0x1ab: {  	v15 =	vmul.f32 v14, v7;
	v10 =	vmul.f32 v11, v42  }
0x1ac: {  	v13 =	vmul.f32 v12, v13;
	v9 =	vsub.f32 $1.500000000e+00, v41  }
0x1ad: {  	v45 =	vmul.f32 v14, v15;
	v43 =	vsub.f32 $1.500000000e+00, v10  }
0x1ae: {  	v44 =	vsub.f32 $1.500000000e+00, v13;
	v6 =	vmul.f32 v40, v9  }
0x1af: {  	v47 =	vsub.f32 $1.500000000e+00, v45;
	v9 =	vmul.f32 v11, v43  }
0x1b0: {  	v10 =	vmul.f32 v12, v44;
	v46 =	vmul.f32 v6, v5  }
0x1b1: {  	v11 =	vmul.f32 v14, v47;
	v49 =	vmul.f32 v9, v4  }
0x1b2: {  	v50 =	vmul.f32 v10, v8;
	v48 =	vmul.f32 v46, v6  }
0x1b3: {  	v52 =	vmul.f32 v11, v7;
	v13 =	vmul.f32 v49, v9  }
0x1b4: {  	v51 =	vmul.f32 v50, v10;
	v12 =	vsub.f32 $1.500000000e+00, v48  }
0x1b5: {  	v55 =	vmul.f32 v52, v11;
	v53 =	vsub.f32 $1.500000000e+00, v13  }
0x1b6: {  	v54 =	vsub.f32 $1.500000000e+00, v51;
	v6 =	vmul.f32 v12, v6  }
0x1b7: {  	v56 =	vsub.f32 $1.500000000e+00, v55;
	v9 =	vmul.f32 v53, v9  }
0x1b8: {  	v10 =	vmul.f32 v54, v10;
	v5 =	vmul.f32 v6, v5  }
0x1b9: {  	v11 =	vmul.f32 v56, v11;
	v4 =	vmul.f32 v9, v4  }
0x1ba: {  	v8 =	vmul.f32 v10, v8;
	v5 =	vmul.f32 v5, v6  }
0x1bb: {  	v57 =	vld.idx.msk [tilespmem:v2+s29+$0x0], $0xffff;
	v7 =	vmul.f32 v11, v7;
	v4 =	vmul.f32 v4, v9  }
0x1bc: {  	v2 =	vld.idx.msk [tilespmem:v2+s31+$0x0], $0xffff;
	v8 =	vmul.f32 v8, v10;
	v5 =	vsub.f32 $1.500000000e+00, v5  }
0x1bd: {  	v58 =	vld.idx.msk [tilespmem:v3+s29+$0x0], $0xffff;
	v7 =	vmul.f32 v7, v11;
	v4 =	vsub.f32 $1.500000000e+00, v4  }
0x1be: {  	v59 =	vsub.f32 $1.500000000e+00, v8;
	v5 =	vmul.f32 v5, v6  }
0x1bf: {  	v3 =	vld.idx.msk [tilespmem:v3+s31+$0x0], $0xffff;
	v7 =	vsub.f32 $1.500000000e+00, v7;
	v4 =	vmul.f32 v4, v9  }
0x1c0: {  	v6 =	vmul.f32 v59, v10;
	v5 =	vmul.f32 v5, v57  }
0x1c1: {  	v62 =	vmul.f32 v7, v11  }
0x1c2: {  	v2 =	vmul.f32 v4, v2;
	v61 =	vmul.f32 v6, v58;
	v60 =	vsub.f32 $1.000000000e+00, v5;
	_ =	sdelay $0x1  }
0x1c3: {  	p0 =	por p1, p1;
	v3 =	vmul.f32 v62, v3;
	v63 =	vsub.f32 $1.000000000e+00, v61;
	v2 =	vadd.f32 v2, v60  }
.Ltmp3:
0x1c4: {  	_ = 	snop;
	(pc) =	sbr.rel @p0 .LBB2_8-.Ltmp3, $4  }
0x1c5: {  	v3 =	vadd.f32 v3, v63;
	v2 =	vmax.f32 v2, $0.0e+00  }
0x1c6: {  	v1 =	vadd.f32 v2, v1  }
0x1c7: {  	v2 =	vmax.f32 v3, $0.0e+00  }
0x1c8: {  	s1 =	simm.s32 $0x20;
	p1 =	por $0x0, $0x0;
	v1 =	vadd.f32 v2, v1  }
0x1c9: {  	s0 =	simm.s32 $0x6600;
	s1 =	simm.s32 $0x140  }
0x1ca: {  	[tilespmem:s0], [sflag:$0x2] =	stream.indirect.gather [hbm4b:s9+s13], $0x80, s1, s13, $0xb8;
	[tilespmem:$0x19A80] =	vst v63  }
0x1cb: {  	s15 =	simm.s32 $0x8600;
	s16 =	simm.s32 $0x340  }
0x1cc: {  	[tilespmem:s15], [sflag:$0x2] =	stream.indirect.gather [hbm4b:s3+s13], $0x80, s16, s13, $0xb8;
	[tilespmem:$0x19A80] =	vst v63  }
0x1cd: {  	s17 =	simm.s32 $0xA600;
	s18 =	simm.s32 $0x540  }
0x1ce: {  	[tilespmem:s17], [sflag:$0x2] =	stream.indirect.gather [hbm4b:s3+s13], $0x80, s18, s13, $0xb8;
	[tilespmem:$0x19A80] =	vst v63  }
0x1cf: {  	_ =	swait.ge [sflag:s11], $0x2000  }
0x1d0: {  	[sflag:s11] =	ssyncset.done $0x0  }
0x1d1: {  	[sflag:s11] =	ssyncadd.s32 $0xFFFFE000  }
0x1d2: {  	_ =	swait.ge [sflag:s11], $0x2000  }
0x1d3: {  	[sflag:s11] =	ssyncset.done $0x0  }
0x1d4: {  	[sflag:s11] =	ssyncadd.s32 $0xFFFFE000  }
0x1d5: {  	_ =	swait.ge [sflag:s11], $0x2000  }
0x1d6: {  	[sflag:s11] =	ssyncset.done $0x0  }
0x1d7: {  	s19 =	simm.s32 $0x10680;
	[sflag:s11] =	ssyncadd.s32 $0xFFFFE000  }
0x1d8: {  	s4 =	simm.s32 $0xE680;
	v3 =	vld [tilespmem:s19+$0x60]  }
0x1d9: {  	s21 =	simm.s32 $0xC680;
	v2 =	vld [tilespmem:s4+$0xFFFFFFE0]  }
0x1da: {  	v6 =	vld [tilespmem:s21+$0x20]  }
0x1db: {  	v5 =	vld [tilespmem:s19+$0xFFFFFF80]  }
0x1dc: {  	v7 =	vld [tilespmem:s4+$0xFFFFFF90]  }
0x1dd: {  	v9 =	vld [tilespmem:s19+$0x30]  }
0x1de: {  	v11 =	vld [tilespmem:s4+$0x30]  }
0x1df: {  	v12 =	vld [tilespmem:s19+$0x20]  }
0x1e0: {  	v13 =	vld [tilespmem:s4+$0x20]  }
0x1e1: {  	v8 =	vld [tilespmem:s19+$0x0]  }
0x1e2: {  	v14 =	vld [tilespmem:s4+$0x10]  }
0x1e3: {  	v15 =	vld [tilespmem:s4+$0x0]  }
0x1e4: {  	v16 =	vld [tilespmem:s19+$0x10];
	v4 =	vmul.f32 v2, v2  }
0x1e5: {  	v17 =	vld [tilespmem:s21+$0xFFFFFF80];
	v10 =	vmul.f32 v5, v5;
	v22 =	vmul.f32 v3, v3  }
0x1e6: {  	v21 =	vld [tilespmem:s21+$0x10];
	v18 =	vmul.f32 v6, v6;
	v19 =	vmul.f32 v13, v13  }
0x1e7: {  	v24 =	vld [tilespmem:s21+$0x0];
	v20 =	vmul.f32 v7, v7;
	v23 =	vmul.f32 v9, v9  }
0x1e8: {  	v27 =	vld [tilespmem:s21+$0xFFFFFF90];
	v25 =	vmul.f32 v12, v12;
	v26 =	vmul.f32 v11, v11  }
0x1e9: {  	v30 =	vld [tilespmem:s4+$0xFFFFFF80];
	v28 =	vmul.f32 v15, v15;
	v29 =	vmul.f32 v14, v14  }
0x1ea: {  	v35 =	vld [tilespmem:s4+$0x50];
	v31 =	vmul.f32 v8, v8;
	v32 =	vmul.f32 v16, v16  }
0x1eb: {  	v33 =	vmul.f32 v17, v17;
	v5 =	vmul.f32 v5, v17  }
0x1ec: {  	v34 =	vld [tilespmem:s4+$0x40];
	v16 =	vmul.f32 v16, v21;
	v36 =	vmul.f32 v24, v24  }
0x1ed: {  	v52 =	vld [tilespmem:s19+$0xFFFFFF90];
	v15 =	vmul.f32 v15, v24;
	v8 =	vmul.f32 v8, v24  }
0x1ee: {  	v37 =	vld [tilespmem:s21+$0xFFFFFFA0];
	v17 =	vmul.f32 v30, v17;
	v14 =	vmul.f32 v14, v21  }
0x1ef: {  	v38 =	vld [tilespmem:s21+$0xFFFFFFB0];
	v53 =	vmul.f32 v7, v27;
	v39 =	vmul.f32 v35, v35;
	v28 =	vadd.f32 v29, v28  }
0x1f0: {  	v41 =	vld [tilespmem:s4+$0xFFFFFFC0];
	v13 =	vmul.f32 v13, v6;
	v31 =	vadd.f32 v32, v31;
	v5 =	vadd.f32 $0.0e+00, v5  }
0x1f1: {  	v7 =	vld [tilespmem:s21+$0xFFFFFFC0];
	v12 =	vmul.f32 v12, v6;
	v8 =	vadd.f32 $0.0e+00, v8;
	v17 =	vadd.f32 $0.0e+00, v17  }
0x1f2: {  	v6 =	vld [tilespmem:s21+$0xFFFFFFD0];
	v29 =	vmul.f32 v21, v21;
	v15 =	vadd.f32 $0.0e+00, v15;
	v19 =	vadd.f32 v19, v28  }
0x1f3: {  	v21 =	vld [tilespmem:s19+$0x40];
	v28 =	vmul.f32 v27, v27;
	v24 =	vadd.f32 v25, v31;
	v25 =	vmul.f32 v30, v30  }
0x1f4: {  	v30 =	vld [tilespmem:s4+$0xFFFFFFA0];
	v31 =	vmul.f32 v34, v34;
	v16 =	vadd.f32 v16, v8;
	v14 =	vadd.f32 v14, v15  }
0x1f5: {  	v8 =	vmul.f32 v52, v27;
	v15 =	vld [tilespmem:s21+$0x50];
	v17 =	vadd.f32 v53, v17;
	v28 =	vadd.f32 v28, v33  }
0x1f6: {  	v27 =	vmul.f32 v38, v38;
	v40 =	vadd.f32 v20, v25;
	v20 =	vld [tilespmem:s21+$0x30];
	v23 =	vadd.f32 v23, v24  }
0x1f7: {  	v24 =	vmul.f32 v37, v37;
	v19 =	vadd.f32 v26, v19;
	v25 =	vadd.f32 v29, v36;
	v26 =	vld [tilespmem:s21+$0x40]  }
0x1f8: {  	v58 =	vmul.f32 v41, v7;
	v42 =	vmul.f32 v6, v6;
	v12 =	vadd.f32 v12, v16;
	v16 =	vld [tilespmem:s4+$0xFFFFFFB0]  }
0x1f9: {  	v24 =	vadd.f32 v24, v28;
	v18 =	vadd.f32 v18, v25;
	v25 =	vmul.f32 v7, v7  }
0x1fa: {  	v19 =	vadd.f32 v31, v19;
	v31 =	vmul.f32 v30, v30;
	v57 =	vmul.f32 v15, v15  }
0x1fb: {  	v13 =	vadd.f32 v13, v14;
	v9 =	vmul.f32 v9, v20;
	v11 =	vmul.f32 v11, v20  }
0x1fc: {  	v54 =	vld [tilespmem:s4+$0x60];
	v24 =	vadd.f32 v27, v24;
	v20 =	vmul.f32 v20, v20;
	v27 =	vmul.f32 v26, v26  }
0x1fd: {  	v28 =	vld [tilespmem:s19+$0xFFFFFFB0];
	v55 =	vmul.f32 v16, v16;
	v9 =	vadd.f32 v9, v12;
	v12 =	vmul.f32 v21, v26  }
0x1fe: {  	v56 =	vld [tilespmem:s4+$0xFFFFFFD0];
	v16 =	vmul.f32 v16, v38;
	v40 =	vadd.f32 v31, v40;
	v14 =	vadd.f32 v20, v18  }
0x1ff: {  	v18 =	vmul.f32 v34, v26;
	v11 =	vadd.f32 v11, v13;
	v29 =	vadd.f32 v12, v9;
	v12 =	vld [tilespmem:s19+$0x50]  }
0x200: {  	v24 =	vadd.f32 v25, v24;
	v9 =	vadd.f32 v39, v19;
	v19 =	vmul.f32 v30, v37;
	v30 =	vld [tilespmem:s19+$0xFFFFFFA0]  }
0x201: {  	v13 =	vmul.f32 v35, v15;
	v20 =	vmul.f32 v54, v54;
	v11 =	vadd.f32 v18, v11  }
0x202: {  	v18 =	vmul.f32 v28, v38;
	v28 =	vmul.f32 v28, v28;
	v17 =	vadd.f32 v19, v17  }
0x203: {  	v38 =	vmul.f32 v41, v41;
	v19 =	vmul.f32 v21, v21;
	v21 =	vld [tilespmem:s21+$0x60];
	v25 =	vadd.f32 v20, v9  }
0x204: {  	v20 =	vld [tilespmem:s21+$0x70];
	v16 =	vadd.f32 v16, v17;
	v17 =	vadd.f32 v27, v14;
	v27 =	vmul.f32 v56, v56  }
0x205: {  	v9 =	vld [tilespmem:s4+$0x70];
	v19 =	vadd.f32 v19, v23;
	v23 =	vmul.f32 v12, v12;
	v26 =	vmul.f32 v30, v37  }
0x206: {  	v60 =	vadd.f32 v13, v11;
	v14 =	vld [tilespmem:s19+$0xFFFFFFE0];
	v59 =	vmul.f32 v12, v15;
	v15 =	vmul.f32 v56, v6  }
0x207: {  	v12 =	vld [tilespmem:s4+$0xFFFFFFF0];
	v62 =	vmul.f32 v30, v30;
	v37 =	vadd.f32 v55, v40;
	v16 =	vadd.f32 v58, v16  }
0x208: {  	v30 =	vmul.f32 v52, v52;
	v34 =	vadd.f32 v57, v17;
	v17 =	vld [tilespmem:s19+$0x70];
	v23 =	vadd.f32 v23, v19  }
0x209: {  	s23 =	simm.s32 $0x18610;
	s25 =	simm.s32 $0x18A10;
	v31 =	vld [tilespmem:s19+$0xFFFFFFD0];
	v61 =	vmul.f32 v21, v21;
	v19 =	vmul.f32 v20, v20;
	v32 =	vadd.f32 v59, v29  }
0x20a: {  	s28 =	simm.s32 $0x0;
	s5 =	simm.s32 $0xE780;
	s6 =	simm.s32 $0x18E30;
	v29 =	vld [tilespmem:s19+$0xFFFFFFC0];
	v63 =	vadd.f32 v30, v10;
	v35 =	vmul.f32 v9, v9;
	v15 =	vadd.f32 v15, v16  }
0x20b: {  	s7 =	simm.s32 $0x19230;
	s8 =	simm.s32 $0x10780;
	s0 =	simm.s32 $0x19630;
	v11 =	vld [tilespmem:s21+$0xFFFFFFE0];
	v13 =	vadd.f32 v22, v23;
	v22 =	vadd.f32 v42, v24;
	v24 =	vmul.f32 v54, v21  }
0x20c: {  	s15 =	simm.s32 $0x19210;
	s16 =	simm.s32 $0x19610;
	s17 =	simm.s32 $0x18E10;
	v10 =	vld [tilespmem:s21+$0xFFFFFFF0];
	v23 =	vadd.f32 v61, v34;
	v16 =	vmul.f32 v14, v14;
	v36 =	vadd.f32 v62, v63  }
0x20d: {  	s18 =	simm.s32 $0xC780;
	s21 =	simm.s32 $0x18A10;
	v33 =	vmul.f32 v12, v12;
	v30 =	vmul.f32 v17, v20;
	v34 =	vadd.f32 v24, v60;
	v24 =	vld [tilespmem:s19+$0xFFFFFFF0];
	s19 =	simm.s32 $0x18610  }
.LBB2_10:
0x20e: {  	s28 =	sadd.s32 $0x2, s28;
	v5 =	vadd.f32 v8, v5;
	v8 =	vmul.f32 v3, v21;
	v3 =	vld [tilespmem:s8+$0x60];
	v25 =	vadd.f32 v35, v25;
	s23 =	sadd.s32 $0x20, s23;
	s25 =	sadd.s32 $0x20, s25  }
0x20f: {  	v35 =	vld [tilespmem:s5+$0xFFFFFFE0];
	p0 =	slt.u32 s28, $0x3E;
	v28 =	vadd.f32 v28, v36;
	v36 =	vadd.f32 v38, v37;
	v7 =	vmul.f32 v29, v7  }
0x210: {  	v9 =	vmul.f32 v9, v20;
	v21 =	vld [tilespmem:s18+$0x20];
	v5 =	vadd.f32 v26, v5;
	v8 =	vadd.f32 v8, v32  }
0x211: {  	v32 =	vmul.f32 v10, v10;
	v20 =	vld [tilespmem:s8+$0xFFFFFF80];
	v26 =	vadd.f32 v27, v36;
	v27 =	vmul.f32 v31, v31  }
0x212: {  	v29 =	vmul.f32 v29, v29;
	v34 =	vadd.f32 v9, v34;
	v36 =	vld [tilespmem:s5+$0xFFFFFF90];
	v5 =	vadd.f32 v18, v5;
	(xrf2) =	vadd.scan.msk.f32 $0xffff, v25  }
0x213: {  	v25 =	vmul.f32 v2, v11;
	v9 =	vld [tilespmem:s8+$0x30];
	v4 =	vadd.f32 v4, v26;
	v26 =	vmul.f32 v24, v10  }
0x214: {  	v6 =	vmul.f32 v31, v6;
	v18 =	vld [tilespmem:s5+$0x30];
	v5 =	vadd.f32 v7, v5;
	v7 =	vadd.f32 v30, v8;
	v2 =	vmovc v35  }
0x215: {  	v24 =	vmul.f32 v24, v24;
	v8 =	vadd.f32 v29, v28;
	v30 =	vld [tilespmem:s8+$0x20];
	v4 =	vadd.f32 v33, v4;
	(xrf2) =	vadd.scan.msk.f32 $0xffff, v34  }
0x216: {  	v28 =	vld [tilespmem:s5+$0x20];
	v5 =	vadd.f32 v6, v5;
	v6 =	vmul.f32 v14, v11;
	v14 =	vmul.f32 v17, v17  }
0x217: {  	v19 =	vadd.f32 v19, v23;
	v8 =	vadd.f32 v27, v8;
	v11 =	vmul.f32 v11, v11;
	v17 =	vld [tilespmem:s8+$0x0]  }
0x218: {  	v23 =	vld [tilespmem:s5+$0x10];
	v5 =	vadd.f32 v6, v5;
	v6 =	vmul.f32 v12, v10;
	v12 =	vadd.f32 v14, v13;
	(xrf2) =	vadd.scan.msk.f32 $0xffff, v4  }
0x219: {  	v15 =	vadd.f32 v25, v15;
	v4 =	vmul.f32 v35, v2;
	v11 =	vadd.f32 v11, v22;
	v14 =	vld [tilespmem:s5+$0x0]  }
0x21a: {  	v10 =	vmul.f32 v20, v20;
	v13 =	vmul.f32 v3, v3;
	v22 =	vld [tilespmem:s8+$0x10];
	v25 =	vadd.f32 v26, v5  }
0x21b: {  	v26 =	vmul.f32 v21, v21;
	v11 =	vadd.f32 v32, v11;
	v5 =	vld [tilespmem:s18+$0xFFFFFF80];
	v27 =	vmul.f32 v28, v28  }
0x21c: {  	v29 =	vmul.f32 v36, v36;
	v32 =	vmul.f32 v9, v9;
	v15 =	vadd.f32 v6, v15;
	v31 =	vld [tilespmem:s18+$0x10];
	v33, _, _ =	vpop (xrf2);
	(xrf2) =	vadd.scan.msk.f32 $0xffff, v7  }
0x21d: {  	v8 =	vadd.f32 v16, v8;
	v34 =	vmul.f32 v18, v18;
	v7 =	vmul.f32 v30, v30;
	v6 =	vld [tilespmem:s18+$0x0]  }
0x21e: {  	v37 =	vmul.f32 v23, v23;
	v35 =	vld [tilespmem:s18+$0xFFFFFF90];
	v16 =	vmul.f32 v14, v14  }
0x21f: {  	v41 =	vadd.f32 v24, v8;
	v39 =	vmul.f32 v17, v17;
	v38 =	vld [tilespmem:s5+$0xFFFFFF80];
	v40 =	vmul.f32 v22, v22;
	(xrf2) =	vadd.scan.msk.f32 $0xffff, v12;
	v12, _, _ =	vpop (xrf2)  }
0x220: {  	v8 =	vmul.f32 v5, v5;
	v20 =	vmul.f32 v20, v5;
	v24 =	vadd.f32 v37, v16;
	v37 =	vld [tilespmem:s5+$0x40]  }
0x221: {  	v42 =	vmul.f32 v31, v31;
	v39 =	vadd.f32 v40, v39;
	v22 =	vmul.f32 v22, v31;
	v40 =	vld [tilespmem:s5+$0x50]  }
0x222: {  	v16 =	vld [tilespmem:s8+$0xFFFFFF90];
	v43 =	vmul.f32 v6, v6;
	v14 =	vmul.f32 v14, v6;
	v27 =	vadd.f32 v27, v24;
	v44, _, _ =	vpop (xrf2);
	(xrf2) =	vadd.scan.msk.f32 $0xffff, v19  }
0x223: {  	v6 =	vmul.f32 v17, v6;
	v19 =	vmul.f32 v35, v35;
	v45 =	vld [tilespmem:s18+$0xFFFFFFA0];
	v7 =	vadd.f32 v7, v39  }
0x224: {  	v17 =	vmul.f32 v38, v38;
	v38 =	vmul.f32 v38, v5;
	v5 =	vadd.f32 $0.0e+00, v20;
	v20 =	vld [tilespmem:s5+$0xFFFFFFA0]  }
0x225: {  	v23 =	vmul.f32 v23, v31;
	v19 =	vadd.f32 v19, v8;
	v31 =	vld [tilespmem:s8+$0x40];
	v39 =	vmul.f32 v37, v37  }
0x226: {  	v36 =	vmul.f32 v36, v35;
	v6 =	vadd.f32 $0.0e+00, v6;
	v46 =	vld [tilespmem:s18+$0xFFFFFFB0];
	v47 =	vmul.f32 v40, v40;
	(xrf2) =	vadd.scan.msk.f32 $0xffff, v11;
	v48, _, _ =	vpop (xrf2)  }
0x227: {  	v24 =	vadd.f32 v29, v17;
	v17 =	vadd.f32 v32, v7;
	v8 =	vmul.f32 v16, v35;
	v11 =	vld [tilespmem:s18+$0x30]  }
0x228: {  	v27 =	vadd.f32 v34, v27;
	v22 =	vadd.f32 v22, v6;
	v29 =	vmul.f32 v45, v45;
	v7 =	vld [tilespmem:s18+$0xFFFFFFC0]  }
0x229: {  	v28 =	vmul.f32 v28, v21;
	v34 =	vadd.f32 v42, v43;
	v32 =	vadd.f32 $0.0e+00, v38;
	v35 =	vld [tilespmem:s18+$0x40];
	(xrf2) =	vadd.scan.msk.f32 $0xffff, v25;
	v25, _, _ =	vpop (xrf2)  }
0x22a: {  	v21 =	vmul.f32 v30, v21;
	v14 =	vadd.f32 $0.0e+00, v14;
	v19 =	vadd.f32 v29, v19;
	v6 =	vld [tilespmem:s18+$0xFFFFFFD0]  }
0x22b: {  	v26 =	vadd.f32 v26, v34;
	v27 =	vadd.f32 v39, v27;
	v29 =	vmul.f32 v46, v46;
	v30 =	vld [tilespmem:s5+$0x60]  }
0x22c: {  	v21 =	vadd.f32 v21, v22;
	v34 =	vmul.f32 v20, v20;
	v22 =	vmul.f32 v9, v11;
	v9 =	vld [tilespmem:s5+$0x70];
	v38, _, _ =	vpop (xrf2)  }
0x22d: {  	v14 =	vadd.f32 v23, v14;
	v39 =	vld [tilespmem:s5+$0xFFFFFFB0];
	v19 =	vadd.f32 v29, v19;
	v29 =	vmul.f32 v7, v7;
	[tilespmem:s19+$0x0] =	vst v38  }
0x22e: {  	v18 =	vmul.f32 v18, v11;
	v42 =	vadd.f32 v22, v21;
	v22 =	vmul.f32 v31, v35;
	v23 =	vld [tilespmem:s18+$0x50];
	(xrf2) =	vadd.scan.msk.f32 $0xffff, v41  }
0x22f: {  	v11 =	vmul.f32 v11, v11;
	v38 =	vadd.f32 v29, v19;
	v19 =	vmul.f32 v35, v35;
	v29 =	vld [tilespmem:s8+$0x50];
	[tilespmem:s21+$0x0] =	vst v33  }
0x230: {  	v20 =	vmul.f32 v20, v45;
	v27 =	vadd.f32 v47, v27;
	v41 =	vld [tilespmem:s5+$0xFFFFFFC0];
	v22 =	vadd.f32 v22, v42;
	[tilespmem:s17+$0x0] =	vst v25;
	v21, _, _ =	vpop (xrf2)  }
0x231: {  	v14 =	vadd.f32 v28, v14;
	v26 =	vadd.f32 v11, v26;
	v25 =	vmul.f32 v37, v35;
	v33 =	vld [tilespmem:s8+$0xFFFFFFB0];
	[tilespmem:s19+$0xFFFFFFF0] =	vst v21;
	s19 =	smov.u32 s23  }
0x232: {  	v11 =	vadd.f32 v36, v32;
	v37 =	vmul.f32 v39, v39;
	v28 =	vmul.f32 v39, v46;
	v32 =	vld [tilespmem:s5+$0xFFFFFFD0];
	(xrf2) =	vadd.scan.msk.f32 $0xffff, v15  }
0x233: {  	v14 =	vadd.f32 v18, v14;
	v36 =	vmul.f32 v30, v30;
	v15 =	vld [tilespmem:s8+$0xFFFFFFA0];
	v35 =	vmul.f32 v40, v23;
	[tilespmem:s21+$0xFFFFFFF0] =	vst v44;
	v39, _, _ =	vpop (xrf2);
	s21 =	smov.u32 s25  }
0x234: {  	v31 =	vmul.f32 v31, v31;
	v18 =	vadd.f32 v20, v11;
	v40 =	vmul.f32 v23, v23;
	v21 =	vld [tilespmem:s18+$0x60];
	[tilespmem:s15+$0x0] =	vst v12  }
0x235: {  	v42 =	vmul.f32 v6, v6;
	v43 =	vadd.f32 v25, v14;
	v12 =	vmul.f32 v41, v7;
	v11 =	vld [tilespmem:s18+$0xFFFFFFE0];
	[tilespmem:s16+$0x0] =	vst v48  }
0x236: {  	v25 =	vadd.f32 v36, v27;
	v14 =	vadd.f32 v28, v18;
	v18 =	vmul.f32 v33, v46;
	v20 =	vld [tilespmem:s18+$0x70]  }
0x237: {  	v19 =	vadd.f32 v19, v26;
	v28 =	vadd.f32 v31, v17;
	v31 =	vmul.f32 v29, v29;
	v17 =	vld [tilespmem:s8+$0x70]  }
0x238: {  	v36 =	vadd.f32 v12, v14;
	v27 =	vmul.f32 v32, v32;
	v26 =	vmul.f32 v15, v45;
	v14 =	vld [tilespmem:s8+$0xFFFFFFE0];
	v44, _, _ =	vpop (xrf2)  }
0x239: {  	v23 =	vmul.f32 v29, v23;
	v40 =	vadd.f32 v40, v19;
	v31 =	vadd.f32 v31, v28;
	v12 =	vld [tilespmem:s5+$0xFFFFFFF0];
	[tilespmem:s17+$0xFFFFFFF0] =	vst v44;
	s17 =	smov.u32 s6  }
0x23a: {  	v28 =	vmul.f32 v33, v33;
	v32 =	vmul.f32 v32, v6  }
0x23b: {  	v35 =	vadd.f32 v35, v43;
	v33 =	vmul.f32 v21, v21;
	v19 =	vmul.f32 v20, v20  }
0x23c: {  	v43 =	vmul.f32 v15, v15;
	v13 =	vadd.f32 v13, v31;
	v15 =	vadd.f32 v32, v36;
	v29, _, _ =	vpop (xrf2)  }
.Ltmp4:
0x23d: {  	v31 =	vmul.f32 v16, v16;
	v32 =	vadd.f32 v23, v22;
	v23 =	vadd.f32 v33, v40;
	[tilespmem:s15+$0xFFFFFFF0] =	vst v29;
	s15 =	smov.u32 s7;
	(pc) =	sbr.rel @p0 .LBB2_10-.Ltmp4, $4  }
0x23e: {  	v22 =	vadd.f32 v42, v38;
	v36 =	vmul.f32 v30, v21;
	v16 =	vmul.f32 v14, v14;
	v29 =	vld [tilespmem:s8+$0xFFFFFFC0];
	[tilespmem:s16+$0xFFFFFFF0] =	vst v39;
	s16 =	smov.u32 s0  }
0x23f: {  	s1 =	simm.s32 $0x0;
	p1 =	por $0x1, $0x1;
	v24 =	vadd.f32 v34, v24;
	v38 =	vadd.f32 v31, v10;
	v30 =	vmul.f32 v17, v20;
	v10 =	vld [tilespmem:s18+$0xFFFFFFF0]  }
0x240: {  	s5 =	sadd.s32 $0x100, s5;
	v34 =	vadd.f32 v36, v35;
	v35 =	vmul.f32 v9, v9;
	v33 =	vmul.f32 v12, v12;
	s0 =	sadd.s32 $0x20, s0;
	s18 =	sadd.s32 $0x100, s18;
	v31 =	vld [tilespmem:s8+$0xFFFFFFD0]  }
0x241: {  	v37 =	vadd.f32 v37, v24;
	s6 =	sadd.s32 $0x20, s6;
	v36 =	vadd.f32 v43, v38;
	v38 =	vmul.f32 v41, v41;
	s7 =	sadd.s32 $0x20, s7;
	v24 =	vld [tilespmem:s8+$0xFFFFFFF0];
	s8 =	sadd.s32 $0x100, s8  }
0x242: {  	_ = 	snop  }
0x243: {  	v37 =	vadd.f32 v38, v37;
	_ =	sdelay $0x1  }
0x244: {  	v5 =	vadd.f32 v8, v5;
	v3 =	vmul.f32 v3, v21;
	v43 =	vadd.f32 v27, v37  }
0x245: {  	v44 =	vadd.f32 v35, v25;
	v9 =	vmul.f32 v9, v20;
	v53 =	vadd.f32 v19, v23  }
0x246: {  	v5 =	vadd.f32 v26, v5;
	v4 =	vadd.f32 v4, v43  }
0x247: {  	v47 =	vmul.f32 v17, v17;
	v3 =	vadd.f32 v3, v32;
	v46 =	vadd.f32 v9, v34  }
0x248: {  	v50 =	vmul.f32 v11, v11;
	v45 =	vadd.f32 v28, v36;
	(xrf2) =	vadd.scan.msk.f32 $0xffff, v44;
	v4 =	vadd.f32 v33, v4  }
0x249: {  	v7 =	vmul.f32 v29, v7;
	v5 =	vadd.f32 v18, v5;
	v3 =	vadd.f32 v30, v3;
	(xrf2) =	vadd.scan.msk.f32 $0xffff, v46  }
0x24a: {  	v49 =	vmul.f32 v29, v29;
	v9 =	vadd.f32 v47, v13;
	v55 =	vadd.f32 v50, v22;
	(xrf2) =	vadd.scan.msk.f32 $0xffff, v4  }
0x24b: {  	v52 =	vmul.f32 v31, v6;
	v51 =	vadd.f32 v7, v5;
	(xrf2) =	vadd.scan.msk.f32 $0xffff, v3;
	v3 =	vmul.f32 v10, v10  }
0x24c: {  	v48 =	vmul.f32 v31, v31;
	v54 =	vadd.f32 v49, v45;
	(xrf2) =	vadd.scan.msk.f32 $0xffff, v9  }
0x24d: {  	v56 =	vmul.f32 v14, v11;
	v4 =	vadd.f32 v52, v51;
	(xrf2) =	vadd.scan.msk.f32 $0xffff, v53;
	v3 =	vadd.f32 v3, v55  }
0x24e: {  	v2 =	vmul.f32 v2, v11;
	v57 =	vadd.f32 v48, v54  }
0x24f: {  	v58 =	vmul.f32 v24, v10;
	v4 =	vadd.f32 v56, v4;
	(xrf2) =	vadd.scan.msk.f32 $0xffff, v3;
	v3 =	vmul.f32 v12, v10  }
0x250: {  	v2 =	vadd.f32 v2, v15;
	v59 =	vmul.f32 v24, v24;
	v6 =	vadd.f32 v16, v57  }
0x251: {  	v4 =	vadd.f32 v58, v4  }
0x252: {  	v5 =	vadd.f32 v59, v6;
	v60, _, _ =	vpop (xrf2);
	v2 =	vadd.f32 v3, v2  }
0x253: {  	(xrf2) =	vadd.scan.msk.f32 $0xffff, v4;
	v3, _, _ =	vpop (xrf2)  }
0x254: {  	(xrf2) =	vadd.scan.msk.f32 $0xffff, v5;
	v61, _, _ =	vpop (xrf2)  }
0x255: {  	(xrf2) =	vadd.scan.msk.f32 $0xffff, v2;
	v62, _, _ =	vpop (xrf2)  }
0x256: {  	v2, _, _ =	vpop (xrf2)  }
0x257: {  	v63, _, _ =	vpop (xrf2)  }
0x258: {  	[tilespmem:s19+$0x0] =	vst v63  }
0x259: {  	[tilespmem:s21+$0x0] =	vst v60  }
0x25a: {  	[tilespmem:s17+$0x0] =	vst v2;
	v2, _, _ =	vpop (xrf2)  }
0x25b: {  	[tilespmem:s19+$0xFFFFFFF0] =	vst v2  }
0x25c: {  	[tilespmem:s15+$0x0] =	vst v3  }
0x25d: {  	v2, _, _ =	vpop (xrf2);
	[tilespmem:s21+$0xFFFFFFF0] =	vst v61  }
0x25e: {  	[tilespmem:s16+$0x0] =	vst v62;
	v3, _, _ =	vpop (xrf2)  }
0x25f: {  	[tilespmem:s17+$0xFFFFFFF0] =	vst v3;
	v3, _, _ =	vpop (xrf2)  }
0x260: {  	[tilespmem:s15+$0xFFFFFFF0] =	vst v3  }
0x261: {  	[tilespmem:s16+$0xFFFFFFF0] =	vst v2  }
.LBB2_12:
0x262: {  	v2 =	vmov s1  }
0x263: {  	v2 =	vshll.u32 v2, $0x4  }
0x264: {  	s0 =	sor.u32 $0x10, s1;
	v2 =	vor.u32 v0, v2  }
0x265: {  	v3 =	vmov s0;
	v2 =	vor.u32 $0xF, v2  }
0x266: {  	v3 =	vshll.u32 v3, $0x4  }
0x267: {  	v3 =	vor.u32 v0, v3  }
0x268: {  	v3 =	vor.u32 $0xF, v3;
	_ =	sdelay $0x1  }
0x269: {  	v4 =	vld.idx.msk [tilespmem:v2+s22+$0x0], $0xffff  }
0x26a: {  	v5 =	vld.idx.msk [tilespmem:v2+s24+$0x0], $0xffff  }
0x26b: {  	v6 =	vld.idx.msk [tilespmem:v2+s26+$0x0], $0xffff  }
0x26c: {  	v7 =	vld.idx.msk [tilespmem:v3+s22+$0x0], $0xffff  }
0x26d: {  	v8 =	vld.idx.msk [tilespmem:v3+s24+$0x0], $0xffff  }
0x26e: {  	v9 =	vld.idx.msk [tilespmem:v3+s26+$0x0], $0xffff;
	_ =	sdelay $0x2  }
0x26f: {  	v4 =	vmax.f32 v4, $1.000000020e-24;
	v5 =	vmax.f32 v5, $1.000000020e-24;
	v6 =	vmax.f32 v6, $1.000000020e-24  }
0x270: {  	v5 =	vmul.f32 v5, v4;
	v4 =	vmul.f32 v6, v4  }
0x271: {  	v7 =	vmax.f32 v7, $1.000000020e-24;
	v8 =	vmax.f32 v8, $1.000000020e-24;
	v9 =	vmax.f32 v9, $1.000000020e-24  }
0x272: {  	v8 =	vmul.f32 v8, v7;
	v7 =	vmul.f32 v9, v7;
	v10 =	vshrl.u32 v5, $0x1  }
0x273: {  	v5 =	vmul.f32 $5.000000000e-01, v5;
	v11 =	vshrl.u32 v4, $0x1;
	v4 =	vmul.f32 $5.000000000e-01, v4  }
0x274: {  	v40 =	vsub.s32 $0x5F3759DF, v10;
	v11 =	vsub.s32 $0x5F3759DF, v11;
	v12 =	vshrl.u32 v8, $0x1  }
0x275: {  	v8 =	vmul.f32 $5.000000000e-01, v8;
	v14 =	vshrl.u32 v7, $0x1;
	v10 =	vmul.f32 v40, v5  }
0x276: {  	v7 =	vmul.f32 $5.000000000e-01, v7;
	v42 =	vmul.f32 v11, v4;
	v12 =	vsub.s32 $0x5F3759DF, v12  }
0x277: {  	v14 =	vsub.s32 $0x5F3759DF, v14;
	v13 =	vmul.f32 v12, v8;
	v41 =	vmul.f32 v40, v10  }
0x278: {  	v15 =	vmul.f32 v14, v7;
	v10 =	vmul.f32 v11, v42  }
0x279: {  	v13 =	vmul.f32 v12, v13;
	v9 =	vsub.f32 $1.500000000e+00, v41  }
0x27a: {  	v45 =	vmul.f32 v14, v15;
	v43 =	vsub.f32 $1.500000000e+00, v10  }
0x27b: {  	v44 =	vsub.f32 $1.500000000e+00, v13;
	v6 =	vmul.f32 v40, v9  }
0x27c: {  	v47 =	vsub.f32 $1.500000000e+00, v45;
	v9 =	vmul.f32 v11, v43  }
0x27d: {  	v10 =	vmul.f32 v12, v44;
	v46 =	vmul.f32 v6, v5  }
0x27e: {  	v11 =	vmul.f32 v14, v47;
	v49 =	vmul.f32 v9, v4  }
0x27f: {  	v50 =	vmul.f32 v10, v8;
	v48 =	vmul.f32 v46, v6  }
0x280: {  	v52 =	vmul.f32 v11, v7;
	v13 =	vmul.f32 v49, v9  }
0x281: {  	v51 =	vmul.f32 v50, v10;
	v12 =	vsub.f32 $1.500000000e+00, v48  }
0x282: {  	v55 =	vmul.f32 v52, v11;
	v53 =	vsub.f32 $1.500000000e+00, v13  }
0x283: {  	v54 =	vsub.f32 $1.500000000e+00, v51;
	v6 =	vmul.f32 v12, v6  }
0x284: {  	v56 =	vsub.f32 $1.500000000e+00, v55;
	v9 =	vmul.f32 v53, v9  }
0x285: {  	v10 =	vmul.f32 v54, v10;
	v5 =	vmul.f32 v6, v5  }
0x286: {  	v11 =	vmul.f32 v56, v11;
	v4 =	vmul.f32 v9, v4  }
0x287: {  	v8 =	vmul.f32 v10, v8;
	v5 =	vmul.f32 v5, v6  }
0x288: {  	v57 =	vld.idx.msk [tilespmem:v2+s29+$0x0], $0xffff;
	v7 =	vmul.f32 v11, v7;
	v4 =	vmul.f32 v4, v9  }
0x289: {  	v2 =	vld.idx.msk [tilespmem:v2+s31+$0x0], $0xffff;
	v8 =	vmul.f32 v8, v10;
	v5 =	vsub.f32 $1.500000000e+00, v5  }
0x28a: {  	v58 =	vld.idx.msk [tilespmem:v3+s29+$0x0], $0xffff;
	v7 =	vmul.f32 v7, v11;
	v4 =	vsub.f32 $1.500000000e+00, v4  }
0x28b: {  	v59 =	vsub.f32 $1.500000000e+00, v8;
	v5 =	vmul.f32 v5, v6  }
0x28c: {  	v3 =	vld.idx.msk [tilespmem:v3+s31+$0x0], $0xffff;
	v7 =	vsub.f32 $1.500000000e+00, v7;
	v4 =	vmul.f32 v4, v9  }
0x28d: {  	v6 =	vmul.f32 v59, v10;
	v5 =	vmul.f32 v5, v57  }
0x28e: {  	v62 =	vmul.f32 v7, v11  }
0x28f: {  	v2 =	vmul.f32 v4, v2;
	v61 =	vmul.f32 v6, v58;
	v60 =	vsub.f32 $1.000000000e+00, v5;
	_ =	sdelay $0x1  }
0x290: {  	p0 =	por p1, p1;
	v3 =	vmul.f32 v62, v3;
	v63 =	vsub.f32 $1.000000000e+00, v61;
	v2 =	vadd.f32 v2, v60  }
.Ltmp5:
0x291: {  	_ = 	snop;
	(pc) =	sbr.rel @p0 .LBB2_12-.Ltmp5, $4  }
0x292: {  	v3 =	vadd.f32 v3, v63;
	v2 =	vmax.f32 v2, $0.0e+00  }
0x293: {  	v1 =	vadd.f32 v2, v1  }
0x294: {  	v2 =	vmax.f32 v3, $0.0e+00  }
0x295: {  	s1 =	simm.s32 $0x20;
	p1 =	por $0x0, $0x0;
	v1 =	vadd.f32 v2, v1  }
0x296: {  	s0 =	simm.s32 $0xC600;
	s1 =	simm.s32 $0x180  }
0x297: {  	[tilespmem:s0], [sflag:$0x3] =	stream.indirect.gather [hbm4b:s9+s13], $0x80, s1, s13, $0xb8;
	[tilespmem:$0x19A80] =	vst v63  }
0x298: {  	s15 =	simm.s32 $0xE600;
	s16 =	simm.s32 $0x380  }
0x299: {  	[tilespmem:s15], [sflag:$0x3] =	stream.indirect.gather [hbm4b:s3+s13], $0x80, s16, s13, $0xb8;
	[tilespmem:$0x19A80] =	vst v63  }
0x29a: {  	s17 =	simm.s32 $0x10600;
	s18 =	simm.s32 $0x580  }
0x29b: {  	[tilespmem:s17], [sflag:$0x3] =	stream.indirect.gather [hbm4b:s3+s13], $0x80, s18, s13, $0xb8;
	[tilespmem:$0x19A80] =	vst v63  }
0x29c: {  	_ =	swait.ge [sflag:s12], $0x2000  }
0x29d: {  	[sflag:s12] =	ssyncset.done $0x0  }
0x29e: {  	[sflag:s12] =	ssyncadd.s32 $0xFFFFE000  }
0x29f: {  	_ =	swait.ge [sflag:s12], $0x2000  }
0x2a0: {  	[sflag:s12] =	ssyncset.done $0x0  }
0x2a1: {  	[sflag:s12] =	ssyncadd.s32 $0xFFFFE000  }
0x2a2: {  	_ =	swait.ge [sflag:s12], $0x2000  }
0x2a3: {  	[sflag:s12] =	ssyncset.done $0x0  }
0x2a4: {  	s19 =	simm.s32 $0x16680;
	[sflag:s12] =	ssyncadd.s32 $0xFFFFE000  }
0x2a5: {  	s4 =	simm.s32 $0x14680;
	v3 =	vld [tilespmem:s19+$0x60]  }
0x2a6: {  	s21 =	simm.s32 $0x12680;
	v2 =	vld [tilespmem:s4+$0xFFFFFFE0]  }
0x2a7: {  	v6 =	vld [tilespmem:s21+$0x20]  }
0x2a8: {  	v5 =	vld [tilespmem:s19+$0xFFFFFF80]  }
0x2a9: {  	v7 =	vld [tilespmem:s4+$0xFFFFFF90]  }
0x2aa: {  	v9 =	vld [tilespmem:s19+$0x30]  }
0x2ab: {  	v11 =	vld [tilespmem:s4+$0x30]  }
0x2ac: {  	v12 =	vld [tilespmem:s19+$0x20]  }
0x2ad: {  	v13 =	vld [tilespmem:s4+$0x20]  }
0x2ae: {  	v8 =	vld [tilespmem:s19+$0x0]  }
0x2af: {  	v14 =	vld [tilespmem:s4+$0x10]  }
0x2b0: {  	v15 =	vld [tilespmem:s4+$0x0]  }
0x2b1: {  	v16 =	vld [tilespmem:s19+$0x10];
	v4 =	vmul.f32 v2, v2  }
0x2b2: {  	v17 =	vld [tilespmem:s21+$0xFFFFFF80];
	v10 =	vmul.f32 v5, v5;
	v22 =	vmul.f32 v3, v3  }
0x2b3: {  	v21 =	vld [tilespmem:s21+$0x10];
	v18 =	vmul.f32 v6, v6;
	v19 =	vmul.f32 v13, v13  }
0x2b4: {  	v24 =	vld [tilespmem:s21+$0x0];
	v20 =	vmul.f32 v7, v7;
	v23 =	vmul.f32 v9, v9  }
0x2b5: {  	v27 =	vld [tilespmem:s21+$0xFFFFFF90];
	v25 =	vmul.f32 v12, v12;
	v26 =	vmul.f32 v11, v11  }
0x2b6: {  	v30 =	vld [tilespmem:s4+$0xFFFFFF80];
	v28 =	vmul.f32 v15, v15;
	v29 =	vmul.f32 v14, v14  }
0x2b7: {  	v35 =	vld [tilespmem:s4+$0x50];
	v31 =	vmul.f32 v8, v8;
	v32 =	vmul.f32 v16, v16  }
0x2b8: {  	v33 =	vmul.f32 v17, v17;
	v5 =	vmul.f32 v5, v17  }
0x2b9: {  	v34 =	vld [tilespmem:s4+$0x40];
	v16 =	vmul.f32 v16, v21;
	v36 =	vmul.f32 v24, v24  }
0x2ba: {  	v52 =	vld [tilespmem:s19+$0xFFFFFF90];
	v15 =	vmul.f32 v15, v24;
	v8 =	vmul.f32 v8, v24  }
0x2bb: {  	v37 =	vld [tilespmem:s21+$0xFFFFFFA0];
	v17 =	vmul.f32 v30, v17;
	v14 =	vmul.f32 v14, v21  }
0x2bc: {  	v38 =	vld [tilespmem:s21+$0xFFFFFFB0];
	v53 =	vmul.f32 v7, v27;
	v39 =	vmul.f32 v35, v35;
	v28 =	vadd.f32 v29, v28  }
0x2bd: {  	v41 =	vld [tilespmem:s4+$0xFFFFFFC0];
	v13 =	vmul.f32 v13, v6;
	v31 =	vadd.f32 v32, v31;
	v5 =	vadd.f32 $0.0e+00, v5  }
0x2be: {  	v7 =	vld [tilespmem:s21+$0xFFFFFFC0];
	v12 =	vmul.f32 v12, v6;
	v8 =	vadd.f32 $0.0e+00, v8;
	v17 =	vadd.f32 $0.0e+00, v17  }
0x2bf: {  	v6 =	vld [tilespmem:s21+$0xFFFFFFD0];
	v29 =	vmul.f32 v21, v21;
	v15 =	vadd.f32 $0.0e+00, v15;
	v19 =	vadd.f32 v19, v28  }
0x2c0: {  	v21 =	vld [tilespmem:s19+$0x40];
	v28 =	vmul.f32 v27, v27;
	v24 =	vadd.f32 v25, v31;
	v25 =	vmul.f32 v30, v30  }
0x2c1: {  	v30 =	vld [tilespmem:s4+$0xFFFFFFA0];
	v31 =	vmul.f32 v34, v34;
	v16 =	vadd.f32 v16, v8;
	v14 =	vadd.f32 v14, v15  }
0x2c2: {  	v8 =	vmul.f32 v52, v27;
	v15 =	vld [tilespmem:s21+$0x50];
	v17 =	vadd.f32 v53, v17;
	v28 =	vadd.f32 v28, v33  }
0x2c3: {  	v27 =	vmul.f32 v38, v38;
	v40 =	vadd.f32 v20, v25;
	v20 =	vld [tilespmem:s21+$0x30];
	v23 =	vadd.f32 v23, v24  }
0x2c4: {  	v24 =	vmul.f32 v37, v37;
	v19 =	vadd.f32 v26, v19;
	v25 =	vadd.f32 v29, v36;
	v26 =	vld [tilespmem:s21+$0x40]  }
0x2c5: {  	v58 =	vmul.f32 v41, v7;
	v42 =	vmul.f32 v6, v6;
	v12 =	vadd.f32 v12, v16;
	v16 =	vld [tilespmem:s4+$0xFFFFFFB0]  }
0x2c6: {  	v24 =	vadd.f32 v24, v28;
	v18 =	vadd.f32 v18, v25;
	v25 =	vmul.f32 v7, v7  }
0x2c7: {  	v19 =	vadd.f32 v31, v19;
	v31 =	vmul.f32 v30, v30;
	v57 =	vmul.f32 v15, v15  }
0x2c8: {  	v13 =	vadd.f32 v13, v14;
	v9 =	vmul.f32 v9, v20;
	v11 =	vmul.f32 v11, v20  }
0x2c9: {  	v54 =	vld [tilespmem:s4+$0x60];
	v24 =	vadd.f32 v27, v24;
	v20 =	vmul.f32 v20, v20;
	v27 =	vmul.f32 v26, v26  }
0x2ca: {  	v28 =	vld [tilespmem:s19+$0xFFFFFFB0];
	v55 =	vmul.f32 v16, v16;
	v9 =	vadd.f32 v9, v12;
	v12 =	vmul.f32 v21, v26  }
0x2cb: {  	v56 =	vld [tilespmem:s4+$0xFFFFFFD0];
	v16 =	vmul.f32 v16, v38;
	v40 =	vadd.f32 v31, v40;
	v14 =	vadd.f32 v20, v18  }
0x2cc: {  	v18 =	vmul.f32 v34, v26;
	v11 =	vadd.f32 v11, v13;
	v29 =	vadd.f32 v12, v9;
	v12 =	vld [tilespmem:s19+$0x50]  }
0x2cd: {  	v24 =	vadd.f32 v25, v24;
	v9 =	vadd.f32 v39, v19;
	v19 =	vmul.f32 v30, v37;
	v30 =	vld [tilespmem:s19+$0xFFFFFFA0]  }
0x2ce: {  	v13 =	vmul.f32 v35, v15;
	v20 =	vmul.f32 v54, v54;
	v11 =	vadd.f32 v18, v11  }
0x2cf: {  	v18 =	vmul.f32 v28, v38;
	v28 =	vmul.f32 v28, v28;
	v17 =	vadd.f32 v19, v17  }
0x2d0: {  	v38 =	vmul.f32 v41, v41;
	v19 =	vmul.f32 v21, v21;
	v21 =	vld [tilespmem:s21+$0x60];
	v25 =	vadd.f32 v20, v9  }
0x2d1: {  	v20 =	vld [tilespmem:s21+$0x70];
	v16 =	vadd.f32 v16, v17;
	v17 =	vadd.f32 v27, v14;
	v27 =	vmul.f32 v56, v56  }
0x2d2: {  	v9 =	vld [tilespmem:s4+$0x70];
	v19 =	vadd.f32 v19, v23;
	v23 =	vmul.f32 v12, v12;
	v26 =	vmul.f32 v30, v37  }
0x2d3: {  	v60 =	vadd.f32 v13, v11;
	v14 =	vld [tilespmem:s19+$0xFFFFFFE0];
	v59 =	vmul.f32 v12, v15;
	v15 =	vmul.f32 v56, v6  }
0x2d4: {  	v12 =	vld [tilespmem:s4+$0xFFFFFFF0];
	v62 =	vmul.f32 v30, v30;
	v37 =	vadd.f32 v55, v40;
	v16 =	vadd.f32 v58, v16  }
0x2d5: {  	v30 =	vmul.f32 v52, v52;
	v34 =	vadd.f32 v57, v17;
	v17 =	vld [tilespmem:s19+$0x70];
	v23 =	vadd.f32 v23, v19  }
0x2d6: {  	s23 =	simm.s32 $0x18610;
	s25 =	simm.s32 $0x18A10;
	v31 =	vld [tilespmem:s19+$0xFFFFFFD0];
	v61 =	vmul.f32 v21, v21;
	v19 =	vmul.f32 v20, v20;
	v32 =	vadd.f32 v59, v29  }
0x2d7: {  	s28 =	simm.s32 $0x0;
	s5 =	simm.s32 $0x14780;
	s6 =	simm.s32 $0x18E30;
	v29 =	vld [tilespmem:s19+$0xFFFFFFC0];
	v63 =	vadd.f32 v30, v10;
	v35 =	vmul.f32 v9, v9;
	v15 =	vadd.f32 v15, v16  }
0x2d8: {  	s7 =	simm.s32 $0x19230;
	s8 =	simm.s32 $0x16780;
	s0 =	simm.s32 $0x19630;
	v11 =	vld [tilespmem:s21+$0xFFFFFFE0];
	v13 =	vadd.f32 v22, v23;
	v22 =	vadd.f32 v42, v24;
	v24 =	vmul.f32 v54, v21  }
0x2d9: {  	s15 =	simm.s32 $0x19210;
	s16 =	simm.s32 $0x19610;
	s17 =	simm.s32 $0x18E10;
	v10 =	vld [tilespmem:s21+$0xFFFFFFF0];
	v23 =	vadd.f32 v61, v34;
	v16 =	vmul.f32 v14, v14;
	v36 =	vadd.f32 v62, v63  }
0x2da: {  	s18 =	simm.s32 $0x12780;
	s21 =	simm.s32 $0x18A10;
	v33 =	vmul.f32 v12, v12;
	v30 =	vmul.f32 v17, v20;
	v34 =	vadd.f32 v24, v60;
	v24 =	vld [tilespmem:s19+$0xFFFFFFF0];
	s19 =	simm.s32 $0x18610  }
.LBB2_14:
0x2db: {  	s28 =	sadd.s32 $0x2, s28;
	v5 =	vadd.f32 v8, v5;
	v8 =	vmul.f32 v3, v21;
	v3 =	vld [tilespmem:s8+$0x60];
	v25 =	vadd.f32 v35, v25;
	s23 =	sadd.s32 $0x20, s23;
	s25 =	sadd.s32 $0x20, s25  }
0x2dc: {  	v35 =	vld [tilespmem:s5+$0xFFFFFFE0];
	p0 =	slt.u32 s28, $0x3E;
	v28 =	vadd.f32 v28, v36;
	v36 =	vadd.f32 v38, v37;
	v7 =	vmul.f32 v29, v7  }
0x2dd: {  	v9 =	vmul.f32 v9, v20;
	v21 =	vld [tilespmem:s18+$0x20];
	v5 =	vadd.f32 v26, v5;
	v8 =	vadd.f32 v8, v32  }
0x2de: {  	v32 =	vmul.f32 v10, v10;
	v20 =	vld [tilespmem:s8+$0xFFFFFF80];
	v26 =	vadd.f32 v27, v36;
	v27 =	vmul.f32 v31, v31  }
0x2df: {  	v29 =	vmul.f32 v29, v29;
	v34 =	vadd.f32 v9, v34;
	v36 =	vld [tilespmem:s5+$0xFFFFFF90];
	v5 =	vadd.f32 v18, v5;
	(xrf2) =	vadd.scan.msk.f32 $0xffff, v25  }
0x2e0: {  	v25 =	vmul.f32 v2, v11;
	v9 =	vld [tilespmem:s8+$0x30];
	v4 =	vadd.f32 v4, v26;
	v26 =	vmul.f32 v24, v10  }
0x2e1: {  	v6 =	vmul.f32 v31, v6;
	v18 =	vld [tilespmem:s5+$0x30];
	v5 =	vadd.f32 v7, v5;
	v7 =	vadd.f32 v30, v8;
	v2 =	vmovc v35  }
0x2e2: {  	v24 =	vmul.f32 v24, v24;
	v8 =	vadd.f32 v29, v28;
	v30 =	vld [tilespmem:s8+$0x20];
	v4 =	vadd.f32 v33, v4;
	(xrf2) =	vadd.scan.msk.f32 $0xffff, v34  }
0x2e3: {  	v28 =	vld [tilespmem:s5+$0x20];
	v5 =	vadd.f32 v6, v5;
	v6 =	vmul.f32 v14, v11;
	v14 =	vmul.f32 v17, v17  }
0x2e4: {  	v19 =	vadd.f32 v19, v23;
	v8 =	vadd.f32 v27, v8;
	v11 =	vmul.f32 v11, v11;
	v17 =	vld [tilespmem:s8+$0x0]  }
0x2e5: {  	v23 =	vld [tilespmem:s5+$0x10];
	v5 =	vadd.f32 v6, v5;
	v6 =	vmul.f32 v12, v10;
	v12 =	vadd.f32 v14, v13;
	(xrf2) =	vadd.scan.msk.f32 $0xffff, v4  }
0x2e6: {  	v15 =	vadd.f32 v25, v15;
	v4 =	vmul.f32 v35, v2;
	v11 =	vadd.f32 v11, v22;
	v14 =	vld [tilespmem:s5+$0x0]  }
0x2e7: {  	v10 =	vmul.f32 v20, v20;
	v13 =	vmul.f32 v3, v3;
	v22 =	vld [tilespmem:s8+$0x10];
	v25 =	vadd.f32 v26, v5  }
0x2e8: {  	v26 =	vmul.f32 v21, v21;
	v11 =	vadd.f32 v32, v11;
	v5 =	vld [tilespmem:s18+$0xFFFFFF80];
	v27 =	vmul.f32 v28, v28  }
0x2e9: {  	v29 =	vmul.f32 v36, v36;
	v32 =	vmul.f32 v9, v9;
	v15 =	vadd.f32 v6, v15;
	v31 =	vld [tilespmem:s18+$0x10];
	v33, _, _ =	vpop (xrf2);
	(xrf2) =	vadd.scan.msk.f32 $0xffff, v7  }
0x2ea: {  	v8 =	vadd.f32 v16, v8;
	v34 =	vmul.f32 v18, v18;
	v7 =	vmul.f32 v30, v30;
	v6 =	vld [tilespmem:s18+$0x0]  }
0x2eb: {  	v37 =	vmul.f32 v23, v23;
	v35 =	vld [tilespmem:s18+$0xFFFFFF90];
	v16 =	vmul.f32 v14, v14  }
0x2ec: {  	v41 =	vadd.f32 v24, v8;
	v39 =	vmul.f32 v17, v17;
	v38 =	vld [tilespmem:s5+$0xFFFFFF80];
	v40 =	vmul.f32 v22, v22;
	(xrf2) =	vadd.scan.msk.f32 $0xffff, v12;
	v12, _, _ =	vpop (xrf2)  }
0x2ed: {  	v8 =	vmul.f32 v5, v5;
	v20 =	vmul.f32 v20, v5;
	v24 =	vadd.f32 v37, v16;
	v37 =	vld [tilespmem:s5+$0x40]  }
0x2ee: {  	v42 =	vmul.f32 v31, v31;
	v39 =	vadd.f32 v40, v39;
	v22 =	vmul.f32 v22, v31;
	v40 =	vld [tilespmem:s5+$0x50]  }
0x2ef: {  	v16 =	vld [tilespmem:s8+$0xFFFFFF90];
	v43 =	vmul.f32 v6, v6;
	v14 =	vmul.f32 v14, v6;
	v27 =	vadd.f32 v27, v24;
	v44, _, _ =	vpop (xrf2);
	(xrf2) =	vadd.scan.msk.f32 $0xffff, v19  }
0x2f0: {  	v6 =	vmul.f32 v17, v6;
	v19 =	vmul.f32 v35, v35;
	v45 =	vld [tilespmem:s18+$0xFFFFFFA0];
	v7 =	vadd.f32 v7, v39  }
0x2f1: {  	v17 =	vmul.f32 v38, v38;
	v38 =	vmul.f32 v38, v5;
	v5 =	vadd.f32 $0.0e+00, v20;
	v20 =	vld [tilespmem:s5+$0xFFFFFFA0]  }
0x2f2: {  	v23 =	vmul.f32 v23, v31;
	v19 =	vadd.f32 v19, v8;
	v31 =	vld [tilespmem:s8+$0x40];
	v39 =	vmul.f32 v37, v37  }
0x2f3: {  	v36 =	vmul.f32 v36, v35;
	v6 =	vadd.f32 $0.0e+00, v6;
	v46 =	vld [tilespmem:s18+$0xFFFFFFB0];
	v47 =	vmul.f32 v40, v40;
	(xrf2) =	vadd.scan.msk.f32 $0xffff, v11;
	v48, _, _ =	vpop (xrf2)  }
0x2f4: {  	v24 =	vadd.f32 v29, v17;
	v17 =	vadd.f32 v32, v7;
	v8 =	vmul.f32 v16, v35;
	v11 =	vld [tilespmem:s18+$0x30]  }
0x2f5: {  	v27 =	vadd.f32 v34, v27;
	v22 =	vadd.f32 v22, v6;
	v29 =	vmul.f32 v45, v45;
	v7 =	vld [tilespmem:s18+$0xFFFFFFC0]  }
0x2f6: {  	v28 =	vmul.f32 v28, v21;
	v34 =	vadd.f32 v42, v43;
	v32 =	vadd.f32 $0.0e+00, v38;
	v35 =	vld [tilespmem:s18+$0x40];
	(xrf2) =	vadd.scan.msk.f32 $0xffff, v25;
	v25, _, _ =	vpop (xrf2)  }
0x2f7: {  	v21 =	vmul.f32 v30, v21;
	v14 =	vadd.f32 $0.0e+00, v14;
	v19 =	vadd.f32 v29, v19;
	v6 =	vld [tilespmem:s18+$0xFFFFFFD0]  }
0x2f8: {  	v26 =	vadd.f32 v26, v34;
	v27 =	vadd.f32 v39, v27;
	v29 =	vmul.f32 v46, v46;
	v30 =	vld [tilespmem:s5+$0x60]  }
0x2f9: {  	v21 =	vadd.f32 v21, v22;
	v34 =	vmul.f32 v20, v20;
	v22 =	vmul.f32 v9, v11;
	v9 =	vld [tilespmem:s5+$0x70];
	v38, _, _ =	vpop (xrf2)  }
0x2fa: {  	v14 =	vadd.f32 v23, v14;
	v39 =	vld [tilespmem:s5+$0xFFFFFFB0];
	v19 =	vadd.f32 v29, v19;
	v29 =	vmul.f32 v7, v7;
	[tilespmem:s19+$0x0] =	vst v38  }
0x2fb: {  	v18 =	vmul.f32 v18, v11;
	v42 =	vadd.f32 v22, v21;
	v22 =	vmul.f32 v31, v35;
	v23 =	vld [tilespmem:s18+$0x50];
	(xrf2) =	vadd.scan.msk.f32 $0xffff, v41  }
0x2fc: {  	v11 =	vmul.f32 v11, v11;
	v38 =	vadd.f32 v29, v19;
	v19 =	vmul.f32 v35, v35;
	v29 =	vld [tilespmem:s8+$0x50];
	[tilespmem:s21+$0x0] =	vst v33  }
0x2fd: {  	v20 =	vmul.f32 v20, v45;
	v27 =	vadd.f32 v47, v27;
	v41 =	vld [tilespmem:s5+$0xFFFFFFC0];
	v22 =	vadd.f32 v22, v42;
	[tilespmem:s17+$0x0] =	vst v25;
	v21, _, _ =	vpop (xrf2)  }
0x2fe: {  	v14 =	vadd.f32 v28, v14;
	v26 =	vadd.f32 v11, v26;
	v25 =	vmul.f32 v37, v35;
	v33 =	vld [tilespmem:s8+$0xFFFFFFB0];
	[tilespmem:s19+$0xFFFFFFF0] =	vst v21;
	s19 =	smov.u32 s23  }
0x2ff: {  	v11 =	vadd.f32 v36, v32;
	v37 =	vmul.f32 v39, v39;
	v28 =	vmul.f32 v39, v46;
	v32 =	vld [tilespmem:s5+$0xFFFFFFD0];
	(xrf2) =	vadd.scan.msk.f32 $0xffff, v15  }
0x300: {  	v14 =	vadd.f32 v18, v14;
	v36 =	vmul.f32 v30, v30;
	v15 =	vld [tilespmem:s8+$0xFFFFFFA0];
	v35 =	vmul.f32 v40, v23;
	[tilespmem:s21+$0xFFFFFFF0] =	vst v44;
	v39, _, _ =	vpop (xrf2);
	s21 =	smov.u32 s25  }
0x301: {  	v31 =	vmul.f32 v31, v31;
	v18 =	vadd.f32 v20, v11;
	v40 =	vmul.f32 v23, v23;
	v21 =	vld [tilespmem:s18+$0x60];
	[tilespmem:s15+$0x0] =	vst v12  }
0x302: {  	v42 =	vmul.f32 v6, v6;
	v43 =	vadd.f32 v25, v14;
	v12 =	vmul.f32 v41, v7;
	v11 =	vld [tilespmem:s18+$0xFFFFFFE0];
	[tilespmem:s16+$0x0] =	vst v48  }
0x303: {  	v25 =	vadd.f32 v36, v27;
	v14 =	vadd.f32 v28, v18;
	v18 =	vmul.f32 v33, v46;
	v20 =	vld [tilespmem:s18+$0x70]  }
0x304: {  	v19 =	vadd.f32 v19, v26;
	v28 =	vadd.f32 v31, v17;
	v31 =	vmul.f32 v29, v29;
	v17 =	vld [tilespmem:s8+$0x70]  }
0x305: {  	v36 =	vadd.f32 v12, v14;
	v27 =	vmul.f32 v32, v32;
	v26 =	vmul.f32 v15, v45;
	v14 =	vld [tilespmem:s8+$0xFFFFFFE0];
	v44, _, _ =	vpop (xrf2)  }
0x306: {  	v23 =	vmul.f32 v29, v23;
	v40 =	vadd.f32 v40, v19;
	v31 =	vadd.f32 v31, v28;
	v12 =	vld [tilespmem:s5+$0xFFFFFFF0];
	[tilespmem:s17+$0xFFFFFFF0] =	vst v44;
	s17 =	smov.u32 s6  }
0x307: {  	v28 =	vmul.f32 v33, v33;
	v32 =	vmul.f32 v32, v6  }
0x308: {  	v35 =	vadd.f32 v35, v43;
	v33 =	vmul.f32 v21, v21;
	v19 =	vmul.f32 v20, v20  }
0x309: {  	v43 =	vmul.f32 v15, v15;
	v13 =	vadd.f32 v13, v31;
	v15 =	vadd.f32 v32, v36;
	v29, _, _ =	vpop (xrf2)  }
.Ltmp6:
0x30a: {  	v31 =	vmul.f32 v16, v16;
	v32 =	vadd.f32 v23, v22;
	v23 =	vadd.f32 v33, v40;
	[tilespmem:s15+$0xFFFFFFF0] =	vst v29;
	s15 =	smov.u32 s7;
	(pc) =	sbr.rel @p0 .LBB2_14-.Ltmp6, $4  }
0x30b: {  	v22 =	vadd.f32 v42, v38;
	v36 =	vmul.f32 v30, v21;
	v16 =	vmul.f32 v14, v14;
	v29 =	vld [tilespmem:s8+$0xFFFFFFC0];
	[tilespmem:s16+$0xFFFFFFF0] =	vst v39;
	s16 =	smov.u32 s0  }
0x30c: {  	s1 =	simm.s32 $0x0;
	p1 =	por $0x1, $0x1;
	v24 =	vadd.f32 v34, v24;
	v38 =	vadd.f32 v31, v10;
	v30 =	vmul.f32 v17, v20;
	v10 =	vld [tilespmem:s18+$0xFFFFFFF0]  }
0x30d: {  	s5 =	sadd.s32 $0x100, s5;
	v34 =	vadd.f32 v36, v35;
	v35 =	vmul.f32 v9, v9;
	v33 =	vmul.f32 v12, v12;
	s0 =	sadd.s32 $0x20, s0;
	s18 =	sadd.s32 $0x100, s18;
	v31 =	vld [tilespmem:s8+$0xFFFFFFD0]  }
0x30e: {  	v37 =	vadd.f32 v37, v24;
	s6 =	sadd.s32 $0x20, s6;
	v36 =	vadd.f32 v43, v38;
	v38 =	vmul.f32 v41, v41;
	s7 =	sadd.s32 $0x20, s7;
	v24 =	vld [tilespmem:s8+$0xFFFFFFF0];
	s8 =	sadd.s32 $0x100, s8  }
0x30f: {  	_ = 	snop  }
0x310: {  	v37 =	vadd.f32 v38, v37;
	_ =	sdelay $0x1  }
0x311: {  	v5 =	vadd.f32 v8, v5;
	v3 =	vmul.f32 v3, v21;
	v43 =	vadd.f32 v27, v37  }
0x312: {  	v44 =	vadd.f32 v35, v25;
	v9 =	vmul.f32 v9, v20;
	v53 =	vadd.f32 v19, v23  }
0x313: {  	v5 =	vadd.f32 v26, v5;
	v4 =	vadd.f32 v4, v43  }
0x314: {  	v47 =	vmul.f32 v17, v17;
	v3 =	vadd.f32 v3, v32;
	v46 =	vadd.f32 v9, v34  }
0x315: {  	v50 =	vmul.f32 v11, v11;
	v45 =	vadd.f32 v28, v36;
	(xrf2) =	vadd.scan.msk.f32 $0xffff, v44;
	v4 =	vadd.f32 v33, v4  }
0x316: {  	v7 =	vmul.f32 v29, v7;
	v5 =	vadd.f32 v18, v5;
	v3 =	vadd.f32 v30, v3;
	(xrf2) =	vadd.scan.msk.f32 $0xffff, v46  }
0x317: {  	v49 =	vmul.f32 v29, v29;
	v9 =	vadd.f32 v47, v13;
	v55 =	vadd.f32 v50, v22;
	(xrf2) =	vadd.scan.msk.f32 $0xffff, v4  }
0x318: {  	v52 =	vmul.f32 v31, v6;
	v51 =	vadd.f32 v7, v5;
	(xrf2) =	vadd.scan.msk.f32 $0xffff, v3;
	v3 =	vmul.f32 v10, v10  }
0x319: {  	v48 =	vmul.f32 v31, v31;
	v54 =	vadd.f32 v49, v45;
	(xrf2) =	vadd.scan.msk.f32 $0xffff, v9  }
0x31a: {  	v56 =	vmul.f32 v14, v11;
	v4 =	vadd.f32 v52, v51;
	(xrf2) =	vadd.scan.msk.f32 $0xffff, v53;
	v3 =	vadd.f32 v3, v55  }
0x31b: {  	v2 =	vmul.f32 v2, v11;
	v57 =	vadd.f32 v48, v54  }
0x31c: {  	v58 =	vmul.f32 v24, v10;
	v4 =	vadd.f32 v56, v4;
	(xrf2) =	vadd.scan.msk.f32 $0xffff, v3;
	v3 =	vmul.f32 v12, v10  }
0x31d: {  	v2 =	vadd.f32 v2, v15;
	v59 =	vmul.f32 v24, v24;
	v6 =	vadd.f32 v16, v57  }
0x31e: {  	v4 =	vadd.f32 v58, v4  }
0x31f: {  	v5 =	vadd.f32 v59, v6;
	v60, _, _ =	vpop (xrf2);
	v2 =	vadd.f32 v3, v2  }
0x320: {  	(xrf2) =	vadd.scan.msk.f32 $0xffff, v4;
	v3, _, _ =	vpop (xrf2)  }
0x321: {  	(xrf2) =	vadd.scan.msk.f32 $0xffff, v5;
	v61, _, _ =	vpop (xrf2)  }
0x322: {  	(xrf2) =	vadd.scan.msk.f32 $0xffff, v2;
	v62, _, _ =	vpop (xrf2)  }
0x323: {  	v2, _, _ =	vpop (xrf2)  }
0x324: {  	v63, _, _ =	vpop (xrf2)  }
0x325: {  	[tilespmem:s19+$0x0] =	vst v63  }
0x326: {  	[tilespmem:s21+$0x0] =	vst v60  }
0x327: {  	[tilespmem:s17+$0x0] =	vst v2;
	v2, _, _ =	vpop (xrf2)  }
0x328: {  	[tilespmem:s19+$0xFFFFFFF0] =	vst v2  }
0x329: {  	[tilespmem:s15+$0x0] =	vst v3  }
0x32a: {  	v2, _, _ =	vpop (xrf2);
	[tilespmem:s21+$0xFFFFFFF0] =	vst v61  }
0x32b: {  	[tilespmem:s16+$0x0] =	vst v62;
	v3, _, _ =	vpop (xrf2)  }
0x32c: {  	[tilespmem:s17+$0xFFFFFFF0] =	vst v3;
	v3, _, _ =	vpop (xrf2)  }
0x32d: {  	[tilespmem:s15+$0xFFFFFFF0] =	vst v3  }
0x32e: {  	[tilespmem:s16+$0xFFFFFFF0] =	vst v2  }
.LBB2_16:
0x32f: {  	v2 =	vmov s1  }
0x330: {  	v2 =	vshll.u32 v2, $0x4  }
0x331: {  	s0 =	sor.u32 $0x10, s1;
	v2 =	vor.u32 v0, v2  }
0x332: {  	v3 =	vmov s0;
	v2 =	vor.u32 $0xF, v2  }
0x333: {  	v3 =	vshll.u32 v3, $0x4  }
0x334: {  	v3 =	vor.u32 v0, v3  }
0x335: {  	v3 =	vor.u32 $0xF, v3;
	_ =	sdelay $0x1  }
0x336: {  	v4 =	vld.idx.msk [tilespmem:v2+s22+$0x0], $0xffff  }
0x337: {  	v5 =	vld.idx.msk [tilespmem:v2+s24+$0x0], $0xffff  }
0x338: {  	v6 =	vld.idx.msk [tilespmem:v2+s26+$0x0], $0xffff  }
0x339: {  	v7 =	vld.idx.msk [tilespmem:v3+s22+$0x0], $0xffff  }
0x33a: {  	v8 =	vld.idx.msk [tilespmem:v3+s24+$0x0], $0xffff  }
0x33b: {  	v9 =	vld.idx.msk [tilespmem:v3+s26+$0x0], $0xffff;
	_ =	sdelay $0x2  }
0x33c: {  	v4 =	vmax.f32 v4, $1.000000020e-24;
	v5 =	vmax.f32 v5, $1.000000020e-24;
	v6 =	vmax.f32 v6, $1.000000020e-24  }
0x33d: {  	v5 =	vmul.f32 v5, v4;
	v4 =	vmul.f32 v6, v4  }
0x33e: {  	v7 =	vmax.f32 v7, $1.000000020e-24;
	v8 =	vmax.f32 v8, $1.000000020e-24;
	v9 =	vmax.f32 v9, $1.000000020e-24  }
0x33f: {  	v8 =	vmul.f32 v8, v7;
	v7 =	vmul.f32 v9, v7;
	v10 =	vshrl.u32 v5, $0x1  }
0x340: {  	v5 =	vmul.f32 $5.000000000e-01, v5;
	v11 =	vshrl.u32 v4, $0x1;
	v4 =	vmul.f32 $5.000000000e-01, v4  }
0x341: {  	v40 =	vsub.s32 $0x5F3759DF, v10;
	v11 =	vsub.s32 $0x5F3759DF, v11;
	v12 =	vshrl.u32 v8, $0x1  }
0x342: {  	v8 =	vmul.f32 $5.000000000e-01, v8;
	v14 =	vshrl.u32 v7, $0x1;
	v10 =	vmul.f32 v40, v5  }
0x343: {  	v7 =	vmul.f32 $5.000000000e-01, v7;
	v42 =	vmul.f32 v11, v4;
	v12 =	vsub.s32 $0x5F3759DF, v12  }
0x344: {  	v14 =	vsub.s32 $0x5F3759DF, v14;
	v13 =	vmul.f32 v12, v8;
	v41 =	vmul.f32 v40, v10  }
0x345: {  	v15 =	vmul.f32 v14, v7;
	v10 =	vmul.f32 v11, v42  }
0x346: {  	v13 =	vmul.f32 v12, v13;
	v9 =	vsub.f32 $1.500000000e+00, v41  }
0x347: {  	v45 =	vmul.f32 v14, v15;
	v43 =	vsub.f32 $1.500000000e+00, v10  }
0x348: {  	v44 =	vsub.f32 $1.500000000e+00, v13;
	v6 =	vmul.f32 v40, v9  }
0x349: {  	v47 =	vsub.f32 $1.500000000e+00, v45;
	v9 =	vmul.f32 v11, v43  }
0x34a: {  	v10 =	vmul.f32 v12, v44;
	v46 =	vmul.f32 v6, v5  }
0x34b: {  	v11 =	vmul.f32 v14, v47;
	v49 =	vmul.f32 v9, v4  }
0x34c: {  	v50 =	vmul.f32 v10, v8;
	v48 =	vmul.f32 v46, v6  }
0x34d: {  	v52 =	vmul.f32 v11, v7;
	v13 =	vmul.f32 v49, v9  }
0x34e: {  	v51 =	vmul.f32 v50, v10;
	v12 =	vsub.f32 $1.500000000e+00, v48  }
0x34f: {  	v55 =	vmul.f32 v52, v11;
	v53 =	vsub.f32 $1.500000000e+00, v13  }
0x350: {  	v54 =	vsub.f32 $1.500000000e+00, v51;
	v6 =	vmul.f32 v12, v6  }
0x351: {  	v56 =	vsub.f32 $1.500000000e+00, v55;
	v9 =	vmul.f32 v53, v9  }
0x352: {  	v10 =	vmul.f32 v54, v10;
	v5 =	vmul.f32 v6, v5  }
0x353: {  	v11 =	vmul.f32 v56, v11;
	v4 =	vmul.f32 v9, v4  }
0x354: {  	v8 =	vmul.f32 v10, v8;
	v5 =	vmul.f32 v5, v6  }
0x355: {  	v57 =	vld.idx.msk [tilespmem:v2+s29+$0x0], $0xffff;
	v7 =	vmul.f32 v11, v7;
	v4 =	vmul.f32 v4, v9  }
0x356: {  	v2 =	vld.idx.msk [tilespmem:v2+s31+$0x0], $0xffff;
	v8 =	vmul.f32 v8, v10;
	v5 =	vsub.f32 $1.500000000e+00, v5  }
0x357: {  	v58 =	vld.idx.msk [tilespmem:v3+s29+$0x0], $0xffff;
	v7 =	vmul.f32 v7, v11;
	v4 =	vsub.f32 $1.500000000e+00, v4  }
0x358: {  	v59 =	vsub.f32 $1.500000000e+00, v8;
	v5 =	vmul.f32 v5, v6  }
0x359: {  	v3 =	vld.idx.msk [tilespmem:v3+s31+$0x0], $0xffff;
	v7 =	vsub.f32 $1.500000000e+00, v7;
	v4 =	vmul.f32 v4, v9  }
0x35a: {  	v6 =	vmul.f32 v59, v10;
	v5 =	vmul.f32 v5, v57  }
0x35b: {  	v62 =	vmul.f32 v7, v11  }
0x35c: {  	v2 =	vmul.f32 v4, v2;
	v61 =	vmul.f32 v6, v58;
	v60 =	vsub.f32 $1.000000000e+00, v5;
	_ =	sdelay $0x1  }
0x35d: {  	p0 =	por p1, p1;
	v3 =	vmul.f32 v62, v3;
	v63 =	vsub.f32 $1.000000000e+00, v61;
	v2 =	vadd.f32 v2, v60  }
.Ltmp7:
0x35e: {  	_ = 	snop;
	(pc) =	sbr.rel @p0 .LBB2_16-.Ltmp7, $4  }
0x35f: {  	v3 =	vadd.f32 v3, v63;
	v2 =	vmax.f32 v2, $0.0e+00  }
0x360: {  	v1 =	vadd.f32 v2, v1  }
0x361: {  	v2 =	vmax.f32 v3, $0.0e+00  }
0x362: {  	s1 =	simm.s32 $0x20;
	p1 =	por $0x0, $0x0;
	v1 =	vadd.f32 v2, v1  }
0x363: {  	s0 =	simm.s32 $0x12600;
	s1 =	simm.s32 $0x1C0  }
0x364: {  	[tilespmem:s0], [sflag:$0x4] =	stream.indirect.gather [hbm4b:s9+s13], $0x80, s1, s13, $0xb8;
	[tilespmem:$0x19A80] =	vst v63  }
0x365: {  	s15 =	simm.s32 $0x14600;
	s16 =	simm.s32 $0x3C0  }
0x366: {  	[tilespmem:s15], [sflag:$0x4] =	stream.indirect.gather [hbm4b:s3+s13], $0x80, s16, s13, $0xb8;
	[tilespmem:$0x19A80] =	vst v63  }
0x367: {  	s17 =	simm.s32 $0x16600;
	s18 =	simm.s32 $0x5C0  }
0x368: {  	[tilespmem:s17], [sflag:$0x4] =	stream.indirect.gather [hbm4b:s3+s13], $0x80, s18, s13, $0xb8;
	[tilespmem:$0x19A80] =	vst v63  }
0x369: {  	_ =	swait.ge [sflag:s20], $0x2000  }
0x36a: {  	[sflag:s20] =	ssyncset.done $0x0  }
0x36b: {  	[sflag:s20] =	ssyncadd.s32 $0xFFFFE000  }
0x36c: {  	_ =	swait.ge [sflag:s20], $0x2000  }
0x36d: {  	[sflag:s20] =	ssyncset.done $0x0  }
0x36e: {  	[sflag:s20] =	ssyncadd.s32 $0xFFFFE000  }
0x36f: {  	_ =	swait.ge [sflag:s20], $0x2000  }
0x370: {  	[sflag:s20] =	ssyncset.done $0x0  }
0x371: {  	s19 =	simm.s32 $0x4680;
	[sflag:s20] =	ssyncadd.s32 $0xFFFFE000  }
0x372: {  	s4 =	simm.s32 $0x2680;
	v3 =	vld [tilespmem:s19+$0x60]  }
0x373: {  	s21 =	simm.s32 $0x680;
	v2 =	vld [tilespmem:s4+$0xFFFFFFE0]  }
0x374: {  	v6 =	vld [tilespmem:s21+$0x20]  }
0x375: {  	v5 =	vld [tilespmem:s19+$0xFFFFFF80]  }
0x376: {  	v7 =	vld [tilespmem:s4+$0xFFFFFF90]  }
0x377: {  	v9 =	vld [tilespmem:s19+$0x30]  }
0x378: {  	v11 =	vld [tilespmem:s4+$0x30]  }
0x379: {  	v12 =	vld [tilespmem:s19+$0x20]  }
0x37a: {  	v13 =	vld [tilespmem:s4+$0x20]  }
0x37b: {  	v8 =	vld [tilespmem:s19+$0x0]  }
0x37c: {  	v14 =	vld [tilespmem:s4+$0x10]  }
0x37d: {  	v15 =	vld [tilespmem:s4+$0x0]  }
0x37e: {  	v16 =	vld [tilespmem:s19+$0x10];
	v4 =	vmul.f32 v2, v2  }
0x37f: {  	v17 =	vld [tilespmem:s21+$0xFFFFFF80];
	v10 =	vmul.f32 v5, v5;
	v22 =	vmul.f32 v3, v3  }
0x380: {  	v21 =	vld [tilespmem:s21+$0x10];
	v18 =	vmul.f32 v6, v6;
	v19 =	vmul.f32 v13, v13  }
0x381: {  	v24 =	vld [tilespmem:s21+$0x0];
	v20 =	vmul.f32 v7, v7;
	v23 =	vmul.f32 v9, v9  }
0x382: {  	v27 =	vld [tilespmem:s21+$0xFFFFFF90];
	v25 =	vmul.f32 v12, v12;
	v26 =	vmul.f32 v11, v11  }
0x383: {  	v30 =	vld [tilespmem:s4+$0xFFFFFF80];
	v28 =	vmul.f32 v15, v15;
	v29 =	vmul.f32 v14, v14  }
0x384: {  	v35 =	vld [tilespmem:s4+$0x50];
	v31 =	vmul.f32 v8, v8;
	v32 =	vmul.f32 v16, v16  }
0x385: {  	v33 =	vmul.f32 v17, v17;
	v5 =	vmul.f32 v5, v17  }
0x386: {  	v34 =	vld [tilespmem:s4+$0x40];
	v16 =	vmul.f32 v16, v21;
	v36 =	vmul.f32 v24, v24  }
0x387: {  	v52 =	vld [tilespmem:s19+$0xFFFFFF90];
	v15 =	vmul.f32 v15, v24;
	v8 =	vmul.f32 v8, v24  }
0x388: {  	v37 =	vld [tilespmem:s21+$0xFFFFFFA0];
	v17 =	vmul.f32 v30, v17;
	v14 =	vmul.f32 v14, v21  }
0x389: {  	v38 =	vld [tilespmem:s21+$0xFFFFFFB0];
	v53 =	vmul.f32 v7, v27;
	v39 =	vmul.f32 v35, v35;
	v28 =	vadd.f32 v29, v28  }
0x38a: {  	v41 =	vld [tilespmem:s4+$0xFFFFFFC0];
	v13 =	vmul.f32 v13, v6;
	v31 =	vadd.f32 v32, v31;
	v5 =	vadd.f32 $0.0e+00, v5  }
0x38b: {  	v7 =	vld [tilespmem:s21+$0xFFFFFFC0];
	v12 =	vmul.f32 v12, v6;
	v8 =	vadd.f32 $0.0e+00, v8;
	v17 =	vadd.f32 $0.0e+00, v17  }
0x38c: {  	v6 =	vld [tilespmem:s21+$0xFFFFFFD0];
	v29 =	vmul.f32 v21, v21;
	v15 =	vadd.f32 $0.0e+00, v15;
	v19 =	vadd.f32 v19, v28  }
0x38d: {  	v21 =	vld [tilespmem:s19+$0x40];
	v28 =	vmul.f32 v27, v27;
	v24 =	vadd.f32 v25, v31;
	v25 =	vmul.f32 v30, v30  }
0x38e: {  	v30 =	vld [tilespmem:s4+$0xFFFFFFA0];
	v31 =	vmul.f32 v34, v34;
	v16 =	vadd.f32 v16, v8;
	v14 =	vadd.f32 v14, v15  }
0x38f: {  	v8 =	vmul.f32 v52, v27;
	v15 =	vld [tilespmem:s21+$0x50];
	v17 =	vadd.f32 v53, v17;
	v28 =	vadd.f32 v28, v33  }
0x390: {  	v27 =	vmul.f32 v38, v38;
	v40 =	vadd.f32 v20, v25;
	v20 =	vld [tilespmem:s21+$0x30];
	v23 =	vadd.f32 v23, v24  }
0x391: {  	v24 =	vmul.f32 v37, v37;
	v19 =	vadd.f32 v26, v19;
	v25 =	vadd.f32 v29, v36;
	v26 =	vld [tilespmem:s21+$0x40]  }
0x392: {  	v58 =	vmul.f32 v41, v7;
	v42 =	vmul.f32 v6, v6;
	v12 =	vadd.f32 v12, v16;
	v16 =	vld [tilespmem:s4+$0xFFFFFFB0]  }
0x393: {  	v24 =	vadd.f32 v24, v28;
	v18 =	vadd.f32 v18, v25;
	v25 =	vmul.f32 v7, v7  }
0x394: {  	v19 =	vadd.f32 v31, v19;
	v31 =	vmul.f32 v30, v30;
	v57 =	vmul.f32 v15, v15  }
0x395: {  	v13 =	vadd.f32 v13, v14;
	v9 =	vmul.f32 v9, v20;
	v11 =	vmul.f32 v11, v20  }
0x396: {  	v54 =	vld [tilespmem:s4+$0x60];
	v24 =	vadd.f32 v27, v24;
	v20 =	vmul.f32 v20, v20;
	v27 =	vmul.f32 v26, v26  }
0x397: {  	v28 =	vld [tilespmem:s19+$0xFFFFFFB0];
	v55 =	vmul.f32 v16, v16;
	v9 =	vadd.f32 v9, v12;
	v12 =	vmul.f32 v21, v26  }
0x398: {  	v56 =	vld [tilespmem:s4+$0xFFFFFFD0];
	v16 =	vmul.f32 v16, v38;
	v40 =	vadd.f32 v31, v40;
	v14 =	vadd.f32 v20, v18  }
0x399: {  	v18 =	vmul.f32 v34, v26;
	v11 =	vadd.f32 v11, v13;
	v29 =	vadd.f32 v12, v9;
	v12 =	vld [tilespmem:s19+$0x50]  }
0x39a: {  	v24 =	vadd.f32 v25, v24;
	v9 =	vadd.f32 v39, v19;
	v19 =	vmul.f32 v30, v37;
	v30 =	vld [tilespmem:s19+$0xFFFFFFA0]  }
0x39b: {  	v13 =	vmul.f32 v35, v15;
	v20 =	vmul.f32 v54, v54;
	v11 =	vadd.f32 v18, v11  }
0x39c: {  	v18 =	vmul.f32 v28, v38;
	v28 =	vmul.f32 v28, v28;
	v17 =	vadd.f32 v19, v17  }
0x39d: {  	v38 =	vmul.f32 v41, v41;
	v19 =	vmul.f32 v21, v21;
	v21 =	vld [tilespmem:s21+$0x60];
	v25 =	vadd.f32 v20, v9  }
0x39e: {  	v20 =	vld [tilespmem:s21+$0x70];
	v16 =	vadd.f32 v16, v17;
	v17 =	vadd.f32 v27, v14;
	v27 =	vmul.f32 v56, v56  }
0x39f: {  	v9 =	vld [tilespmem:s4+$0x70];
	v19 =	vadd.f32 v19, v23;
	v23 =	vmul.f32 v12, v12;
	v26 =	vmul.f32 v30, v37  }
0x3a0: {  	v60 =	vadd.f32 v13, v11;
	v14 =	vld [tilespmem:s19+$0xFFFFFFE0];
	v59 =	vmul.f32 v12, v15;
	v15 =	vmul.f32 v56, v6  }
0x3a1: {  	v12 =	vld [tilespmem:s4+$0xFFFFFFF0];
	v62 =	vmul.f32 v30, v30;
	v37 =	vadd.f32 v55, v40;
	v16 =	vadd.f32 v58, v16  }
0x3a2: {  	v30 =	vmul.f32 v52, v52;
	v34 =	vadd.f32 v57, v17;
	v17 =	vld [tilespmem:s19+$0x70];
	v23 =	vadd.f32 v23, v19  }
0x3a3: {  	s23 =	simm.s32 $0x18610;
	s25 =	simm.s32 $0x18A10;
	v31 =	vld [tilespmem:s19+$0xFFFFFFD0];
	v61 =	vmul.f32 v21, v21;
	v19 =	vmul.f32 v20, v20;
	v32 =	vadd.f32 v59, v29  }
0x3a4: {  	s28 =	simm.s32 $0x0;
	s5 =	simm.s32 $0x2780;
	s6 =	simm.s32 $0x18E30;
	v29 =	vld [tilespmem:s19+$0xFFFFFFC0];
	v63 =	vadd.f32 v30, v10;
	v35 =	vmul.f32 v9, v9;
	v15 =	vadd.f32 v15, v16  }
0x3a5: {  	s7 =	simm.s32 $0x19230;
	s8 =	simm.s32 $0x4780;
	s0 =	simm.s32 $0x19630;
	v11 =	vld [tilespmem:s21+$0xFFFFFFE0];
	v13 =	vadd.f32 v22, v23;
	v22 =	vadd.f32 v42, v24;
	v24 =	vmul.f32 v54, v21  }
0x3a6: {  	s15 =	simm.s32 $0x19210;
	s16 =	simm.s32 $0x19610;
	s17 =	simm.s32 $0x18E10;
	v10 =	vld [tilespmem:s21+$0xFFFFFFF0];
	v23 =	vadd.f32 v61, v34;
	v16 =	vmul.f32 v14, v14;
	v36 =	vadd.f32 v62, v63  }
0x3a7: {  	s18 =	simm.s32 $0x780;
	s21 =	simm.s32 $0x18A10;
	v33 =	vmul.f32 v12, v12;
	v30 =	vmul.f32 v17, v20;
	v34 =	vadd.f32 v24, v60;
	v24 =	vld [tilespmem:s19+$0xFFFFFFF0];
	s19 =	simm.s32 $0x18610  }
.LBB2_18:
0x3a8: {  	s28 =	sadd.s32 $0x2, s28;
	v5 =	vadd.f32 v8, v5;
	v8 =	vmul.f32 v3, v21;
	v3 =	vld [tilespmem:s8+$0x60];
	v25 =	vadd.f32 v35, v25;
	s23 =	sadd.s32 $0x20, s23;
	s25 =	sadd.s32 $0x20, s25  }
0x3a9: {  	v35 =	vld [tilespmem:s5+$0xFFFFFFE0];
	p0 =	slt.u32 s28, $0x3E;
	v28 =	vadd.f32 v28, v36;
	v36 =	vadd.f32 v38, v37;
	v7 =	vmul.f32 v29, v7  }
0x3aa: {  	v9 =	vmul.f32 v9, v20;
	v21 =	vld [tilespmem:s18+$0x20];
	v5 =	vadd.f32 v26, v5;
	v8 =	vadd.f32 v8, v32  }
0x3ab: {  	v32 =	vmul.f32 v10, v10;
	v20 =	vld [tilespmem:s8+$0xFFFFFF80];
	v26 =	vadd.f32 v27, v36;
	v27 =	vmul.f32 v31, v31  }
0x3ac: {  	v29 =	vmul.f32 v29, v29;
	v34 =	vadd.f32 v9, v34;
	v36 =	vld [tilespmem:s5+$0xFFFFFF90];
	v5 =	vadd.f32 v18, v5;
	(xrf2) =	vadd.scan.msk.f32 $0xffff, v25  }
0x3ad: {  	v25 =	vmul.f32 v2, v11;
	v9 =	vld [tilespmem:s8+$0x30];
	v4 =	vadd.f32 v4, v26;
	v26 =	vmul.f32 v24, v10  }
0x3ae: {  	v6 =	vmul.f32 v31, v6;
	v18 =	vld [tilespmem:s5+$0x30];
	v5 =	vadd.f32 v7, v5;
	v7 =	vadd.f32 v30, v8;
	v2 =	vmovc v35  }
0x3af: {  	v24 =	vmul.f32 v24, v24;
	v8 =	vadd.f32 v29, v28;
	v30 =	vld [tilespmem:s8+$0x20];
	v4 =	vadd.f32 v33, v4;
	(xrf2) =	vadd.scan.msk.f32 $0xffff, v34  }
0x3b0: {  	v28 =	vld [tilespmem:s5+$0x20];
	v5 =	vadd.f32 v6, v5;
	v6 =	vmul.f32 v14, v11;
	v14 =	vmul.f32 v17, v17  }
0x3b1: {  	v19 =	vadd.f32 v19, v23;
	v8 =	vadd.f32 v27, v8;
	v11 =	vmul.f32 v11, v11;
	v17 =	vld [tilespmem:s8+$0x0]  }
0x3b2: {  	v23 =	vld [tilespmem:s5+$0x10];
	v5 =	vadd.f32 v6, v5;
	v6 =	vmul.f32 v12, v10;
	v12 =	vadd.f32 v14, v13;
	(xrf2) =	vadd.scan.msk.f32 $0xffff, v4  }
0x3b3: {  	v15 =	vadd.f32 v25, v15;
	v4 =	vmul.f32 v35, v2;
	v11 =	vadd.f32 v11, v22;
	v14 =	vld [tilespmem:s5+$0x0]  }
0x3b4: {  	v10 =	vmul.f32 v20, v20;
	v13 =	vmul.f32 v3, v3;
	v22 =	vld [tilespmem:s8+$0x10];
	v25 =	vadd.f32 v26, v5  }
0x3b5: {  	v26 =	vmul.f32 v21, v21;
	v11 =	vadd.f32 v32, v11;
	v5 =	vld [tilespmem:s18+$0xFFFFFF80];
	v27 =	vmul.f32 v28, v28  }
0x3b6: {  	v29 =	vmul.f32 v36, v36;
	v32 =	vmul.f32 v9, v9;
	v15 =	vadd.f32 v6, v15;
	v31 =	vld [tilespmem:s18+$0x10];
	v33, _, _ =	vpop (xrf2);
	(xrf2) =	vadd.scan.msk.f32 $0xffff, v7  }
0x3b7: {  	v8 =	vadd.f32 v16, v8;
	v34 =	vmul.f32 v18, v18;
	v7 =	vmul.f32 v30, v30;
	v6 =	vld [tilespmem:s18+$0x0]  }
0x3b8: {  	v37 =	vmul.f32 v23, v23;
	v35 =	vld [tilespmem:s18+$0xFFFFFF90];
	v16 =	vmul.f32 v14, v14  }
0x3b9: {  	v41 =	vadd.f32 v24, v8;
	v39 =	vmul.f32 v17, v17;
	v38 =	vld [tilespmem:s5+$0xFFFFFF80];
	v40 =	vmul.f32 v22, v22;
	(xrf2) =	vadd.scan.msk.f32 $0xffff, v12;
	v12, _, _ =	vpop (xrf2)  }
0x3ba: {  	v8 =	vmul.f32 v5, v5;
	v20 =	vmul.f32 v20, v5;
	v24 =	vadd.f32 v37, v16;
	v37 =	vld [tilespmem:s5+$0x40]  }
0x3bb: {  	v42 =	vmul.f32 v31, v31;
	v39 =	vadd.f32 v40, v39;
	v22 =	vmul.f32 v22, v31;
	v40 =	vld [tilespmem:s5+$0x50]  }
0x3bc: {  	v16 =	vld [tilespmem:s8+$0xFFFFFF90];
	v43 =	vmul.f32 v6, v6;
	v14 =	vmul.f32 v14, v6;
	v27 =	vadd.f32 v27, v24;
	v44, _, _ =	vpop (xrf2);
	(xrf2) =	vadd.scan.msk.f32 $0xffff, v19  }
0x3bd: {  	v6 =	vmul.f32 v17, v6;
	v19 =	vmul.f32 v35, v35;
	v45 =	vld [tilespmem:s18+$0xFFFFFFA0];
	v7 =	vadd.f32 v7, v39  }
0x3be: {  	v17 =	vmul.f32 v38, v38;
	v38 =	vmul.f32 v38, v5;
	v5 =	vadd.f32 $0.0e+00, v20;
	v20 =	vld [tilespmem:s5+$0xFFFFFFA0]  }
0x3bf: {  	v23 =	vmul.f32 v23, v31;
	v19 =	vadd.f32 v19, v8;
	v31 =	vld [tilespmem:s8+$0x40];
	v39 =	vmul.f32 v37, v37  }
0x3c0: {  	v36 =	vmul.f32 v36, v35;
	v6 =	vadd.f32 $0.0e+00, v6;
	v46 =	vld [tilespmem:s18+$0xFFFFFFB0];
	v47 =	vmul.f32 v40, v40;
	(xrf2) =	vadd.scan.msk.f32 $0xffff, v11;
	v48, _, _ =	vpop (xrf2)  }
0x3c1: {  	v24 =	vadd.f32 v29, v17;
	v17 =	vadd.f32 v32, v7;
	v8 =	vmul.f32 v16, v35;
	v11 =	vld [tilespmem:s18+$0x30]  }
0x3c2: {  	v27 =	vadd.f32 v34, v27;
	v22 =	vadd.f32 v22, v6;
	v29 =	vmul.f32 v45, v45;
	v7 =	vld [tilespmem:s18+$0xFFFFFFC0]  }
0x3c3: {  	v28 =	vmul.f32 v28, v21;
	v34 =	vadd.f32 v42, v43;
	v32 =	vadd.f32 $0.0e+00, v38;
	v35 =	vld [tilespmem:s18+$0x40];
	(xrf2) =	vadd.scan.msk.f32 $0xffff, v25;
	v25, _, _ =	vpop (xrf2)  }
0x3c4: {  	v21 =	vmul.f32 v30, v21;
	v14 =	vadd.f32 $0.0e+00, v14;
	v19 =	vadd.f32 v29, v19;
	v6 =	vld [tilespmem:s18+$0xFFFFFFD0]  }
0x3c5: {  	v26 =	vadd.f32 v26, v34;
	v27 =	vadd.f32 v39, v27;
	v29 =	vmul.f32 v46, v46;
	v30 =	vld [tilespmem:s5+$0x60]  }
0x3c6: {  	v21 =	vadd.f32 v21, v22;
	v34 =	vmul.f32 v20, v20;
	v22 =	vmul.f32 v9, v11;
	v9 =	vld [tilespmem:s5+$0x70];
	v38, _, _ =	vpop (xrf2)  }
0x3c7: {  	v14 =	vadd.f32 v23, v14;
	v39 =	vld [tilespmem:s5+$0xFFFFFFB0];
	v19 =	vadd.f32 v29, v19;
	v29 =	vmul.f32 v7, v7;
	[tilespmem:s19+$0x0] =	vst v38  }
0x3c8: {  	v18 =	vmul.f32 v18, v11;
	v42 =	vadd.f32 v22, v21;
	v22 =	vmul.f32 v31, v35;
	v23 =	vld [tilespmem:s18+$0x50];
	(xrf2) =	vadd.scan.msk.f32 $0xffff, v41  }
0x3c9: {  	v11 =	vmul.f32 v11, v11;
	v38 =	vadd.f32 v29, v19;
	v19 =	vmul.f32 v35, v35;
	v29 =	vld [tilespmem:s8+$0x50];
	[tilespmem:s21+$0x0] =	vst v33  }
0x3ca: {  	v20 =	vmul.f32 v20, v45;
	v27 =	vadd.f32 v47, v27;
	v41 =	vld [tilespmem:s5+$0xFFFFFFC0];
	v22 =	vadd.f32 v22, v42;
	[tilespmem:s17+$0x0] =	vst v25;
	v21, _, _ =	vpop (xrf2)  }
0x3cb: {  	v14 =	vadd.f32 v28, v14;
	v26 =	vadd.f32 v11, v26;
	v25 =	vmul.f32 v37, v35;
	v33 =	vld [tilespmem:s8+$0xFFFFFFB0];
	[tilespmem:s19+$0xFFFFFFF0] =	vst v21;
	s19 =	smov.u32 s23  }
0x3cc: {  	v11 =	vadd.f32 v36, v32;
	v37 =	vmul.f32 v39, v39;
	v28 =	vmul.f32 v39, v46;
	v32 =	vld [tilespmem:s5+$0xFFFFFFD0];
	(xrf2) =	vadd.scan.msk.f32 $0xffff, v15  }
0x3cd: {  	v14 =	vadd.f32 v18, v14;
	v36 =	vmul.f32 v30, v30;
	v15 =	vld [tilespmem:s8+$0xFFFFFFA0];
	v35 =	vmul.f32 v40, v23;
	[tilespmem:s21+$0xFFFFFFF0] =	vst v44;
	v39, _, _ =	vpop (xrf2);
	s21 =	smov.u32 s25  }
0x3ce: {  	v31 =	vmul.f32 v31, v31;
	v18 =	vadd.f32 v20, v11;
	v40 =	vmul.f32 v23, v23;
	v21 =	vld [tilespmem:s18+$0x60];
	[tilespmem:s15+$0x0] =	vst v12  }
0x3cf: {  	v42 =	vmul.f32 v6, v6;
	v43 =	vadd.f32 v25, v14;
	v12 =	vmul.f32 v41, v7;
	v11 =	vld [tilespmem:s18+$0xFFFFFFE0];
	[tilespmem:s16+$0x0] =	vst v48  }
0x3d0: {  	v25 =	vadd.f32 v36, v27;
	v14 =	vadd.f32 v28, v18;
	v18 =	vmul.f32 v33, v46;
	v20 =	vld [tilespmem:s18+$0x70]  }
0x3d1: {  	v19 =	vadd.f32 v19, v26;
	v28 =	vadd.f32 v31, v17;
	v31 =	vmul.f32 v29, v29;
	v17 =	vld [tilespmem:s8+$0x70]  }
0x3d2: {  	v36 =	vadd.f32 v12, v14;
	v27 =	vmul.f32 v32, v32;
	v26 =	vmul.f32 v15, v45;
	v14 =	vld [tilespmem:s8+$0xFFFFFFE0];
	v44, _, _ =	vpop (xrf2)  }
0x3d3: {  	v23 =	vmul.f32 v29, v23;
	v40 =	vadd.f32 v40, v19;
	v31 =	vadd.f32 v31, v28;
	v12 =	vld [tilespmem:s5+$0xFFFFFFF0];
	[tilespmem:s17+$0xFFFFFFF0] =	vst v44;
	s17 =	smov.u32 s6  }
0x3d4: {  	v28 =	vmul.f32 v33, v33;
	v32 =	vmul.f32 v32, v6  }
0x3d5: {  	v35 =	vadd.f32 v35, v43;
	v33 =	vmul.f32 v21, v21;
	v19 =	vmul.f32 v20, v20  }
0x3d6: {  	v43 =	vmul.f32 v15, v15;
	v13 =	vadd.f32 v13, v31;
	v15 =	vadd.f32 v32, v36;
	v29, _, _ =	vpop (xrf2)  }
.Ltmp8:
0x3d7: {  	v31 =	vmul.f32 v16, v16;
	v32 =	vadd.f32 v23, v22;
	v23 =	vadd.f32 v33, v40;
	[tilespmem:s15+$0xFFFFFFF0] =	vst v29;
	s15 =	smov.u32 s7;
	(pc) =	sbr.rel @p0 .LBB2_18-.Ltmp8, $4  }
0x3d8: {  	v22 =	vadd.f32 v42, v38;
	v36 =	vmul.f32 v30, v21;
	v16 =	vmul.f32 v14, v14;
	v29 =	vld [tilespmem:s8+$0xFFFFFFC0];
	[tilespmem:s16+$0xFFFFFFF0] =	vst v39;
	s16 =	smov.u32 s0  }
0x3d9: {  	s1 =	simm.s32 $0x0;
	p1 =	por $0x1, $0x1;
	v24 =	vadd.f32 v34, v24;
	v38 =	vadd.f32 v31, v10;
	v30 =	vmul.f32 v17, v20;
	v10 =	vld [tilespmem:s18+$0xFFFFFFF0]  }
0x3da: {  	s5 =	sadd.s32 $0x100, s5;
	v34 =	vadd.f32 v36, v35;
	v35 =	vmul.f32 v9, v9;
	v33 =	vmul.f32 v12, v12;
	s0 =	sadd.s32 $0x20, s0;
	s18 =	sadd.s32 $0x100, s18;
	v31 =	vld [tilespmem:s8+$0xFFFFFFD0]  }
0x3db: {  	v37 =	vadd.f32 v37, v24;
	s6 =	sadd.s32 $0x20, s6;
	v36 =	vadd.f32 v43, v38;
	v38 =	vmul.f32 v41, v41;
	s7 =	sadd.s32 $0x20, s7;
	v24 =	vld [tilespmem:s8+$0xFFFFFFF0];
	s8 =	sadd.s32 $0x100, s8  }
0x3dc: {  	_ = 	snop  }
0x3dd: {  	v37 =	vadd.f32 v38, v37;
	_ =	sdelay $0x1  }
0x3de: {  	v5 =	vadd.f32 v8, v5;
	v3 =	vmul.f32 v3, v21;
	v43 =	vadd.f32 v27, v37  }
0x3df: {  	v44 =	vadd.f32 v35, v25;
	v9 =	vmul.f32 v9, v20;
	v53 =	vadd.f32 v19, v23  }
0x3e0: {  	v5 =	vadd.f32 v26, v5;
	v4 =	vadd.f32 v4, v43  }
0x3e1: {  	v47 =	vmul.f32 v17, v17;
	v3 =	vadd.f32 v3, v32;
	v46 =	vadd.f32 v9, v34  }
0x3e2: {  	v50 =	vmul.f32 v11, v11;
	v45 =	vadd.f32 v28, v36;
	(xrf2) =	vadd.scan.msk.f32 $0xffff, v44;
	v4 =	vadd.f32 v33, v4  }
0x3e3: {  	v7 =	vmul.f32 v29, v7;
	v5 =	vadd.f32 v18, v5;
	v3 =	vadd.f32 v30, v3;
	(xrf2) =	vadd.scan.msk.f32 $0xffff, v46  }
0x3e4: {  	v49 =	vmul.f32 v29, v29;
	v9 =	vadd.f32 v47, v13;
	v55 =	vadd.f32 v50, v22;
	(xrf2) =	vadd.scan.msk.f32 $0xffff, v4  }
0x3e5: {  	v52 =	vmul.f32 v31, v6;
	v51 =	vadd.f32 v7, v5;
	(xrf2) =	vadd.scan.msk.f32 $0xffff, v3;
	v3 =	vmul.f32 v10, v10  }
0x3e6: {  	v48 =	vmul.f32 v31, v31;
	v54 =	vadd.f32 v49, v45;
	(xrf2) =	vadd.scan.msk.f32 $0xffff, v9  }
0x3e7: {  	v56 =	vmul.f32 v14, v11;
	v4 =	vadd.f32 v52, v51;
	(xrf2) =	vadd.scan.msk.f32 $0xffff, v53;
	v3 =	vadd.f32 v3, v55  }
0x3e8: {  	v2 =	vmul.f32 v2, v11;
	v57 =	vadd.f32 v48, v54  }
0x3e9: {  	v58 =	vmul.f32 v24, v10;
	v4 =	vadd.f32 v56, v4;
	(xrf2) =	vadd.scan.msk.f32 $0xffff, v3;
	v3 =	vmul.f32 v12, v10  }
0x3ea: {  	v2 =	vadd.f32 v2, v15;
	v59 =	vmul.f32 v24, v24;
	v6 =	vadd.f32 v16, v57  }
0x3eb: {  	v4 =	vadd.f32 v58, v4  }
0x3ec: {  	v5 =	vadd.f32 v59, v6;
	v60, _, _ =	vpop (xrf2);
	v2 =	vadd.f32 v3, v2  }
0x3ed: {  	(xrf2) =	vadd.scan.msk.f32 $0xffff, v4;
	v3, _, _ =	vpop (xrf2)  }
0x3ee: {  	(xrf2) =	vadd.scan.msk.f32 $0xffff, v5;
	v61, _, _ =	vpop (xrf2)  }
0x3ef: {  	(xrf2) =	vadd.scan.msk.f32 $0xffff, v2;
	v62, _, _ =	vpop (xrf2)  }
0x3f0: {  	v2, _, _ =	vpop (xrf2)  }
0x3f1: {  	v63, _, _ =	vpop (xrf2)  }
0x3f2: {  	[tilespmem:s19+$0x0] =	vst v63  }
0x3f3: {  	[tilespmem:s21+$0x0] =	vst v60  }
0x3f4: {  	[tilespmem:s17+$0x0] =	vst v2;
	v2, _, _ =	vpop (xrf2)  }
0x3f5: {  	[tilespmem:s19+$0xFFFFFFF0] =	vst v2  }
0x3f6: {  	[tilespmem:s15+$0x0] =	vst v3  }
0x3f7: {  	v2, _, _ =	vpop (xrf2);
	[tilespmem:s21+$0xFFFFFFF0] =	vst v61  }
0x3f8: {  	[tilespmem:s16+$0x0] =	vst v62;
	v3, _, _ =	vpop (xrf2)  }
0x3f9: {  	[tilespmem:s17+$0xFFFFFFF0] =	vst v3;
	v3, _, _ =	vpop (xrf2)  }
0x3fa: {  	[tilespmem:s15+$0xFFFFFFF0] =	vst v3  }
0x3fb: {  	[tilespmem:s16+$0xFFFFFFF0] =	vst v2  }
.LBB2_20:
0x3fc: {  	v2 =	vmov s1  }
0x3fd: {  	v2 =	vshll.u32 v2, $0x4  }
0x3fe: {  	s0 =	sor.u32 $0x10, s1;
	v2 =	vor.u32 v0, v2  }
0x3ff: {  	v3 =	vmov s0;
	v2 =	vor.u32 $0xF, v2  }
0x400: {  	v3 =	vshll.u32 v3, $0x4  }
0x401: {  	v3 =	vor.u32 v0, v3  }
0x402: {  	v3 =	vor.u32 $0xF, v3;
	_ =	sdelay $0x1  }
0x403: {  	v4 =	vld.idx.msk [tilespmem:v2+s22+$0x0], $0xffff  }
0x404: {  	v5 =	vld.idx.msk [tilespmem:v2+s24+$0x0], $0xffff  }
0x405: {  	v6 =	vld.idx.msk [tilespmem:v2+s26+$0x0], $0xffff  }
0x406: {  	v7 =	vld.idx.msk [tilespmem:v3+s22+$0x0], $0xffff  }
0x407: {  	v8 =	vld.idx.msk [tilespmem:v3+s24+$0x0], $0xffff  }
0x408: {  	v9 =	vld.idx.msk [tilespmem:v3+s26+$0x0], $0xffff;
	_ =	sdelay $0x2  }
0x409: {  	v4 =	vmax.f32 v4, $1.000000020e-24;
	v5 =	vmax.f32 v5, $1.000000020e-24;
	v6 =	vmax.f32 v6, $1.000000020e-24  }
0x40a: {  	v5 =	vmul.f32 v5, v4;
	v4 =	vmul.f32 v6, v4  }
0x40b: {  	v7 =	vmax.f32 v7, $1.000000020e-24;
	v8 =	vmax.f32 v8, $1.000000020e-24;
	v9 =	vmax.f32 v9, $1.000000020e-24  }
0x40c: {  	v8 =	vmul.f32 v8, v7;
	v7 =	vmul.f32 v9, v7;
	v10 =	vshrl.u32 v5, $0x1  }
0x40d: {  	v5 =	vmul.f32 $5.000000000e-01, v5;
	v11 =	vshrl.u32 v4, $0x1;
	v4 =	vmul.f32 $5.000000000e-01, v4  }
0x40e: {  	v40 =	vsub.s32 $0x5F3759DF, v10;
	v11 =	vsub.s32 $0x5F3759DF, v11;
	v12 =	vshrl.u32 v8, $0x1  }
0x40f: {  	v8 =	vmul.f32 $5.000000000e-01, v8;
	v14 =	vshrl.u32 v7, $0x1;
	v10 =	vmul.f32 v40, v5  }
0x410: {  	v7 =	vmul.f32 $5.000000000e-01, v7;
	v42 =	vmul.f32 v11, v4;
	v12 =	vsub.s32 $0x5F3759DF, v12  }
0x411: {  	v14 =	vsub.s32 $0x5F3759DF, v14;
	v13 =	vmul.f32 v12, v8;
	v41 =	vmul.f32 v40, v10  }
0x412: {  	v15 =	vmul.f32 v14, v7;
	v10 =	vmul.f32 v11, v42  }
0x413: {  	v13 =	vmul.f32 v12, v13;
	v9 =	vsub.f32 $1.500000000e+00, v41  }
0x414: {  	v45 =	vmul.f32 v14, v15;
	v43 =	vsub.f32 $1.500000000e+00, v10  }
0x415: {  	v44 =	vsub.f32 $1.500000000e+00, v13;
	v6 =	vmul.f32 v40, v9  }
0x416: {  	v47 =	vsub.f32 $1.500000000e+00, v45;
	v9 =	vmul.f32 v11, v43  }
0x417: {  	v10 =	vmul.f32 v12, v44;
	v46 =	vmul.f32 v6, v5  }
0x418: {  	v11 =	vmul.f32 v14, v47;
	v49 =	vmul.f32 v9, v4  }
0x419: {  	v50 =	vmul.f32 v10, v8;
	v48 =	vmul.f32 v46, v6  }
0x41a: {  	v52 =	vmul.f32 v11, v7;
	v13 =	vmul.f32 v49, v9  }
0x41b: {  	v51 =	vmul.f32 v50, v10;
	v12 =	vsub.f32 $1.500000000e+00, v48  }
0x41c: {  	v55 =	vmul.f32 v52, v11;
	v53 =	vsub.f32 $1.500000000e+00, v13  }
0x41d: {  	v54 =	vsub.f32 $1.500000000e+00, v51;
	v6 =	vmul.f32 v12, v6  }
0x41e: {  	v56 =	vsub.f32 $1.500000000e+00, v55;
	v9 =	vmul.f32 v53, v9  }
0x41f: {  	v10 =	vmul.f32 v54, v10;
	v5 =	vmul.f32 v6, v5  }
0x420: {  	v11 =	vmul.f32 v56, v11;
	v4 =	vmul.f32 v9, v4  }
0x421: {  	v8 =	vmul.f32 v10, v8;
	v5 =	vmul.f32 v5, v6  }
0x422: {  	v57 =	vld.idx.msk [tilespmem:v2+s29+$0x0], $0xffff;
	v7 =	vmul.f32 v11, v7;
	v4 =	vmul.f32 v4, v9  }
0x423: {  	v2 =	vld.idx.msk [tilespmem:v2+s31+$0x0], $0xffff;
	v8 =	vmul.f32 v8, v10;
	v5 =	vsub.f32 $1.500000000e+00, v5  }
0x424: {  	v58 =	vld.idx.msk [tilespmem:v3+s29+$0x0], $0xffff;
	v7 =	vmul.f32 v7, v11;
	v4 =	vsub.f32 $1.500000000e+00, v4  }
0x425: {  	v59 =	vsub.f32 $1.500000000e+00, v8;
	v5 =	vmul.f32 v5, v6  }
0x426: {  	v3 =	vld.idx.msk [tilespmem:v3+s31+$0x0], $0xffff;
	v7 =	vsub.f32 $1.500000000e+00, v7;
	v4 =	vmul.f32 v4, v9  }
0x427: {  	v6 =	vmul.f32 v59, v10;
	v5 =	vmul.f32 v5, v57  }
0x428: {  	v62 =	vmul.f32 v7, v11  }
0x429: {  	v2 =	vmul.f32 v4, v2;
	v61 =	vmul.f32 v6, v58;
	v60 =	vsub.f32 $1.000000000e+00, v5;
	_ =	sdelay $0x1  }
0x42a: {  	p0 =	por p1, p1;
	v3 =	vmul.f32 v62, v3;
	v63 =	vsub.f32 $1.000000000e+00, v61;
	v2 =	vadd.f32 v2, v60  }
.Ltmp9:
0x42b: {  	_ = 	snop;
	(pc) =	sbr.rel @p0 .LBB2_20-.Ltmp9, $4  }
0x42c: {  	v3 =	vadd.f32 v3, v63;
	v2 =	vmax.f32 v2, $0.0e+00  }
0x42d: {  	v1 =	vadd.f32 v2, v1  }
0x42e: {  	v2 =	vmax.f32 v3, $0.0e+00  }
0x42f: {  	s1 =	simm.s32 $0x20;
	p1 =	por $0x0, $0x0;
	v1 =	vadd.f32 v2, v1  }
0x430: {  	_ =	swait.ge [sflag:s2], $0x2000  }
0x431: {  	[sflag:s2] =	ssyncset.done $0x0  }
0x432: {  	[sflag:s2] =	ssyncadd.s32 $0xFFFFE000  }
0x433: {  	_ =	swait.ge [sflag:s2], $0x2000  }
0x434: {  	[sflag:s2] =	ssyncset.done $0x0  }
0x435: {  	[sflag:s2] =	ssyncadd.s32 $0xFFFFE000  }
0x436: {  	_ =	swait.ge [sflag:s2], $0x2000  }
0x437: {  	[sflag:s2] =	ssyncset.done $0x0  }
0x438: {  	s1 =	simm.s32 $0xA680;
	[sflag:s2] =	ssyncadd.s32 $0xFFFFE000  }
0x439: {  	s4 =	simm.s32 $0x8680;
	v3 =	vld [tilespmem:s1+$0x60]  }
0x43a: {  	s0 =	simm.s32 $0x6680;
	v2 =	vld [tilespmem:s4+$0xFFFFFFE0]  }
0x43b: {  	v6 =	vld [tilespmem:s0+$0x20]  }
0x43c: {  	v5 =	vld [tilespmem:s1+$0xFFFFFF80]  }
0x43d: {  	v7 =	vld [tilespmem:s4+$0xFFFFFF90]  }
0x43e: {  	v9 =	vld [tilespmem:s1+$0x30]  }
0x43f: {  	v11 =	vld [tilespmem:s4+$0x30]  }
0x440: {  	v12 =	vld [tilespmem:s1+$0x20]  }
0x441: {  	v13 =	vld [tilespmem:s4+$0x20]  }
0x442: {  	v8 =	vld [tilespmem:s1+$0x0]  }
0x443: {  	v14 =	vld [tilespmem:s4+$0x10]  }
0x444: {  	v15 =	vld [tilespmem:s4+$0x0]  }
0x445: {  	v16 =	vld [tilespmem:s1+$0x10];
	v4 =	vmul.f32 v2, v2  }
0x446: {  	v17 =	vld [tilespmem:s0+$0xFFFFFF80];
	v10 =	vmul.f32 v5, v5;
	v22 =	vmul.f32 v3, v3  }
0x447: {  	v21 =	vld [tilespmem:s0+$0x10];
	v18 =	vmul.f32 v6, v6;
	v19 =	vmul.f32 v13, v13  }
0x448: {  	v24 =	vld [tilespmem:s0+$0x0];
	v20 =	vmul.f32 v7, v7;
	v23 =	vmul.f32 v9, v9  }
0x449: {  	v27 =	vld [tilespmem:s0+$0xFFFFFF90];
	v25 =	vmul.f32 v12, v12;
	v26 =	vmul.f32 v11, v11  }
0x44a: {  	v30 =	vld [tilespmem:s4+$0xFFFFFF80];
	v28 =	vmul.f32 v15, v15;
	v29 =	vmul.f32 v14, v14  }
0x44b: {  	v35 =	vld [tilespmem:s4+$0x50];
	v31 =	vmul.f32 v8, v8;
	v32 =	vmul.f32 v16, v16  }
0x44c: {  	v33 =	vmul.f32 v17, v17;
	v5 =	vmul.f32 v5, v17  }
0x44d: {  	v34 =	vld [tilespmem:s4+$0x40];
	v16 =	vmul.f32 v16, v21;
	v36 =	vmul.f32 v24, v24  }
0x44e: {  	v52 =	vld [tilespmem:s1+$0xFFFFFF90];
	v15 =	vmul.f32 v15, v24;
	v8 =	vmul.f32 v8, v24  }
0x44f: {  	v37 =	vld [tilespmem:s0+$0xFFFFFFA0];
	v17 =	vmul.f32 v30, v17;
	v14 =	vmul.f32 v14, v21  }
0x450: {  	v38 =	vld [tilespmem:s0+$0xFFFFFFB0];
	v53 =	vmul.f32 v7, v27;
	v39 =	vmul.f32 v35, v35;
	v28 =	vadd.f32 v29, v28  }
0x451: {  	v41 =	vld [tilespmem:s4+$0xFFFFFFC0];
	v13 =	vmul.f32 v13, v6;
	v31 =	vadd.f32 v32, v31;
	v5 =	vadd.f32 $0.0e+00, v5  }
0x452: {  	v7 =	vld [tilespmem:s0+$0xFFFFFFC0];
	v12 =	vmul.f32 v12, v6;
	v8 =	vadd.f32 $0.0e+00, v8;
	v17 =	vadd.f32 $0.0e+00, v17  }
0x453: {  	v6 =	vld [tilespmem:s0+$0xFFFFFFD0];
	v29 =	vmul.f32 v21, v21;
	v15 =	vadd.f32 $0.0e+00, v15;
	v19 =	vadd.f32 v19, v28  }
0x454: {  	v21 =	vld [tilespmem:s1+$0x40];
	v28 =	vmul.f32 v27, v27;
	v24 =	vadd.f32 v25, v31;
	v25 =	vmul.f32 v30, v30  }
0x455: {  	v30 =	vld [tilespmem:s4+$0xFFFFFFA0];
	v31 =	vmul.f32 v34, v34;
	v16 =	vadd.f32 v16, v8;
	v14 =	vadd.f32 v14, v15  }
0x456: {  	v8 =	vmul.f32 v52, v27;
	v15 =	vld [tilespmem:s0+$0x50];
	v17 =	vadd.f32 v53, v17;
	v28 =	vadd.f32 v28, v33  }
0x457: {  	v27 =	vmul.f32 v38, v38;
	v40 =	vadd.f32 v20, v25;
	v20 =	vld [tilespmem:s0+$0x30];
	v23 =	vadd.f32 v23, v24  }
0x458: {  	v24 =	vmul.f32 v37, v37;
	v19 =	vadd.f32 v26, v19;
	v25 =	vadd.f32 v29, v36;
	v26 =	vld [tilespmem:s0+$0x40]  }
0x459: {  	v58 =	vmul.f32 v41, v7;
	v42 =	vmul.f32 v6, v6;
	v12 =	vadd.f32 v12, v16;
	v16 =	vld [tilespmem:s4+$0xFFFFFFB0]  }
0x45a: {  	v24 =	vadd.f32 v24, v28;
	v18 =	vadd.f32 v18, v25;
	v25 =	vmul.f32 v7, v7  }
0x45b: {  	v19 =	vadd.f32 v31, v19;
	v31 =	vmul.f32 v30, v30;
	v57 =	vmul.f32 v15, v15  }
0x45c: {  	v13 =	vadd.f32 v13, v14;
	v9 =	vmul.f32 v9, v20;
	v11 =	vmul.f32 v11, v20  }
0x45d: {  	v54 =	vld [tilespmem:s4+$0x60];
	v24 =	vadd.f32 v27, v24;
	v20 =	vmul.f32 v20, v20;
	v27 =	vmul.f32 v26, v26  }
0x45e: {  	v28 =	vld [tilespmem:s1+$0xFFFFFFB0];
	v55 =	vmul.f32 v16, v16;
	v9 =	vadd.f32 v9, v12;
	v12 =	vmul.f32 v21, v26  }
0x45f: {  	v56 =	vld [tilespmem:s4+$0xFFFFFFD0];
	v16 =	vmul.f32 v16, v38;
	v40 =	vadd.f32 v31, v40;
	v14 =	vadd.f32 v20, v18  }
0x460: {  	v18 =	vmul.f32 v34, v26;
	v11 =	vadd.f32 v11, v13;
	v29 =	vadd.f32 v12, v9;
	v12 =	vld [tilespmem:s1+$0x50]  }
0x461: {  	v24 =	vadd.f32 v25, v24;
	v9 =	vadd.f32 v39, v19;
	v19 =	vmul.f32 v30, v37;
	v30 =	vld [tilespmem:s1+$0xFFFFFFA0]  }
0x462: {  	v13 =	vmul.f32 v35, v15;
	v20 =	vmul.f32 v54, v54;
	v11 =	vadd.f32 v18, v11  }
0x463: {  	v18 =	vmul.f32 v28, v38;
	v28 =	vmul.f32 v28, v28;
	v17 =	vadd.f32 v19, v17  }
0x464: {  	v38 =	vmul.f32 v41, v41;
	v19 =	vmul.f32 v21, v21;
	v21 =	vld [tilespmem:s0+$0x60];
	v25 =	vadd.f32 v20, v9  }
0x465: {  	v20 =	vld [tilespmem:s0+$0x70];
	v16 =	vadd.f32 v16, v17;
	v17 =	vadd.f32 v27, v14;
	v27 =	vmul.f32 v56, v56  }
0x466: {  	v9 =	vld [tilespmem:s4+$0x70];
	v19 =	vadd.f32 v19, v23;
	v23 =	vmul.f32 v12, v12;
	v26 =	vmul.f32 v30, v37  }
0x467: {  	v60 =	vadd.f32 v13, v11;
	v14 =	vld [tilespmem:s1+$0xFFFFFFE0];
	v59 =	vmul.f32 v12, v15;
	v15 =	vmul.f32 v56, v6  }
0x468: {  	v12 =	vld [tilespmem:s4+$0xFFFFFFF0];
	v62 =	vmul.f32 v30, v30;
	v37 =	vadd.f32 v55, v40;
	v16 =	vadd.f32 v58, v16  }
0x469: {  	v30 =	vmul.f32 v52, v52;
	v34 =	vadd.f32 v57, v17;
	v17 =	vld [tilespmem:s1+$0x70];
	v23 =	vadd.f32 v23, v19  }
0x46a: {  	s23 =	simm.s32 $0x18610;
	s25 =	simm.s32 $0x18A10;
	v31 =	vld [tilespmem:s1+$0xFFFFFFD0];
	v61 =	vmul.f32 v21, v21;
	v19 =	vmul.f32 v20, v20;
	v32 =	vadd.f32 v59, v29  }
0x46b: {  	s17 =	simm.s32 $0x18E10;
	s15 =	simm.s32 $0x19210;
	s16 =	simm.s32 $0x19610;
	v29 =	vld [tilespmem:s1+$0xFFFFFFC0];
	v63 =	vadd.f32 v30, v10;
	v35 =	vmul.f32 v9, v9;
	v15 =	vadd.f32 v15, v16  }
0x46c: {  	s28 =	simm.s32 $0x0;
	s18 =	simm.s32 $0x6780;
	s5 =	simm.s32 $0x8780;
	v11 =	vld [tilespmem:s0+$0xFFFFFFE0];
	v13 =	vadd.f32 v22, v23;
	v22 =	vadd.f32 v42, v24;
	v24 =	vmul.f32 v54, v21  }
0x46d: {  	s6 =	simm.s32 $0x18E30;
	s7 =	simm.s32 $0x19230;
	s8 =	simm.s32 $0xA780;
	v10 =	vld [tilespmem:s0+$0xFFFFFFF0];
	v23 =	vadd.f32 v61, v34;
	v16 =	vmul.f32 v14, v14;
	v36 =	vadd.f32 v62, v63  }
0x46e: {  	s19 =	simm.s32 $0x18610;
	s21 =	simm.s32 $0x18A10;
	s0 =	simm.s32 $0x19630;
	v33 =	vmul.f32 v12, v12;
	v30 =	vmul.f32 v17, v20;
	v34 =	vadd.f32 v24, v60;
	v24 =	vld [tilespmem:s1+$0xFFFFFFF0]  }
.LBB2_22:
0x46f: {  	s28 =	sadd.s32 $0x2, s28;
	v5 =	vadd.f32 v8, v5;
	v8 =	vmul.f32 v3, v21;
	v3 =	vld [tilespmem:s8+$0x60];
	v25 =	vadd.f32 v35, v25;
	s23 =	sadd.s32 $0x20, s23;
	s25 =	sadd.s32 $0x20, s25  }
0x470: {  	v35 =	vld [tilespmem:s5+$0xFFFFFFE0];
	p0 =	slt.u32 s28, $0x3E;
	v28 =	vadd.f32 v28, v36;
	v36 =	vadd.f32 v38, v37;
	v7 =	vmul.f32 v29, v7  }
0x471: {  	v9 =	vmul.f32 v9, v20;
	v21 =	vld [tilespmem:s18+$0x20];
	v5 =	vadd.f32 v26, v5;
	v8 =	vadd.f32 v8, v32  }
0x472: {  	v32 =	vmul.f32 v10, v10;
	v20 =	vld [tilespmem:s8+$0xFFFFFF80];
	v26 =	vadd.f32 v27, v36;
	v27 =	vmul.f32 v31, v31  }
0x473: {  	v29 =	vmul.f32 v29, v29;
	v34 =	vadd.f32 v9, v34;
	v36 =	vld [tilespmem:s5+$0xFFFFFF90];
	v5 =	vadd.f32 v18, v5;
	(xrf2) =	vadd.scan.msk.f32 $0xffff, v25  }
0x474: {  	v25 =	vmul.f32 v2, v11;
	v9 =	vld [tilespmem:s8+$0x30];
	v4 =	vadd.f32 v4, v26;
	v26 =	vmul.f32 v24, v10  }
0x475: {  	v6 =	vmul.f32 v31, v6;
	v18 =	vld [tilespmem:s5+$0x30];
	v5 =	vadd.f32 v7, v5;
	v7 =	vadd.f32 v30, v8;
	v2 =	vmovc v35  }
0x476: {  	v24 =	vmul.f32 v24, v24;
	v8 =	vadd.f32 v29, v28;
	v30 =	vld [tilespmem:s8+$0x20];
	v4 =	vadd.f32 v33, v4;
	(xrf2) =	vadd.scan.msk.f32 $0xffff, v34  }
0x477: {  	v28 =	vld [tilespmem:s5+$0x20];
	v5 =	vadd.f32 v6, v5;
	v6 =	vmul.f32 v14, v11;
	v14 =	vmul.f32 v17, v17  }
0x478: {  	v19 =	vadd.f32 v19, v23;
	v8 =	vadd.f32 v27, v8;
	v11 =	vmul.f32 v11, v11;
	v17 =	vld [tilespmem:s8+$0x0]  }
0x479: {  	v23 =	vld [tilespmem:s5+$0x10];
	v5 =	vadd.f32 v6, v5;
	v6 =	vmul.f32 v12, v10;
	v12 =	vadd.f32 v14, v13;
	(xrf2) =	vadd.scan.msk.f32 $0xffff, v4  }
0x47a: {  	v15 =	vadd.f32 v25, v15;
	v4 =	vmul.f32 v35, v2;
	v11 =	vadd.f32 v11, v22;
	v14 =	vld [tilespmem:s5+$0x0]  }
0x47b: {  	v10 =	vmul.f32 v20, v20;
	v13 =	vmul.f32 v3, v3;
	v22 =	vld [tilespmem:s8+$0x10];
	v25 =	vadd.f32 v26, v5  }
0x47c: {  	v26 =	vmul.f32 v21, v21;
	v11 =	vadd.f32 v32, v11;
	v5 =	vld [tilespmem:s18+$0xFFFFFF80];
	v27 =	vmul.f32 v28, v28  }
0x47d: {  	v29 =	vmul.f32 v36, v36;
	v32 =	vmul.f32 v9, v9;
	v15 =	vadd.f32 v6, v15;
	v31 =	vld [tilespmem:s18+$0x10];
	v33, _, _ =	vpop (xrf2);
	(xrf2) =	vadd.scan.msk.f32 $0xffff, v7  }
0x47e: {  	v8 =	vadd.f32 v16, v8;
	v34 =	vmul.f32 v18, v18;
	v7 =	vmul.f32 v30, v30;
	v6 =	vld [tilespmem:s18+$0x0]  }
0x47f: {  	v37 =	vmul.f32 v23, v23;
	v35 =	vld [tilespmem:s18+$0xFFFFFF90];
	v16 =	vmul.f32 v14, v14  }
0x480: {  	v41 =	vadd.f32 v24, v8;
	v39 =	vmul.f32 v17, v17;
	v38 =	vld [tilespmem:s5+$0xFFFFFF80];
	v40 =	vmul.f32 v22, v22;
	(xrf2) =	vadd.scan.msk.f32 $0xffff, v12;
	v12, _, _ =	vpop (xrf2)  }
0x481: {  	v8 =	vmul.f32 v5, v5;
	v20 =	vmul.f32 v20, v5;
	v24 =	vadd.f32 v37, v16;
	v37 =	vld [tilespmem:s5+$0x40]  }
0x482: {  	v42 =	vmul.f32 v31, v31;
	v39 =	vadd.f32 v40, v39;
	v22 =	vmul.f32 v22, v31;
	v40 =	vld [tilespmem:s5+$0x50]  }
0x483: {  	v16 =	vld [tilespmem:s8+$0xFFFFFF90];
	v43 =	vmul.f32 v6, v6;
	v14 =	vmul.f32 v14, v6;
	v27 =	vadd.f32 v27, v24;
	v44, _, _ =	vpop (xrf2);
	(xrf2) =	vadd.scan.msk.f32 $0xffff, v19  }
0x484: {  	v6 =	vmul.f32 v17, v6;
	v19 =	vmul.f32 v35, v35;
	v45 =	vld [tilespmem:s18+$0xFFFFFFA0];
	v7 =	vadd.f32 v7, v39  }
0x485: {  	v17 =	vmul.f32 v38, v38;
	v38 =	vmul.f32 v38, v5;
	v5 =	vadd.f32 $0.0e+00, v20;
	v20 =	vld [tilespmem:s5+$0xFFFFFFA0]  }
0x486: {  	v23 =	vmul.f32 v23, v31;
	v19 =	vadd.f32 v19, v8;
	v31 =	vld [tilespmem:s8+$0x40];
	v39 =	vmul.f32 v37, v37  }
0x487: {  	v36 =	vmul.f32 v36, v35;
	v6 =	vadd.f32 $0.0e+00, v6;
	v46 =	vld [tilespmem:s18+$0xFFFFFFB0];
	v47 =	vmul.f32 v40, v40;
	(xrf2) =	vadd.scan.msk.f32 $0xffff, v11;
	v48, _, _ =	vpop (xrf2)  }
0x488: {  	v24 =	vadd.f32 v29, v17;
	v17 =	vadd.f32 v32, v7;
	v8 =	vmul.f32 v16, v35;
	v11 =	vld [tilespmem:s18+$0x30]  }
0x489: {  	v27 =	vadd.f32 v34, v27;
	v22 =	vadd.f32 v22, v6;
	v29 =	vmul.f32 v45, v45;
	v7 =	vld [tilespmem:s18+$0xFFFFFFC0]  }
0x48a: {  	v28 =	vmul.f32 v28, v21;
	v34 =	vadd.f32 v42, v43;
	v32 =	vadd.f32 $0.0e+00, v38;
	v35 =	vld [tilespmem:s18+$0x40];
	(xrf2) =	vadd.scan.msk.f32 $0xffff, v25;
	v25, _, _ =	vpop (xrf2)  }
0x48b: {  	v21 =	vmul.f32 v30, v21;
	v14 =	vadd.f32 $0.0e+00, v14;
	v19 =	vadd.f32 v29, v19;
	v6 =	vld [tilespmem:s18+$0xFFFFFFD0]  }
0x48c: {  	v26 =	vadd.f32 v26, v34;
	v27 =	vadd.f32 v39, v27;
	v29 =	vmul.f32 v46, v46;
	v30 =	vld [tilespmem:s5+$0x60]  }
0x48d: {  	v21 =	vadd.f32 v21, v22;
	v34 =	vmul.f32 v20, v20;
	v22 =	vmul.f32 v9, v11;
	v9 =	vld [tilespmem:s5+$0x70];
	v38, _, _ =	vpop (xrf2)  }
0x48e: {  	v14 =	vadd.f32 v23, v14;
	v39 =	vld [tilespmem:s5+$0xFFFFFFB0];
	v19 =	vadd.f32 v29, v19;
	v29 =	vmul.f32 v7, v7;
	[tilespmem:s19+$0x0] =	vst v38  }
0x48f: {  	v18 =	vmul.f32 v18, v11;
	v42 =	vadd.f32 v22, v21;
	v22 =	vmul.f32 v31, v35;
	v23 =	vld [tilespmem:s18+$0x50];
	(xrf2) =	vadd.scan.msk.f32 $0xffff, v41  }
0x490: {  	v11 =	vmul.f32 v11, v11;
	v38 =	vadd.f32 v29, v19;
	v19 =	vmul.f32 v35, v35;
	v29 =	vld [tilespmem:s8+$0x50];
	[tilespmem:s21+$0x0] =	vst v33  }
0x491: {  	v20 =	vmul.f32 v20, v45;
	v27 =	vadd.f32 v47, v27;
	v41 =	vld [tilespmem:s5+$0xFFFFFFC0];
	v22 =	vadd.f32 v22, v42;
	[tilespmem:s17+$0x0] =	vst v25;
	v21, _, _ =	vpop (xrf2)  }
0x492: {  	v14 =	vadd.f32 v28, v14;
	v26 =	vadd.f32 v11, v26;
	v25 =	vmul.f32 v37, v35;
	v33 =	vld [tilespmem:s8+$0xFFFFFFB0];
	[tilespmem:s19+$0xFFFFFFF0] =	vst v21;
	s19 =	smov.u32 s23  }
0x493: {  	v11 =	vadd.f32 v36, v32;
	v37 =	vmul.f32 v39, v39;
	v28 =	vmul.f32 v39, v46;
	v32 =	vld [tilespmem:s5+$0xFFFFFFD0];
	(xrf2) =	vadd.scan.msk.f32 $0xffff, v15  }
0x494: {  	v14 =	vadd.f32 v18, v14;
	v36 =	vmul.f32 v30, v30;
	v15 =	vld [tilespmem:s8+$0xFFFFFFA0];
	v35 =	vmul.f32 v40, v23;
	[tilespmem:s21+$0xFFFFFFF0] =	vst v44;
	v39, _, _ =	vpop (xrf2);
	s21 =	smov.u32 s25  }
0x495: {  	v31 =	vmul.f32 v31, v31;
	v18 =	vadd.f32 v20, v11;
	v40 =	vmul.f32 v23, v23;
	v21 =	vld [tilespmem:s18+$0x60];
	[tilespmem:s15+$0x0] =	vst v12  }
0x496: {  	v42 =	vmul.f32 v6, v6;
	v43 =	vadd.f32 v25, v14;
	v12 =	vmul.f32 v41, v7;
	v11 =	vld [tilespmem:s18+$0xFFFFFFE0];
	[tilespmem:s16+$0x0] =	vst v48  }
0x497: {  	v25 =	vadd.f32 v36, v27;
	v14 =	vadd.f32 v28, v18;
	v18 =	vmul.f32 v33, v46;
	v20 =	vld [tilespmem:s18+$0x70]  }
0x498: {  	v19 =	vadd.f32 v19, v26;
	v28 =	vadd.f32 v31, v17;
	v31 =	vmul.f32 v29, v29;
	v17 =	vld [tilespmem:s8+$0x70]  }
0x499: {  	v36 =	vadd.f32 v12, v14;
	v27 =	vmul.f32 v32, v32;
	v26 =	vmul.f32 v15, v45;
	v14 =	vld [tilespmem:s8+$0xFFFFFFE0];
	v44, _, _ =	vpop (xrf2)  }
0x49a: {  	v23 =	vmul.f32 v29, v23;
	v40 =	vadd.f32 v40, v19;
	v31 =	vadd.f32 v31, v28;
	v12 =	vld [tilespmem:s5+$0xFFFFFFF0];
	[tilespmem:s17+$0xFFFFFFF0] =	vst v44;
	s17 =	smov.u32 s6  }
0x49b: {  	v28 =	vmul.f32 v33, v33;
	v32 =	vmul.f32 v32, v6  }
0x49c: {  	v35 =	vadd.f32 v35, v43;
	v33 =	vmul.f32 v21, v21;
	v19 =	vmul.f32 v20, v20  }
0x49d: {  	v43 =	vmul.f32 v15, v15;
	v13 =	vadd.f32 v13, v31;
	v15 =	vadd.f32 v32, v36;
	v29, _, _ =	vpop (xrf2)  }
.Ltmp10:
0x49e: {  	v31 =	vmul.f32 v16, v16;
	v32 =	vadd.f32 v23, v22;
	v23 =	vadd.f32 v33, v40;
	[tilespmem:s15+$0xFFFFFFF0] =	vst v29;
	s15 =	smov.u32 s7;
	(pc) =	sbr.rel @p0 .LBB2_22-.Ltmp10, $4  }
0x49f: {  	v22 =	vadd.f32 v42, v38;
	v36 =	vmul.f32 v30, v21;
	v16 =	vmul.f32 v14, v14;
	v29 =	vld [tilespmem:s8+$0xFFFFFFC0];
	[tilespmem:s16+$0xFFFFFFF0] =	vst v39;
	s16 =	smov.u32 s0  }
0x4a0: {  	s1 =	simm.s32 $0x0;
	p1 =	por $0x1, $0x1;
	v24 =	vadd.f32 v34, v24;
	v38 =	vadd.f32 v31, v10;
	v30 =	vmul.f32 v17, v20;
	v10 =	vld [tilespmem:s18+$0xFFFFFFF0]  }
0x4a1: {  	s5 =	sadd.s32 $0x100, s5;
	v34 =	vadd.f32 v36, v35;
	v35 =	vmul.f32 v9, v9;
	v33 =	vmul.f32 v12, v12;
	s0 =	sadd.s32 $0x20, s0;
	s18 =	sadd.s32 $0x100, s18;
	v31 =	vld [tilespmem:s8+$0xFFFFFFD0]  }
0x4a2: {  	v37 =	vadd.f32 v37, v24;
	s6 =	sadd.s32 $0x20, s6;
	v36 =	vadd.f32 v43, v38;
	v38 =	vmul.f32 v41, v41;
	s7 =	sadd.s32 $0x20, s7;
	v24 =	vld [tilespmem:s8+$0xFFFFFFF0];
	s8 =	sadd.s32 $0x100, s8  }
0x4a3: {  	_ = 	snop  }
0x4a4: {  	v37 =	vadd.f32 v38, v37;
	_ =	sdelay $0x1  }
0x4a5: {  	v5 =	vadd.f32 v8, v5;
	v3 =	vmul.f32 v3, v21;
	v43 =	vadd.f32 v27, v37  }
0x4a6: {  	v44 =	vadd.f32 v35, v25;
	v9 =	vmul.f32 v9, v20;
	v53 =	vadd.f32 v19, v23  }
0x4a7: {  	v5 =	vadd.f32 v26, v5;
	v4 =	vadd.f32 v4, v43  }
0x4a8: {  	v47 =	vmul.f32 v17, v17;
	v3 =	vadd.f32 v3, v32;
	v46 =	vadd.f32 v9, v34  }
0x4a9: {  	v50 =	vmul.f32 v11, v11;
	v45 =	vadd.f32 v28, v36;
	(xrf2) =	vadd.scan.msk.f32 $0xffff, v44;
	v4 =	vadd.f32 v33, v4  }
0x4aa: {  	v7 =	vmul.f32 v29, v7;
	v5 =	vadd.f32 v18, v5;
	v3 =	vadd.f32 v30, v3;
	(xrf2) =	vadd.scan.msk.f32 $0xffff, v46  }
0x4ab: {  	v49 =	vmul.f32 v29, v29;
	v9 =	vadd.f32 v47, v13;
	v55 =	vadd.f32 v50, v22;
	(xrf2) =	vadd.scan.msk.f32 $0xffff, v4  }
0x4ac: {  	v52 =	vmul.f32 v31, v6;
	v51 =	vadd.f32 v7, v5;
	(xrf2) =	vadd.scan.msk.f32 $0xffff, v3;
	v3 =	vmul.f32 v10, v10  }
0x4ad: {  	v48 =	vmul.f32 v31, v31;
	v54 =	vadd.f32 v49, v45;
	(xrf2) =	vadd.scan.msk.f32 $0xffff, v9  }
0x4ae: {  	v56 =	vmul.f32 v14, v11;
	v4 =	vadd.f32 v52, v51;
	(xrf2) =	vadd.scan.msk.f32 $0xffff, v53;
	v3 =	vadd.f32 v3, v55  }
0x4af: {  	v2 =	vmul.f32 v2, v11;
	v57 =	vadd.f32 v48, v54  }
0x4b0: {  	v58 =	vmul.f32 v24, v10;
	v4 =	vadd.f32 v56, v4;
	(xrf2) =	vadd.scan.msk.f32 $0xffff, v3;
	v3 =	vmul.f32 v12, v10  }
0x4b1: {  	v2 =	vadd.f32 v2, v15;
	v59 =	vmul.f32 v24, v24;
	v6 =	vadd.f32 v16, v57  }
0x4b2: {  	v4 =	vadd.f32 v58, v4  }
0x4b3: {  	v5 =	vadd.f32 v59, v6;
	v60, _, _ =	vpop (xrf2);
	v2 =	vadd.f32 v3, v2  }
0x4b4: {  	(xrf2) =	vadd.scan.msk.f32 $0xffff, v4;
	v3, _, _ =	vpop (xrf2)  }
0x4b5: {  	(xrf2) =	vadd.scan.msk.f32 $0xffff, v5;
	v61, _, _ =	vpop (xrf2)  }
0x4b6: {  	(xrf2) =	vadd.scan.msk.f32 $0xffff, v2;
	v62, _, _ =	vpop (xrf2)  }
0x4b7: {  	v2, _, _ =	vpop (xrf2)  }
0x4b8: {  	v63, _, _ =	vpop (xrf2)  }
0x4b9: {  	[tilespmem:s19+$0x0] =	vst v63  }
0x4ba: {  	[tilespmem:s21+$0x0] =	vst v60  }
0x4bb: {  	[tilespmem:s17+$0x0] =	vst v2;
	v2, _, _ =	vpop (xrf2)  }
0x4bc: {  	[tilespmem:s19+$0xFFFFFFF0] =	vst v2  }
0x4bd: {  	[tilespmem:s15+$0x0] =	vst v3  }
0x4be: {  	v2, _, _ =	vpop (xrf2);
	[tilespmem:s21+$0xFFFFFFF0] =	vst v61  }
0x4bf: {  	[tilespmem:s16+$0x0] =	vst v62;
	v3, _, _ =	vpop (xrf2)  }
0x4c0: {  	[tilespmem:s17+$0xFFFFFFF0] =	vst v3;
	v3, _, _ =	vpop (xrf2)  }
0x4c1: {  	[tilespmem:s15+$0xFFFFFFF0] =	vst v3  }
0x4c2: {  	[tilespmem:s16+$0xFFFFFFF0] =	vst v2  }
.LBB2_24:
0x4c3: {  	v2 =	vmov s1  }
0x4c4: {  	v2 =	vshll.u32 v2, $0x4  }
0x4c5: {  	s0 =	sor.u32 $0x10, s1;
	v2 =	vor.u32 v0, v2  }
0x4c6: {  	v3 =	vmov s0;
	v2 =	vor.u32 $0xF, v2  }
0x4c7: {  	v3 =	vshll.u32 v3, $0x4  }
0x4c8: {  	v3 =	vor.u32 v0, v3  }
0x4c9: {  	v3 =	vor.u32 $0xF, v3;
	_ =	sdelay $0x1  }
0x4ca: {  	v4 =	vld.idx.msk [tilespmem:v2+s22+$0x0], $0xffff  }
0x4cb: {  	v5 =	vld.idx.msk [tilespmem:v2+s24+$0x0], $0xffff  }
0x4cc: {  	v6 =	vld.idx.msk [tilespmem:v2+s26+$0x0], $0xffff  }
0x4cd: {  	v7 =	vld.idx.msk [tilespmem:v3+s22+$0x0], $0xffff  }
0x4ce: {  	v8 =	vld.idx.msk [tilespmem:v3+s24+$0x0], $0xffff  }
0x4cf: {  	v9 =	vld.idx.msk [tilespmem:v3+s26+$0x0], $0xffff;
	_ =	sdelay $0x2  }
0x4d0: {  	v4 =	vmax.f32 v4, $1.000000020e-24;
	v5 =	vmax.f32 v5, $1.000000020e-24;
	v6 =	vmax.f32 v6, $1.000000020e-24  }
0x4d1: {  	v5 =	vmul.f32 v5, v4;
	v4 =	vmul.f32 v6, v4  }
0x4d2: {  	v7 =	vmax.f32 v7, $1.000000020e-24;
	v8 =	vmax.f32 v8, $1.000000020e-24;
	v9 =	vmax.f32 v9, $1.000000020e-24  }
0x4d3: {  	v8 =	vmul.f32 v8, v7;
	v7 =	vmul.f32 v9, v7;
	v10 =	vshrl.u32 v5, $0x1  }
0x4d4: {  	v5 =	vmul.f32 $5.000000000e-01, v5;
	v11 =	vshrl.u32 v4, $0x1;
	v4 =	vmul.f32 $5.000000000e-01, v4  }
0x4d5: {  	v40 =	vsub.s32 $0x5F3759DF, v10;
	v11 =	vsub.s32 $0x5F3759DF, v11;
	v12 =	vshrl.u32 v8, $0x1  }
0x4d6: {  	v8 =	vmul.f32 $5.000000000e-01, v8;
	v14 =	vshrl.u32 v7, $0x1;
	v10 =	vmul.f32 v40, v5  }
0x4d7: {  	v7 =	vmul.f32 $5.000000000e-01, v7;
	v42 =	vmul.f32 v11, v4;
	v12 =	vsub.s32 $0x5F3759DF, v12  }
0x4d8: {  	v14 =	vsub.s32 $0x5F3759DF, v14;
	v13 =	vmul.f32 v12, v8;
	v41 =	vmul.f32 v40, v10  }
0x4d9: {  	v15 =	vmul.f32 v14, v7;
	v10 =	vmul.f32 v11, v42  }
0x4da: {  	v13 =	vmul.f32 v12, v13;
	v9 =	vsub.f32 $1.500000000e+00, v41  }
0x4db: {  	v45 =	vmul.f32 v14, v15;
	v43 =	vsub.f32 $1.500000000e+00, v10  }
0x4dc: {  	v44 =	vsub.f32 $1.500000000e+00, v13;
	v6 =	vmul.f32 v40, v9  }
0x4dd: {  	v47 =	vsub.f32 $1.500000000e+00, v45;
	v9 =	vmul.f32 v11, v43  }
0x4de: {  	v10 =	vmul.f32 v12, v44;
	v46 =	vmul.f32 v6, v5  }
0x4df: {  	v11 =	vmul.f32 v14, v47;
	v49 =	vmul.f32 v9, v4  }
0x4e0: {  	v50 =	vmul.f32 v10, v8;
	v48 =	vmul.f32 v46, v6  }
0x4e1: {  	v52 =	vmul.f32 v11, v7;
	v13 =	vmul.f32 v49, v9  }
0x4e2: {  	v51 =	vmul.f32 v50, v10;
	v12 =	vsub.f32 $1.500000000e+00, v48  }
0x4e3: {  	v55 =	vmul.f32 v52, v11;
	v53 =	vsub.f32 $1.500000000e+00, v13  }
0x4e4: {  	v54 =	vsub.f32 $1.500000000e+00, v51;
	v6 =	vmul.f32 v12, v6  }
0x4e5: {  	v56 =	vsub.f32 $1.500000000e+00, v55;
	v9 =	vmul.f32 v53, v9  }
0x4e6: {  	v10 =	vmul.f32 v54, v10;
	v5 =	vmul.f32 v6, v5  }
0x4e7: {  	v11 =	vmul.f32 v56, v11;
	v4 =	vmul.f32 v9, v4  }
0x4e8: {  	v8 =	vmul.f32 v10, v8;
	v5 =	vmul.f32 v5, v6  }
0x4e9: {  	v57 =	vld.idx.msk [tilespmem:v2+s29+$0x0], $0xffff;
	v7 =	vmul.f32 v11, v7;
	v4 =	vmul.f32 v4, v9  }
0x4ea: {  	v2 =	vld.idx.msk [tilespmem:v2+s31+$0x0], $0xffff;
	v8 =	vmul.f32 v8, v10;
	v5 =	vsub.f32 $1.500000000e+00, v5  }
0x4eb: {  	v58 =	vld.idx.msk [tilespmem:v3+s29+$0x0], $0xffff;
	v7 =	vmul.f32 v7, v11;
	v4 =	vsub.f32 $1.500000000e+00, v4  }
0x4ec: {  	v59 =	vsub.f32 $1.500000000e+00, v8;
	v5 =	vmul.f32 v5, v6  }
0x4ed: {  	v3 =	vld.idx.msk [tilespmem:v3+s31+$0x0], $0xffff;
	v7 =	vsub.f32 $1.500000000e+00, v7;
	v4 =	vmul.f32 v4, v9  }
0x4ee: {  	v6 =	vmul.f32 v59, v10;
	v5 =	vmul.f32 v5, v57  }
0x4ef: {  	v62 =	vmul.f32 v7, v11  }
0x4f0: {  	v2 =	vmul.f32 v4, v2;
	v61 =	vmul.f32 v6, v58;
	v60 =	vsub.f32 $1.000000000e+00, v5;
	_ =	sdelay $0x1  }
0x4f1: {  	p0 =	por p1, p1;
	v3 =	vmul.f32 v62, v3;
	v63 =	vsub.f32 $1.000000000e+00, v61;
	v2 =	vadd.f32 v2, v60  }
.Ltmp11:
0x4f2: {  	_ = 	snop;
	(pc) =	sbr.rel @p0 .LBB2_24-.Ltmp11, $4  }
0x4f3: {  	v3 =	vadd.f32 v3, v63;
	v2 =	vmax.f32 v2, $0.0e+00  }
0x4f4: {  	v1 =	vadd.f32 v2, v1  }
0x4f5: {  	v2 =	vmax.f32 v3, $0.0e+00  }
0x4f6: {  	s1 =	simm.s32 $0x20;
	p1 =	por $0x0, $0x0;
	v1 =	vadd.f32 v2, v1  }
0x4f7: {  	_ =	swait.ge [sflag:s11], $0x2000  }
0x4f8: {  	[sflag:s11] =	ssyncset.done $0x0  }
0x4f9: {  	[sflag:s11] =	ssyncadd.s32 $0xFFFFE000  }
0x4fa: {  	_ =	swait.ge [sflag:s11], $0x2000  }
0x4fb: {  	[sflag:s11] =	ssyncset.done $0x0  }
0x4fc: {  	[sflag:s11] =	ssyncadd.s32 $0xFFFFE000  }
0x4fd: {  	_ =	swait.ge [sflag:s11], $0x2000  }
0x4fe: {  	[sflag:s11] =	ssyncset.done $0x0  }
0x4ff: {  	s1 =	simm.s32 $0x10680;
	[sflag:s11] =	ssyncadd.s32 $0xFFFFE000  }
0x500: {  	s4 =	simm.s32 $0xE680;
	v3 =	vld [tilespmem:s1+$0x60]  }
0x501: {  	s0 =	simm.s32 $0xC680;
	v2 =	vld [tilespmem:s4+$0xFFFFFFE0]  }
0x502: {  	v6 =	vld [tilespmem:s0+$0x20]  }
0x503: {  	v5 =	vld [tilespmem:s1+$0xFFFFFF80]  }
0x504: {  	v7 =	vld [tilespmem:s4+$0xFFFFFF90]  }
0x505: {  	v9 =	vld [tilespmem:s1+$0x30]  }
0x506: {  	v11 =	vld [tilespmem:s4+$0x30]  }
0x507: {  	v12 =	vld [tilespmem:s1+$0x20]  }
0x508: {  	v13 =	vld [tilespmem:s4+$0x20]  }
0x509: {  	v8 =	vld [tilespmem:s1+$0x0]  }
0x50a: {  	v14 =	vld [tilespmem:s4+$0x10]  }
0x50b: {  	v15 =	vld [tilespmem:s4+$0x0]  }
0x50c: {  	v16 =	vld [tilespmem:s1+$0x10];
	v4 =	vmul.f32 v2, v2  }
0x50d: {  	v17 =	vld [tilespmem:s0+$0xFFFFFF80];
	v10 =	vmul.f32 v5, v5;
	v22 =	vmul.f32 v3, v3  }
0x50e: {  	v21 =	vld [tilespmem:s0+$0x10];
	v18 =	vmul.f32 v6, v6;
	v19 =	vmul.f32 v13, v13  }
0x50f: {  	v24 =	vld [tilespmem:s0+$0x0];
	v20 =	vmul.f32 v7, v7;
	v23 =	vmul.f32 v9, v9  }
0x510: {  	v27 =	vld [tilespmem:s0+$0xFFFFFF90];
	v25 =	vmul.f32 v12, v12;
	v26 =	vmul.f32 v11, v11  }
0x511: {  	v30 =	vld [tilespmem:s4+$0xFFFFFF80];
	v28 =	vmul.f32 v15, v15;
	v29 =	vmul.f32 v14, v14  }
0x512: {  	v35 =	vld [tilespmem:s4+$0x50];
	v31 =	vmul.f32 v8, v8;
	v32 =	vmul.f32 v16, v16  }
0x513: {  	v33 =	vmul.f32 v17, v17;
	v5 =	vmul.f32 v5, v17  }
0x514: {  	v34 =	vld [tilespmem:s4+$0x40];
	v16 =	vmul.f32 v16, v21;
	v36 =	vmul.f32 v24, v24  }
0x515: {  	v52 =	vld [tilespmem:s1+$0xFFFFFF90];
	v15 =	vmul.f32 v15, v24;
	v8 =	vmul.f32 v8, v24  }
0x516: {  	v37 =	vld [tilespmem:s0+$0xFFFFFFA0];
	v17 =	vmul.f32 v30, v17;
	v14 =	vmul.f32 v14, v21  }
0x517: {  	v38 =	vld [tilespmem:s0+$0xFFFFFFB0];
	v53 =	vmul.f32 v7, v27;
	v39 =	vmul.f32 v35, v35;
	v28 =	vadd.f32 v29, v28  }
0x518: {  	v41 =	vld [tilespmem:s4+$0xFFFFFFC0];
	v13 =	vmul.f32 v13, v6;
	v31 =	vadd.f32 v32, v31;
	v5 =	vadd.f32 $0.0e+00, v5  }
0x519: {  	v7 =	vld [tilespmem:s0+$0xFFFFFFC0];
	v12 =	vmul.f32 v12, v6;
	v8 =	vadd.f32 $0.0e+00, v8;
	v17 =	vadd.f32 $0.0e+00, v17  }
0x51a: {  	v6 =	vld [tilespmem:s0+$0xFFFFFFD0];
	v29 =	vmul.f32 v21, v21;
	v15 =	vadd.f32 $0.0e+00, v15;
	v19 =	vadd.f32 v19, v28  }
0x51b: {  	v21 =	vld [tilespmem:s1+$0x40];
	v28 =	vmul.f32 v27, v27;
	v24 =	vadd.f32 v25, v31;
	v25 =	vmul.f32 v30, v30  }
0x51c: {  	v30 =	vld [tilespmem:s4+$0xFFFFFFA0];
	v31 =	vmul.f32 v34, v34;
	v16 =	vadd.f32 v16, v8;
	v14 =	vadd.f32 v14, v15  }
0x51d: {  	v8 =	vmul.f32 v52, v27;
	v15 =	vld [tilespmem:s0+$0x50];
	v17 =	vadd.f32 v53, v17;
	v28 =	vadd.f32 v28, v33  }
0x51e: {  	v27 =	vmul.f32 v38, v38;
	v40 =	vadd.f32 v20, v25;
	v20 =	vld [tilespmem:s0+$0x30];
	v23 =	vadd.f32 v23, v24  }
0x51f: {  	v24 =	vmul.f32 v37, v37;
	v19 =	vadd.f32 v26, v19;
	v25 =	vadd.f32 v29, v36;
	v26 =	vld [tilespmem:s0+$0x40]  }
0x520: {  	v58 =	vmul.f32 v41, v7;
	v42 =	vmul.f32 v6, v6;
	v12 =	vadd.f32 v12, v16;
	v16 =	vld [tilespmem:s4+$0xFFFFFFB0]  }
0x521: {  	v24 =	vadd.f32 v24, v28;
	v18 =	vadd.f32 v18, v25;
	v25 =	vmul.f32 v7, v7  }
0x522: {  	v19 =	vadd.f32 v31, v19;
	v31 =	vmul.f32 v30, v30;
	v57 =	vmul.f32 v15, v15  }
0x523: {  	v13 =	vadd.f32 v13, v14;
	v9 =	vmul.f32 v9, v20;
	v11 =	vmul.f32 v11, v20  }
0x524: {  	v54 =	vld [tilespmem:s4+$0x60];
	v24 =	vadd.f32 v27, v24;
	v20 =	vmul.f32 v20, v20;
	v27 =	vmul.f32 v26, v26  }
0x525: {  	v28 =	vld [tilespmem:s1+$0xFFFFFFB0];
	v55 =	vmul.f32 v16, v16;
	v9 =	vadd.f32 v9, v12;
	v12 =	vmul.f32 v21, v26  }
0x526: {  	v56 =	vld [tilespmem:s4+$0xFFFFFFD0];
	v16 =	vmul.f32 v16, v38;
	v40 =	vadd.f32 v31, v40;
	v14 =	vadd.f32 v20, v18  }
0x527: {  	v18 =	vmul.f32 v34, v26;
	v11 =	vadd.f32 v11, v13;
	v29 =	vadd.f32 v12, v9;
	v12 =	vld [tilespmem:s1+$0x50]  }
0x528: {  	v24 =	vadd.f32 v25, v24;
	v9 =	vadd.f32 v39, v19;
	v19 =	vmul.f32 v30, v37;
	v30 =	vld [tilespmem:s1+$0xFFFFFFA0]  }
0x529: {  	v13 =	vmul.f32 v35, v15;
	v20 =	vmul.f32 v54, v54;
	v11 =	vadd.f32 v18, v11  }
0x52a: {  	v18 =	vmul.f32 v28, v38;
	v28 =	vmul.f32 v28, v28;
	v17 =	vadd.f32 v19, v17  }
0x52b: {  	v38 =	vmul.f32 v41, v41;
	v19 =	vmul.f32 v21, v21;
	v21 =	vld [tilespmem:s0+$0x60];
	v25 =	vadd.f32 v20, v9  }
0x52c: {  	v20 =	vld [tilespmem:s0+$0x70];
	v16 =	vadd.f32 v16, v17;
	v17 =	vadd.f32 v27, v14;
	v27 =	vmul.f32 v56, v56  }
0x52d: {  	v9 =	vld [tilespmem:s4+$0x70];
	v19 =	vadd.f32 v19, v23;
	v23 =	vmul.f32 v12, v12;
	v26 =	vmul.f32 v30, v37  }
0x52e: {  	v60 =	vadd.f32 v13, v11;
	v14 =	vld [tilespmem:s1+$0xFFFFFFE0];
	v59 =	vmul.f32 v12, v15;
	v15 =	vmul.f32 v56, v6  }
0x52f: {  	v12 =	vld [tilespmem:s4+$0xFFFFFFF0];
	v62 =	vmul.f32 v30, v30;
	v37 =	vadd.f32 v55, v40;
	v16 =	vadd.f32 v58, v16  }
0x530: {  	v30 =	vmul.f32 v52, v52;
	v34 =	vadd.f32 v57, v17;
	v17 =	vld [tilespmem:s1+$0x70];
	v23 =	vadd.f32 v23, v19  }
0x531: {  	s23 =	simm.s32 $0x18610;
	s25 =	simm.s32 $0x18A10;
	v31 =	vld [tilespmem:s1+$0xFFFFFFD0];
	v61 =	vmul.f32 v21, v21;
	v19 =	vmul.f32 v20, v20;
	v32 =	vadd.f32 v59, v29  }
0x532: {  	s17 =	simm.s32 $0x18E10;
	s15 =	simm.s32 $0x19210;
	s16 =	simm.s32 $0x19610;
	v29 =	vld [tilespmem:s1+$0xFFFFFFC0];
	v63 =	vadd.f32 v30, v10;
	v35 =	vmul.f32 v9, v9;
	v15 =	vadd.f32 v15, v16  }
0x533: {  	s28 =	simm.s32 $0x0;
	s18 =	simm.s32 $0xC780;
	s5 =	simm.s32 $0xE780;
	v11 =	vld [tilespmem:s0+$0xFFFFFFE0];
	v13 =	vadd.f32 v22, v23;
	v22 =	vadd.f32 v42, v24;
	v24 =	vmul.f32 v54, v21  }
0x534: {  	s6 =	simm.s32 $0x18E30;
	s7 =	simm.s32 $0x19230;
	s8 =	simm.s32 $0x10780;
	v10 =	vld [tilespmem:s0+$0xFFFFFFF0];
	v23 =	vadd.f32 v61, v34;
	v16 =	vmul.f32 v14, v14;
	v36 =	vadd.f32 v62, v63  }
0x535: {  	s19 =	simm.s32 $0x18610;
	s21 =	simm.s32 $0x18A10;
	s0 =	simm.s32 $0x19630;
	v33 =	vmul.f32 v12, v12;
	v30 =	vmul.f32 v17, v20;
	v34 =	vadd.f32 v24, v60;
	v24 =	vld [tilespmem:s1+$0xFFFFFFF0]  }
.LBB2_26:
0x536: {  	s28 =	sadd.s32 $0x2, s28;
	v5 =	vadd.f32 v8, v5;
	v8 =	vmul.f32 v3, v21;
	v3 =	vld [tilespmem:s8+$0x60];
	v25 =	vadd.f32 v35, v25;
	s23 =	sadd.s32 $0x20, s23;
	s25 =	sadd.s32 $0x20, s25  }
0x537: {  	v35 =	vld [tilespmem:s5+$0xFFFFFFE0];
	p0 =	slt.u32 s28, $0x3E;
	v28 =	vadd.f32 v28, v36;
	v36 =	vadd.f32 v38, v37;
	v7 =	vmul.f32 v29, v7  }
0x538: {  	v9 =	vmul.f32 v9, v20;
	v21 =	vld [tilespmem:s18+$0x20];
	v5 =	vadd.f32 v26, v5;
	v8 =	vadd.f32 v8, v32  }
0x539: {  	v32 =	vmul.f32 v10, v10;
	v20 =	vld [tilespmem:s8+$0xFFFFFF80];
	v26 =	vadd.f32 v27, v36;
	v27 =	vmul.f32 v31, v31  }
0x53a: {  	v29 =	vmul.f32 v29, v29;
	v34 =	vadd.f32 v9, v34;
	v36 =	vld [tilespmem:s5+$0xFFFFFF90];
	v5 =	vadd.f32 v18, v5;
	(xrf2) =	vadd.scan.msk.f32 $0xffff, v25  }
0x53b: {  	v25 =	vmul.f32 v2, v11;
	v9 =	vld [tilespmem:s8+$0x30];
	v4 =	vadd.f32 v4, v26;
	v26 =	vmul.f32 v24, v10  }
0x53c: {  	v6 =	vmul.f32 v31, v6;
	v18 =	vld [tilespmem:s5+$0x30];
	v5 =	vadd.f32 v7, v5;
	v7 =	vadd.f32 v30, v8;
	v2 =	vmovc v35  }
0x53d: {  	v24 =	vmul.f32 v24, v24;
	v8 =	vadd.f32 v29, v28;
	v30 =	vld [tilespmem:s8+$0x20];
	v4 =	vadd.f32 v33, v4;
	(xrf2) =	vadd.scan.msk.f32 $0xffff, v34  }
0x53e: {  	v28 =	vld [tilespmem:s5+$0x20];
	v5 =	vadd.f32 v6, v5;
	v6 =	vmul.f32 v14, v11;
	v14 =	vmul.f32 v17, v17  }
0x53f: {  	v19 =	vadd.f32 v19, v23;
	v8 =	vadd.f32 v27, v8;
	v11 =	vmul.f32 v11, v11;
	v17 =	vld [tilespmem:s8+$0x0]  }
0x540: {  	v23 =	vld [tilespmem:s5+$0x10];
	v5 =	vadd.f32 v6, v5;
	v6 =	vmul.f32 v12, v10;
	v12 =	vadd.f32 v14, v13;
	(xrf2) =	vadd.scan.msk.f32 $0xffff, v4  }
0x541: {  	v15 =	vadd.f32 v25, v15;
	v4 =	vmul.f32 v35, v2;
	v11 =	vadd.f32 v11, v22;
	v14 =	vld [tilespmem:s5+$0x0]  }
0x542: {  	v10 =	vmul.f32 v20, v20;
	v13 =	vmul.f32 v3, v3;
	v22 =	vld [tilespmem:s8+$0x10];
	v25 =	vadd.f32 v26, v5  }
0x543: {  	v26 =	vmul.f32 v21, v21;
	v11 =	vadd.f32 v32, v11;
	v5 =	vld [tilespmem:s18+$0xFFFFFF80];
	v27 =	vmul.f32 v28, v28  }
0x544: {  	v29 =	vmul.f32 v36, v36;
	v32 =	vmul.f32 v9, v9;
	v15 =	vadd.f32 v6, v15;
	v31 =	vld [tilespmem:s18+$0x10];
	v33, _, _ =	vpop (xrf2);
	(xrf2) =	vadd.scan.msk.f32 $0xffff, v7  }
0x545: {  	v8 =	vadd.f32 v16, v8;
	v34 =	vmul.f32 v18, v18;
	v7 =	vmul.f32 v30, v30;
	v6 =	vld [tilespmem:s18+$0x0]  }
0x546: {  	v37 =	vmul.f32 v23, v23;
	v35 =	vld [tilespmem:s18+$0xFFFFFF90];
	v16 =	vmul.f32 v14, v14  }
0x547: {  	v41 =	vadd.f32 v24, v8;
	v39 =	vmul.f32 v17, v17;
	v38 =	vld [tilespmem:s5+$0xFFFFFF80];
	v40 =	vmul.f32 v22, v22;
	(xrf2) =	vadd.scan.msk.f32 $0xffff, v12;
	v12, _, _ =	vpop (xrf2)  }
0x548: {  	v8 =	vmul.f32 v5, v5;
	v20 =	vmul.f32 v20, v5;
	v24 =	vadd.f32 v37, v16;
	v37 =	vld [tilespmem:s5+$0x40]  }
0x549: {  	v42 =	vmul.f32 v31, v31;
	v39 =	vadd.f32 v40, v39;
	v22 =	vmul.f32 v22, v31;
	v40 =	vld [tilespmem:s5+$0x50]  }
0x54a: {  	v16 =	vld [tilespmem:s8+$0xFFFFFF90];
	v43 =	vmul.f32 v6, v6;
	v14 =	vmul.f32 v14, v6;
	v27 =	vadd.f32 v27, v24;
	v44, _, _ =	vpop (xrf2);
	(xrf2) =	vadd.scan.msk.f32 $0xffff, v19  }
0x54b: {  	v6 =	vmul.f32 v17, v6;
	v19 =	vmul.f32 v35, v35;
	v45 =	vld [tilespmem:s18+$0xFFFFFFA0];
	v7 =	vadd.f32 v7, v39  }
0x54c: {  	v17 =	vmul.f32 v38, v38;
	v38 =	vmul.f32 v38, v5;
	v5 =	vadd.f32 $0.0e+00, v20;
	v20 =	vld [tilespmem:s5+$0xFFFFFFA0]  }
0x54d: {  	v23 =	vmul.f32 v23, v31;
	v19 =	vadd.f32 v19, v8;
	v31 =	vld [tilespmem:s8+$0x40];
	v39 =	vmul.f32 v37, v37  }
0x54e: {  	v36 =	vmul.f32 v36, v35;
	v6 =	vadd.f32 $0.0e+00, v6;
	v46 =	vld [tilespmem:s18+$0xFFFFFFB0];
	v47 =	vmul.f32 v40, v40;
	(xrf2) =	vadd.scan.msk.f32 $0xffff, v11;
	v48, _, _ =	vpop (xrf2)  }
0x54f: {  	v24 =	vadd.f32 v29, v17;
	v17 =	vadd.f32 v32, v7;
	v8 =	vmul.f32 v16, v35;
	v11 =	vld [tilespmem:s18+$0x30]  }
0x550: {  	v27 =	vadd.f32 v34, v27;
	v22 =	vadd.f32 v22, v6;
	v29 =	vmul.f32 v45, v45;
	v7 =	vld [tilespmem:s18+$0xFFFFFFC0]  }
0x551: {  	v28 =	vmul.f32 v28, v21;
	v34 =	vadd.f32 v42, v43;
	v32 =	vadd.f32 $0.0e+00, v38;
	v35 =	vld [tilespmem:s18+$0x40];
	(xrf2) =	vadd.scan.msk.f32 $0xffff, v25;
	v25, _, _ =	vpop (xrf2)  }
0x552: {  	v21 =	vmul.f32 v30, v21;
	v14 =	vadd.f32 $0.0e+00, v14;
	v19 =	vadd.f32 v29, v19;
	v6 =	vld [tilespmem:s18+$0xFFFFFFD0]  }
0x553: {  	v26 =	vadd.f32 v26, v34;
	v27 =	vadd.f32 v39, v27;
	v29 =	vmul.f32 v46, v46;
	v30 =	vld [tilespmem:s5+$0x60]  }
0x554: {  	v21 =	vadd.f32 v21, v22;
	v34 =	vmul.f32 v20, v20;
	v22 =	vmul.f32 v9, v11;
	v9 =	vld [tilespmem:s5+$0x70];
	v38, _, _ =	vpop (xrf2)  }
0x555: {  	v14 =	vadd.f32 v23, v14;
	v39 =	vld [tilespmem:s5+$0xFFFFFFB0];
	v19 =	vadd.f32 v29, v19;
	v29 =	vmul.f32 v7, v7;
	[tilespmem:s19+$0x0] =	vst v38  }
0x556: {  	v18 =	vmul.f32 v18, v11;
	v42 =	vadd.f32 v22, v21;
	v22 =	vmul.f32 v31, v35;
	v23 =	vld [tilespmem:s18+$0x50];
	(xrf2) =	vadd.scan.msk.f32 $0xffff, v41  }
0x557: {  	v11 =	vmul.f32 v11, v11;
	v38 =	vadd.f32 v29, v19;
	v19 =	vmul.f32 v35, v35;
	v29 =	vld [tilespmem:s8+$0x50];
	[tilespmem:s21+$0x0] =	vst v33  }
0x558: {  	v20 =	vmul.f32 v20, v45;
	v27 =	vadd.f32 v47, v27;
	v41 =	vld [tilespmem:s5+$0xFFFFFFC0];
	v22 =	vadd.f32 v22, v42;
	[tilespmem:s17+$0x0] =	vst v25;
	v21, _, _ =	vpop (xrf2)  }
0x559: {  	v14 =	vadd.f32 v28, v14;
	v26 =	vadd.f32 v11, v26;
	v25 =	vmul.f32 v37, v35;
	v33 =	vld [tilespmem:s8+$0xFFFFFFB0];
	[tilespmem:s19+$0xFFFFFFF0] =	vst v21;
	s19 =	smov.u32 s23  }
0x55a: {  	v11 =	vadd.f32 v36, v32;
	v37 =	vmul.f32 v39, v39;
	v28 =	vmul.f32 v39, v46;
	v32 =	vld [tilespmem:s5+$0xFFFFFFD0];
	(xrf2) =	vadd.scan.msk.f32 $0xffff, v15  }
0x55b: {  	v14 =	vadd.f32 v18, v14;
	v36 =	vmul.f32 v30, v30;
	v15 =	vld [tilespmem:s8+$0xFFFFFFA0];
	v35 =	vmul.f32 v40, v23;
	[tilespmem:s21+$0xFFFFFFF0] =	vst v44;
	v39, _, _ =	vpop (xrf2);
	s21 =	smov.u32 s25  }
0x55c: {  	v31 =	vmul.f32 v31, v31;
	v18 =	vadd.f32 v20, v11;
	v40 =	vmul.f32 v23, v23;
	v21 =	vld [tilespmem:s18+$0x60];
	[tilespmem:s15+$0x0] =	vst v12  }
0x55d: {  	v42 =	vmul.f32 v6, v6;
	v43 =	vadd.f32 v25, v14;
	v12 =	vmul.f32 v41, v7;
	v11 =	vld [tilespmem:s18+$0xFFFFFFE0];
	[tilespmem:s16+$0x0] =	vst v48  }
0x55e: {  	v25 =	vadd.f32 v36, v27;
	v14 =	vadd.f32 v28, v18;
	v18 =	vmul.f32 v33, v46;
	v20 =	vld [tilespmem:s18+$0x70]  }
0x55f: {  	v19 =	vadd.f32 v19, v26;
	v28 =	vadd.f32 v31, v17;
	v31 =	vmul.f32 v29, v29;
	v17 =	vld [tilespmem:s8+$0x70]  }
0x560: {  	v36 =	vadd.f32 v12, v14;
	v27 =	vmul.f32 v32, v32;
	v26 =	vmul.f32 v15, v45;
	v14 =	vld [tilespmem:s8+$0xFFFFFFE0];
	v44, _, _ =	vpop (xrf2)  }
0x561: {  	v23 =	vmul.f32 v29, v23;
	v40 =	vadd.f32 v40, v19;
	v31 =	vadd.f32 v31, v28;
	v12 =	vld [tilespmem:s5+$0xFFFFFFF0];
	[tilespmem:s17+$0xFFFFFFF0] =	vst v44;
	s17 =	smov.u32 s6  }
0x562: {  	v28 =	vmul.f32 v33, v33;
	v32 =	vmul.f32 v32, v6  }
0x563: {  	v35 =	vadd.f32 v35, v43;
	v33 =	vmul.f32 v21, v21;
	v19 =	vmul.f32 v20, v20  }
0x564: {  	v43 =	vmul.f32 v15, v15;
	v13 =	vadd.f32 v13, v31;
	v15 =	vadd.f32 v32, v36;
	v29, _, _ =	vpop (xrf2)  }
.Ltmp12:
0x565: {  	v31 =	vmul.f32 v16, v16;
	v32 =	vadd.f32 v23, v22;
	v23 =	vadd.f32 v33, v40;
	[tilespmem:s15+$0xFFFFFFF0] =	vst v29;
	s15 =	smov.u32 s7;
	(pc) =	sbr.rel @p0 .LBB2_26-.Ltmp12, $4  }
0x566: {  	v22 =	vadd.f32 v42, v38;
	v36 =	vmul.f32 v30, v21;
	v16 =	vmul.f32 v14, v14;
	v29 =	vld [tilespmem:s8+$0xFFFFFFC0];
	[tilespmem:s16+$0xFFFFFFF0] =	vst v39;
	s16 =	smov.u32 s0  }
0x567: {  	s1 =	simm.s32 $0x0;
	p1 =	por $0x1, $0x1;
	v24 =	vadd.f32 v34, v24;
	v38 =	vadd.f32 v31, v10;
	v30 =	vmul.f32 v17, v20;
	v10 =	vld [tilespmem:s18+$0xFFFFFFF0]  }
0x568: {  	s5 =	sadd.s32 $0x100, s5;
	v34 =	vadd.f32 v36, v35;
	v35 =	vmul.f32 v9, v9;
	v33 =	vmul.f32 v12, v12;
	s0 =	sadd.s32 $0x20, s0;
	s18 =	sadd.s32 $0x100, s18;
	v31 =	vld [tilespmem:s8+$0xFFFFFFD0]  }
0x569: {  	v37 =	vadd.f32 v37, v24;
	s6 =	sadd.s32 $0x20, s6;
	v36 =	vadd.f32 v43, v38;
	v38 =	vmul.f32 v41, v41;
	s7 =	sadd.s32 $0x20, s7;
	v24 =	vld [tilespmem:s8+$0xFFFFFFF0];
	s8 =	sadd.s32 $0x100, s8  }
0x56a: {  	_ = 	snop  }
0x56b: {  	v37 =	vadd.f32 v38, v37;
	_ =	sdelay $0x1  }
0x56c: {  	v5 =	vadd.f32 v8, v5;
	v3 =	vmul.f32 v3, v21;
	v43 =	vadd.f32 v27, v37  }
0x56d: {  	v44 =	vadd.f32 v35, v25;
	v9 =	vmul.f32 v9, v20;
	v53 =	vadd.f32 v19, v23  }
0x56e: {  	v5 =	vadd.f32 v26, v5;
	v4 =	vadd.f32 v4, v43  }
0x56f: {  	v47 =	vmul.f32 v17, v17;
	v3 =	vadd.f32 v3, v32;
	v46 =	vadd.f32 v9, v34  }
0x570: {  	v50 =	vmul.f32 v11, v11;
	v45 =	vadd.f32 v28, v36;
	(xrf2) =	vadd.scan.msk.f32 $0xffff, v44;
	v4 =	vadd.f32 v33, v4  }
0x571: {  	v7 =	vmul.f32 v29, v7;
	v5 =	vadd.f32 v18, v5;
	v3 =	vadd.f32 v30, v3;
	(xrf2) =	vadd.scan.msk.f32 $0xffff, v46  }
0x572: {  	v49 =	vmul.f32 v29, v29;
	v9 =	vadd.f32 v47, v13;
	v55 =	vadd.f32 v50, v22;
	(xrf2) =	vadd.scan.msk.f32 $0xffff, v4  }
0x573: {  	v52 =	vmul.f32 v31, v6;
	v51 =	vadd.f32 v7, v5;
	(xrf2) =	vadd.scan.msk.f32 $0xffff, v3;
	v3 =	vmul.f32 v10, v10  }
0x574: {  	v48 =	vmul.f32 v31, v31;
	v54 =	vadd.f32 v49, v45;
	(xrf2) =	vadd.scan.msk.f32 $0xffff, v9  }
0x575: {  	v56 =	vmul.f32 v14, v11;
	v4 =	vadd.f32 v52, v51;
	(xrf2) =	vadd.scan.msk.f32 $0xffff, v53;
	v3 =	vadd.f32 v3, v55  }
0x576: {  	v2 =	vmul.f32 v2, v11;
	v57 =	vadd.f32 v48, v54  }
0x577: {  	v58 =	vmul.f32 v24, v10;
	v4 =	vadd.f32 v56, v4;
	(xrf2) =	vadd.scan.msk.f32 $0xffff, v3;
	v3 =	vmul.f32 v12, v10  }
0x578: {  	v2 =	vadd.f32 v2, v15;
	v59 =	vmul.f32 v24, v24;
	v6 =	vadd.f32 v16, v57  }
0x579: {  	v4 =	vadd.f32 v58, v4  }
0x57a: {  	v5 =	vadd.f32 v59, v6;
	v60, _, _ =	vpop (xrf2);
	v2 =	vadd.f32 v3, v2  }
0x57b: {  	(xrf2) =	vadd.scan.msk.f32 $0xffff, v4;
	v3, _, _ =	vpop (xrf2)  }
0x57c: {  	(xrf2) =	vadd.scan.msk.f32 $0xffff, v5;
	v61, _, _ =	vpop (xrf2)  }
0x57d: {  	(xrf2) =	vadd.scan.msk.f32 $0xffff, v2;
	v62, _, _ =	vpop (xrf2)  }
0x57e: {  	v2, _, _ =	vpop (xrf2)  }
0x57f: {  	v63, _, _ =	vpop (xrf2)  }
0x580: {  	[tilespmem:s19+$0x0] =	vst v63  }
0x581: {  	[tilespmem:s21+$0x0] =	vst v60  }
0x582: {  	[tilespmem:s17+$0x0] =	vst v2;
	v2, _, _ =	vpop (xrf2)  }
0x583: {  	[tilespmem:s19+$0xFFFFFFF0] =	vst v2  }
0x584: {  	[tilespmem:s15+$0x0] =	vst v3  }
0x585: {  	v2, _, _ =	vpop (xrf2);
	[tilespmem:s21+$0xFFFFFFF0] =	vst v61  }
0x586: {  	[tilespmem:s16+$0x0] =	vst v62;
	v3, _, _ =	vpop (xrf2)  }
0x587: {  	[tilespmem:s17+$0xFFFFFFF0] =	vst v3;
	v3, _, _ =	vpop (xrf2)  }
0x588: {  	[tilespmem:s15+$0xFFFFFFF0] =	vst v3  }
0x589: {  	[tilespmem:s16+$0xFFFFFFF0] =	vst v2  }
.LBB2_28:
0x58a: {  	v2 =	vmov s1  }
0x58b: {  	v2 =	vshll.u32 v2, $0x4  }
0x58c: {  	s0 =	sor.u32 $0x10, s1;
	v2 =	vor.u32 v0, v2  }
0x58d: {  	v3 =	vmov s0;
	v2 =	vor.u32 $0xF, v2  }
0x58e: {  	v3 =	vshll.u32 v3, $0x4  }
0x58f: {  	v3 =	vor.u32 v0, v3  }
0x590: {  	v3 =	vor.u32 $0xF, v3;
	_ =	sdelay $0x1  }
0x591: {  	v4 =	vld.idx.msk [tilespmem:v2+s22+$0x0], $0xffff  }
0x592: {  	v5 =	vld.idx.msk [tilespmem:v2+s24+$0x0], $0xffff  }
0x593: {  	v6 =	vld.idx.msk [tilespmem:v2+s26+$0x0], $0xffff  }
0x594: {  	v7 =	vld.idx.msk [tilespmem:v3+s22+$0x0], $0xffff  }
0x595: {  	v8 =	vld.idx.msk [tilespmem:v3+s24+$0x0], $0xffff  }
0x596: {  	v9 =	vld.idx.msk [tilespmem:v3+s26+$0x0], $0xffff;
	_ =	sdelay $0x2  }
0x597: {  	v4 =	vmax.f32 v4, $1.000000020e-24;
	v5 =	vmax.f32 v5, $1.000000020e-24;
	v6 =	vmax.f32 v6, $1.000000020e-24  }
0x598: {  	v5 =	vmul.f32 v5, v4;
	v4 =	vmul.f32 v6, v4  }
0x599: {  	v7 =	vmax.f32 v7, $1.000000020e-24;
	v8 =	vmax.f32 v8, $1.000000020e-24;
	v9 =	vmax.f32 v9, $1.000000020e-24  }
0x59a: {  	v8 =	vmul.f32 v8, v7;
	v7 =	vmul.f32 v9, v7;
	v10 =	vshrl.u32 v5, $0x1  }
0x59b: {  	v5 =	vmul.f32 $5.000000000e-01, v5;
	v11 =	vshrl.u32 v4, $0x1;
	v4 =	vmul.f32 $5.000000000e-01, v4  }
0x59c: {  	v40 =	vsub.s32 $0x5F3759DF, v10;
	v11 =	vsub.s32 $0x5F3759DF, v11;
	v12 =	vshrl.u32 v8, $0x1  }
0x59d: {  	v8 =	vmul.f32 $5.000000000e-01, v8;
	v14 =	vshrl.u32 v7, $0x1;
	v10 =	vmul.f32 v40, v5  }
0x59e: {  	v7 =	vmul.f32 $5.000000000e-01, v7;
	v42 =	vmul.f32 v11, v4;
	v12 =	vsub.s32 $0x5F3759DF, v12  }
0x59f: {  	v14 =	vsub.s32 $0x5F3759DF, v14;
	v13 =	vmul.f32 v12, v8;
	v41 =	vmul.f32 v40, v10  }
0x5a0: {  	v15 =	vmul.f32 v14, v7;
	v10 =	vmul.f32 v11, v42  }
0x5a1: {  	v13 =	vmul.f32 v12, v13;
	v9 =	vsub.f32 $1.500000000e+00, v41  }
0x5a2: {  	v45 =	vmul.f32 v14, v15;
	v43 =	vsub.f32 $1.500000000e+00, v10  }
0x5a3: {  	v44 =	vsub.f32 $1.500000000e+00, v13;
	v6 =	vmul.f32 v40, v9  }
0x5a4: {  	v47 =	vsub.f32 $1.500000000e+00, v45;
	v9 =	vmul.f32 v11, v43  }
0x5a5: {  	v10 =	vmul.f32 v12, v44;
	v46 =	vmul.f32 v6, v5  }
0x5a6: {  	v11 =	vmul.f32 v14, v47;
	v49 =	vmul.f32 v9, v4  }
0x5a7: {  	v50 =	vmul.f32 v10, v8;
	v48 =	vmul.f32 v46, v6  }
0x5a8: {  	v52 =	vmul.f32 v11, v7;
	v13 =	vmul.f32 v49, v9  }
0x5a9: {  	v51 =	vmul.f32 v50, v10;
	v12 =	vsub.f32 $1.500000000e+00, v48  }
0x5aa: {  	v55 =	vmul.f32 v52, v11;
	v53 =	vsub.f32 $1.500000000e+00, v13  }
0x5ab: {  	v54 =	vsub.f32 $1.500000000e+00, v51;
	v6 =	vmul.f32 v12, v6  }
0x5ac: {  	v56 =	vsub.f32 $1.500000000e+00, v55;
	v9 =	vmul.f32 v53, v9  }
0x5ad: {  	v10 =	vmul.f32 v54, v10;
	v5 =	vmul.f32 v6, v5  }
0x5ae: {  	v11 =	vmul.f32 v56, v11;
	v4 =	vmul.f32 v9, v4  }
0x5af: {  	v8 =	vmul.f32 v10, v8;
	v5 =	vmul.f32 v5, v6  }
0x5b0: {  	v57 =	vld.idx.msk [tilespmem:v2+s29+$0x0], $0xffff;
	v7 =	vmul.f32 v11, v7;
	v4 =	vmul.f32 v4, v9  }
0x5b1: {  	v2 =	vld.idx.msk [tilespmem:v2+s31+$0x0], $0xffff;
	v8 =	vmul.f32 v8, v10;
	v5 =	vsub.f32 $1.500000000e+00, v5  }
0x5b2: {  	v58 =	vld.idx.msk [tilespmem:v3+s29+$0x0], $0xffff;
	v7 =	vmul.f32 v7, v11;
	v4 =	vsub.f32 $1.500000000e+00, v4  }
0x5b3: {  	v59 =	vsub.f32 $1.500000000e+00, v8;
	v5 =	vmul.f32 v5, v6  }
0x5b4: {  	v3 =	vld.idx.msk [tilespmem:v3+s31+$0x0], $0xffff;
	v7 =	vsub.f32 $1.500000000e+00, v7;
	v4 =	vmul.f32 v4, v9  }
0x5b5: {  	v6 =	vmul.f32 v59, v10;
	v5 =	vmul.f32 v5, v57  }
0x5b6: {  	v62 =	vmul.f32 v7, v11  }
0x5b7: {  	v2 =	vmul.f32 v4, v2;
	v61 =	vmul.f32 v6, v58;
	v60 =	vsub.f32 $1.000000000e+00, v5;
	_ =	sdelay $0x1  }
0x5b8: {  	p0 =	por p1, p1;
	v3 =	vmul.f32 v62, v3;
	v63 =	vsub.f32 $1.000000000e+00, v61;
	v2 =	vadd.f32 v2, v60  }
.Ltmp13:
0x5b9: {  	_ = 	snop;
	(pc) =	sbr.rel @p0 .LBB2_28-.Ltmp13, $4  }
0x5ba: {  	v3 =	vadd.f32 v3, v63;
	v2 =	vmax.f32 v2, $0.0e+00  }
0x5bb: {  	v1 =	vadd.f32 v2, v1  }
0x5bc: {  	v2 =	vmax.f32 v3, $0.0e+00  }
0x5bd: {  	s1 =	simm.s32 $0x20;
	p1 =	por $0x0, $0x0;
	v1 =	vadd.f32 v2, v1  }
0x5be: {  	_ =	swait.ge [sflag:s12], $0x2000  }
0x5bf: {  	[sflag:s12] =	ssyncset.done $0x0  }
0x5c0: {  	[sflag:s12] =	ssyncadd.s32 $0xFFFFE000  }
0x5c1: {  	_ =	swait.ge [sflag:s12], $0x2000  }
0x5c2: {  	[sflag:s12] =	ssyncset.done $0x0  }
0x5c3: {  	[sflag:s12] =	ssyncadd.s32 $0xFFFFE000  }
0x5c4: {  	_ =	swait.ge [sflag:s12], $0x2000  }
0x5c5: {  	[sflag:s12] =	ssyncset.done $0x0  }
0x5c6: {  	s1 =	simm.s32 $0x16680;
	[sflag:s12] =	ssyncadd.s32 $0xFFFFE000  }
0x5c7: {  	s4 =	simm.s32 $0x14680;
	v3 =	vld [tilespmem:s1+$0x60]  }
0x5c8: {  	s0 =	simm.s32 $0x12680;
	v2 =	vld [tilespmem:s4+$0xFFFFFFE0]  }
0x5c9: {  	v6 =	vld [tilespmem:s0+$0x20]  }
0x5ca: {  	v5 =	vld [tilespmem:s1+$0xFFFFFF80]  }
0x5cb: {  	v7 =	vld [tilespmem:s4+$0xFFFFFF90]  }
0x5cc: {  	v9 =	vld [tilespmem:s1+$0x30]  }
0x5cd: {  	v11 =	vld [tilespmem:s4+$0x30]  }
0x5ce: {  	v12 =	vld [tilespmem:s1+$0x20]  }
0x5cf: {  	v13 =	vld [tilespmem:s4+$0x20]  }
0x5d0: {  	v8 =	vld [tilespmem:s1+$0x0]  }
0x5d1: {  	v14 =	vld [tilespmem:s4+$0x10]  }
0x5d2: {  	v15 =	vld [tilespmem:s4+$0x0]  }
0x5d3: {  	v16 =	vld [tilespmem:s1+$0x10];
	v4 =	vmul.f32 v2, v2  }
0x5d4: {  	v17 =	vld [tilespmem:s0+$0xFFFFFF80];
	v10 =	vmul.f32 v5, v5;
	v22 =	vmul.f32 v3, v3  }
0x5d5: {  	v21 =	vld [tilespmem:s0+$0x10];
	v18 =	vmul.f32 v6, v6;
	v19 =	vmul.f32 v13, v13  }
0x5d6: {  	v24 =	vld [tilespmem:s0+$0x0];
	v20 =	vmul.f32 v7, v7;
	v23 =	vmul.f32 v9, v9  }
0x5d7: {  	v27 =	vld [tilespmem:s0+$0xFFFFFF90];
	v25 =	vmul.f32 v12, v12;
	v26 =	vmul.f32 v11, v11  }
0x5d8: {  	v30 =	vld [tilespmem:s4+$0xFFFFFF80];
	v28 =	vmul.f32 v15, v15;
	v29 =	vmul.f32 v14, v14  }
0x5d9: {  	v35 =	vld [tilespmem:s4+$0x50];
	v31 =	vmul.f32 v8, v8;
	v32 =	vmul.f32 v16, v16  }
0x5da: {  	v33 =	vmul.f32 v17, v17;
	v5 =	vmul.f32 v5, v17  }
0x5db: {  	v34 =	vld [tilespmem:s4+$0x40];
	v16 =	vmul.f32 v16, v21;
	v36 =	vmul.f32 v24, v24  }
0x5dc: {  	v52 =	vld [tilespmem:s1+$0xFFFFFF90];
	v15 =	vmul.f32 v15, v24;
	v8 =	vmul.f32 v8, v24  }
0x5dd: {  	v37 =	vld [tilespmem:s0+$0xFFFFFFA0];
	v17 =	vmul.f32 v30, v17;
	v14 =	vmul.f32 v14, v21  }
0x5de: {  	v38 =	vld [tilespmem:s0+$0xFFFFFFB0];
	v53 =	vmul.f32 v7, v27;
	v39 =	vmul.f32 v35, v35;
	v28 =	vadd.f32 v29, v28  }
0x5df: {  	v41 =	vld [tilespmem:s4+$0xFFFFFFC0];
	v13 =	vmul.f32 v13, v6;
	v31 =	vadd.f32 v32, v31;
	v5 =	vadd.f32 $0.0e+00, v5  }
0x5e0: {  	v7 =	vld [tilespmem:s0+$0xFFFFFFC0];
	v12 =	vmul.f32 v12, v6;
	v8 =	vadd.f32 $0.0e+00, v8;
	v17 =	vadd.f32 $0.0e+00, v17  }
0x5e1: {  	v6 =	vld [tilespmem:s0+$0xFFFFFFD0];
	v29 =	vmul.f32 v21, v21;
	v15 =	vadd.f32 $0.0e+00, v15;
	v19 =	vadd.f32 v19, v28  }
0x5e2: {  	v21 =	vld [tilespmem:s1+$0x40];
	v28 =	vmul.f32 v27, v27;
	v24 =	vadd.f32 v25, v31;
	v25 =	vmul.f32 v30, v30  }
0x5e3: {  	v30 =	vld [tilespmem:s4+$0xFFFFFFA0];
	v31 =	vmul.f32 v34, v34;
	v16 =	vadd.f32 v16, v8;
	v14 =	vadd.f32 v14, v15  }
0x5e4: {  	v8 =	vmul.f32 v52, v27;
	v15 =	vld [tilespmem:s0+$0x50];
	v17 =	vadd.f32 v53, v17;
	v28 =	vadd.f32 v28, v33  }
0x5e5: {  	v27 =	vmul.f32 v38, v38;
	v40 =	vadd.f32 v20, v25;
	v20 =	vld [tilespmem:s0+$0x30];
	v23 =	vadd.f32 v23, v24  }
0x5e6: {  	v24 =	vmul.f32 v37, v37;
	v19 =	vadd.f32 v26, v19;
	v25 =	vadd.f32 v29, v36;
	v26 =	vld [tilespmem:s0+$0x40]  }
0x5e7: {  	v58 =	vmul.f32 v41, v7;
	v42 =	vmul.f32 v6, v6;
	v12 =	vadd.f32 v12, v16;
	v16 =	vld [tilespmem:s4+$0xFFFFFFB0]  }
0x5e8: {  	v24 =	vadd.f32 v24, v28;
	v18 =	vadd.f32 v18, v25;
	v25 =	vmul.f32 v7, v7  }
0x5e9: {  	v19 =	vadd.f32 v31, v19;
	v31 =	vmul.f32 v30, v30;
	v57 =	vmul.f32 v15, v15  }
0x5ea: {  	v13 =	vadd.f32 v13, v14;
	v9 =	vmul.f32 v9, v20;
	v11 =	vmul.f32 v11, v20  }
0x5eb: {  	v54 =	vld [tilespmem:s4+$0x60];
	v24 =	vadd.f32 v27, v24;
	v20 =	vmul.f32 v20, v20;
	v27 =	vmul.f32 v26, v26  }
0x5ec: {  	v28 =	vld [tilespmem:s1+$0xFFFFFFB0];
	v55 =	vmul.f32 v16, v16;
	v9 =	vadd.f32 v9, v12;
	v12 =	vmul.f32 v21, v26  }
0x5ed: {  	v56 =	vld [tilespmem:s4+$0xFFFFFFD0];
	v16 =	vmul.f32 v16, v38;
	v40 =	vadd.f32 v31, v40;
	v14 =	vadd.f32 v20, v18  }
0x5ee: {  	v18 =	vmul.f32 v34, v26;
	v11 =	vadd.f32 v11, v13;
	v29 =	vadd.f32 v12, v9;
	v12 =	vld [tilespmem:s1+$0x50]  }
0x5ef: {  	v24 =	vadd.f32 v25, v24;
	v9 =	vadd.f32 v39, v19;
	v19 =	vmul.f32 v30, v37;
	v30 =	vld [tilespmem:s1+$0xFFFFFFA0]  }
0x5f0: {  	v13 =	vmul.f32 v35, v15;
	v20 =	vmul.f32 v54, v54;
	v11 =	vadd.f32 v18, v11  }
0x5f1: {  	v18 =	vmul.f32 v28, v38;
	v28 =	vmul.f32 v28, v28;
	v17 =	vadd.f32 v19, v17  }
0x5f2: {  	v38 =	vmul.f32 v41, v41;
	v19 =	vmul.f32 v21, v21;
	v21 =	vld [tilespmem:s0+$0x60];
	v25 =	vadd.f32 v20, v9  }
0x5f3: {  	v20 =	vld [tilespmem:s0+$0x70];
	v16 =	vadd.f32 v16, v17;
	v17 =	vadd.f32 v27, v14;
	v27 =	vmul.f32 v56, v56  }
0x5f4: {  	v9 =	vld [tilespmem:s4+$0x70];
	v19 =	vadd.f32 v19, v23;
	v23 =	vmul.f32 v12, v12;
	v26 =	vmul.f32 v30, v37  }
0x5f5: {  	v60 =	vadd.f32 v13, v11;
	v14 =	vld [tilespmem:s1+$0xFFFFFFE0];
	v59 =	vmul.f32 v12, v15;
	v15 =	vmul.f32 v56, v6  }
0x5f6: {  	v12 =	vld [tilespmem:s4+$0xFFFFFFF0];
	v62 =	vmul.f32 v30, v30;
	v37 =	vadd.f32 v55, v40;
	v16 =	vadd.f32 v58, v16  }
0x5f7: {  	v30 =	vmul.f32 v52, v52;
	v34 =	vadd.f32 v57, v17;
	v17 =	vld [tilespmem:s1+$0x70];
	v23 =	vadd.f32 v23, v19  }
0x5f8: {  	s23 =	simm.s32 $0x18610;
	s25 =	simm.s32 $0x18A10;
	v31 =	vld [tilespmem:s1+$0xFFFFFFD0];
	v61 =	vmul.f32 v21, v21;
	v19 =	vmul.f32 v20, v20;
	v32 =	vadd.f32 v59, v29  }
0x5f9: {  	s17 =	simm.s32 $0x18E10;
	s15 =	simm.s32 $0x19210;
	s16 =	simm.s32 $0x19610;
	v29 =	vld [tilespmem:s1+$0xFFFFFFC0];
	v63 =	vadd.f32 v30, v10;
	v35 =	vmul.f32 v9, v9;
	v15 =	vadd.f32 v15, v16  }
0x5fa: {  	s28 =	simm.s32 $0x0;
	s18 =	simm.s32 $0x12780;
	s5 =	simm.s32 $0x14780;
	v11 =	vld [tilespmem:s0+$0xFFFFFFE0];
	v13 =	vadd.f32 v22, v23;
	v22 =	vadd.f32 v42, v24;
	v24 =	vmul.f32 v54, v21  }
0x5fb: {  	s6 =	simm.s32 $0x18E30;
	s7 =	simm.s32 $0x19230;
	s8 =	simm.s32 $0x16780;
	v10 =	vld [tilespmem:s0+$0xFFFFFFF0];
	v23 =	vadd.f32 v61, v34;
	v16 =	vmul.f32 v14, v14;
	v36 =	vadd.f32 v62, v63  }
0x5fc: {  	s19 =	simm.s32 $0x18610;
	s21 =	simm.s32 $0x18A10;
	s0 =	simm.s32 $0x19630;
	v33 =	vmul.f32 v12, v12;
	v30 =	vmul.f32 v17, v20;
	v34 =	vadd.f32 v24, v60;
	v24 =	vld [tilespmem:s1+$0xFFFFFFF0]  }
.LBB2_30:
0x5fd: {  	s28 =	sadd.s32 $0x2, s28;
	v5 =	vadd.f32 v8, v5;
	v8 =	vmul.f32 v3, v21;
	v3 =	vld [tilespmem:s8+$0x60];
	v25 =	vadd.f32 v35, v25;
	s23 =	sadd.s32 $0x20, s23;
	s25 =	sadd.s32 $0x20, s25  }
0x5fe: {  	v35 =	vld [tilespmem:s5+$0xFFFFFFE0];
	p0 =	slt.u32 s28, $0x3E;
	v28 =	vadd.f32 v28, v36;
	v36 =	vadd.f32 v38, v37;
	v7 =	vmul.f32 v29, v7  }
0x5ff: {  	v9 =	vmul.f32 v9, v20;
	v21 =	vld [tilespmem:s18+$0x20];
	v5 =	vadd.f32 v26, v5;
	v8 =	vadd.f32 v8, v32  }
0x600: {  	v32 =	vmul.f32 v10, v10;
	v20 =	vld [tilespmem:s8+$0xFFFFFF80];
	v26 =	vadd.f32 v27, v36;
	v27 =	vmul.f32 v31, v31  }
0x601: {  	v29 =	vmul.f32 v29, v29;
	v34 =	vadd.f32 v9, v34;
	v36 =	vld [tilespmem:s5+$0xFFFFFF90];
	v5 =	vadd.f32 v18, v5;
	(xrf2) =	vadd.scan.msk.f32 $0xffff, v25  }
0x602: {  	v25 =	vmul.f32 v2, v11;
	v9 =	vld [tilespmem:s8+$0x30];
	v4 =	vadd.f32 v4, v26;
	v26 =	vmul.f32 v24, v10  }
0x603: {  	v6 =	vmul.f32 v31, v6;
	v18 =	vld [tilespmem:s5+$0x30];
	v5 =	vadd.f32 v7, v5;
	v7 =	vadd.f32 v30, v8;
	v2 =	vmovc v35  }
0x604: {  	v24 =	vmul.f32 v24, v24;
	v8 =	vadd.f32 v29, v28;
	v30 =	vld [tilespmem:s8+$0x20];
	v4 =	vadd.f32 v33, v4;
	(xrf2) =	vadd.scan.msk.f32 $0xffff, v34  }
0x605: {  	v28 =	vld [tilespmem:s5+$0x20];
	v5 =	vadd.f32 v6, v5;
	v6 =	vmul.f32 v14, v11;
	v14 =	vmul.f32 v17, v17  }
0x606: {  	v19 =	vadd.f32 v19, v23;
	v8 =	vadd.f32 v27, v8;
	v11 =	vmul.f32 v11, v11;
	v17 =	vld [tilespmem:s8+$0x0]  }
0x607: {  	v23 =	vld [tilespmem:s5+$0x10];
	v5 =	vadd.f32 v6, v5;
	v6 =	vmul.f32 v12, v10;
	v12 =	vadd.f32 v14, v13;
	(xrf2) =	vadd.scan.msk.f32 $0xffff, v4  }
0x608: {  	v15 =	vadd.f32 v25, v15;
	v4 =	vmul.f32 v35, v2;
	v11 =	vadd.f32 v11, v22;
	v14 =	vld [tilespmem:s5+$0x0]  }
0x609: {  	v10 =	vmul.f32 v20, v20;
	v13 =	vmul.f32 v3, v3;
	v22 =	vld [tilespmem:s8+$0x10];
	v25 =	vadd.f32 v26, v5  }
0x60a: {  	v26 =	vmul.f32 v21, v21;
	v11 =	vadd.f32 v32, v11;
	v5 =	vld [tilespmem:s18+$0xFFFFFF80];
	v27 =	vmul.f32 v28, v28  }
0x60b: {  	v29 =	vmul.f32 v36, v36;
	v32 =	vmul.f32 v9, v9;
	v15 =	vadd.f32 v6, v15;
	v31 =	vld [tilespmem:s18+$0x10];
	v33, _, _ =	vpop (xrf2);
	(xrf2) =	vadd.scan.msk.f32 $0xffff, v7  }
0x60c: {  	v8 =	vadd.f32 v16, v8;
	v34 =	vmul.f32 v18, v18;
	v7 =	vmul.f32 v30, v30;
	v6 =	vld [tilespmem:s18+$0x0]  }
0x60d: {  	v37 =	vmul.f32 v23, v23;
	v35 =	vld [tilespmem:s18+$0xFFFFFF90];
	v16 =	vmul.f32 v14, v14  }
0x60e: {  	v41 =	vadd.f32 v24, v8;
	v39 =	vmul.f32 v17, v17;
	v38 =	vld [tilespmem:s5+$0xFFFFFF80];
	v40 =	vmul.f32 v22, v22;
	(xrf2) =	vadd.scan.msk.f32 $0xffff, v12;
	v12, _, _ =	vpop (xrf2)  }
0x60f: {  	v8 =	vmul.f32 v5, v5;
	v20 =	vmul.f32 v20, v5;
	v24 =	vadd.f32 v37, v16;
	v37 =	vld [tilespmem:s5+$0x40]  }
0x610: {  	v42 =	vmul.f32 v31, v31;
	v39 =	vadd.f32 v40, v39;
	v22 =	vmul.f32 v22, v31;
	v40 =	vld [tilespmem:s5+$0x50]  }
0x611: {  	v16 =	vld [tilespmem:s8+$0xFFFFFF90];
	v43 =	vmul.f32 v6, v6;
	v14 =	vmul.f32 v14, v6;
	v27 =	vadd.f32 v27, v24;
	v44, _, _ =	vpop (xrf2);
	(xrf2) =	vadd.scan.msk.f32 $0xffff, v19  }
0x612: {  	v6 =	vmul.f32 v17, v6;
	v19 =	vmul.f32 v35, v35;
	v45 =	vld [tilespmem:s18+$0xFFFFFFA0];
	v7 =	vadd.f32 v7, v39  }
0x613: {  	v17 =	vmul.f32 v38, v38;
	v38 =	vmul.f32 v38, v5;
	v5 =	vadd.f32 $0.0e+00, v20;
	v20 =	vld [tilespmem:s5+$0xFFFFFFA0]  }
0x614: {  	v23 =	vmul.f32 v23, v31;
	v19 =	vadd.f32 v19, v8;
	v31 =	vld [tilespmem:s8+$0x40];
	v39 =	vmul.f32 v37, v37  }
0x615: {  	v36 =	vmul.f32 v36, v35;
	v6 =	vadd.f32 $0.0e+00, v6;
	v46 =	vld [tilespmem:s18+$0xFFFFFFB0];
	v47 =	vmul.f32 v40, v40;
	(xrf2) =	vadd.scan.msk.f32 $0xffff, v11;
	v48, _, _ =	vpop (xrf2)  }
0x616: {  	v24 =	vadd.f32 v29, v17;
	v17 =	vadd.f32 v32, v7;
	v8 =	vmul.f32 v16, v35;
	v11 =	vld [tilespmem:s18+$0x30]  }
0x617: {  	v27 =	vadd.f32 v34, v27;
	v22 =	vadd.f32 v22, v6;
	v29 =	vmul.f32 v45, v45;
	v7 =	vld [tilespmem:s18+$0xFFFFFFC0]  }
0x618: {  	v28 =	vmul.f32 v28, v21;
	v34 =	vadd.f32 v42, v43;
	v32 =	vadd.f32 $0.0e+00, v38;
	v35 =	vld [tilespmem:s18+$0x40];
	(xrf2) =	vadd.scan.msk.f32 $0xffff, v25;
	v25, _, _ =	vpop (xrf2)  }
0x619: {  	v21 =	vmul.f32 v30, v21;
	v14 =	vadd.f32 $0.0e+00, v14;
	v19 =	vadd.f32 v29, v19;
	v6 =	vld [tilespmem:s18+$0xFFFFFFD0]  }
0x61a: {  	v26 =	vadd.f32 v26, v34;
	v27 =	vadd.f32 v39, v27;
	v29 =	vmul.f32 v46, v46;
	v30 =	vld [tilespmem:s5+$0x60]  }
0x61b: {  	v21 =	vadd.f32 v21, v22;
	v34 =	vmul.f32 v20, v20;
	v22 =	vmul.f32 v9, v11;
	v9 =	vld [tilespmem:s5+$0x70];
	v38, _, _ =	vpop (xrf2)  }
0x61c: {  	v14 =	vadd.f32 v23, v14;
	v39 =	vld [tilespmem:s5+$0xFFFFFFB0];
	v19 =	vadd.f32 v29, v19;
	v29 =	vmul.f32 v7, v7;
	[tilespmem:s19+$0x0] =	vst v38  }
0x61d: {  	v18 =	vmul.f32 v18, v11;
	v42 =	vadd.f32 v22, v21;
	v22 =	vmul.f32 v31, v35;
	v23 =	vld [tilespmem:s18+$0x50];
	(xrf2) =	vadd.scan.msk.f32 $0xffff, v41  }
0x61e: {  	v11 =	vmul.f32 v11, v11;
	v38 =	vadd.f32 v29, v19;
	v19 =	vmul.f32 v35, v35;
	v29 =	vld [tilespmem:s8+$0x50];
	[tilespmem:s21+$0x0] =	vst v33  }
0x61f: {  	v20 =	vmul.f32 v20, v45;
	v27 =	vadd.f32 v47, v27;
	v41 =	vld [tilespmem:s5+$0xFFFFFFC0];
	v22 =	vadd.f32 v22, v42;
	[tilespmem:s17+$0x0] =	vst v25;
	v21, _, _ =	vpop (xrf2)  }
0x620: {  	v14 =	vadd.f32 v28, v14;
	v26 =	vadd.f32 v11, v26;
	v25 =	vmul.f32 v37, v35;
	v33 =	vld [tilespmem:s8+$0xFFFFFFB0];
	[tilespmem:s19+$0xFFFFFFF0] =	vst v21;
	s19 =	smov.u32 s23  }
0x621: {  	v11 =	vadd.f32 v36, v32;
	v37 =	vmul.f32 v39, v39;
	v28 =	vmul.f32 v39, v46;
	v32 =	vld [tilespmem:s5+$0xFFFFFFD0];
	(xrf2) =	vadd.scan.msk.f32 $0xffff, v15  }
0x622: {  	v14 =	vadd.f32 v18, v14;
	v36 =	vmul.f32 v30, v30;
	v15 =	vld [tilespmem:s8+$0xFFFFFFA0];
	v35 =	vmul.f32 v40, v23;
	[tilespmem:s21+$0xFFFFFFF0] =	vst v44;
	v39, _, _ =	vpop (xrf2);
	s21 =	smov.u32 s25  }
0x623: {  	v31 =	vmul.f32 v31, v31;
	v18 =	vadd.f32 v20, v11;
	v40 =	vmul.f32 v23, v23;
	v21 =	vld [tilespmem:s18+$0x60];
	[tilespmem:s15+$0x0] =	vst v12  }
0x624: {  	v42 =	vmul.f32 v6, v6;
	v43 =	vadd.f32 v25, v14;
	v12 =	vmul.f32 v41, v7;
	v11 =	vld [tilespmem:s18+$0xFFFFFFE0];
	[tilespmem:s16+$0x0] =	vst v48  }
0x625: {  	v25 =	vadd.f32 v36, v27;
	v14 =	vadd.f32 v28, v18;
	v18 =	vmul.f32 v33, v46;
	v20 =	vld [tilespmem:s18+$0x70]  }
0x626: {  	v19 =	vadd.f32 v19, v26;
	v28 =	vadd.f32 v31, v17;
	v31 =	vmul.f32 v29, v29;
	v17 =	vld [tilespmem:s8+$0x70]  }
0x627: {  	v36 =	vadd.f32 v12, v14;
	v27 =	vmul.f32 v32, v32;
	v26 =	vmul.f32 v15, v45;
	v14 =	vld [tilespmem:s8+$0xFFFFFFE0];
	v44, _, _ =	vpop (xrf2)  }
0x628: {  	v23 =	vmul.f32 v29, v23;
	v40 =	vadd.f32 v40, v19;
	v31 =	vadd.f32 v31, v28;
	v12 =	vld [tilespmem:s5+$0xFFFFFFF0];
	[tilespmem:s17+$0xFFFFFFF0] =	vst v44;
	s17 =	smov.u32 s6  }
0x629: {  	v28 =	vmul.f32 v33, v33;
	v32 =	vmul.f32 v32, v6  }
0x62a: {  	v35 =	vadd.f32 v35, v43;
	v33 =	vmul.f32 v21, v21;
	v19 =	vmul.f32 v20, v20  }
0x62b: {  	v43 =	vmul.f32 v15, v15;
	v13 =	vadd.f32 v13, v31;
	v15 =	vadd.f32 v32, v36;
	v29, _, _ =	vpop (xrf2)  }
.Ltmp14:
0x62c: {  	v31 =	vmul.f32 v16, v16;
	v32 =	vadd.f32 v23, v22;
	v23 =	vadd.f32 v33, v40;
	[tilespmem:s15+$0xFFFFFFF0] =	vst v29;
	s15 =	smov.u32 s7;
	(pc) =	sbr.rel @p0 .LBB2_30-.Ltmp14, $4  }
0x62d: {  	v22 =	vadd.f32 v42, v38;
	v36 =	vmul.f32 v30, v21;
	v16 =	vmul.f32 v14, v14;
	v29 =	vld [tilespmem:s8+$0xFFFFFFC0];
	[tilespmem:s16+$0xFFFFFFF0] =	vst v39;
	s16 =	smov.u32 s0  }
0x62e: {  	s1 =	simm.s32 $0x0;
	p1 =	por $0x1, $0x1;
	v24 =	vadd.f32 v34, v24;
	v38 =	vadd.f32 v31, v10;
	v30 =	vmul.f32 v17, v20;
	v10 =	vld [tilespmem:s18+$0xFFFFFFF0]  }
0x62f: {  	s5 =	sadd.s32 $0x100, s5;
	v34 =	vadd.f32 v36, v35;
	v35 =	vmul.f32 v9, v9;
	v33 =	vmul.f32 v12, v12;
	s0 =	sadd.s32 $0x20, s0;
	s18 =	sadd.s32 $0x100, s18;
	v31 =	vld [tilespmem:s8+$0xFFFFFFD0]  }
0x630: {  	v37 =	vadd.f32 v37, v24;
	s6 =	sadd.s32 $0x20, s6;
	v36 =	vadd.f32 v43, v38;
	v38 =	vmul.f32 v41, v41;
	s7 =	sadd.s32 $0x20, s7;
	v24 =	vld [tilespmem:s8+$0xFFFFFFF0];
	s8 =	sadd.s32 $0x100, s8  }
0x631: {  	_ = 	snop  }
0x632: {  	v37 =	vadd.f32 v38, v37;
	_ =	sdelay $0x1  }
0x633: {  	v5 =	vadd.f32 v8, v5;
	v3 =	vmul.f32 v3, v21;
	v43 =	vadd.f32 v27, v37  }
0x634: {  	v44 =	vadd.f32 v35, v25;
	v9 =	vmul.f32 v9, v20;
	v53 =	vadd.f32 v19, v23  }
0x635: {  	v5 =	vadd.f32 v26, v5;
	v4 =	vadd.f32 v4, v43  }
0x636: {  	v47 =	vmul.f32 v17, v17;
	v3 =	vadd.f32 v3, v32;
	v46 =	vadd.f32 v9, v34  }
0x637: {  	v50 =	vmul.f32 v11, v11;
	v45 =	vadd.f32 v28, v36;
	(xrf2) =	vadd.scan.msk.f32 $0xffff, v44;
	v4 =	vadd.f32 v33, v4  }
0x638: {  	v7 =	vmul.f32 v29, v7;
	v5 =	vadd.f32 v18, v5;
	v3 =	vadd.f32 v30, v3;
	(xrf2) =	vadd.scan.msk.f32 $0xffff, v46  }
0x639: {  	v49 =	vmul.f32 v29, v29;
	v9 =	vadd.f32 v47, v13;
	v55 =	vadd.f32 v50, v22;
	(xrf2) =	vadd.scan.msk.f32 $0xffff, v4  }
0x63a: {  	v52 =	vmul.f32 v31, v6;
	v51 =	vadd.f32 v7, v5;
	(xrf2) =	vadd.scan.msk.f32 $0xffff, v3;
	v3 =	vmul.f32 v10, v10  }
0x63b: {  	v48 =	vmul.f32 v31, v31;
	v54 =	vadd.f32 v49, v45;
	(xrf2) =	vadd.scan.msk.f32 $0xffff, v9  }
0x63c: {  	v56 =	vmul.f32 v14, v11;
	v4 =	vadd.f32 v52, v51;
	(xrf2) =	vadd.scan.msk.f32 $0xffff, v53;
	v3 =	vadd.f32 v3, v55  }
0x63d: {  	v2 =	vmul.f32 v2, v11;
	v57 =	vadd.f32 v48, v54  }
0x63e: {  	v58 =	vmul.f32 v24, v10;
	v4 =	vadd.f32 v56, v4;
	(xrf2) =	vadd.scan.msk.f32 $0xffff, v3;
	v3 =	vmul.f32 v12, v10  }
0x63f: {  	v2 =	vadd.f32 v2, v15;
	v59 =	vmul.f32 v24, v24;
	v6 =	vadd.f32 v16, v57  }
0x640: {  	v4 =	vadd.f32 v58, v4  }
0x641: {  	v5 =	vadd.f32 v59, v6;
	v60, _, _ =	vpop (xrf2);
	v2 =	vadd.f32 v3, v2  }
0x642: {  	(xrf2) =	vadd.scan.msk.f32 $0xffff, v4;
	v3, _, _ =	vpop (xrf2)  }
0x643: {  	(xrf2) =	vadd.scan.msk.f32 $0xffff, v5;
	v61, _, _ =	vpop (xrf2)  }
0x644: {  	(xrf2) =	vadd.scan.msk.f32 $0xffff, v2;
	v62, _, _ =	vpop (xrf2)  }
0x645: {  	v2, _, _ =	vpop (xrf2)  }
0x646: {  	v63, _, _ =	vpop (xrf2)  }
0x647: {  	[tilespmem:s19+$0x0] =	vst v63  }
0x648: {  	[tilespmem:s21+$0x0] =	vst v60  }
0x649: {  	[tilespmem:s17+$0x0] =	vst v2;
	v2, _, _ =	vpop (xrf2)  }
0x64a: {  	[tilespmem:s19+$0xFFFFFFF0] =	vst v2  }
0x64b: {  	[tilespmem:s15+$0x0] =	vst v3  }
0x64c: {  	v2, _, _ =	vpop (xrf2);
	[tilespmem:s21+$0xFFFFFFF0] =	vst v61  }
0x64d: {  	[tilespmem:s16+$0x0] =	vst v62;
	v3, _, _ =	vpop (xrf2)  }
0x64e: {  	[tilespmem:s17+$0xFFFFFFF0] =	vst v3;
	v3, _, _ =	vpop (xrf2)  }
0x64f: {  	[tilespmem:s15+$0xFFFFFFF0] =	vst v3  }
0x650: {  	[tilespmem:s16+$0xFFFFFFF0] =	vst v2  }
0x651: {  	s4 =	rddreg [dreg:$0xc]  }
.LBB2_32:
0x652: {  	v2 =	vmov s1  }
0x653: {  	v2 =	vshll.u32 v2, $0x4  }
0x654: {  	s0 =	sor.u32 $0x10, s1;
	v2 =	vor.u32 v0, v2  }
0x655: {  	v3 =	vmov s0;
	v2 =	vor.u32 $0xF, v2  }
0x656: {  	v3 =	vshll.u32 v3, $0x4  }
0x657: {  	v3 =	vor.u32 v0, v3  }
0x658: {  	v3 =	vor.u32 $0xF, v3;
	_ =	sdelay $0x1  }
0x659: {  	v4 =	vld.idx.msk [tilespmem:v2+s22+$0x0], $0xffff  }
0x65a: {  	v5 =	vld.idx.msk [tilespmem:v2+s24+$0x0], $0xffff  }
0x65b: {  	v6 =	vld.idx.msk [tilespmem:v2+s26+$0x0], $0xffff  }
0x65c: {  	v7 =	vld.idx.msk [tilespmem:v3+s22+$0x0], $0xffff  }
0x65d: {  	v8 =	vld.idx.msk [tilespmem:v3+s24+$0x0], $0xffff  }
0x65e: {  	v9 =	vld.idx.msk [tilespmem:v3+s26+$0x0], $0xffff;
	_ =	sdelay $0x2  }
0x65f: {  	v4 =	vmax.f32 v4, $1.000000020e-24;
	v5 =	vmax.f32 v5, $1.000000020e-24;
	v6 =	vmax.f32 v6, $1.000000020e-24  }
0x660: {  	v5 =	vmul.f32 v5, v4;
	v4 =	vmul.f32 v6, v4  }
0x661: {  	v7 =	vmax.f32 v7, $1.000000020e-24;
	v8 =	vmax.f32 v8, $1.000000020e-24;
	v9 =	vmax.f32 v9, $1.000000020e-24  }
0x662: {  	v8 =	vmul.f32 v8, v7;
	v7 =	vmul.f32 v9, v7;
	v10 =	vshrl.u32 v5, $0x1  }
0x663: {  	v5 =	vmul.f32 $5.000000000e-01, v5;
	v11 =	vshrl.u32 v4, $0x1;
	v4 =	vmul.f32 $5.000000000e-01, v4  }
0x664: {  	v40 =	vsub.s32 $0x5F3759DF, v10;
	v11 =	vsub.s32 $0x5F3759DF, v11;
	v12 =	vshrl.u32 v8, $0x1  }
0x665: {  	v8 =	vmul.f32 $5.000000000e-01, v8;
	v14 =	vshrl.u32 v7, $0x1;
	v10 =	vmul.f32 v40, v5  }
0x666: {  	v7 =	vmul.f32 $5.000000000e-01, v7;
	v42 =	vmul.f32 v11, v4;
	v12 =	vsub.s32 $0x5F3759DF, v12  }
0x667: {  	v14 =	vsub.s32 $0x5F3759DF, v14;
	v13 =	vmul.f32 v12, v8;
	v41 =	vmul.f32 v40, v10  }
0x668: {  	v15 =	vmul.f32 v14, v7;
	v10 =	vmul.f32 v11, v42  }
0x669: {  	v13 =	vmul.f32 v12, v13;
	v9 =	vsub.f32 $1.500000000e+00, v41  }
0x66a: {  	v45 =	vmul.f32 v14, v15;
	v43 =	vsub.f32 $1.500000000e+00, v10  }
0x66b: {  	v44 =	vsub.f32 $1.500000000e+00, v13;
	v6 =	vmul.f32 v40, v9  }
0x66c: {  	v47 =	vsub.f32 $1.500000000e+00, v45;
	v9 =	vmul.f32 v11, v43  }
0x66d: {  	v10 =	vmul.f32 v12, v44;
	v46 =	vmul.f32 v6, v5  }
0x66e: {  	v11 =	vmul.f32 v14, v47;
	v49 =	vmul.f32 v9, v4  }
0x66f: {  	v50 =	vmul.f32 v10, v8;
	v48 =	vmul.f32 v46, v6  }
0x670: {  	v52 =	vmul.f32 v11, v7;
	v13 =	vmul.f32 v49, v9  }
0x671: {  	v51 =	vmul.f32 v50, v10;
	v12 =	vsub.f32 $1.500000000e+00, v48  }
0x672: {  	v55 =	vmul.f32 v52, v11;
	v53 =	vsub.f32 $1.500000000e+00, v13  }
0x673: {  	v54 =	vsub.f32 $1.500000000e+00, v51;
	v6 =	vmul.f32 v12, v6  }
0x674: {  	v56 =	vsub.f32 $1.500000000e+00, v55;
	v9 =	vmul.f32 v53, v9  }
0x675: {  	v10 =	vmul.f32 v54, v10;
	v5 =	vmul.f32 v6, v5  }
0x676: {  	v11 =	vmul.f32 v56, v11;
	v4 =	vmul.f32 v9, v4  }
0x677: {  	v8 =	vmul.f32 v10, v8;
	v5 =	vmul.f32 v5, v6  }
0x678: {  	v57 =	vld.idx.msk [tilespmem:v2+s29+$0x0], $0xffff;
	v7 =	vmul.f32 v11, v7;
	v4 =	vmul.f32 v4, v9  }
0x679: {  	v2 =	vld.idx.msk [tilespmem:v2+s31+$0x0], $0xffff;
	v8 =	vmul.f32 v8, v10;
	v5 =	vsub.f32 $1.500000000e+00, v5  }
0x67a: {  	v58 =	vld.idx.msk [tilespmem:v3+s29+$0x0], $0xffff;
	v7 =	vmul.f32 v7, v11;
	v4 =	vsub.f32 $1.500000000e+00, v4  }
0x67b: {  	v59 =	vsub.f32 $1.500000000e+00, v8;
	v5 =	vmul.f32 v5, v6  }
0x67c: {  	v3 =	vld.idx.msk [tilespmem:v3+s31+$0x0], $0xffff;
	v7 =	vsub.f32 $1.500000000e+00, v7;
	v4 =	vmul.f32 v4, v9  }
0x67d: {  	v6 =	vmul.f32 v59, v10;
	v5 =	vmul.f32 v5, v57  }
0x67e: {  	v62 =	vmul.f32 v7, v11  }
0x67f: {  	v2 =	vmul.f32 v4, v2;
	v61 =	vmul.f32 v6, v58;
	v60 =	vsub.f32 $1.000000000e+00, v5;
	_ =	sdelay $0x1  }
0x680: {  	p0 =	por p1, p1;
	v3 =	vmul.f32 v62, v3;
	v63 =	vsub.f32 $1.000000000e+00, v61;
	v2 =	vadd.f32 v2, v60  }
.Ltmp15:
0x681: {  	_ = 	snop;
	(pc) =	sbr.rel @p0 .LBB2_32-.Ltmp15, $4  }
0x682: {  	v3 =	vadd.f32 v3, v63;
	v2 =	vmax.f32 v2, $0.0e+00  }
0x683: {  	v1 =	vadd.f32 v2, v1  }
0x684: {  	v2 =	vmax.f32 v3, $0.0e+00  }
0x685: {  	s1 =	simm.s32 $0x20;
	p1 =	por $0x0, $0x0;
	v1 =	vadd.f32 v2, v1  }
0x686: {  	_ = 	snop  }
0x687: {  	(xrf2) =	vadd.scan.msk.f32 $0xffff, v1;
	_ =	sdelay $0x9  }
0x688: {  	v1, _, _ =	vpop (xrf2)  }
0x689: {  	v1 =	vbroadcast v1, $0xF;
	_ =	sdelay $0x1  }
0x68a: {  	v1 =	vnsel vm0, $0x0, v1  }
0x68b: {  	s0 =	rddreg [dreg:$0xa];
	s1 =	simm.s32 $0x19A00;
	[tilespmem:$0x19A00] =	vst v1  }
0x68c: {  	[hbm4b:s0+s10] =	stream.linear.scatter [tilespmem:s1], [sflag:$0x5], $0x80, $0x38;
	[tilespmem:$0x19A80] =	vst v63  }
0x68d: {  	s1 =	simm.s32 $0x5  }
0x68e: {  	_ =	swait.ge [sflag:s1], $0x80  }
0x68f: {  	s4 =	sadd.s32 $0x1, s4;
	s28 =	rddreg [dreg:$0xb]  }
0x690: {  	p0 =	sne.s32 s4, s28  }
.Ltmp16:
0x691: {  	_ = 	snop;
	(pc) =	sbr.rel @p0 .LBB2_1-.Ltmp16, $3  }
0x692: {  	_ =	sdelay $0x1  }
0x693: {  	[sflag:s1] =	ssyncset.done $0x0  }
0x694: {  	[sflag:s1] =	ssyncadd.s32 $0xFFFFFF80  }
0x695: {  	_ =	sfence.sel $0x180000  }
0x696: {  	[bflag:$0x0] =	sbarrier.arrive $0xFFFF  }
0x697: {  	_ =	strace $0x90000047  }
0x698: {  	s0 =	stileid.u32;
	[bflag:$0x2] =	sbarrier.arrive $0xFFFF  }
0x699: {  	p0 =	sne.s32 s0, $0x0;
	s0 =	rddreg [dreg:$0x6]  }
0x69a: {  	s0 =	sadd.s32 @!p0 $0x100000, s0  }
0x69b: {  	[sflag:s0] =	ssyncadd.tile.s32 @!p0 $0x1;
	_ =	shalt  }
.Lfunc_end2:
_tile_overlayer_lowered:
.L_overlay_start_2:
0x69c: {  	(tag) =	ssettag $0x2  }
0x69d: {  	s0 =	rddreg [dreg:$0x0];
	s2 =	stileid.u32  }
0x69e: {  	s1 =	rddreg [dreg:$0x1];
	p0 =	sne.s32 s2, $0x0  }
0x69f: {  	s3 =	rddreg [dreg:$0x2];
	[bflag:$0x3] =	sbarrier.arrive $0xFFFF;
	s2 =	simm.s32 @!p0 $0x1C05  }
0x6a0: {  	[timem:s3], [sflag:s2] =	dma.local @!p0 [hbm:s0], s1  }
0x6a1: {  	s0 =	simm.s32 @!p0 $0x5  }
0x6a2: {  	_ =	swait.ge @!p0 [sflag:s0], s1  }
0x6a3: {  	s1 =	ssub.s32 @!p0 $0x0, s1;
	[sflag:s0] =	ssyncset.done @!p0 $0x0  }
0x6a4: {  	[sflag:s0] =	ssyncadd.s32 @!p0 s1  }
0x6a5: {  	[bflag:$0x3] =	sbarrier.arrive $0xFFFF  }
0x6a6: {  	_ =	shalt  }

</sc_bundles>
